<compile_context>
chip_gen: v7x
topology: tpu7x:2x2x1
jax: 0.10.2.dev20260603
libtpu: 0.0.44.dev20260713+nightly
codegen_flags: <defaults>
</compile_context>

<pallas_src>
import jax
import jax.numpy as jnp
from jax import lax
from jax.experimental import pallas as pl
from jax.experimental.pallas import tpu as pltpu
from jax.experimental.pallas import tpu_sc as plsc

N = 10000
E = 320000
D = 128
NOUT = 32
SLOPE = 0.2

NC = 2
NS = 16
LL = 16
NW = NC * NS
EPW = E // NW
CHUNK = 400
NCHUNK = EPW // CHUNK
NGRP = CHUNK // LL


def _uv_body(x_ref, w_ref, b_ref, u_ref, v_ref):
    uv = lax.dot_general(x_ref[...], w_ref[...], (((1,), (0,)), ((), ())),
                         preferred_element_type=jnp.float32)
    u_ref[...] = uv[:, :NOUT] + b_ref[...]
    v_ref[...] = uv[:, NOUT:]


def _make_uv(x, w_cat, b2d):
    blk = 1000
    return pl.pallas_call(
        _uv_body,
        grid=(N // blk,),
        in_specs=[
            pl.BlockSpec((blk, D), lambda i: (i, 0)),
            pl.BlockSpec((D, 2 * NOUT), lambda i: (0, 0)),
            pl.BlockSpec((1, NOUT), lambda i: (0, 0)),
        ],
        out_specs=[
            pl.BlockSpec((blk, NOUT), lambda i: (i, 0)),
            pl.BlockSpec((blk, NOUT), lambda i: (i, 0)),
        ],
        out_shape=[
            jax.ShapeDtypeStruct((N, NOUT), jnp.float32),
            jax.ShapeDtypeStruct((N, NOUT), jnp.float32),
        ],
    )(x, w_cat, b2d)


_MESH = plsc.VectorSubcoreMesh(core_axis_name="c", subcore_axis_name="s",
                               num_cores=NC, num_subcores=NS)


def _edge_body(u_hbm, v_hbm, src_hbm, dst_hbm, arep_hbm,
               ex_hbm, parts_hbm,
               srcall, dstall, gu, gv, exw, arv, zb, shared, su, sv,
               semu, semv, semsc):
    c = lax.axis_index("c")
    s = lax.axis_index("s")
    wid = s * NC + c

    rpt = N // NS
    cu0 = pltpu.async_copy(u_hbm.at[pl.ds(s * rpt, rpt)],
                           su.at[pl.ds(s * rpt, rpt)], semu.at[0])
    cv0 = pltpu.async_copy(v_hbm.at[pl.ds(s * rpt, rpt)],
                           sv.at[pl.ds(s * rpt, rpt)], semv.at[0])

    @pl.when(s == 0)
    def _():
        @pl.loop(0, CHUNK // LL)
        def _(i):
            zb[pl.ds(i * LL, LL)] = jnp.zeros((LL,), jnp.float32)

        @pl.loop(0, N // CHUNK)
        def _(i):
            pltpu.sync_copy(zb, shared.at[pl.ds(i * CHUNK, CHUNK)])

    pltpu.sync_copy(arep_hbm, arv)
    pltpu.sync_copy(src_hbm.at[wid], srcall)
    pltpu.sync_copy(dst_hbm.at[wid], dstall)
    cu0.wait()
    cv0.wait()
    plsc.subcore_barrier()

    av0 = arv[0, :]
    av1 = arv[1, :]
    iot = lax.iota(jnp.int32, LL)

    def issue(j, slot):
        pltpu.async_copy(su.at[srcall.at[j]], gu.at[slot], semu.at[slot])
        pltpu.async_copy(sv.at[dstall.at[j]], gv.at[slot], semv.at[slot])

    issue(0, 0)

    @pl.loop(0, NCHUNK)
    def _(j):
        par = lax.rem(j, 2)
        gup = gu.at[par]
        gvp = gv.at[par]
        pltpu.make_async_copy(su.at[srcall.at[j]], gup, semu.at[par]).wait()
        pltpu.make_async_copy(sv.at[dstall.at[j]], gvp, semv.at[par]).wait()

        @pl.when(j + 1 < NCHUNK)
        def _():
            issue(j + 1, 1 - par)

        @plsc.parallel_loop(0, NGRP, step=1, unroll=2)
        def _(g):
            base = g * LL
            sc = jnp.zeros((LL,), jnp.float32)
            for i in range(LL):
                e = base + i
                u0 = gup[e, pl.ds(0, LL)]
                u1 = gup[e, pl.ds(LL, LL)]
                v0 = gvp[e, pl.ds(0, LL)]
                v1 = gvp[e, pl.ds(LL, LL)]
                z0 = u0 + v0
                z1 = u1 + v1
                l0 = jnp.maximum(z0, z0 * SLOPE)
                l1 = jnp.maximum(z1, z1 * SLOPE)
                p = av0 * l0 + av1 * l1
                sc = jnp.where(iot == i, jnp.sum(p), sc)
            exw[j, pl.ds(base, LL)] = jnp.exp(sc)
        pltpu.async_copy(exw.at[j], shared.at[srcall.at[j]], semsc, add=True)

        @pl.when(j >= 2)
        def _():
            jm = j - 2
            pltpu.make_async_copy(exw.at[jm], shared.at[srcall.at[jm]],
                                  semsc).wait()

    @pl.loop(NCHUNK - 2, NCHUNK)
    def _(j):
        pltpu.make_async_copy(exw.at[j], shared.at[srcall.at[j]], semsc).wait()

    pltpu.sync_copy(exw, ex_hbm.at[wid])
    plsc.subcore_barrier()

    @pl.when(s == 0)
    def _():
        pltpu.sync_copy(shared, parts_hbm.at[c])


def _edge_pass(u, v, src3, dst3, arep):
    return pl.kernel(
        _edge_body,
        out_type=[
            jax.ShapeDtypeStruct((NW, NCHUNK, CHUNK), jnp.float32),
            jax.ShapeDtypeStruct((NC, N), jnp.float32),
        ],
        mesh=_MESH,
        compiler_params=pltpu.CompilerParams(needs_layout_passes=False,
                                             use_tc_tiling_on_sc=False),
        scratch_types=[
            pltpu.VMEM((NCHUNK, CHUNK), jnp.int32),
            pltpu.VMEM((NCHUNK, CHUNK), jnp.int32),
            pltpu.VMEM((2, CHUNK, NOUT), jnp.float32),
            pltpu.VMEM((2, CHUNK, NOUT), jnp.float32),
            pltpu.VMEM((NCHUNK, CHUNK), jnp.float32),
            pltpu.VMEM((2, LL), jnp.float32),
            pltpu.VMEM((CHUNK,), jnp.float32),
            pltpu.VMEM_SHARED((N,), jnp.float32),
            pltpu.VMEM_SHARED((N, NOUT), jnp.float32),
            pltpu.VMEM_SHARED((N, NOUT), jnp.float32),
            pltpu.SemaphoreType.DMA((2,)),
            pltpu.SemaphoreType.DMA((2,)),
            pltpu.SemaphoreType.DMA,
        ],
    )(u, v, src3, dst3, arep)


def _norm_body(ex_hbm, src_hbm, parts_hbm, attn_hbm,
               tab, tmp, srcall, exall, oall, sp0, sp1, s0, s1, s2, s3):
    c = lax.axis_index("c")
    s = lax.axis_index("s")
    wid = s * NC + c

    c2 = pltpu.async_copy(src_hbm.at[wid], srcall, s2)
    c3 = pltpu.async_copy(ex_hbm.at[wid], exall, s3)

    @pl.when(s < NS - 1)
    def _():
        sl = pl.ds(s * 640, 640)
        pltpu.sync_copy(parts_hbm.at[0, sl], sp0.at[sl])
        pltpu.sync_copy(parts_hbm.at[1, sl], sp1.at[sl])

    @pl.when(s == NS - 1)
    def _():
        sl = pl.ds((NS - 1) * 640, N - (NS - 1) * 640)
        pltpu.sync_copy(parts_hbm.at[0, sl], sp0.at[sl])
        pltpu.sync_copy(parts_hbm.at[1, sl], sp1.at[sl])

    plsc.subcore_barrier()
    c0 = pltpu.async_copy(sp0, tab, s0)
    c1 = pltpu.async_copy(sp1, tmp, s1)
    c0.wait()
    c1.wait()

    @pl.loop(0, N // LL)
    def _(i):
        sl = pl.ds(i * LL, LL)
        tab[sl] = tab[sl] + tmp[sl]

    c2.wait()
    c3.wait()

    @pl.loop(0, NCHUNK)
    def _(j):
        for g in range(NGRP):
            sl = pl.ds(g * LL, LL)
            idx = srcall[j, sl]
            sv = plsc.load_gather(tab, [idx])
            oall[j, sl] = exall[j, sl] / sv

    pltpu.sync_copy(oall, attn_hbm.at[wid])


def _norm_pass(ex3, src3, parts):
    return pl.kernel(
        _norm_body,
        out_type=jax.ShapeDtypeStruct((NW, NCHUNK, CHUNK), jnp.float32),
        mesh=_MESH,
        compiler_params=pltpu.CompilerParams(needs_layout_passes=False,
                                             use_tc_tiling_on_sc=False),
        scratch_types=[
            pltpu.VMEM((N,), jnp.float32),
            pltpu.VMEM((N,), jnp.float32),
            pltpu.VMEM((NCHUNK, CHUNK), jnp.int32),
            pltpu.VMEM((NCHUNK, CHUNK), jnp.float32),
            pltpu.VMEM((NCHUNK, CHUNK), jnp.float32),
            pltpu.VMEM_SHARED((N,), jnp.float32),
            pltpu.VMEM_SHARED((N,), jnp.float32),
            pltpu.SemaphoreType.DMA,
            pltpu.SemaphoreType.DMA,
            pltpu.SemaphoreType.DMA,
            pltpu.SemaphoreType.DMA,
        ],
    )(ex3, src3, parts)


def kernel(x, edge_index, W_w, W_b, a_w):
    src3 = edge_index[0].reshape(NW, NCHUNK, CHUNK)
    dst3 = edge_index[1].reshape(NW, NCHUNK, CHUNK)
    w_cat = jnp.concatenate([W_w[:, :D].T, W_w[:, D:].T], axis=1)
    b2d = W_b.reshape(1, NOUT)
    a2 = a_w.reshape(2, LL)
    u, v = _make_uv(x, w_cat, b2d)
    ex3, parts = _edge_pass(u, v, src3, dst3, a2)
    return _norm_pass(ex3, src3, parts).reshape(E)

# --- scband reference (transcript-rebuilt; emitter-appended) ---
"""Pipeline reference for scband-gatv2-30940944401047 (READ-ONLY COPY).

The authoritative reference and input builder live on the scoring server;
editing this copy changes nothing except your own understanding.
"""

import jax, jax.numpy as jnp
import numpy as np

N = 10000
E = 320000
D = 128
NIN = 256
NOUT = 32
SLOPE = 0.2


def setup_inputs(seed: int = 0) -> dict:
    key = jax.random.key(seed)
    k1, k2, k3, k4, k5 = jax.random.split(key, 5)
    x = jax.random.normal(k1, (N, D), dtype=jnp.float32)
    edge_index = jax.random.randint(k2, (2, E), 0, N, dtype=jnp.int32)
    # learned parameters sized per init_kwargs (nin=256, nout=32)
    W_w = jax.random.normal(k3, (NOUT, NIN), dtype=jnp.float32) * (1.0 / np.sqrt(NIN))
    W_b = jax.random.normal(k4, (NOUT,), dtype=jnp.float32) * 0.01
    a_w = jax.random.normal(k5, (1, NOUT), dtype=jnp.float32) * (1.0 / np.sqrt(NOUT))
    return {"x": x, "edge_index": edge_index, "W_w": W_w, "W_b": W_b, "a_w": a_w}


def reference(x, edge_index, W_w, W_b, a_w):
    # Per-edge GATv2 scoring: for each edge (i, j), h = cat(h_i, h_j);
    # score = a(LeakyReLU(W h)). Then sparse softmax over dim=1 (per source row i,
    # normalizing over the nonzero entries of that row), matching
    # softmax(sparse_coo_tensor([iis, jjs], vvs), dim=1).
    src = edge_index[0]
    dst = edge_index[1]
    h = jnp.concatenate([jnp.take(x, src, axis=0), jnp.take(x, dst, axis=0)], axis=1)  # [E, 2D]
    hw = h @ W_w.T + W_b  # [E, NOUT]
    hw = jax.nn.leaky_relu(hw, negative_slope=SLOPE)
    score = (hw @ a_w.T).squeeze(-1)  # [E]
    # segment (row-wise) softmax over edges sharing the same row index i
    row = src
    smax = jax.ops.segment_max(score, row, num_segments=N)  # [N]
    smax = jnp.where(jnp.isfinite(smax), smax, 0.0)
    ex = jnp.exp(score - smax[row])
    ssum = jax.ops.segment_sum(ex, row, num_segments=N)  # [N]
    attn = ex / ssum[row]
    return attn

if __name__ == "__main__":
    import jax
    _d = setup_inputs()
    print(jax.jit(kernel)(*tuple(_d.values())))

</pallas_src>

<mosaic_0001>
#map = affine_map<(d0, d1) -> (0, 0, 0)>
#map1 = affine_map<(d0, d1) -> (0, 0)>
module attributes {stable_mosaic.version = 14 : i64} {
  func.func @_norm_body(%arg0: i32, %arg1: i32, %arg2: memref<32x25x400xf32, #tpu.memory_space<hbm>>, %arg3: memref<32x25x400xi32, #tpu.memory_space<hbm>>, %arg4: memref<2x10000xf32, #tpu.memory_space<hbm>>, %arg5: memref<32x25x400xf32, #tpu.memory_space<hbm>>, %arg6: memref<10000xf32, #tpu.memory_space<vmem>>, %arg7: memref<10000xf32, #tpu.memory_space<vmem>>, %arg8: memref<25x400xi32, #tpu.memory_space<vmem>>, %arg9: memref<25x400xf32, #tpu.memory_space<vmem>>, %arg10: memref<25x400xf32, #tpu.memory_space<vmem>>, %arg11: memref<10000xf32, #tpu.memory_space<vmem_shared>>, %arg12: memref<10000xf32, #tpu.memory_space<vmem_shared>>, %arg13: memref<!tpu.dma_semaphore, #tpu.memory_space<semaphore_mem>>, %arg14: memref<!tpu.dma_semaphore, #tpu.memory_space<semaphore_mem>>, %arg15: memref<!tpu.dma_semaphore, #tpu.memory_space<semaphore_mem>>, %arg16: memref<!tpu.dma_semaphore, #tpu.memory_space<semaphore_mem>>) attributes {dimension_semantics = [#tpu.dimension_semantics<core_parallel>, #tpu.dimension_semantics<subcore_parallel>], iteration_bounds = array<i64: 2, 16>, scalar_prefetch = 0 : i64, scratch_operands = 11 : i64, tpu.core_type = #tpu.core_type<sc_vector_subcore>, window_params = [{transform_indices = #map}, {transform_indices = #map}, {transform_indices = #map1}, {transform_indices = #map}]} {
    %mul3A = arith.constant 2 : i32
    %mul3A_0 = arith.muli %arg1, %mul3A : i32
    %add3A = arith.addi %mul3A_0, %arg0 : i32
    %dma_start3A = arith.constant 0 : i32
    %dma_start3A_1 = arith.constant 0 : i32
    %dma_start3A_2 = tpu.memref_slice %arg3[%add3A, %dma_start3A, %dma_start3A_1] : memref<32x25x400xi32, #tpu.memory_space<hbm>> -> memref<1x25x400xi32, #tpu.memory_space<hbm>>
    %dma_start3A_3 = tpu.memref_squeeze %dma_start3A_2 : memref<1x25x400xi32, #tpu.memory_space<hbm>> -> memref<25x400xi32, #tpu.memory_space<hbm>>
    %dma_start3A_4 = arith.constant 0 : i32
    %dma_start3A_5 = arith.constant 0 : i32
    %dma_start3A_6 = tpu.memref_slice %arg3[%add3A, %dma_start3A_4, %dma_start3A_5] : memref<32x25x400xi32, #tpu.memory_space<hbm>> -> memref<1x25x400xi32, #tpu.memory_space<hbm>>
    %dma_start3A_7 = tpu.memref_squeeze %dma_start3A_6 : memref<1x25x400xi32, #tpu.memory_space<hbm>> -> memref<25x400xi32, #tpu.memory_space<hbm>>
    tpu.enqueue_dma source(%dma_start3A_7 : memref<25x400xi32, #tpu.memory_space<hbm>>) target(%arg8 : memref<25x400xi32, #tpu.memory_space<vmem>>) target_semaphore(%arg15 : memref<!tpu.dma_semaphore, #tpu.memory_space<semaphore_mem>>)
    %dma_start3A_8 = arith.constant 0 : i32
    %dma_start3A_9 = arith.constant 0 : i32
    %dma_start3A_10 = tpu.memref_slice %arg2[%add3A, %dma_start3A_8, %dma_start3A_9] : memref<32x25x400xf32, #tpu.memory_space<hbm>> -> memref<1x25x400xf32, #tpu.memory_space<hbm>>
    %dma_start3A_11 = tpu.memref_squeeze %dma_start3A_10 : memref<1x25x400xf32, #tpu.memory_space<hbm>> -> memref<25x400xf32, #tpu.memory_space<hbm>>
    %dma_start3A_12 = arith.constant 0 : i32
    %dma_start3A_13 = arith.constant 0 : i32
    %dma_start3A_14 = tpu.memref_slice %arg2[%add3A, %dma_start3A_12, %dma_start3A_13] : memref<32x25x400xf32, #tpu.memory_space<hbm>> -> memref<1x25x400xf32, #tpu.memory_space<hbm>>
    %dma_start3A_15 = tpu.memref_squeeze %dma_start3A_14 : memref<1x25x400xf32, #tpu.memory_space<hbm>> -> memref<25x400xf32, #tpu.memory_space<hbm>>
    tpu.enqueue_dma source(%dma_start3A_15 : memref<25x400xf32, #tpu.memory_space<hbm>>) target(%arg9 : memref<25x400xf32, #tpu.memory_space<vmem>>) target_semaphore(%arg16 : memref<!tpu.dma_semaphore, #tpu.memory_space<semaphore_mem>>)
    %lt3A = arith.constant 15 : i32
    %lt3A_16 = arith.cmpi slt, %arg1, %lt3A : i32
    %convert_element_type3A = arith.extui %lt3A_16 : i1 to i32
    %cond3A = arith.constant 0 : i32
    %cond3A_17 = arith.cmpi ne, %convert_element_type3A, %cond3A : i32
    scf.if %cond3A_17 {
      %mul3A_46 = arith.constant 640 : i32
      %mul3A_47 = arith.muli %arg1, %mul3A_46 : i32
      %run_scoped3A = arith.constant 0 : i32
      "tpu.region"() ({
        %run_scoped3A_49 = tpu.sem_alloc : memref<!tpu.dma_semaphore, #tpu.memory_space<semaphore_mem>>
        %dma_start3A_50 = tpu.memref_slice %arg11[%mul3A_47] : memref<10000xf32, #tpu.memory_space<vmem_shared>> -> memref<640xf32, #tpu.memory_space<vmem_shared>>
        %dma_start3A_51 = tpu.memref_slice %arg4[%run_scoped3A, %mul3A_47] : memref<2x10000xf32, #tpu.memory_space<hbm>> -> memref<1x640xf32, #tpu.memory_space<hbm>>
        %dma_start3A_52 = tpu.memref_squeeze %dma_start3A_51 : memref<1x640xf32, #tpu.memory_space<hbm>> -> memref<640xf32, #tpu.memory_space<hbm>>
        tpu.enqueue_dma source(%dma_start3A_52 : memref<640xf32, #tpu.memory_space<hbm>>) target(%dma_start3A_50 : memref<640xf32, #tpu.memory_space<vmem_shared>>) target_semaphore(%run_scoped3A_49 : memref<!tpu.dma_semaphore, #tpu.memory_space<semaphore_mem>>)
        %dma_wait3A_53 = tpu.memref_slice %arg11[%mul3A_47] : memref<10000xf32, #tpu.memory_space<vmem_shared>> -> memref<640xf32, #tpu.memory_space<vmem_shared>>
        %dma_wait3A_54 = tpu.memref_slice %arg4[%run_scoped3A, %mul3A_47] : memref<2x10000xf32, #tpu.memory_space<hbm>> -> memref<1x640xf32, #tpu.memory_space<hbm>>
        %dma_wait3A_55 = tpu.memref_squeeze %dma_wait3A_54 : memref<1x640xf32, #tpu.memory_space<hbm>> -> memref<640xf32, #tpu.memory_space<hbm>>
        tpu.wait_dma2 semaphore(%run_scoped3A_49 : memref<!tpu.dma_semaphore, #tpu.memory_space<semaphore_mem>>) src(%dma_wait3A_55 : memref<640xf32, #tpu.memory_space<hbm>>) dst(%dma_wait3A_53 : memref<640xf32, #tpu.memory_space<vmem_shared>>)
        tpu.yield
      }) : () -> ()
      %run_scoped3A_48 = arith.constant 1 : i32
      "tpu.region"() ({
        %run_scoped3A_49 = tpu.sem_alloc : memref<!tpu.dma_semaphore, #tpu.memory_space<semaphore_mem>>
        %dma_start3A_50 = tpu.memref_slice %arg12[%mul3A_47] : memref<10000xf32, #tpu.memory_space<vmem_shared>> -> memref<640xf32, #tpu.memory_space<vmem_shared>>
        %dma_start3A_51 = tpu.memref_slice %arg4[%run_scoped3A_48, %mul3A_47] : memref<2x10000xf32, #tpu.memory_space<hbm>> -> memref<1x640xf32, #tpu.memory_space<hbm>>
        %dma_start3A_52 = tpu.memref_squeeze %dma_start3A_51 : memref<1x640xf32, #tpu.memory_space<hbm>> -> memref<640xf32, #tpu.memory_space<hbm>>
        tpu.enqueue_dma source(%dma_start3A_52 : memref<640xf32, #tpu.memory_space<hbm>>) target(%dma_start3A_50 : memref<640xf32, #tpu.memory_space<vmem_shared>>) target_semaphore(%run_scoped3A_49 : memref<!tpu.dma_semaphore, #tpu.memory_space<semaphore_mem>>)
        %dma_wait3A_53 = tpu.memref_slice %arg12[%mul3A_47] : memref<10000xf32, #tpu.memory_space<vmem_shared>> -> memref<640xf32, #tpu.memory_space<vmem_shared>>
        %dma_wait3A_54 = tpu.memref_slice %arg4[%run_scoped3A_48, %mul3A_47] : memref<2x10000xf32, #tpu.memory_space<hbm>> -> memref<1x640xf32, #tpu.memory_space<hbm>>
        %dma_wait3A_55 = tpu.memref_squeeze %dma_wait3A_54 : memref<1x640xf32, #tpu.memory_space<hbm>> -> memref<640xf32, #tpu.memory_space<hbm>>
        tpu.wait_dma2 semaphore(%run_scoped3A_49 : memref<!tpu.dma_semaphore, #tpu.memory_space<semaphore_mem>>) src(%dma_wait3A_55 : memref<640xf32, #tpu.memory_space<hbm>>) dst(%dma_wait3A_53 : memref<640xf32, #tpu.memory_space<vmem_shared>>)
        tpu.yield
      }) : () -> ()
    } else {
    }
    %eq3A = arith.constant 15 : i32
    %eq3A_18 = arith.cmpi eq, %arg1, %eq3A : i32
    %convert_element_type3A_19 = arith.extui %eq3A_18 : i1 to i32
    %cond3A_20 = arith.constant 0 : i32
    %cond3A_21 = arith.cmpi ne, %convert_element_type3A_19, %cond3A_20 : i32
    scf.if %cond3A_21 {
      %run_scoped3A = arith.constant 0 : i32
      "tpu.region"() ({
        %run_scoped3A_47 = tpu.sem_alloc : memref<!tpu.dma_semaphore, #tpu.memory_space<semaphore_mem>>
        %dma_start3A_48 = arith.constant 9600 : i32
        %dma_start3A_49 = tpu.memref_slice %arg11[%dma_start3A_48] : memref<10000xf32, #tpu.memory_space<vmem_shared>> -> memref<400xf32, #tpu.memory_space<vmem_shared>>
        %dma_start3A_50 = arith.constant 9600 : i32
        %dma_start3A_51 = tpu.memref_slice %arg4[%run_scoped3A, %dma_start3A_50] : memref<2x10000xf32, #tpu.memory_space<hbm>> -> memref<1x400xf32, #tpu.memory_space<hbm>>
        %dma_start3A_52 = tpu.memref_squeeze %dma_start3A_51 : memref<1x400xf32, #tpu.memory_space<hbm>> -> memref<400xf32, #tpu.memory_space<hbm>>
        tpu.enqueue_dma source(%dma_start3A_52 : memref<400xf32, #tpu.memory_space<hbm>>) target(%dma_start3A_49 : memref<400xf32, #tpu.memory_space<vmem_shared>>) target_semaphore(%run_scoped3A_47 : memref<!tpu.dma_semaphore, #tpu.memory_space<semaphore_mem>>)
        %dma_wait3A_53 = arith.constant 9600 : i32
        %dma_wait3A_54 = tpu.memref_slice %arg11[%dma_wait3A_53] : memref<10000xf32, #tpu.memory_space<vmem_shared>> -> memref<400xf32, #tpu.memory_space<vmem_shared>>
        %dma_wait3A_55 = arith.constant 9600 : i32
        %dma_wait3A_56 = tpu.memref_slice %arg4[%run_scoped3A, %dma_wait3A_55] : memref<2x10000xf32, #tpu.memory_space<hbm>> -> memref<1x400xf32, #tpu.memory_space<hbm>>
        %dma_wait3A_57 = tpu.memref_squeeze %dma_wait3A_56 : memref<1x400xf32, #tpu.memory_space<hbm>> -> memref<400xf32, #tpu.memory_space<hbm>>
        tpu.wait_dma2 semaphore(%run_scoped3A_47 : memref<!tpu.dma_semaphore, #tpu.memory_space<semaphore_mem>>) src(%dma_wait3A_57 : memref<400xf32, #tpu.memory_space<hbm>>) dst(%dma_wait3A_54 : memref<400xf32, #tpu.memory_space<vmem_shared>>)
        tpu.yield
      }) : () -> ()
      %run_scoped3A_46 = arith.constant 1 : i32
      "tpu.region"() ({
        %run_scoped3A_47 = tpu.sem_alloc : memref<!tpu.dma_semaphore, #tpu.memory_space<semaphore_mem>>
        %dma_start3A_48 = arith.constant 9600 : i32
        %dma_start3A_49 = tpu.memref_slice %arg12[%dma_start3A_48] : memref<10000xf32, #tpu.memory_space<vmem_shared>> -> memref<400xf32, #tpu.memory_space<vmem_shared>>
        %dma_start3A_50 = arith.constant 9600 : i32
        %dma_start3A_51 = tpu.memref_slice %arg4[%run_scoped3A_46, %dma_start3A_50] : memref<2x10000xf32, #tpu.memory_space<hbm>> -> memref<1x400xf32, #tpu.memory_space<hbm>>
        %dma_start3A_52 = tpu.memref_squeeze %dma_start3A_51 : memref<1x400xf32, #tpu.memory_space<hbm>> -> memref<400xf32, #tpu.memory_space<hbm>>
        tpu.enqueue_dma source(%dma_start3A_52 : memref<400xf32, #tpu.memory_space<hbm>>) target(%dma_start3A_49 : memref<400xf32, #tpu.memory_space<vmem_shared>>) target_semaphore(%run_scoped3A_47 : memref<!tpu.dma_semaphore, #tpu.memory_space<semaphore_mem>>)
        %dma_wait3A_53 = arith.constant 9600 : i32
        %dma_wait3A_54 = tpu.memref_slice %arg12[%dma_wait3A_53] : memref<10000xf32, #tpu.memory_space<vmem_shared>> -> memref<400xf32, #tpu.memory_space<vmem_shared>>
        %dma_wait3A_55 = arith.constant 9600 : i32
        %dma_wait3A_56 = tpu.memref_slice %arg4[%run_scoped3A_46, %dma_wait3A_55] : memref<2x10000xf32, #tpu.memory_space<hbm>> -> memref<1x400xf32, #tpu.memory_space<hbm>>
        %dma_wait3A_57 = tpu.memref_squeeze %dma_wait3A_56 : memref<1x400xf32, #tpu.memory_space<hbm>> -> memref<400xf32, #tpu.memory_space<hbm>>
        tpu.wait_dma2 semaphore(%run_scoped3A_47 : memref<!tpu.dma_semaphore, #tpu.memory_space<semaphore_mem>>) src(%dma_wait3A_57 : memref<400xf32, #tpu.memory_space<hbm>>) dst(%dma_wait3A_54 : memref<400xf32, #tpu.memory_space<vmem_shared>>)
        tpu.yield
      }) : () -> ()
    } else {
    }
    %barrier3A = arith.constant 0 : index
    tpu.barrier barrier_id(%barrier3A)
    tpu.enqueue_dma source(%arg11 : memref<10000xf32, #tpu.memory_space<vmem_shared>>) target(%arg6 : memref<10000xf32, #tpu.memory_space<vmem>>) target_semaphore(%arg13 : memref<!tpu.dma_semaphore, #tpu.memory_space<semaphore_mem>>)
    tpu.enqueue_dma source(%arg12 : memref<10000xf32, #tpu.memory_space<vmem_shared>>) target(%arg7 : memref<10000xf32, #tpu.memory_space<vmem>>) target_semaphore(%arg14 : memref<!tpu.dma_semaphore, #tpu.memory_space<semaphore_mem>>)
    tpu.wait_dma2 semaphore(%arg13 : memref<!tpu.dma_semaphore, #tpu.memory_space<semaphore_mem>>) src(%arg11 : memref<10000xf32, #tpu.memory_space<vmem_shared>>) dst(%arg6 : memref<10000xf32, #tpu.memory_space<vmem>>)
    tpu.wait_dma2 semaphore(%arg14 : memref<!tpu.dma_semaphore, #tpu.memory_space<semaphore_mem>>) src(%arg12 : memref<10000xf32, #tpu.memory_space<vmem_shared>>) dst(%arg7 : memref<10000xf32, #tpu.memory_space<vmem>>)
    %scan3A = arith.constant 0 : i32
    %scan3A_22 = arith.constant 625 : i32
    %scan3A_23 = arith.addi %scan3A, %scan3A_22 : i32
    %scan3A_24 = arith.constant 1 : i32
    scf.for %scan3A_46 = %scan3A to %scan3A_23 step %scan3A_24  : i32 {
      %mul3A_47 = arith.constant 1 : i32
      %mul3A_48 = arith.muli %scan3A_46, %mul3A_47 : i32
      %add3A_49 = arith.constant 0 : i32
      %add3A_50 = arith.addi %add3A_49, %mul3A_48 : i32
      %mul3A_51 = arith.constant 16 : i32
      %mul3A_52 = arith.muli %add3A_50, %mul3A_51 : i32
      %get3A = arith.index_cast %mul3A_52 : i32 to index
      %get3A_53 = tpu.vector_load %arg6[%get3A] {strides = array<i32>} : memref<10000xf32, #tpu.memory_space<vmem>>, vector<16xf32>,
      %get3A_54 = arith.index_cast %mul3A_52 : i32 to index
      %get3A_55 = tpu.vector_load %arg7[%get3A_54] {strides = array<i32>} : memref<10000xf32, #tpu.memory_space<vmem>>, vector<16xf32>,
      %add3A_56 = arith.addf %get3A_53, %get3A_55 : vector<16xf32>
      %swap3A = arith.index_cast %mul3A_52 : i32 to index
      %swap3A_57 = tpu.vector_load %arg6[%swap3A] {strides = array<i32>} : memref<10000xf32, #tpu.memory_space<vmem>>, vector<16xf32>,
      tpu.vector_store %arg6[%swap3A], %add3A_56 {strides = array<i32>} : memref<10000xf32, #tpu.memory_space<vmem>>, vector<16xf32>,
    }
    %scan3A_25 = arith.constant 625 : i32
    %dma_wait3A = arith.constant 0 : i32
    %dma_wait3A_26 = arith.constant 0 : i32
    %dma_wait3A_27 = tpu.memref_slice %arg3[%add3A, %dma_wait3A, %dma_wait3A_26] : memref<32x25x400xi32, #tpu.memory_space<hbm>> -> memref<1x25x400xi32, #tpu.memory_space<hbm>>
    %dma_wait3A_28 = tpu.memref_squeeze %dma_wait3A_27 : memref<1x25x400xi32, #tpu.memory_space<hbm>> -> memref<25x400xi32, #tpu.memory_space<hbm>>
    %dma_wait3A_29 = arith.constant 0 : i32
    %dma_wait3A_30 = arith.constant 0 : i32
    %dma_wait3A_31 = tpu.memref_slice %arg3[%add3A, %dma_wait3A_29, %dma_wait3A_30] : memref<32x25x400xi32, #tpu.memory_space<hbm>> -> memref<1x25x400xi32, #tpu.memory_space<hbm>>
    %dma_wait3A_32 = tpu.memref_squeeze %dma_wait3A_31 : memref<1x25x400xi32, #tpu.memory_space<hbm>> -> memref<25x400xi32, #tpu.memory_space<hbm>>
    tpu.wait_dma2 semaphore(%arg15 : memref<!tpu.dma_semaphore, #tpu.memory_space<semaphore_mem>>) src(%dma_wait3A_32 : memref<25x400xi32, #tpu.memory_space<hbm>>) dst(%arg8 : memref<25x400xi32, #tpu.memory_space<vmem>>)
    %dma_wait3A_33 = arith.constant 0 : i32
    %dma_wait3A_34 = arith.constant 0 : i32
    %dma_wait3A_35 = tpu.memref_slice %arg2[%add3A, %dma_wait3A_33, %dma_wait3A_34] : memref<32x25x400xf32, #tpu.memory_space<hbm>> -> memref<1x25x400xf32, #tpu.memory_space<hbm>>
    %dma_wait3A_36 = tpu.memref_squeeze %dma_wait3A_35 : memref<1x25x400xf32, #tpu.memory_space<hbm>> -> memref<25x400xf32, #tpu.memory_space<hbm>>
    %dma_wait3A_37 = arith.constant 0 : i32
    %dma_wait3A_38 = arith.constant 0 : i32
    %dma_wait3A_39 = tpu.memref_slice %arg2[%add3A, %dma_wait3A_37, %dma_wait3A_38] : memref<32x25x400xf32, #tpu.memory_space<hbm>> -> memref<1x25x400xf32, #tpu.memory_space<hbm>>
    %dma_wait3A_40 = tpu.memref_squeeze %dma_wait3A_39 : memref<1x25x400xf32, #tpu.memory_space<hbm>> -> memref<25x400xf32, #tpu.memory_space<hbm>>
    tpu.wait_dma2 semaphore(%arg16 : memref<!tpu.dma_semaphore, #tpu.memory_space<semaphore_mem>>) src(%dma_wait3A_40 : memref<25x400xf32, #tpu.memory_space<hbm>>) dst(%arg9 : memref<25x400xf32, #tpu.memory_space<vmem>>)
    %scan3A_41 = arith.constant 0 : i32
    %scan3A_42 = arith.constant 25 : i32
    %scan3A_43 = arith.addi %scan3A_41, %scan3A_42 : i32
    %scan3A_44 = arith.constant 1 : i32
    scf.for %scan3A_46 = %scan3A_41 to %scan3A_43 step %scan3A_44  : i32 {
      %mul3A_47 = arith.constant 1 : i32
      %mul3A_48 = arith.muli %scan3A_46, %mul3A_47 : i32
      %add3A_49 = arith.constant 0 : i32
      %add3A_50 = arith.addi %add3A_49, %mul3A_48 : i32
      %get3A = arith.index_cast %add3A_50 : i32 to index
      %get3A_51 = arith.constant 0 : index
      %get3A_52 = tpu.vector_load %arg8[%get3A, %get3A_51] {strides = array<i32>} : memref<25x400xi32, #tpu.memory_space<vmem>>, vector<16xi32>,
      %gather3A = tpu.vector_load_idx %arg6[%get3A_52] : memref<10000xf32, #tpu.memory_space<vmem>>[vector<16xi32>], vector<16xf32>,
      %get3A_53 = arith.index_cast %add3A_50 : i32 to index
      %get3A_54 = arith.constant 0 : index
      %get3A_55 = tpu.vector_load %arg9[%get3A_53, %get3A_54] {strides = array<i32>} : memref<25x400xf32, #tpu.memory_space<vmem>>, vector<16xf32>,
      %div3A = arith.divf %get3A_55, %gather3A : vector<16xf32>
      %swap3A = arith.index_cast %add3A_50 : i32 to index
      %swap3A_56 = arith.constant 0 : index
      %swap3A_57 = tpu.vector_load %arg10[%swap3A, %swap3A_56] {strides = array<i32>} : memref<25x400xf32, #tpu.memory_space<vmem>>, vector<16xf32>,
      tpu.vector_store %arg10[%swap3A, %swap3A_56], %div3A {strides = array<i32>} : memref<25x400xf32, #tpu.memory_space<vmem>>, vector<16xf32>,
      %get3A_58 = arith.index_cast %add3A_50 : i32 to index
      %get3A_59 = arith.constant 16 : index
      %get3A_60 = tpu.vector_load %arg8[%get3A_58, %get3A_59] {strides = array<i32>} : memref<25x400xi32, #tpu.memory_space<vmem>>, vector<16xi32>,
      %gather3A_61 = tpu.vector_load_idx %arg6[%get3A_60] : memref<10000xf32, #tpu.memory_space<vmem>>[vector<16xi32>], vector<16xf32>,
      %get3A_62 = arith.index_cast %add3A_50 : i32 to index
      %get3A_63 = arith.constant 16 : index
      %get3A_64 = tpu.vector_load %arg9[%get3A_62, %get3A_63] {strides = array<i32>} : memref<25x400xf32, #tpu.memory_space<vmem>>, vector<16xf32>,
      %div3A_65 = arith.divf %get3A_64, %gather3A_61 : vector<16xf32>
      %swap3A_66 = arith.index_cast %add3A_50 : i32 to index
      %swap3A_67 = arith.constant 16 : index
      %swap3A_68 = tpu.vector_load %arg10[%swap3A_66, %swap3A_67] {strides = array<i32>} : memref<25x400xf32, #tpu.memory_space<vmem>>, vector<16xf32>,
      tpu.vector_store %arg10[%swap3A_66, %swap3A_67], %div3A_65 {strides = array<i32>} : memref<25x400xf32, #tpu.memory_space<vmem>>, vector<16xf32>,
      %get3A_69 = arith.index_cast %add3A_50 : i32 to index
      %get3A_70 = arith.constant 32 : index
      %get3A_71 = tpu.vector_load %arg8[%get3A_69, %get3A_70] {strides = array<i32>} : memref<25x400xi32, #tpu.memory_space<vmem>>, vector<16xi32>,
      %gather3A_72 = tpu.vector_load_idx %arg6[%get3A_71] : memref<10000xf32, #tpu.memory_space<vmem>>[vector<16xi32>], vector<16xf32>,
      %get3A_73 = arith.index_cast %add3A_50 : i32 to index
      %get3A_74 = arith.constant 32 : index
      %get3A_75 = tpu.vector_load %arg9[%get3A_73, %get3A_74] {strides = array<i32>} : memref<25x400xf32, #tpu.memory_space<vmem>>, vector<16xf32>,
      %div3A_76 = arith.divf %get3A_75, %gather3A_72 : vector<16xf32>
      %swap3A_77 = arith.index_cast %add3A_50 : i32 to index
      %swap3A_78 = arith.constant 32 : index
      %swap3A_79 = tpu.vector_load %arg10[%swap3A_77, %swap3A_78] {strides = array<i32>} : memref<25x400xf32, #tpu.memory_space<vmem>>, vector<16xf32>,
      tpu.vector_store %arg10[%swap3A_77, %swap3A_78], %div3A_76 {strides = array<i32>} : memref<25x400xf32, #tpu.memory_space<vmem>>, vector<16xf32>,
      %get3A_80 = arith.index_cast %add3A_50 : i32 to index
      %get3A_81 = arith.constant 48 : index
      %get3A_82 = tpu.vector_load %arg8[%get3A_80, %get3A_81] {strides = array<i32>} : memref<25x400xi32, #tpu.memory_space<vmem>>, vector<16xi32>,
      %gather3A_83 = tpu.vector_load_idx %arg6[%get3A_82] : memref<10000xf32, #tpu.memory_space<vmem>>[vector<16xi32>], vector<16xf32>,
      %get3A_84 = arith.index_cast %add3A_50 : i32 to index
      %get3A_85 = arith.constant 48 : index
      %get3A_86 = tpu.vector_load %arg9[%get3A_84, %get3A_85] {strides = array<i32>} : memref<25x400xf32, #tpu.memory_space<vmem>>, vector<16xf32>,
      %div3A_87 = arith.divf %get3A_86, %gather3A_83 : vector<16xf32>
      %swap3A_88 = arith.index_cast %add3A_50 : i32 to index
      %swap3A_89 = arith.constant 48 : index
      %swap3A_90 = tpu.vector_load %arg10[%swap3A_88, %swap3A_89] {strides = array<i32>} : memref<25x400xf32, #tpu.memory_space<vmem>>, vector<16xf32>,
      tpu.vector_store %arg10[%swap3A_88, %swap3A_89], %div3A_87 {strides = array<i32>} : memref<25x400xf32, #tpu.memory_space<vmem>>, vector<16xf32>,
      %get3A_91 = arith.index_cast %add3A_50 : i32 to index
      %get3A_92 = arith.constant 64 : index
      %get3A_93 = tpu.vector_load %arg8[%get3A_91, %get3A_92] {strides = array<i32>} : memref<25x400xi32, #tpu.memory_space<vmem>>, vector<16xi32>,
      %gather3A_94 = tpu.vector_load_idx %arg6[%get3A_93] : memref<10000xf32, #tpu.memory_space<vmem>>[vector<16xi32>], vector<16xf32>,
      %get3A_95 = arith.index_cast %add3A_50 : i32 to index
      %get3A_96 = arith.constant 64 : index
      %get3A_97 = tpu.vector_load %arg9[%get3A_95, %get3A_96] {strides = array<i32>} : memref<25x400xf32, #tpu.memory_space<vmem>>, vector<16xf32>,
      %div3A_98 = arith.divf %get3A_97, %gather3A_94 : vector<16xf32>
      %swap3A_99 = arith.index_cast %add3A_50 : i32 to index
      %swap3A_100 = arith.constant 64 : index
      %swap3A_101 = tpu.vector_load %arg10[%swap3A_99, %swap3A_100] {strides = array<i32>} : memref<25x400xf32, #tpu.memory_space<vmem>>, vector<16xf32>,
      tpu.vector_store %arg10[%swap3A_99, %swap3A_100], %div3A_98 {strides = array<i32>} : memref<25x400xf32, #tpu.memory_space<vmem>>, vector<16xf32>,
      %get3A_102 = arith.index_cast %add3A_50 : i32 to index
      %get3A_103 = arith.constant 80 : index
      %get3A_104 = tpu.vector_load %arg8[%get3A_102, %get3A_103] {strides = array<i32>} : memref<25x400xi32, #tpu.memory_space<vmem>>, vector<16xi32>,
      %gather3A_105 = tpu.vector_load_idx %arg6[%get3A_104] : memref<10000xf32, #tpu.memory_space<vmem>>[vector<16xi32>], vector<16xf32>,
      %get3A_106 = arith.index_cast %add3A_50 : i32 to index
      %get3A_107 = arith.constant 80 : index
      %get3A_108 = tpu.vector_load %arg9[%get3A_106, %get3A_107] {strides = array<i32>} : memref<25x400xf32, #tpu.memory_space<vmem>>, vector<16xf32>,
      %div3A_109 = arith.divf %get3A_108, %gather3A_105 : vector<16xf32>
      %swap3A_110 = arith.index_cast %add3A_50 : i32 to index
      %swap3A_111 = arith.constant 80 : index
      %swap3A_112 = tpu.vector_load %arg10[%swap3A_110, %swap3A_111] {strides = array<i32>} : memref<25x400xf32, #tpu.memory_space<vmem>>, vector<16xf32>,
      tpu.vector_store %arg10[%swap3A_110, %swap3A_111], %div3A_109 {strides = array<i32>} : memref<25x400xf32, #tpu.memory_space<vmem>>, vector<16xf32>,
      %get3A_113 = arith.index_cast %add3A_50 : i32 to index
      %get3A_114 = arith.constant 96 : index
      %get3A_115 = tpu.vector_load %arg8[%get3A_113, %get3A_114] {strides = array<i32>} : memref<25x400xi32, #tpu.memory_space<vmem>>, vector<16xi32>,
      %gather3A_116 = tpu.vector_load_idx %arg6[%get3A_115] : memref<10000xf32, #tpu.memory_space<vmem>>[vector<16xi32>], vector<16xf32>,
      %get3A_117 = arith.index_cast %add3A_50 : i32 to index
      %get3A_118 = arith.constant 96 : index
      %get3A_119 = tpu.vector_load %arg9[%get3A_117, %get3A_118] {strides = array<i32>} : memref<25x400xf32, #tpu.memory_space<vmem>>, vector<16xf32>,
      %div3A_120 = arith.divf %get3A_119, %gather3A_116 : vector<16xf32>
      %swap3A_121 = arith.index_cast %add3A_50 : i32 to index
      %swap3A_122 = arith.constant 96 : index
      %swap3A_123 = tpu.vector_load %arg10[%swap3A_121, %swap3A_122] {strides = array<i32>} : memref<25x400xf32, #tpu.memory_space<vmem>>, vector<16xf32>,
      tpu.vector_store %arg10[%swap3A_121, %swap3A_122], %div3A_120 {strides = array<i32>} : memref<25x400xf32, #tpu.memory_space<vmem>>, vector<16xf32>,
      %get3A_124 = arith.index_cast %add3A_50 : i32 to index
      %get3A_125 = arith.constant 112 : index
      %get3A_126 = tpu.vector_load %arg8[%get3A_124, %get3A_125] {strides = array<i32>} : memref<25x400xi32, #tpu.memory_space<vmem>>, vector<16xi32>,
      %gather3A_127 = tpu.vector_load_idx %arg6[%get3A_126] : memref<10000xf32, #tpu.memory_space<vmem>>[vector<16xi32>], vector<16xf32>,
      %get3A_128 = arith.index_cast %add3A_50 : i32 to index
      %get3A_129 = arith.constant 112 : index
      %get3A_130 = tpu.vector_load %arg9[%get3A_128, %get3A_129] {strides = array<i32>} : memref<25x400xf32, #tpu.memory_space<vmem>>, vector<16xf32>,
      %div3A_131 = arith.divf %get3A_130, %gather3A_127 : vector<16xf32>
      %swap3A_132 = arith.index_cast %add3A_50 : i32 to index
      %swap3A_133 = arith.constant 112 : index
      %swap3A_134 = tpu.vector_load %arg10[%swap3A_132, %swap3A_133] {strides = array<i32>} : memref<25x400xf32, #tpu.memory_space<vmem>>, vector<16xf32>,
      tpu.vector_store %arg10[%swap3A_132, %swap3A_133], %div3A_131 {strides = array<i32>} : memref<25x400xf32, #tpu.memory_space<vmem>>, vector<16xf32>,
      %get3A_135 = arith.index_cast %add3A_50 : i32 to index
      %get3A_136 = arith.constant 128 : index
      %get3A_137 = tpu.vector_load %arg8[%get3A_135, %get3A_136] {strides = array<i32>} : memref<25x400xi32, #tpu.memory_space<vmem>>, vector<16xi32>,
      %gather3A_138 = tpu.vector_load_idx %arg6[%get3A_137] : memref<10000xf32, #tpu.memory_space<vmem>>[vector<16xi32>], vector<16xf32>,
      %get3A_139 = arith.index_cast %add3A_50 : i32 to index
      %get3A_140 = arith.constant 128 : index
      %get3A_141 = tpu.vector_load %arg9[%get3A_139, %get3A_140] {strides = array<i32>} : memref<25x400xf32, #tpu.memory_space<vmem>>, vector<16xf32>,
      %div3A_142 = arith.divf %get3A_141, %gather3A_138 : vector<16xf32>
      %swap3A_143 = arith.index_cast %add3A_50 : i32 to index
      %swap3A_144 = arith.constant 128 : index
      %swap3A_145 = tpu.vector_load %arg10[%swap3A_143, %swap3A_144] {strides = array<i32>} : memref<25x400xf32, #tpu.memory_space<vmem>>, vector<16xf32>,
      tpu.vector_store %arg10[%swap3A_143, %swap3A_144], %div3A_142 {strides = array<i32>} : memref<25x400xf32, #tpu.memory_space<vmem>>, vector<16xf32>,
      %get3A_146 = arith.index_cast %add3A_50 : i32 to index
      %get3A_147 = arith.constant 144 : index
      %get3A_148 = tpu.vector_load %arg8[%get3A_146, %get3A_147] {strides = array<i32>} : memref<25x400xi32, #tpu.memory_space<vmem>>, vector<16xi32>,
      %gather3A_149 = tpu.vector_load_idx %arg6[%get3A_148] : memref<10000xf32, #tpu.memory_space<vmem>>[vector<16xi32>], vector<16xf32>,
      %get3A_150 = arith.index_cast %add3A_50 : i32 to index
      %get3A_151 = arith.constant 144 : index
      %get3A_152 = tpu.vector_load %arg9[%get3A_150, %get3A_151] {strides = array<i32>} : memref<25x400xf32, #tpu.memory_space<vmem>>, vector<16xf32>,
      %div3A_153 = arith.divf %get3A_152, %gather3A_149 : vector<16xf32>
      %swap3A_154 = arith.index_cast %add3A_50 : i32 to index
      %swap3A_155 = arith.constant 144 : index
      %swap3A_156 = tpu.vector_load %arg10[%swap3A_154, %swap3A_155] {strides = array<i32>} : memref<25x400xf32, #tpu.memory_space<vmem>>, vector<16xf32>,
      tpu.vector_store %arg10[%swap3A_154, %swap3A_155], %div3A_153 {strides = array<i32>} : memref<25x400xf32, #tpu.memory_space<vmem>>, vector<16xf32>,
      %get3A_157 = arith.index_cast %add3A_50 : i32 to index
      %get3A_158 = arith.constant 160 : index
      %get3A_159 = tpu.vector_load %arg8[%get3A_157, %get3A_158] {strides = array<i32>} : memref<25x400xi32, #tpu.memory_space<vmem>>, vector<16xi32>,
      %gather3A_160 = tpu.vector_load_idx %arg6[%get3A_159] : memref<10000xf32, #tpu.memory_space<vmem>>[vector<16xi32>], vector<16xf32>,
      %get3A_161 = arith.index_cast %add3A_50 : i32 to index
      %get3A_162 = arith.constant 160 : index
      %get3A_163 = tpu.vector_load %arg9[%get3A_161, %get3A_162] {strides = array<i32>} : memref<25x400xf32, #tpu.memory_space<vmem>>, vector<16xf32>,
      %div3A_164 = arith.divf %get3A_163, %gather3A_160 : vector<16xf32>
      %swap3A_165 = arith.index_cast %add3A_50 : i32 to index
      %swap3A_166 = arith.constant 160 : index
      %swap3A_167 = tpu.vector_load %arg10[%swap3A_165, %swap3A_166] {strides = array<i32>} : memref<25x400xf32, #tpu.memory_space<vmem>>, vector<16xf32>,
      tpu.vector_store %arg10[%swap3A_165, %swap3A_166], %div3A_164 {strides = array<i32>} : memref<25x400xf32, #tpu.memory_space<vmem>>, vector<16xf32>,
      %get3A_168 = arith.index_cast %add3A_50 : i32 to index
      %get3A_169 = arith.constant 176 : index
      %get3A_170 = tpu.vector_load %arg8[%get3A_168, %get3A_169] {strides = array<i32>} : memref<25x400xi32, #tpu.memory_space<vmem>>, vector<16xi32>,
      %gather3A_171 = tpu.vector_load_idx %arg6[%get3A_170] : memref<10000xf32, #tpu.memory_space<vmem>>[vector<16xi32>], vector<16xf32>,
      %get3A_172 = arith.index_cast %add3A_50 : i32 to index
      %get3A_173 = arith.constant 176 : index
      %get3A_174 = tpu.vector_load %arg9[%get3A_172, %get3A_173] {strides = array<i32>} : memref<25x400xf32, #tpu.memory_space<vmem>>, vector<16xf32>,
      %div3A_175 = arith.divf %get3A_174, %gather3A_171 : vector<16xf32>
      %swap3A_176 = arith.index_cast %add3A_50 : i32 to index
      %swap3A_177 = arith.constant 176 : index
      %swap3A_178 = tpu.vector_load %arg10[%swap3A_176, %swap3A_177] {strides = array<i32>} : memref<25x400xf32, #tpu.memory_space<vmem>>, vector<16xf32>,
      tpu.vector_store %arg10[%swap3A_176, %swap3A_177], %div3A_175 {strides = array<i32>} : memref<25x400xf32, #tpu.memory_space<vmem>>, vector<16xf32>,
      %get3A_179 = arith.index_cast %add3A_50 : i32 to index
      %get3A_180 = arith.constant 192 : index
      %get3A_181 = tpu.vector_load %arg8[%get3A_179, %get3A_180] {strides = array<i32>} : memref<25x400xi32, #tpu.memory_space<vmem>>, vector<16xi32>,
      %gather3A_182 = tpu.vector_load_idx %arg6[%get3A_181] : memref<10000xf32, #tpu.memory_space<vmem>>[vector<16xi32>], vector<16xf32>,
      %get3A_183 = arith.index_cast %add3A_50 : i32 to index
      %get3A_184 = arith.constant 192 : index
      %get3A_185 = tpu.vector_load %arg9[%get3A_183, %get3A_184] {strides = array<i32>} : memref<25x400xf32, #tpu.memory_space<vmem>>, vector<16xf32>,
      %div3A_186 = arith.divf %get3A_185, %gather3A_182 : vector<16xf32>
      %swap3A_187 = arith.index_cast %add3A_50 : i32 to index
      %swap3A_188 = arith.constant 192 : index
      %swap3A_189 = tpu.vector_load %arg10[%swap3A_187, %swap3A_188] {strides = array<i32>} : memref<25x400xf32, #tpu.memory_space<vmem>>, vector<16xf32>,
      tpu.vector_store %arg10[%swap3A_187, %swap3A_188], %div3A_186 {strides = array<i32>} : memref<25x400xf32, #tpu.memory_space<vmem>>, vector<16xf32>,
      %get3A_190 = arith.index_cast %add3A_50 : i32 to index
      %get3A_191 = arith.constant 208 : index
      %get3A_192 = tpu.vector_load %arg8[%get3A_190, %get3A_191] {strides = array<i32>} : memref<25x400xi32, #tpu.memory_space<vmem>>, vector<16xi32>,
      %gather3A_193 = tpu.vector_load_idx %arg6[%get3A_192] : memref<10000xf32, #tpu.memory_space<vmem>>[vector<16xi32>], vector<16xf32>,
      %get3A_194 = arith.index_cast %add3A_50 : i32 to index
      %get3A_195 = arith.constant 208 : index
      %get3A_196 = tpu.vector_load %arg9[%get3A_194, %get3A_195] {strides = array<i32>} : memref<25x400xf32, #tpu.memory_space<vmem>>, vector<16xf32>,
      %div3A_197 = arith.divf %get3A_196, %gather3A_193 : vector<16xf32>
      %swap3A_198 = arith.index_cast %add3A_50 : i32 to index
      %swap3A_199 = arith.constant 208 : index
      %swap3A_200 = tpu.vector_load %arg10[%swap3A_198, %swap3A_199] {strides = array<i32>} : memref<25x400xf32, #tpu.memory_space<vmem>>, vector<16xf32>,
      tpu.vector_store %arg10[%swap3A_198, %swap3A_199], %div3A_197 {strides = array<i32>} : memref<25x400xf32, #tpu.memory_space<vmem>>, vector<16xf32>,
      %get3A_201 = arith.index_cast %add3A_50 : i32 to index
      %get3A_202 = arith.constant 224 : index
      %get3A_203 = tpu.vector_load %arg8[%get3A_201, %get3A_202] {strides = array<i32>} : memref<25x400xi32, #tpu.memory_space<vmem>>, vector<16xi32>,
      %gather3A_204 = tpu.vector_load_idx %arg6[%get3A_203] : memref<10000xf32, #tpu.memory_space<vmem>>[vector<16xi32>], vector<16xf32>,
      %get3A_205 = arith.index_cast %add3A_50 : i32 to index
      %get3A_206 = arith.constant 224 : index
      %get3A_207 = tpu.vector_load %arg9[%get3A_205, %get3A_206] {strides = array<i32>} : memref<25x400xf32, #tpu.memory_space<vmem>>, vector<16xf32>,
      %div3A_208 = arith.divf %get3A_207, %gather3A_204 : vector<16xf32>
      %swap3A_209 = arith.index_cast %add3A_50 : i32 to index
      %swap3A_210 = arith.constant 224 : index
      %swap3A_211 = tpu.vector_load %arg10[%swap3A_209, %swap3A_210] {strides = array<i32>} : memref<25x400xf32, #tpu.memory_space<vmem>>, vector<16xf32>,
      tpu.vector_store %arg10[%swap3A_209, %swap3A_210], %div3A_208 {strides = array<i32>} : memref<25x400xf32, #tpu.memory_space<vmem>>, vector<16xf32>,
      %get3A_212 = arith.index_cast %add3A_50 : i32 to index
      %get3A_213 = arith.constant 240 : index
      %get3A_214 = tpu.vector_load %arg8[%get3A_212, %get3A_213] {strides = array<i32>} : memref<25x400xi32, #tpu.memory_space<vmem>>, vector<16xi32>,
      %gather3A_215 = tpu.vector_load_idx %arg6[%get3A_214] : memref<10000xf32, #tpu.memory_space<vmem>>[vector<16xi32>], vector<16xf32>,
      %get3A_216 = arith.index_cast %add3A_50 : i32 to index
      %get3A_217 = arith.constant 240 : index
      %get3A_218 = tpu.vector_load %arg9[%get3A_216, %get3A_217] {strides = array<i32>} : memref<25x400xf32, #tpu.memory_space<vmem>>, vector<16xf32>,
      %div3A_219 = arith.divf %get3A_218, %gather3A_215 : vector<16xf32>
      %swap3A_220 = arith.index_cast %add3A_50 : i32 to index
      %swap3A_221 = arith.constant 240 : index
      %swap3A_222 = tpu.vector_load %arg10[%swap3A_220, %swap3A_221] {strides = array<i32>} : memref<25x400xf32, #tpu.memory_space<vmem>>, vector<16xf32>,
      tpu.vector_store %arg10[%swap3A_220, %swap3A_221], %div3A_219 {strides = array<i32>} : memref<25x400xf32, #tpu.memory_space<vmem>>, vector<16xf32>,
      %get3A_223 = arith.index_cast %add3A_50 : i32 to index
      %get3A_224 = arith.constant 256 : index
      %get3A_225 = tpu.vector_load %arg8[%get3A_223, %get3A_224] {strides = array<i32>} : memref<25x400xi32, #tpu.memory_space<vmem>>, vector<16xi32>,
      %gather3A_226 = tpu.vector_load_idx %arg6[%get3A_225] : memref<10000xf32, #tpu.memory_space<vmem>>[vector<16xi32>], vector<16xf32>,
      %get3A_227 = arith.index_cast %add3A_50 : i32 to index
      %get3A_228 = arith.constant 256 : index
      %get3A_229 = tpu.vector_load %arg9[%get3A_227, %get3A_228] {strides = array<i32>} : memref<25x400xf32, #tpu.memory_space<vmem>>, vector<16xf32>,
      %div3A_230 = arith.divf %get3A_229, %gather3A_226 : vector<16xf32>
      %swap3A_231 = arith.index_cast %add3A_50 : i32 to index
      %swap3A_232 = arith.constant 256 : index
      %swap3A_233 = tpu.vector_load %arg10[%swap3A_231, %swap3A_232] {strides = array<i32>} : memref<25x400xf32, #tpu.memory_space<vmem>>, vector<16xf32>,
      tpu.vector_store %arg10[%swap3A_231, %swap3A_232], %div3A_230 {strides = array<i32>} : memref<25x400xf32, #tpu.memory_space<vmem>>, vector<16xf32>,
      %get3A_234 = arith.index_cast %add3A_50 : i32 to index
      %get3A_235 = arith.constant 272 : index
      %get3A_236 = tpu.vector_load %arg8[%get3A_234, %get3A_235] {strides = array<i32>} : memref<25x400xi32, #tpu.memory_space<vmem>>, vector<16xi32>,
      %gather3A_237 = tpu.vector_load_idx %arg6[%get3A_236] : memref<10000xf32, #tpu.memory_space<vmem>>[vector<16xi32>], vector<16xf32>,
      %get3A_238 = arith.index_cast %add3A_50 : i32 to index
      %get3A_239 = arith.constant 272 : index
      %get3A_240 = tpu.vector_load %arg9[%get3A_238, %get3A_239] {strides = array<i32>} : memref<25x400xf32, #tpu.memory_space<vmem>>, vector<16xf32>,
      %div3A_241 = arith.divf %get3A_240, %gather3A_237 : vector<16xf32>
      %swap3A_242 = arith.index_cast %add3A_50 : i32 to index
      %swap3A_243 = arith.constant 272 : index
      %swap3A_244 = tpu.vector_load %arg10[%swap3A_242, %swap3A_243] {strides = array<i32>} : memref<25x400xf32, #tpu.memory_space<vmem>>, vector<16xf32>,
      tpu.vector_store %arg10[%swap3A_242, %swap3A_243], %div3A_241 {strides = array<i32>} : memref<25x400xf32, #tpu.memory_space<vmem>>, vector<16xf32>,
      %get3A_245 = arith.index_cast %add3A_50 : i32 to index
      %get3A_246 = arith.constant 288 : index
      %get3A_247 = tpu.vector_load %arg8[%get3A_245, %get3A_246] {strides = array<i32>} : memref<25x400xi32, #tpu.memory_space<vmem>>, vector<16xi32>,
      %gather3A_248 = tpu.vector_load_idx %arg6[%get3A_247] : memref<10000xf32, #tpu.memory_space<vmem>>[vector<16xi32>], vector<16xf32>,
      %get3A_249 = arith.index_cast %add3A_50 : i32 to index
      %get3A_250 = arith.constant 288 : index
      %get3A_251 = tpu.vector_load %arg9[%get3A_249, %get3A_250] {strides = array<i32>} : memref<25x400xf32, #tpu.memory_space<vmem>>, vector<16xf32>,
      %div3A_252 = arith.divf %get3A_251, %gather3A_248 : vector<16xf32>
      %swap3A_253 = arith.index_cast %add3A_50 : i32 to index
      %swap3A_254 = arith.constant 288 : index
      %swap3A_255 = tpu.vector_load %arg10[%swap3A_253, %swap3A_254] {strides = array<i32>} : memref<25x400xf32, #tpu.memory_space<vmem>>, vector<16xf32>,
      tpu.vector_store %arg10[%swap3A_253, %swap3A_254], %div3A_252 {strides = array<i32>} : memref<25x400xf32, #tpu.memory_space<vmem>>, vector<16xf32>,
      %get3A_256 = arith.index_cast %add3A_50 : i32 to index
      %get3A_257 = arith.constant 304 : index
      %get3A_258 = tpu.vector_load %arg8[%get3A_256, %get3A_257] {strides = array<i32>} : memref<25x400xi32, #tpu.memory_space<vmem>>, vector<16xi32>,
      %gather3A_259 = tpu.vector_load_idx %arg6[%get3A_258] : memref<10000xf32, #tpu.memory_space<vmem>>[vector<16xi32>], vector<16xf32>,
      %get3A_260 = arith.index_cast %add3A_50 : i32 to index
      %get3A_261 = arith.constant 304 : index
      %get3A_262 = tpu.vector_load %arg9[%get3A_260, %get3A_261] {strides = array<i32>} : memref<25x400xf32, #tpu.memory_space<vmem>>, vector<16xf32>,
      %div3A_263 = arith.divf %get3A_262, %gather3A_259 : vector<16xf32>
      %swap3A_264 = arith.index_cast %add3A_50 : i32 to index
      %swap3A_265 = arith.constant 304 : index
      %swap3A_266 = tpu.vector_load %arg10[%swap3A_264, %swap3A_265] {strides = array<i32>} : memref<25x400xf32, #tpu.memory_space<vmem>>, vector<16xf32>,
      tpu.vector_store %arg10[%swap3A_264, %swap3A_265], %div3A_263 {strides = array<i32>} : memref<25x400xf32, #tpu.memory_space<vmem>>, vector<16xf32>,
      %get3A_267 = arith.index_cast %add3A_50 : i32 to index
      %get3A_268 = arith.constant 320 : index
      %get3A_269 = tpu.vector_load %arg8[%get3A_267, %get3A_268] {strides = array<i32>} : memref<25x400xi32, #tpu.memory_space<vmem>>, vector<16xi32>,
      %gather3A_270 = tpu.vector_load_idx %arg6[%get3A_269] : memref<10000xf32, #tpu.memory_space<vmem>>[vector<16xi32>], vector<16xf32>,
      %get3A_271 = arith.index_cast %add3A_50 : i32 to index
      %get3A_272 = arith.constant 320 : index
      %get3A_273 = tpu.vector_load %arg9[%get3A_271, %get3A_272] {strides = array<i32>} : memref<25x400xf32, #tpu.memory_space<vmem>>, vector<16xf32>,
      %div3A_274 = arith.divf %get3A_273, %gather3A_270 : vector<16xf32>
      %swap3A_275 = arith.index_cast %add3A_50 : i32 to index
      %swap3A_276 = arith.constant 320 : index
      %swap3A_277 = tpu.vector_load %arg10[%swap3A_275, %swap3A_276] {strides = array<i32>} : memref<25x400xf32, #tpu.memory_space<vmem>>, vector<16xf32>,
      tpu.vector_store %arg10[%swap3A_275, %swap3A_276], %div3A_274 {strides = array<i32>} : memref<25x400xf32, #tpu.memory_space<vmem>>, vector<16xf32>,
      %get3A_278 = arith.index_cast %add3A_50 : i32 to index
      %get3A_279 = arith.constant 336 : index
      %get3A_280 = tpu.vector_load %arg8[%get3A_278, %get3A_279] {strides = array<i32>} : memref<25x400xi32, #tpu.memory_space<vmem>>, vector<16xi32>,
      %gather3A_281 = tpu.vector_load_idx %arg6[%get3A_280] : memref<10000xf32, #tpu.memory_space<vmem>>[vector<16xi32>], vector<16xf32>,
      %get3A_282 = arith.index_cast %add3A_50 : i32 to index
      %get3A_283 = arith.constant 336 : index
      %get3A_284 = tpu.vector_load %arg9[%get3A_282, %get3A_283] {strides = array<i32>} : memref<25x400xf32, #tpu.memory_space<vmem>>, vector<16xf32>,
      %div3A_285 = arith.divf %get3A_284, %gather3A_281 : vector<16xf32>
      %swap3A_286 = arith.index_cast %add3A_50 : i32 to index
      %swap3A_287 = arith.constant 336 : index
      %swap3A_288 = tpu.vector_load %arg10[%swap3A_286, %swap3A_287] {strides = array<i32>} : memref<25x400xf32, #tpu.memory_space<vmem>>, vector<16xf32>,
      tpu.vector_store %arg10[%swap3A_286, %swap3A_287], %div3A_285 {strides = array<i32>} : memref<25x400xf32, #tpu.memory_space<vmem>>, vector<16xf32>,
      %get3A_289 = arith.index_cast %add3A_50 : i32 to index
      %get3A_290 = arith.constant 352 : index
      %get3A_291 = tpu.vector_load %arg8[%get3A_289, %get3A_290] {strides = array<i32>} : memref<25x400xi32, #tpu.memory_space<vmem>>, vector<16xi32>,
      %gather3A_292 = tpu.vector_load_idx %arg6[%get3A_291] : memref<10000xf32, #tpu.memory_space<vmem>>[vector<16xi32>], vector<16xf32>,
      %get3A_293 = arith.index_cast %add3A_50 : i32 to index
      %get3A_294 = arith.constant 352 : index
      %get3A_295 = tpu.vector_load %arg9[%get3A_293, %get3A_294] {strides = array<i32>} : memref<25x400xf32, #tpu.memory_space<vmem>>, vector<16xf32>,
      %div3A_296 = arith.divf %get3A_295, %gather3A_292 : vector<16xf32>
      %swap3A_297 = arith.index_cast %add3A_50 : i32 to index
      %swap3A_298 = arith.constant 352 : index
      %swap3A_299 = tpu.vector_load %arg10[%swap3A_297, %swap3A_298] {strides = array<i32>} : memref<25x400xf32, #tpu.memory_space<vmem>>, vector<16xf32>,
      tpu.vector_store %arg10[%swap3A_297, %swap3A_298], %div3A_296 {strides = array<i32>} : memref<25x400xf32, #tpu.memory_space<vmem>>, vector<16xf32>,
      %get3A_300 = arith.index_cast %add3A_50 : i32 to index
      %get3A_301 = arith.constant 368 : index
      %get3A_302 = tpu.vector_load %arg8[%get3A_300, %get3A_301] {strides = array<i32>} : memref<25x400xi32, #tpu.memory_space<vmem>>, vector<16xi32>,
      %gather3A_303 = tpu.vector_load_idx %arg6[%get3A_302] : memref<10000xf32, #tpu.memory_space<vmem>>[vector<16xi32>], vector<16xf32>,
      %get3A_304 = arith.index_cast %add3A_50 : i32 to index
      %get3A_305 = arith.constant 368 : index
      %get3A_306 = tpu.vector_load %arg9[%get3A_304, %get3A_305] {strides = array<i32>} : memref<25x400xf32, #tpu.memory_space<vmem>>, vector<16xf32>,
      %div3A_307 = arith.divf %get3A_306, %gather3A_303 : vector<16xf32>
      %swap3A_308 = arith.index_cast %add3A_50 : i32 to index
      %swap3A_309 = arith.constant 368 : index
      %swap3A_310 = tpu.vector_load %arg10[%swap3A_308, %swap3A_309] {strides = array<i32>} : memref<25x400xf32, #tpu.memory_space<vmem>>, vector<16xf32>,
      tpu.vector_store %arg10[%swap3A_308, %swap3A_309], %div3A_307 {strides = array<i32>} : memref<25x400xf32, #tpu.memory_space<vmem>>, vector<16xf32>,
      %get3A_311 = arith.index_cast %add3A_50 : i32 to index
      %get3A_312 = arith.constant 384 : index
      %get3A_313 = tpu.vector_load %arg8[%get3A_311, %get3A_312] {strides = array<i32>} : memref<25x400xi32, #tpu.memory_space<vmem>>, vector<16xi32>,
      %gather3A_314 = tpu.vector_load_idx %arg6[%get3A_313] : memref<10000xf32, #tpu.memory_space<vmem>>[vector<16xi32>], vector<16xf32>,
      %get3A_315 = arith.index_cast %add3A_50 : i32 to index
      %get3A_316 = arith.constant 384 : index
      %get3A_317 = tpu.vector_load %arg9[%get3A_315, %get3A_316] {strides = array<i32>} : memref<25x400xf32, #tpu.memory_space<vmem>>, vector<16xf32>,
      %div3A_318 = arith.divf %get3A_317, %gather3A_314 : vector<16xf32>
      %swap3A_319 = arith.index_cast %add3A_50 : i32 to index
      %swap3A_320 = arith.constant 384 : index
      %swap3A_321 = tpu.vector_load %arg10[%swap3A_319, %swap3A_320] {strides = array<i32>} : memref<25x400xf32, #tpu.memory_space<vmem>>, vector<16xf32>,
      tpu.vector_store %arg10[%swap3A_319, %swap3A_320], %div3A_318 {strides = array<i32>} : memref<25x400xf32, #tpu.memory_space<vmem>>, vector<16xf32>,
    }
    %scan3A_45 = arith.constant 25 : i32
    "tpu.region"() ({
      %run_scoped3A = tpu.sem_alloc : memref<!tpu.dma_semaphore, #tpu.memory_space<semaphore_mem>>
      %dma_start3A_46 = arith.constant 0 : i32
      %dma_start3A_47 = arith.constant 0 : i32
      %dma_start3A_48 = tpu.memref_slice %arg5[%add3A, %dma_start3A_46, %dma_start3A_47] : memref<32x25x400xf32, #tpu.memory_space<hbm>> -> memref<1x25x400xf32, #tpu.memory_space<hbm>>
      %dma_start3A_49 = tpu.memref_squeeze %dma_start3A_48 : memref<1x25x400xf32, #tpu.memory_space<hbm>> -> memref<25x400xf32, #tpu.memory_space<hbm>>
      %dma_start3A_50 = arith.constant 0 : i32
      %dma_start3A_51 = arith.constant 0 : i32
      %dma_start3A_52 = tpu.memref_slice %arg5[%add3A, %dma_start3A_50, %dma_start3A_51] : memref<32x25x400xf32, #tpu.memory_space<hbm>> -> memref<1x25x400xf32, #tpu.memory_space<hbm>>
      %dma_start3A_53 = tpu.memref_squeeze %dma_start3A_52 : memref<1x25x400xf32, #tpu.memory_space<hbm>> -> memref<25x400xf32, #tpu.memory_space<hbm>>
      tpu.enqueue_dma source(%arg10 : memref<25x400xf32, #tpu.memory_space<vmem>>) target(%dma_start3A_53 : memref<25x400xf32, #tpu.memory_space<hbm>>) target_semaphore(%run_scoped3A : memref<!tpu.dma_semaphore, #tpu.memory_space<semaphore_mem>>)
      %dma_wait3A_54 = arith.constant 0 : i32
      %dma_wait3A_55 = arith.constant 0 : i32
      %dma_wait3A_56 = tpu.memref_slice %arg5[%add3A, %dma_wait3A_54, %dma_wait3A_55] : memref<32x25x400xf32, #tpu.memory_space<hbm>> -> memref<1x25x400xf32, #tpu.memory_space<hbm>>
      %dma_wait3A_57 = tpu.memref_squeeze %dma_wait3A_56 : memref<1x25x400xf32, #tpu.memory_space<hbm>> -> memref<25x400xf32, #tpu.memory_space<hbm>>
      %dma_wait3A_58 = arith.constant 0 : i32
      %dma_wait3A_59 = arith.constant 0 : i32
      %dma_wait3A_60 = tpu.memref_slice %arg5[%add3A, %dma_wait3A_58, %dma_wait3A_59] : memref<32x25x400xf32, #tpu.memory_space<hbm>> -> memref<1x25x400xf32, #tpu.memory_space<hbm>>
      %dma_wait3A_61 = tpu.memref_squeeze %dma_wait3A_60 : memref<1x25x400xf32, #tpu.memory_space<hbm>> -> memref<25x400xf32, #tpu.memory_space<hbm>>
      tpu.wait_dma2 semaphore(%run_scoped3A : memref<!tpu.dma_semaphore, #tpu.memory_space<semaphore_mem>>) src(%arg10 : memref<25x400xf32, #tpu.memory_space<vmem>>) dst(%dma_wait3A_61 : memref<25x400xf32, #tpu.memory_space<hbm>>)
      tpu.yield
    }) : () -> ()
    return
  }
}

#map = affine_map<(d0, d1) -> (0, 0)>
#map1 = affine_map<(d0, d1) -> (0, 0, 0)>
module attributes {stable_mosaic.version = 14 : i64} {
  func.func @_edge_body(%arg0: i32, %arg1: i32, %arg2: memref<10000x32xf32, #tpu.memory_space<hbm>>, %arg3: memref<10000x32xf32, #tpu.memory_space<hbm>>, %arg4: memref<32x25x400xi32, #tpu.memory_space<hbm>>, %arg5: memref<32x25x400xi32, #tpu.memory_space<hbm>>, %arg6: memref<2x16xf32, #tpu.memory_space<hbm>>, %arg7: memref<32x25x400xf32, #tpu.memory_space<hbm>>, %arg8: memref<2x10000xf32, #tpu.memory_space<hbm>>, %arg9: memref<25x400xi32, #tpu.memory_space<vmem>>, %arg10: memref<25x400xi32, #tpu.memory_space<vmem>>, %arg11: memref<2x400x32xf32, #tpu.memory_space<vmem>>, %arg12: memref<2x400x32xf32, #tpu.memory_space<vmem>>, %arg13: memref<25x400xf32, #tpu.memory_space<vmem>>, %arg14: memref<2x16xf32, #tpu.memory_space<vmem>>, %arg15: memref<400xf32, #tpu.memory_space<vmem>>, %arg16: memref<10000xf32, #tpu.memory_space<vmem_shared>>, %arg17: memref<10000x32xf32, #tpu.memory_space<vmem_shared>>, %arg18: memref<10000x32xf32, #tpu.memory_space<vmem_shared>>, %arg19: memref<2x!tpu.dma_semaphore, #tpu.memory_space<semaphore_mem>>, %arg20: memref<2x!tpu.dma_semaphore, #tpu.memory_space<semaphore_mem>>, %arg21: memref<!tpu.dma_semaphore, #tpu.memory_space<semaphore_mem>>) attributes {dimension_semantics = [#tpu.dimension_semantics<core_parallel>, #tpu.dimension_semantics<subcore_parallel>], iteration_bounds = array<i64: 2, 16>, scalar_prefetch = 0 : i64, scratch_operands = 13 : i64, tpu.core_type = #tpu.core_type<sc_vector_subcore>, window_params = [{transform_indices = #map}, {transform_indices = #map}, {transform_indices = #map1}, {transform_indices = #map1}, {transform_indices = #map}, {transform_indices = #map1}, {transform_indices = #map}]} {
    %mul3A = arith.constant 2 : i32
    %mul3A_0 = arith.muli %arg1, %mul3A : i32
    %add3A = arith.addi %mul3A_0, %arg0 : i32
    %mul3A_1 = arith.constant 625 : i32
    %mul3A_2 = arith.muli %arg1, %mul3A_1 : i32
    %mul3A_3 = arith.constant 625 : i32
    %mul3A_4 = arith.muli %arg1, %mul3A_3 : i32
    %dma_start3A = arith.constant 0 : i32
    %dma_start3A_5 = tpu.memref_slice %arg19[%dma_start3A] : memref<2x!tpu.dma_semaphore, #tpu.memory_space<semaphore_mem>> -> memref<1x!tpu.dma_semaphore, #tpu.memory_space<semaphore_mem>>
    %dma_start3A_6 = tpu.memref_squeeze %dma_start3A_5 : memref<1x!tpu.dma_semaphore, #tpu.memory_space<semaphore_mem>> -> memref<!tpu.dma_semaphore, #tpu.memory_space<semaphore_mem>>
    %dma_start3A_7 = arith.constant 0 : i32
    %dma_start3A_8 = tpu.memref_slice %arg17[%mul3A_4, %dma_start3A_7] : memref<10000x32xf32, #tpu.memory_space<vmem_shared>> -> memref<625x32xf32, #tpu.memory_space<vmem_shared>>
    %dma_start3A_9 = arith.constant 0 : i32
    %dma_start3A_10 = tpu.memref_slice %arg2[%mul3A_2, %dma_start3A_9] : memref<10000x32xf32, #tpu.memory_space<hbm>> -> memref<625x32xf32, #tpu.memory_space<hbm>>
    tpu.enqueue_dma source(%dma_start3A_10 : memref<625x32xf32, #tpu.memory_space<hbm>>) target(%dma_start3A_8 : memref<625x32xf32, #tpu.memory_space<vmem_shared>>) target_semaphore(%dma_start3A_6 : memref<!tpu.dma_semaphore, #tpu.memory_space<semaphore_mem>>)
    %mul3A_11 = arith.constant 625 : i32
    %mul3A_12 = arith.muli %arg1, %mul3A_11 : i32
    %mul3A_13 = arith.constant 625 : i32
    %mul3A_14 = arith.muli %arg1, %mul3A_13 : i32
    %dma_start3A_15 = arith.constant 0 : i32
    %dma_start3A_16 = tpu.memref_slice %arg20[%dma_start3A_15] : memref<2x!tpu.dma_semaphore, #tpu.memory_space<semaphore_mem>> -> memref<1x!tpu.dma_semaphore, #tpu.memory_space<semaphore_mem>>
    %dma_start3A_17 = tpu.memref_squeeze %dma_start3A_16 : memref<1x!tpu.dma_semaphore, #tpu.memory_space<semaphore_mem>> -> memref<!tpu.dma_semaphore, #tpu.memory_space<semaphore_mem>>
    %dma_start3A_18 = arith.constant 0 : i32
    %dma_start3A_19 = tpu.memref_slice %arg18[%mul3A_14, %dma_start3A_18] : memref<10000x32xf32, #tpu.memory_space<vmem_shared>> -> memref<625x32xf32, #tpu.memory_space<vmem_shared>>
    %dma_start3A_20 = arith.constant 0 : i32
    %dma_start3A_21 = tpu.memref_slice %arg3[%mul3A_12, %dma_start3A_20] : memref<10000x32xf32, #tpu.memory_space<hbm>> -> memref<625x32xf32, #tpu.memory_space<hbm>>
    tpu.enqueue_dma source(%dma_start3A_21 : memref<625x32xf32, #tpu.memory_space<hbm>>) target(%dma_start3A_19 : memref<625x32xf32, #tpu.memory_space<vmem_shared>>) target_semaphore(%dma_start3A_17 : memref<!tpu.dma_semaphore, #tpu.memory_space<semaphore_mem>>)
    %eq3A = arith.constant 0 : i32
    %eq3A_22 = arith.cmpi eq, %arg1, %eq3A : i32
    %convert_element_type3A = arith.extui %eq3A_22 : i1 to i32
    %cond3A = arith.constant 0 : i32
    %cond3A_23 = arith.cmpi ne, %convert_element_type3A, %cond3A : i32
    scf.if %cond3A_23 {
      %scan3A_89 = arith.constant 0 : i32
      %scan3A_90 = arith.constant 25 : i32
      %scan3A_91 = arith.addi %scan3A_89, %scan3A_90 : i32
      %scan3A_92 = arith.constant 1 : i32
      scf.for %scan3A_99 = %scan3A_89 to %scan3A_91 step %scan3A_92  : i32 {
        %mul3A_100 = arith.constant 1 : i32
        %mul3A_101 = arith.muli %scan3A_99, %mul3A_100 : i32
        %add3A_102 = arith.constant 0 : i32
        %add3A_103 = arith.addi %add3A_102, %mul3A_101 : i32
        %broadcast_in_dim3A = arith.constant 0.000000e+00 : f32
        %broadcast_in_dim3A_104 = vector.broadcast %broadcast_in_dim3A : f32 to vector<16xf32>
        %mul3A_105 = arith.constant 16 : i32
        %mul3A_106 = arith.muli %add3A_103, %mul3A_105 : i32
        %swap3A = arith.index_cast %mul3A_106 : i32 to index
        %swap3A_107 = tpu.vector_load %arg15[%swap3A] {strides = array<i32>} : memref<400xf32, #tpu.memory_space<vmem>>, vector<16xf32>,
        tpu.vector_store %arg15[%swap3A], %broadcast_in_dim3A_104 {strides = array<i32>} : memref<400xf32, #tpu.memory_space<vmem>>, vector<16xf32>,
      }
      %scan3A_93 = arith.constant 25 : i32
      %scan3A_94 = arith.constant 0 : i32
      %scan3A_95 = arith.constant 25 : i32
      %scan3A_96 = arith.addi %scan3A_94, %scan3A_95 : i32
      %scan3A_97 = arith.constant 1 : i32
      scf.for %scan3A_99 = %scan3A_94 to %scan3A_96 step %scan3A_97  : i32 {
        %mul3A_100 = arith.constant 1 : i32
        %mul3A_101 = arith.muli %scan3A_99, %mul3A_100 : i32
        %add3A_102 = arith.constant 0 : i32
        %add3A_103 = arith.addi %add3A_102, %mul3A_101 : i32
        %mul3A_104 = arith.constant 400 : i32
        %mul3A_105 = arith.muli %add3A_103, %mul3A_104 : i32
        "tpu.region"() ({
          %run_scoped3A = tpu.sem_alloc : memref<!tpu.dma_semaphore, #tpu.memory_space<semaphore_mem>>
          %dma_start3A_106 = tpu.memref_slice %arg16[%mul3A_105] : memref<10000xf32, #tpu.memory_space<vmem_shared>> -> memref<400xf32, #tpu.memory_space<vmem_shared>>
          %dma_start3A_107 = tpu.memref_slice %arg16[%mul3A_105] : memref<10000xf32, #tpu.memory_space<vmem_shared>> -> memref<400xf32, #tpu.memory_space<vmem_shared>>
          tpu.enqueue_dma source(%arg15 : memref<400xf32, #tpu.memory_space<vmem>>) target(%dma_start3A_107 : memref<400xf32, #tpu.memory_space<vmem_shared>>) target_semaphore(%run_scoped3A : memref<!tpu.dma_semaphore, #tpu.memory_space<semaphore_mem>>)
          %dma_wait3A_108 = tpu.memref_slice %arg16[%mul3A_105] : memref<10000xf32, #tpu.memory_space<vmem_shared>> -> memref<400xf32, #tpu.memory_space<vmem_shared>>
          %dma_wait3A_109 = tpu.memref_slice %arg16[%mul3A_105] : memref<10000xf32, #tpu.memory_space<vmem_shared>> -> memref<400xf32, #tpu.memory_space<vmem_shared>>
          tpu.wait_dma2 semaphore(%run_scoped3A : memref<!tpu.dma_semaphore, #tpu.memory_space<semaphore_mem>>) src(%arg15 : memref<400xf32, #tpu.memory_space<vmem>>) dst(%dma_wait3A_109 : memref<400xf32, #tpu.memory_space<vmem_shared>>)
          tpu.yield
        }) : () -> ()
      }
      %scan3A_98 = arith.constant 25 : i32
    } else {
    }
    "tpu.region"() ({
      %run_scoped3A = tpu.sem_alloc : memref<!tpu.dma_semaphore, #tpu.memory_space<semaphore_mem>>
      tpu.enqueue_dma source(%arg6 : memref<2x16xf32, #tpu.memory_space<hbm>>) target(%arg14 : memref<2x16xf32, #tpu.memory_space<vmem>>) target_semaphore(%run_scoped3A : memref<!tpu.dma_semaphore, #tpu.memory_space<semaphore_mem>>)
      tpu.wait_dma2 semaphore(%run_scoped3A : memref<!tpu.dma_semaphore, #tpu.memory_space<semaphore_mem>>) src(%arg6 : memref<2x16xf32, #tpu.memory_space<hbm>>) dst(%arg14 : memref<2x16xf32, #tpu.memory_space<vmem>>)
      tpu.yield
    }) : () -> ()
    "tpu.region"() ({
      %run_scoped3A = tpu.sem_alloc : memref<!tpu.dma_semaphore, #tpu.memory_space<semaphore_mem>>
      %dma_start3A_89 = arith.constant 0 : i32
      %dma_start3A_90 = arith.constant 0 : i32
      %dma_start3A_91 = tpu.memref_slice %arg4[%add3A, %dma_start3A_89, %dma_start3A_90] : memref<32x25x400xi32, #tpu.memory_space<hbm>> -> memref<1x25x400xi32, #tpu.memory_space<hbm>>
      %dma_start3A_92 = tpu.memref_squeeze %dma_start3A_91 : memref<1x25x400xi32, #tpu.memory_space<hbm>> -> memref<25x400xi32, #tpu.memory_space<hbm>>
      %dma_start3A_93 = arith.constant 0 : i32
      %dma_start3A_94 = arith.constant 0 : i32
      %dma_start3A_95 = tpu.memref_slice %arg4[%add3A, %dma_start3A_93, %dma_start3A_94] : memref<32x25x400xi32, #tpu.memory_space<hbm>> -> memref<1x25x400xi32, #tpu.memory_space<hbm>>
      %dma_start3A_96 = tpu.memref_squeeze %dma_start3A_95 : memref<1x25x400xi32, #tpu.memory_space<hbm>> -> memref<25x400xi32, #tpu.memory_space<hbm>>
      tpu.enqueue_dma source(%dma_start3A_96 : memref<25x400xi32, #tpu.memory_space<hbm>>) target(%arg9 : memref<25x400xi32, #tpu.memory_space<vmem>>) target_semaphore(%run_scoped3A : memref<!tpu.dma_semaphore, #tpu.memory_space<semaphore_mem>>)
      %dma_wait3A_97 = arith.constant 0 : i32
      %dma_wait3A_98 = arith.constant 0 : i32
      %dma_wait3A_99 = tpu.memref_slice %arg4[%add3A, %dma_wait3A_97, %dma_wait3A_98] : memref<32x25x400xi32, #tpu.memory_space<hbm>> -> memref<1x25x400xi32, #tpu.memory_space<hbm>>
      %dma_wait3A_100 = tpu.memref_squeeze %dma_wait3A_99 : memref<1x25x400xi32, #tpu.memory_space<hbm>> -> memref<25x400xi32, #tpu.memory_space<hbm>>
      %dma_wait3A_101 = arith.constant 0 : i32
      %dma_wait3A_102 = arith.constant 0 : i32
      %dma_wait3A_103 = tpu.memref_slice %arg4[%add3A, %dma_wait3A_101, %dma_wait3A_102] : memref<32x25x400xi32, #tpu.memory_space<hbm>> -> memref<1x25x400xi32, #tpu.memory_space<hbm>>
      %dma_wait3A_104 = tpu.memref_squeeze %dma_wait3A_103 : memref<1x25x400xi32, #tpu.memory_space<hbm>> -> memref<25x400xi32, #tpu.memory_space<hbm>>
      tpu.wait_dma2 semaphore(%run_scoped3A : memref<!tpu.dma_semaphore, #tpu.memory_space<semaphore_mem>>) src(%dma_wait3A_104 : memref<25x400xi32, #tpu.memory_space<hbm>>) dst(%arg9 : memref<25x400xi32, #tpu.memory_space<vmem>>)
      tpu.yield
    }) : () -> ()
    "tpu.region"() ({
      %run_scoped3A = tpu.sem_alloc : memref<!tpu.dma_semaphore, #tpu.memory_space<semaphore_mem>>
      %dma_start3A_89 = arith.constant 0 : i32
      %dma_start3A_90 = arith.constant 0 : i32
      %dma_start3A_91 = tpu.memref_slice %arg5[%add3A, %dma_start3A_89, %dma_start3A_90] : memref<32x25x400xi32, #tpu.memory_space<hbm>> -> memref<1x25x400xi32, #tpu.memory_space<hbm>>
      %dma_start3A_92 = tpu.memref_squeeze %dma_start3A_91 : memref<1x25x400xi32, #tpu.memory_space<hbm>> -> memref<25x400xi32, #tpu.memory_space<hbm>>
      %dma_start3A_93 = arith.constant 0 : i32
      %dma_start3A_94 = arith.constant 0 : i32
      %dma_start3A_95 = tpu.memref_slice %arg5[%add3A, %dma_start3A_93, %dma_start3A_94] : memref<32x25x400xi32, #tpu.memory_space<hbm>> -> memref<1x25x400xi32, #tpu.memory_space<hbm>>
      %dma_start3A_96 = tpu.memref_squeeze %dma_start3A_95 : memref<1x25x400xi32, #tpu.memory_space<hbm>> -> memref<25x400xi32, #tpu.memory_space<hbm>>
      tpu.enqueue_dma source(%dma_start3A_96 : memref<25x400xi32, #tpu.memory_space<hbm>>) target(%arg10 : memref<25x400xi32, #tpu.memory_space<vmem>>) target_semaphore(%run_scoped3A : memref<!tpu.dma_semaphore, #tpu.memory_space<semaphore_mem>>)
      %dma_wait3A_97 = arith.constant 0 : i32
      %dma_wait3A_98 = arith.constant 0 : i32
      %dma_wait3A_99 = tpu.memref_slice %arg5[%add3A, %dma_wait3A_97, %dma_wait3A_98] : memref<32x25x400xi32, #tpu.memory_space<hbm>> -> memref<1x25x400xi32, #tpu.memory_space<hbm>>
      %dma_wait3A_100 = tpu.memref_squeeze %dma_wait3A_99 : memref<1x25x400xi32, #tpu.memory_space<hbm>> -> memref<25x400xi32, #tpu.memory_space<hbm>>
      %dma_wait3A_101 = arith.constant 0 : i32
      %dma_wait3A_102 = arith.constant 0 : i32
      %dma_wait3A_103 = tpu.memref_slice %arg5[%add3A, %dma_wait3A_101, %dma_wait3A_102] : memref<32x25x400xi32, #tpu.memory_space<hbm>> -> memref<1x25x400xi32, #tpu.memory_space<hbm>>
      %dma_wait3A_104 = tpu.memref_squeeze %dma_wait3A_103 : memref<1x25x400xi32, #tpu.memory_space<hbm>> -> memref<25x400xi32, #tpu.memory_space<hbm>>
      tpu.wait_dma2 semaphore(%run_scoped3A : memref<!tpu.dma_semaphore, #tpu.memory_space<semaphore_mem>>) src(%dma_wait3A_104 : memref<25x400xi32, #tpu.memory_space<hbm>>) dst(%arg10 : memref<25x400xi32, #tpu.memory_space<vmem>>)
      tpu.yield
    }) : () -> ()
    %dma_wait3A = arith.constant 0 : i32
    %dma_wait3A_24 = tpu.memref_slice %arg19[%dma_wait3A] : memref<2x!tpu.dma_semaphore, #tpu.memory_space<semaphore_mem>> -> memref<1x!tpu.dma_semaphore, #tpu.memory_space<semaphore_mem>>
    %dma_wait3A_25 = tpu.memref_squeeze %dma_wait3A_24 : memref<1x!tpu.dma_semaphore, #tpu.memory_space<semaphore_mem>> -> memref<!tpu.dma_semaphore, #tpu.memory_space<semaphore_mem>>
    %dma_wait3A_26 = arith.constant 0 : i32
    %dma_wait3A_27 = tpu.memref_slice %arg17[%mul3A_4, %dma_wait3A_26] : memref<10000x32xf32, #tpu.memory_space<vmem_shared>> -> memref<625x32xf32, #tpu.memory_space<vmem_shared>>
    %dma_wait3A_28 = arith.constant 0 : i32
    %dma_wait3A_29 = tpu.memref_slice %arg2[%mul3A_2, %dma_wait3A_28] : memref<10000x32xf32, #tpu.memory_space<hbm>> -> memref<625x32xf32, #tpu.memory_space<hbm>>
    tpu.wait_dma2 semaphore(%dma_wait3A_25 : memref<!tpu.dma_semaphore, #tpu.memory_space<semaphore_mem>>) src(%dma_wait3A_29 : memref<625x32xf32, #tpu.memory_space<hbm>>) dst(%dma_wait3A_27 : memref<625x32xf32, #tpu.memory_space<vmem_shared>>)
    %dma_wait3A_30 = arith.constant 0 : i32
    %dma_wait3A_31 = tpu.memref_slice %arg20[%dma_wait3A_30] : memref<2x!tpu.dma_semaphore, #tpu.memory_space<semaphore_mem>> -> memref<1x!tpu.dma_semaphore, #tpu.memory_space<semaphore_mem>>
    %dma_wait3A_32 = tpu.memref_squeeze %dma_wait3A_31 : memref<1x!tpu.dma_semaphore, #tpu.memory_space<semaphore_mem>> -> memref<!tpu.dma_semaphore, #tpu.memory_space<semaphore_mem>>
    %dma_wait3A_33 = arith.constant 0 : i32
    %dma_wait3A_34 = tpu.memref_slice %arg18[%mul3A_14, %dma_wait3A_33] : memref<10000x32xf32, #tpu.memory_space<vmem_shared>> -> memref<625x32xf32, #tpu.memory_space<vmem_shared>>
    %dma_wait3A_35 = arith.constant 0 : i32
    %dma_wait3A_36 = tpu.memref_slice %arg3[%mul3A_12, %dma_wait3A_35] : memref<10000x32xf32, #tpu.memory_space<hbm>> -> memref<625x32xf32, #tpu.memory_space<hbm>>
    tpu.wait_dma2 semaphore(%dma_wait3A_32 : memref<!tpu.dma_semaphore, #tpu.memory_space<semaphore_mem>>) src(%dma_wait3A_36 : memref<625x32xf32, #tpu.memory_space<hbm>>) dst(%dma_wait3A_34 : memref<625x32xf32, #tpu.memory_space<vmem_shared>>)
    %barrier3A = arith.constant 0 : index
    tpu.barrier barrier_id(%barrier3A)
    %get3A = arith.constant 0 : i32
    %get3A_37 = arith.index_cast %get3A : i32 to index
    %get3A_38 = arith.constant 0 : index
    %get3A_39 = tpu.vector_load %arg14[%get3A_37, %get3A_38] {strides = array<i32>} : memref<2x16xf32, #tpu.memory_space<vmem>>, vector<16xf32>,
    %get3A_40 = arith.constant 1 : i32
    %get3A_41 = arith.index_cast %get3A_40 : i32 to index
    %get3A_42 = arith.constant 0 : index
    %get3A_43 = tpu.vector_load %arg14[%get3A_41, %get3A_42] {strides = array<i32>} : memref<2x16xf32, #tpu.memory_space<vmem>>, vector<16xf32>,
    %iota3A = tpu.iota {dimensions = array<i32: 0>} : vector<16xi32>
    %dma_start3A_44 = arith.constant 0 : i32
    %dma_start3A_45 = arith.constant 0 : i32
    %dma_start3A_46 = arith.constant 0 : i32
    %dma_start3A_47 = arith.constant 0 : i32
    %dma_start3A_48 = arith.constant 0 : i32
    %dma_start3A_49 = tpu.memref_slice %arg11[%dma_start3A_45, %dma_start3A_47, %dma_start3A_48] : memref<2x400x32xf32, #tpu.memory_space<vmem>> -> memref<1x400x32xf32, #tpu.memory_space<vmem>>
    %dma_start3A_50 = tpu.memref_squeeze %dma_start3A_49 : memref<1x400x32xf32, #tpu.memory_space<vmem>> -> memref<400x32xf32, #tpu.memory_space<vmem>>
    %dma_start3A_51 = arith.constant 0 : i32
    %dma_start3A_52 = tpu.memref_slice %arg9[%dma_start3A_44, %dma_start3A_51] : memref<25x400xi32, #tpu.memory_space<vmem>> -> memref<1x400xi32, #tpu.memory_space<vmem>>
    %dma_start3A_53 = tpu.memref_squeeze %dma_start3A_52 : memref<1x400xi32, #tpu.memory_space<vmem>> -> memref<400xi32, #tpu.memory_space<vmem>>
    %dma_start3A_54 = arith.constant 0 : i32
    %dma_start3A_55 = arith.constant 0 : i32
    %dma_start3A_56 = tpu.memref_slice %arg17[%dma_start3A_54, %dma_start3A_55] : memref<10000x32xf32, #tpu.memory_space<vmem_shared>> -> memref<10000x32xf32, #tpu.memory_space<vmem_shared>>
    %dma_start3A_57 = tpu.memref_slice %arg19[%dma_start3A_46] : memref<2x!tpu.dma_semaphore, #tpu.memory_space<semaphore_mem>> -> memref<1x!tpu.dma_semaphore, #tpu.memory_space<semaphore_mem>>
    %dma_start3A_58 = tpu.memref_squeeze %dma_start3A_57 : memref<1x!tpu.dma_semaphore, #tpu.memory_space<semaphore_mem>> -> memref<!tpu.dma_semaphore, #tpu.memory_space<semaphore_mem>>
    tpu.enqueue_indirect_dma source(%dma_start3A_56 : memref<10000x32xf32, #tpu.memory_space<vmem_shared>>) target(%dma_start3A_50 : memref<400x32xf32, #tpu.memory_space<vmem>>) offsets(%dma_start3A_53 : memref<400xi32, #tpu.memory_space<vmem>>) semaphore(%dma_start3A_58 : memref<!tpu.dma_semaphore, #tpu.memory_space<semaphore_mem>>)
    %dma_start3A_59 = arith.constant 0 : i32
    %dma_start3A_60 = arith.constant 0 : i32
    %dma_start3A_61 = arith.constant 0 : i32
    %dma_start3A_62 = arith.constant 0 : i32
    %dma_start3A_63 = arith.constant 0 : i32
    %dma_start3A_64 = tpu.memref_slice %arg12[%dma_start3A_60, %dma_start3A_62, %dma_start3A_63] : memref<2x400x32xf32, #tpu.memory_space<vmem>> -> memref<1x400x32xf32, #tpu.memory_space<vmem>>
    %dma_start3A_65 = tpu.memref_squeeze %dma_start3A_64 : memref<1x400x32xf32, #tpu.memory_space<vmem>> -> memref<400x32xf32, #tpu.memory_space<vmem>>
    %dma_start3A_66 = arith.constant 0 : i32
    %dma_start3A_67 = tpu.memref_slice %arg10[%dma_start3A_59, %dma_start3A_66] : memref<25x400xi32, #tpu.memory_space<vmem>> -> memref<1x400xi32, #tpu.memory_space<vmem>>
    %dma_start3A_68 = tpu.memref_squeeze %dma_start3A_67 : memref<1x400xi32, #tpu.memory_space<vmem>> -> memref<400xi32, #tpu.memory_space<vmem>>
    %dma_start3A_69 = arith.constant 0 : i32
    %dma_start3A_70 = arith.constant 0 : i32
    %dma_start3A_71 = tpu.memref_slice %arg18[%dma_start3A_69, %dma_start3A_70] : memref<10000x32xf32, #tpu.memory_space<vmem_shared>> -> memref<10000x32xf32, #tpu.memory_space<vmem_shared>>
    %dma_start3A_72 = tpu.memref_slice %arg20[%dma_start3A_61] : memref<2x!tpu.dma_semaphore, #tpu.memory_space<semaphore_mem>> -> memref<1x!tpu.dma_semaphore, #tpu.memory_space<semaphore_mem>>
    %dma_start3A_73 = tpu.memref_squeeze %dma_start3A_72 : memref<1x!tpu.dma_semaphore, #tpu.memory_space<semaphore_mem>> -> memref<!tpu.dma_semaphore, #tpu.memory_space<semaphore_mem>>
    tpu.enqueue_indirect_dma source(%dma_start3A_71 : memref<10000x32xf32, #tpu.memory_space<vmem_shared>>) target(%dma_start3A_65 : memref<400x32xf32, #tpu.memory_space<vmem>>) offsets(%dma_start3A_68 : memref<400xi32, #tpu.memory_space<vmem>>) semaphore(%dma_start3A_73 : memref<!tpu.dma_semaphore, #tpu.memory_space<semaphore_mem>>)
    %scan3A = arith.constant 0 : i32
    %scan3A_74 = arith.constant 25 : i32
    %scan3A_75 = arith.addi %scan3A, %scan3A_74 : i32
    %scan3A_76 = arith.constant 1 : i32
    scf.for %scan3A_89 = %scan3A to %scan3A_75 step %scan3A_76  : i32 {
      %mul3A_90 = arith.constant 1 : i32
      %mul3A_91 = arith.muli %scan3A_89, %mul3A_90 : i32
      %add3A_92 = arith.constant 0 : i32
      %add3A_93 = arith.addi %add3A_92, %mul3A_91 : i32
      %rem3A = arith.constant 2 : i32
      %rem3A_94 = arith.remsi %add3A_93, %rem3A : i32
      %dma_wait3A_95 = arith.constant 0 : i32
      %dma_wait3A_96 = arith.constant 0 : i32
      %dma_wait3A_97 = tpu.memref_slice %arg11[%rem3A_94, %dma_wait3A_95, %dma_wait3A_96] : memref<2x400x32xf32, #tpu.memory_space<vmem>> -> memref<1x400x32xf32, #tpu.memory_space<vmem>>
      %dma_wait3A_98 = tpu.memref_squeeze %dma_wait3A_97 : memref<1x400x32xf32, #tpu.memory_space<vmem>> -> memref<400x32xf32, #tpu.memory_space<vmem>>
      %dma_wait3A_99 = arith.constant 0 : i32
      %dma_wait3A_100 = tpu.memref_slice %arg9[%add3A_93, %dma_wait3A_99] : memref<25x400xi32, #tpu.memory_space<vmem>> -> memref<1x400xi32, #tpu.memory_space<vmem>>
      %dma_wait3A_101 = tpu.memref_squeeze %dma_wait3A_100 : memref<1x400xi32, #tpu.memory_space<vmem>> -> memref<400xi32, #tpu.memory_space<vmem>>
      %dma_wait3A_102 = arith.constant 0 : i32
      %dma_wait3A_103 = arith.constant 0 : i32
      %dma_wait3A_104 = tpu.memref_slice %arg17[%dma_wait3A_102, %dma_wait3A_103] : memref<10000x32xf32, #tpu.memory_space<vmem_shared>> -> memref<10000x32xf32, #tpu.memory_space<vmem_shared>>
      %dma_wait3A_105 = tpu.memref_slice %arg19[%rem3A_94] : memref<2x!tpu.dma_semaphore, #tpu.memory_space<semaphore_mem>> -> memref<1x!tpu.dma_semaphore, #tpu.memory_space<semaphore_mem>>
      %dma_wait3A_106 = tpu.memref_squeeze %dma_wait3A_105 : memref<1x!tpu.dma_semaphore, #tpu.memory_space<semaphore_mem>> -> memref<!tpu.dma_semaphore, #tpu.memory_space<semaphore_mem>>
      tpu.wait_indirect_dma semaphore(%dma_wait3A_106 : memref<!tpu.dma_semaphore, #tpu.memory_space<semaphore_mem>>) src(%dma_wait3A_104 : memref<10000x32xf32, #tpu.memory_space<vmem_shared>>) dst(%dma_wait3A_98 : memref<400x32xf32, #tpu.memory_space<vmem>>)
      %dma_wait3A_107 = arith.constant 0 : i32
      %dma_wait3A_108 = arith.constant 0 : i32
      %dma_wait3A_109 = tpu.memref_slice %arg12[%rem3A_94, %dma_wait3A_107, %dma_wait3A_108] : memref<2x400x32xf32, #tpu.memory_space<vmem>> -> memref<1x400x32xf32, #tpu.memory_space<vmem>>
      %dma_wait3A_110 = tpu.memref_squeeze %dma_wait3A_109 : memref<1x400x32xf32, #tpu.memory_space<vmem>> -> memref<400x32xf32, #tpu.memory_space<vmem>>
      %dma_wait3A_111 = arith.constant 0 : i32
      %dma_wait3A_112 = tpu.memref_slice %arg10[%add3A_93, %dma_wait3A_111] : memref<25x400xi32, #tpu.memory_space<vmem>> -> memref<1x400xi32, #tpu.memory_space<vmem>>
      %dma_wait3A_113 = tpu.memref_squeeze %dma_wait3A_112 : memref<1x400xi32, #tpu.memory_space<vmem>> -> memref<400xi32, #tpu.memory_space<vmem>>
      %dma_wait3A_114 = arith.constant 0 : i32
      %dma_wait3A_115 = arith.constant 0 : i32
      %dma_wait3A_116 = tpu.memref_slice %arg18[%dma_wait3A_114, %dma_wait3A_115] : memref<10000x32xf32, #tpu.memory_space<vmem_shared>> -> memref<10000x32xf32, #tpu.memory_space<vmem_shared>>
      %dma_wait3A_117 = tpu.memref_slice %arg20[%rem3A_94] : memref<2x!tpu.dma_semaphore, #tpu.memory_space<semaphore_mem>> -> memref<1x!tpu.dma_semaphore, #tpu.memory_space<semaphore_mem>>
      %dma_wait3A_118 = tpu.memref_squeeze %dma_wait3A_117 : memref<1x!tpu.dma_semaphore, #tpu.memory_space<semaphore_mem>> -> memref<!tpu.dma_semaphore, #tpu.memory_space<semaphore_mem>>
      tpu.wait_indirect_dma semaphore(%dma_wait3A_118 : memref<!tpu.dma_semaphore, #tpu.memory_space<semaphore_mem>>) src(%dma_wait3A_116 : memref<10000x32xf32, #tpu.memory_space<vmem_shared>>) dst(%dma_wait3A_110 : memref<400x32xf32, #tpu.memory_space<vmem>>)
      %add3A_119 = arith.constant 1 : i32
      %add3A_120 = arith.addi %add3A_93, %add3A_119 : i32
      %lt3A = arith.constant 25 : i32
      %lt3A_121 = arith.cmpi slt, %add3A_120, %lt3A : i32
      %convert_element_type3A_122 = arith.extui %lt3A_121 : i1 to i32
      %cond3A_123 = arith.constant 0 : i32
      %cond3A_124 = arith.cmpi ne, %convert_element_type3A_122, %cond3A_123 : i32
      scf.if %cond3A_124 {
        %add3A_139 = arith.constant 1 : i32
        %add3A_140 = arith.addi %add3A_93, %add3A_139 : i32
        %sub3A = arith.constant 1 : i32
        %sub3A_141 = arith.subi %sub3A, %rem3A_94 : i32
        %dma_start3A_142 = arith.constant 0 : i32
        %dma_start3A_143 = arith.constant 0 : i32
        %dma_start3A_144 = tpu.memref_slice %arg11[%sub3A_141, %dma_start3A_142, %dma_start3A_143] : memref<2x400x32xf32, #tpu.memory_space<vmem>> -> memref<1x400x32xf32, #tpu.memory_space<vmem>>
        %dma_start3A_145 = tpu.memref_squeeze %dma_start3A_144 : memref<1x400x32xf32, #tpu.memory_space<vmem>> -> memref<400x32xf32, #tpu.memory_space<vmem>>
        %dma_start3A_146 = arith.constant 0 : i32
        %dma_start3A_147 = tpu.memref_slice %arg9[%add3A_140, %dma_start3A_146] : memref<25x400xi32, #tpu.memory_space<vmem>> -> memref<1x400xi32, #tpu.memory_space<vmem>>
        %dma_start3A_148 = tpu.memref_squeeze %dma_start3A_147 : memref<1x400xi32, #tpu.memory_space<vmem>> -> memref<400xi32, #tpu.memory_space<vmem>>
        %dma_start3A_149 = arith.constant 0 : i32
        %dma_start3A_150 = arith.constant 0 : i32
        %dma_start3A_151 = tpu.memref_slice %arg17[%dma_start3A_149, %dma_start3A_150] : memref<10000x32xf32, #tpu.memory_space<vmem_shared>> -> memref<10000x32xf32, #tpu.memory_space<vmem_shared>>
        %dma_start3A_152 = tpu.memref_slice %arg19[%sub3A_141] : memref<2x!tpu.dma_semaphore, #tpu.memory_space<semaphore_mem>> -> memref<1x!tpu.dma_semaphore, #tpu.memory_space<semaphore_mem>>
        %dma_start3A_153 = tpu.memref_squeeze %dma_start3A_152 : memref<1x!tpu.dma_semaphore, #tpu.memory_space<semaphore_mem>> -> memref<!tpu.dma_semaphore, #tpu.memory_space<semaphore_mem>>
        tpu.enqueue_indirect_dma source(%dma_start3A_151 : memref<10000x32xf32, #tpu.memory_space<vmem_shared>>) target(%dma_start3A_145 : memref<400x32xf32, #tpu.memory_space<vmem>>) offsets(%dma_start3A_148 : memref<400xi32, #tpu.memory_space<vmem>>) semaphore(%dma_start3A_153 : memref<!tpu.dma_semaphore, #tpu.memory_space<semaphore_mem>>)
        %dma_start3A_154 = arith.constant 0 : i32
        %dma_start3A_155 = arith.constant 0 : i32
        %dma_start3A_156 = tpu.memref_slice %arg12[%sub3A_141, %dma_start3A_154, %dma_start3A_155] : memref<2x400x32xf32, #tpu.memory_space<vmem>> -> memref<1x400x32xf32, #tpu.memory_space<vmem>>
        %dma_start3A_157 = tpu.memref_squeeze %dma_start3A_156 : memref<1x400x32xf32, #tpu.memory_space<vmem>> -> memref<400x32xf32, #tpu.memory_space<vmem>>
        %dma_start3A_158 = arith.constant 0 : i32
        %dma_start3A_159 = tpu.memref_slice %arg10[%add3A_140, %dma_start3A_158] : memref<25x400xi32, #tpu.memory_space<vmem>> -> memref<1x400xi32, #tpu.memory_space<vmem>>
        %dma_start3A_160 = tpu.memref_squeeze %dma_start3A_159 : memref<1x400xi32, #tpu.memory_space<vmem>> -> memref<400xi32, #tpu.memory_space<vmem>>
        %dma_start3A_161 = arith.constant 0 : i32
        %dma_start3A_162 = arith.constant 0 : i32
        %dma_start3A_163 = tpu.memref_slice %arg18[%dma_start3A_161, %dma_start3A_162] : memref<10000x32xf32, #tpu.memory_space<vmem_shared>> -> memref<10000x32xf32, #tpu.memory_space<vmem_shared>>
        %dma_start3A_164 = tpu.memref_slice %arg20[%sub3A_141] : memref<2x!tpu.dma_semaphore, #tpu.memory_space<semaphore_mem>> -> memref<1x!tpu.dma_semaphore, #tpu.memory_space<semaphore_mem>>
        %dma_start3A_165 = tpu.memref_squeeze %dma_start3A_164 : memref<1x!tpu.dma_semaphore, #tpu.memory_space<semaphore_mem>> -> memref<!tpu.dma_semaphore, #tpu.memory_space<semaphore_mem>>
        tpu.enqueue_indirect_dma source(%dma_start3A_163 : memref<10000x32xf32, #tpu.memory_space<vmem_shared>>) target(%dma_start3A_157 : memref<400x32xf32, #tpu.memory_space<vmem>>) offsets(%dma_start3A_160 : memref<400xi32, #tpu.memory_space<vmem>>) semaphore(%dma_start3A_165 : memref<!tpu.dma_semaphore, #tpu.memory_space<semaphore_mem>>)
      } else {
      }
      %parallel_loop3A = arith.constant 0 : i32
      %parallel_loop3A_125 = arith.constant 25 : i32
      %parallel_loop3A_126 = arith.constant 1 : i32
      scf.for %parallel_loop3A_139 = %parallel_loop3A to %parallel_loop3A_125 step %parallel_loop3A_126  : i32 {
        %parallel_loop3A_140 = arith.constant 16 : i32
        %parallel_loop3A_141 = arith.muli %parallel_loop3A_139, %parallel_loop3A_140 : i32
        %parallel_loop3A_142 = arith.constant 0.000000e+00 : f32
        %parallel_loop3A_143 = vector.broadcast %parallel_loop3A_142 : f32 to vector<16xf32>
        %parallel_loop3A_144 = arith.constant 0 : i32
        %parallel_loop3A_145 = arith.addi %parallel_loop3A_141, %parallel_loop3A_144 : i32
        %parallel_loop3A_146 = arith.constant 0 : i32
        %parallel_loop3A_147 = arith.constant 0 : i32
        %parallel_loop3A_148 = tpu.memref_slice %arg11[%rem3A_94, %parallel_loop3A_146, %parallel_loop3A_147] : memref<2x400x32xf32, #tpu.memory_space<vmem>> -> memref<1x400x32xf32, #tpu.memory_space<vmem>>
        %parallel_loop3A_149 = tpu.memref_squeeze %parallel_loop3A_148 : memref<1x400x32xf32, #tpu.memory_space<vmem>> -> memref<400x32xf32, #tpu.memory_space<vmem>>
        %parallel_loop3A_150 = arith.index_cast %parallel_loop3A_145 : i32 to index
        %parallel_loop3A_151 = arith.constant 0 : index
        %parallel_loop3A_152 = tpu.vector_load %parallel_loop3A_149[%parallel_loop3A_150, %parallel_loop3A_151] {strides = array<i32>} : memref<400x32xf32, #tpu.memory_space<vmem>>, vector<16xf32>,
        %parallel_loop3A_153 = arith.constant 0 : i32
        %parallel_loop3A_154 = arith.constant 0 : i32
        %parallel_loop3A_155 = tpu.memref_slice %arg11[%rem3A_94, %parallel_loop3A_153, %parallel_loop3A_154] : memref<2x400x32xf32, #tpu.memory_space<vmem>> -> memref<1x400x32xf32, #tpu.memory_space<vmem>>
        %parallel_loop3A_156 = tpu.memref_squeeze %parallel_loop3A_155 : memref<1x400x32xf32, #tpu.memory_space<vmem>> -> memref<400x32xf32, #tpu.memory_space<vmem>>
        %parallel_loop3A_157 = arith.index_cast %parallel_loop3A_145 : i32 to index
        %parallel_loop3A_158 = arith.constant 16 : index
        %parallel_loop3A_159 = tpu.vector_load %parallel_loop3A_156[%parallel_loop3A_157, %parallel_loop3A_158] {strides = array<i32>} : memref<400x32xf32, #tpu.memory_space<vmem>>, vector<16xf32>,
        %parallel_loop3A_160 = arith.constant 0 : i32
        %parallel_loop3A_161 = arith.constant 0 : i32
        %parallel_loop3A_162 = tpu.memref_slice %arg12[%rem3A_94, %parallel_loop3A_160, %parallel_loop3A_161] : memref<2x400x32xf32, #tpu.memory_space<vmem>> -> memref<1x400x32xf32, #tpu.memory_space<vmem>>
        %parallel_loop3A_163 = tpu.memref_squeeze %parallel_loop3A_162 : memref<1x400x32xf32, #tpu.memory_space<vmem>> -> memref<400x32xf32, #tpu.memory_space<vmem>>
        %parallel_loop3A_164 = arith.index_cast %parallel_loop3A_145 : i32 to index
        %parallel_loop3A_165 = arith.constant 0 : index
        %parallel_loop3A_166 = tpu.vector_load %parallel_loop3A_163[%parallel_loop3A_164, %parallel_loop3A_165] {strides = array<i32>} : memref<400x32xf32, #tpu.memory_space<vmem>>, vector<16xf32>,
        %parallel_loop3A_167 = arith.constant 0 : i32
        %parallel_loop3A_168 = arith.constant 0 : i32
        %parallel_loop3A_169 = tpu.memref_slice %arg12[%rem3A_94, %parallel_loop3A_167, %parallel_loop3A_168] : memref<2x400x32xf32, #tpu.memory_space<vmem>> -> memref<1x400x32xf32, #tpu.memory_space<vmem>>
        %parallel_loop3A_170 = tpu.memref_squeeze %parallel_loop3A_169 : memref<1x400x32xf32, #tpu.memory_space<vmem>> -> memref<400x32xf32, #tpu.memory_space<vmem>>
        %parallel_loop3A_171 = arith.index_cast %parallel_loop3A_145 : i32 to index
        %parallel_loop3A_172 = arith.constant 16 : index
        %parallel_loop3A_173 = tpu.vector_load %parallel_loop3A_170[%parallel_loop3A_171, %parallel_loop3A_172] {strides = array<i32>} : memref<400x32xf32, #tpu.memory_space<vmem>>, vector<16xf32>,
        %parallel_loop3A_174 = arith.addf %parallel_loop3A_152, %parallel_loop3A_166 : vector<16xf32>
        %parallel_loop3A_175 = arith.addf %parallel_loop3A_159, %parallel_loop3A_173 : vector<16xf32>
        %parallel_loop3A_176 = arith.constant 2.000000e-01 : f32
        %parallel_loop3A_177 = vector.broadcast %parallel_loop3A_176 : f32 to vector<16xf32>
        %parallel_loop3A_178 = arith.mulf %parallel_loop3A_174, %parallel_loop3A_177 : vector<16xf32>
        %parallel_loop3A_179 = arith.maximumf %parallel_loop3A_174, %parallel_loop3A_178 : vector<16xf32>
        %parallel_loop3A_180 = arith.constant 2.000000e-01 : f32
        %parallel_loop3A_181 = vector.broadcast %parallel_loop3A_180 : f32 to vector<16xf32>
        %parallel_loop3A_182 = arith.mulf %parallel_loop3A_175, %parallel_loop3A_181 : vector<16xf32>
        %parallel_loop3A_183 = arith.maximumf %parallel_loop3A_175, %parallel_loop3A_182 : vector<16xf32>
        %parallel_loop3A_184 = arith.mulf %get3A_39, %parallel_loop3A_179 : vector<16xf32>
        %parallel_loop3A_185 = arith.mulf %get3A_43, %parallel_loop3A_183 : vector<16xf32>
        %parallel_loop3A_186 = arith.addf %parallel_loop3A_184, %parallel_loop3A_185 : vector<16xf32>
        %parallel_loop3A_187 = arith.constant 0 : i32
        %parallel_loop3A_188 = vector.broadcast %parallel_loop3A_187 : i32 to vector<16xi32>
        %parallel_loop3A_189 = arith.cmpi eq, %iota3A, %parallel_loop3A_188 : vector<16xi32>
        %parallel_loop3A_190 = arith.constant true
        %parallel_loop3A_191 = vector.broadcast %parallel_loop3A_190 : i1 to vector<16xi1>
        %parallel_loop3A_192 = tpu.scan <sum>, %parallel_loop3A_186 masked %parallel_loop3A_191 : vector<16xf32>, vector<16xi1> -> vector<16xf32>
        %parallel_loop3A_193 = vector.extract %parallel_loop3A_192[15] : f32 from vector<16xf32>
        %parallel_loop3A_194 = vector.broadcast %parallel_loop3A_193 : f32 to vector<16xf32>
        %parallel_loop3A_195 = arith.select %parallel_loop3A_189, %parallel_loop3A_194, %parallel_loop3A_143 : vector<16xi1>, vector<16xf32>
        %parallel_loop3A_196 = arith.constant 1 : i32
        %parallel_loop3A_197 = arith.addi %parallel_loop3A_141, %parallel_loop3A_196 : i32
        %parallel_loop3A_198 = arith.constant 0 : i32
        %parallel_loop3A_199 = arith.constant 0 : i32
        %parallel_loop3A_200 = tpu.memref_slice %arg11[%rem3A_94, %parallel_loop3A_198, %parallel_loop3A_199] : memref<2x400x32xf32, #tpu.memory_space<vmem>> -> memref<1x400x32xf32, #tpu.memory_space<vmem>>
        %parallel_loop3A_201 = tpu.memref_squeeze %parallel_loop3A_200 : memref<1x400x32xf32, #tpu.memory_space<vmem>> -> memref<400x32xf32, #tpu.memory_space<vmem>>
        %parallel_loop3A_202 = arith.index_cast %parallel_loop3A_197 : i32 to index
        %parallel_loop3A_203 = arith.constant 0 : index
        %parallel_loop3A_204 = tpu.vector_load %parallel_loop3A_201[%parallel_loop3A_202, %parallel_loop3A_203] {strides = array<i32>} : memref<400x32xf32, #tpu.memory_space<vmem>>, vector<16xf32>,
        %parallel_loop3A_205 = arith.constant 0 : i32
        %parallel_loop3A_206 = arith.constant 0 : i32
        %parallel_loop3A_207 = tpu.memref_slice %arg11[%rem3A_94, %parallel_loop3A_205, %parallel_loop3A_206] : memref<2x400x32xf32, #tpu.memory_space<vmem>> -> memref<1x400x32xf32, #tpu.memory_space<vmem>>
        %parallel_loop3A_208 = tpu.memref_squeeze %parallel_loop3A_207 : memref<1x400x32xf32, #tpu.memory_space<vmem>> -> memref<400x32xf32, #tpu.memory_space<vmem>>
        %parallel_loop3A_209 = arith.index_cast %parallel_loop3A_197 : i32 to index
        %parallel_loop3A_210 = arith.constant 16 : index
        %parallel_loop3A_211 = tpu.vector_load %parallel_loop3A_208[%parallel_loop3A_209, %parallel_loop3A_210] {strides = array<i32>} : memref<400x32xf32, #tpu.memory_space<vmem>>, vector<16xf32>,
        %parallel_loop3A_212 = arith.constant 0 : i32
        %parallel_loop3A_213 = arith.constant 0 : i32
        %parallel_loop3A_214 = tpu.memref_slice %arg12[%rem3A_94, %parallel_loop3A_212, %parallel_loop3A_213] : memref<2x400x32xf32, #tpu.memory_space<vmem>> -> memref<1x400x32xf32, #tpu.memory_space<vmem>>
        %parallel_loop3A_215 = tpu.memref_squeeze %parallel_loop3A_214 : memref<1x400x32xf32, #tpu.memory_space<vmem>> -> memref<400x32xf32, #tpu.memory_space<vmem>>
        %parallel_loop3A_216 = arith.index_cast %parallel_loop3A_197 : i32 to index
        %parallel_loop3A_217 = arith.constant 0 : index
        %parallel_loop3A_218 = tpu.vector_load %parallel_loop3A_215[%parallel_loop3A_216, %parallel_loop3A_217] {strides = array<i32>} : memref<400x32xf32, #tpu.memory_space<vmem>>, vector<16xf32>,
        %parallel_loop3A_219 = arith.constant 0 : i32
        %parallel_loop3A_220 = arith.constant 0 : i32
        %parallel_loop3A_221 = tpu.memref_slice %arg12[%rem3A_94, %parallel_loop3A_219, %parallel_loop3A_220] : memref<2x400x32xf32, #tpu.memory_space<vmem>> -> memref<1x400x32xf32, #tpu.memory_space<vmem>>
        %parallel_loop3A_222 = tpu.memref_squeeze %parallel_loop3A_221 : memref<1x400x32xf32, #tpu.memory_space<vmem>> -> memref<400x32xf32, #tpu.memory_space<vmem>>
        %parallel_loop3A_223 = arith.index_cast %parallel_loop3A_197 : i32 to index
        %parallel_loop3A_224 = arith.constant 16 : index
        %parallel_loop3A_225 = tpu.vector_load %parallel_loop3A_222[%parallel_loop3A_223, %parallel_loop3A_224] {strides = array<i32>} : memref<400x32xf32, #tpu.memory_space<vmem>>, vector<16xf32>,
        %parallel_loop3A_226 = arith.addf %parallel_loop3A_204, %parallel_loop3A_218 : vector<16xf32>
        %parallel_loop3A_227 = arith.addf %parallel_loop3A_211, %parallel_loop3A_225 : vector<16xf32>
        %parallel_loop3A_228 = arith.constant 2.000000e-01 : f32
        %parallel_loop3A_229 = vector.broadcast %parallel_loop3A_228 : f32 to vector<16xf32>
        %parallel_loop3A_230 = arith.mulf %parallel_loop3A_226, %parallel_loop3A_229 : vector<16xf32>
        %parallel_loop3A_231 = arith.maximumf %parallel_loop3A_226, %parallel_loop3A_230 : vector<16xf32>
        %parallel_loop3A_232 = arith.constant 2.000000e-01 : f32
        %parallel_loop3A_233 = vector.broadcast %parallel_loop3A_232 : f32 to vector<16xf32>
        %parallel_loop3A_234 = arith.mulf %parallel_loop3A_227, %parallel_loop3A_233 : vector<16xf32>
        %parallel_loop3A_235 = arith.maximumf %parallel_loop3A_227, %parallel_loop3A_234 : vector<16xf32>
        %parallel_loop3A_236 = arith.mulf %get3A_39, %parallel_loop3A_231 : vector<16xf32>
        %parallel_loop3A_237 = arith.mulf %get3A_43, %parallel_loop3A_235 : vector<16xf32>
        %parallel_loop3A_238 = arith.addf %parallel_loop3A_236, %parallel_loop3A_237 : vector<16xf32>
        %parallel_loop3A_239 = arith.constant 1 : i32
        %parallel_loop3A_240 = vector.broadcast %parallel_loop3A_239 : i32 to vector<16xi32>
        %parallel_loop3A_241 = arith.cmpi eq, %iota3A, %parallel_loop3A_240 : vector<16xi32>
        %parallel_loop3A_242 = arith.constant true
        %parallel_loop3A_243 = vector.broadcast %parallel_loop3A_242 : i1 to vector<16xi1>
        %parallel_loop3A_244 = tpu.scan <sum>, %parallel_loop3A_238 masked %parallel_loop3A_243 : vector<16xf32>, vector<16xi1> -> vector<16xf32>
        %parallel_loop3A_245 = vector.extract %parallel_loop3A_244[15] : f32 from vector<16xf32>
        %parallel_loop3A_246 = vector.broadcast %parallel_loop3A_245 : f32 to vector<16xf32>
        %parallel_loop3A_247 = arith.select %parallel_loop3A_241, %parallel_loop3A_246, %parallel_loop3A_195 : vector<16xi1>, vector<16xf32>
        %parallel_loop3A_248 = arith.constant 2 : i32
        %parallel_loop3A_249 = arith.addi %parallel_loop3A_141, %parallel_loop3A_248 : i32
        %parallel_loop3A_250 = arith.constant 0 : i32
        %parallel_loop3A_251 = arith.constant 0 : i32
        %parallel_loop3A_252 = tpu.memref_slice %arg11[%rem3A_94, %parallel_loop3A_250, %parallel_loop3A_251] : memref<2x400x32xf32, #tpu.memory_space<vmem>> -> memref<1x400x32xf32, #tpu.memory_space<vmem>>
        %parallel_loop3A_253 = tpu.memref_squeeze %parallel_loop3A_252 : memref<1x400x32xf32, #tpu.memory_space<vmem>> -> memref<400x32xf32, #tpu.memory_space<vmem>>
        %parallel_loop3A_254 = arith.index_cast %parallel_loop3A_249 : i32 to index
        %parallel_loop3A_255 = arith.constant 0 : index
        %parallel_loop3A_256 = tpu.vector_load %parallel_loop3A_253[%parallel_loop3A_254, %parallel_loop3A_255] {strides = array<i32>} : memref<400x32xf32, #tpu.memory_space<vmem>>, vector<16xf32>,
        %parallel_loop3A_257 = arith.constant 0 : i32
        %parallel_loop3A_258 = arith.constant 0 : i32
        %parallel_loop3A_259 = tpu.memref_slice %arg11[%rem3A_94, %parallel_loop3A_257, %parallel_loop3A_258] : memref<2x400x32xf32, #tpu.memory_space<vmem>> -> memref<1x400x32xf32, #tpu.memory_space<vmem>>
        %parallel_loop3A_260 = tpu.memref_squeeze %parallel_loop3A_259 : memref<1x400x32xf32, #tpu.memory_space<vmem>> -> memref<400x32xf32, #tpu.memory_space<vmem>>
        %parallel_loop3A_261 = arith.index_cast %parallel_loop3A_249 : i32 to index
        %parallel_loop3A_262 = arith.constant 16 : index
        %parallel_loop3A_263 = tpu.vector_load %parallel_loop3A_260[%parallel_loop3A_261, %parallel_loop3A_262] {strides = array<i32>} : memref<400x32xf32, #tpu.memory_space<vmem>>, vector<16xf32>,
        %parallel_loop3A_264 = arith.constant 0 : i32
        %parallel_loop3A_265 = arith.constant 0 : i32
        %parallel_loop3A_266 = tpu.memref_slice %arg12[%rem3A_94, %parallel_loop3A_264, %parallel_loop3A_265] : memref<2x400x32xf32, #tpu.memory_space<vmem>> -> memref<1x400x32xf32, #tpu.memory_space<vmem>>
        %parallel_loop3A_267 = tpu.memref_squeeze %parallel_loop3A_266 : memref<1x400x32xf32, #tpu.memory_space<vmem>> -> memref<400x32xf32, #tpu.memory_space<vmem>>
        %parallel_loop3A_268 = arith.index_cast %parallel_loop3A_249 : i32 to index
        %parallel_loop3A_269 = arith.constant 0 : index
        %parallel_loop3A_270 = tpu.vector_load %parallel_loop3A_267[%parallel_loop3A_268, %parallel_loop3A_269] {strides = array<i32>} : memref<400x32xf32, #tpu.memory_space<vmem>>, vector<16xf32>,
        %parallel_loop3A_271 = arith.constant 0 : i32
        %parallel_loop3A_272 = arith.constant 0 : i32
        %parallel_loop3A_273 = tpu.memref_slice %arg12[%rem3A_94, %parallel_loop3A_271, %parallel_loop3A_272] : memref<2x400x32xf32, #tpu.memory_space<vmem>> -> memref<1x400x32xf32, #tpu.memory_space<vmem>>
        %parallel_loop3A_274 = tpu.memref_squeeze %parallel_loop3A_273 : memref<1x400x32xf32, #tpu.memory_space<vmem>> -> memref<400x32xf32, #tpu.memory_space<vmem>>
        %parallel_loop3A_275 = arith.index_cast %parallel_loop3A_249 : i32 to index
        %parallel_loop3A_276 = arith.constant 16 : index
        %parallel_loop3A_277 = tpu.vector_load %parallel_loop3A_274[%parallel_loop3A_275, %parallel_loop3A_276] {strides = array<i32>} : memref<400x32xf32, #tpu.memory_space<vmem>>, vector<16xf32>,
        %parallel_loop3A_278 = arith.addf %parallel_loop3A_256, %parallel_loop3A_270 : vector<16xf32>
        %parallel_loop3A_279 = arith.addf %parallel_loop3A_263, %parallel_loop3A_277 : vector<16xf32>
        %parallel_loop3A_280 = arith.constant 2.000000e-01 : f32
        %parallel_loop3A_281 = vector.broadcast %parallel_loop3A_280 : f32 to vector<16xf32>
        %parallel_loop3A_282 = arith.mulf %parallel_loop3A_278, %parallel_loop3A_281 : vector<16xf32>
        %parallel_loop3A_283 = arith.maximumf %parallel_loop3A_278, %parallel_loop3A_282 : vector<16xf32>
        %parallel_loop3A_284 = arith.constant 2.000000e-01 : f32
        %parallel_loop3A_285 = vector.broadcast %parallel_loop3A_284 : f32 to vector<16xf32>
        %parallel_loop3A_286 = arith.mulf %parallel_loop3A_279, %parallel_loop3A_285 : vector<16xf32>
        %parallel_loop3A_287 = arith.maximumf %parallel_loop3A_279, %parallel_loop3A_286 : vector<16xf32>
        %parallel_loop3A_288 = arith.mulf %get3A_39, %parallel_loop3A_283 : vector<16xf32>
        %parallel_loop3A_289 = arith.mulf %get3A_43, %parallel_loop3A_287 : vector<16xf32>
        %parallel_loop3A_290 = arith.addf %parallel_loop3A_288, %parallel_loop3A_289 : vector<16xf32>
        %parallel_loop3A_291 = arith.constant 2 : i32
        %parallel_loop3A_292 = vector.broadcast %parallel_loop3A_291 : i32 to vector<16xi32>
        %parallel_loop3A_293 = arith.cmpi eq, %iota3A, %parallel_loop3A_292 : vector<16xi32>
        %parallel_loop3A_294 = arith.constant true
        %parallel_loop3A_295 = vector.broadcast %parallel_loop3A_294 : i1 to vector<16xi1>
        %parallel_loop3A_296 = tpu.scan <sum>, %parallel_loop3A_290 masked %parallel_loop3A_295 : vector<16xf32>, vector<16xi1> -> vector<16xf32>
        %parallel_loop3A_297 = vector.extract %parallel_loop3A_296[15] : f32 from vector<16xf32>
        %parallel_loop3A_298 = vector.broadcast %parallel_loop3A_297 : f32 to vector<16xf32>
        %parallel_loop3A_299 = arith.select %parallel_loop3A_293, %parallel_loop3A_298, %parallel_loop3A_247 : vector<16xi1>, vector<16xf32>
        %parallel_loop3A_300 = arith.constant 3 : i32
        %parallel_loop3A_301 = arith.addi %parallel_loop3A_141, %parallel_loop3A_300 : i32
        %parallel_loop3A_302 = arith.constant 0 : i32
        %parallel_loop3A_303 = arith.constant 0 : i32
        %parallel_loop3A_304 = tpu.memref_slice %arg11[%rem3A_94, %parallel_loop3A_302, %parallel_loop3A_303] : memref<2x400x32xf32, #tpu.memory_space<vmem>> -> memref<1x400x32xf32, #tpu.memory_space<vmem>>
        %parallel_loop3A_305 = tpu.memref_squeeze %parallel_loop3A_304 : memref<1x400x32xf32, #tpu.memory_space<vmem>> -> memref<400x32xf32, #tpu.memory_space<vmem>>
        %parallel_loop3A_306 = arith.index_cast %parallel_loop3A_301 : i32 to index
        %parallel_loop3A_307 = arith.constant 0 : index
        %parallel_loop3A_308 = tpu.vector_load %parallel_loop3A_305[%parallel_loop3A_306, %parallel_loop3A_307] {strides = array<i32>} : memref<400x32xf32, #tpu.memory_space<vmem>>, vector<16xf32>,
        %parallel_loop3A_309 = arith.constant 0 : i32
        %parallel_loop3A_310 = arith.constant 0 : i32
        %parallel_loop3A_311 = tpu.memref_slice %arg11[%rem3A_94, %parallel_loop3A_309, %parallel_loop3A_310] : memref<2x400x32xf32, #tpu.memory_space<vmem>> -> memref<1x400x32xf32, #tpu.memory_space<vmem>>
        %parallel_loop3A_312 = tpu.memref_squeeze %parallel_loop3A_311 : memref<1x400x32xf32, #tpu.memory_space<vmem>> -> memref<400x32xf32, #tpu.memory_space<vmem>>
        %parallel_loop3A_313 = arith.index_cast %parallel_loop3A_301 : i32 to index
        %parallel_loop3A_314 = arith.constant 16 : index
        %parallel_loop3A_315 = tpu.vector_load %parallel_loop3A_312[%parallel_loop3A_313, %parallel_loop3A_314] {strides = array<i32>} : memref<400x32xf32, #tpu.memory_space<vmem>>, vector<16xf32>,
        %parallel_loop3A_316 = arith.constant 0 : i32
        %parallel_loop3A_317 = arith.constant 0 : i32
        %parallel_loop3A_318 = tpu.memref_slice %arg12[%rem3A_94, %parallel_loop3A_316, %parallel_loop3A_317] : memref<2x400x32xf32, #tpu.memory_space<vmem>> -> memref<1x400x32xf32, #tpu.memory_space<vmem>>
        %parallel_loop3A_319 = tpu.memref_squeeze %parallel_loop3A_318 : memref<1x400x32xf32, #tpu.memory_space<vmem>> -> memref<400x32xf32, #tpu.memory_space<vmem>>
        %parallel_loop3A_320 = arith.index_cast %parallel_loop3A_301 : i32 to index
        %parallel_loop3A_321 = arith.constant 0 : index
        %parallel_loop3A_322 = tpu.vector_load %parallel_loop3A_319[%parallel_loop3A_320, %parallel_loop3A_321] {strides = array<i32>} : memref<400x32xf32, #tpu.memory_space<vmem>>, vector<16xf32>,
        %parallel_loop3A_323 = arith.constant 0 : i32
        %parallel_loop3A_324 = arith.constant 0 : i32
        %parallel_loop3A_325 = tpu.memref_slice %arg12[%rem3A_94, %parallel_loop3A_323, %parallel_loop3A_324] : memref<2x400x32xf32, #tpu.memory_space<vmem>> -> memref<1x400x32xf32, #tpu.memory_space<vmem>>
        %parallel_loop3A_326 = tpu.memref_squeeze %parallel_loop3A_325 : memref<1x400x32xf32, #tpu.memory_space<vmem>> -> memref<400x32xf32, #tpu.memory_space<vmem>>
        %parallel_loop3A_327 = arith.index_cast %parallel_loop3A_301 : i32 to index
        %parallel_loop3A_328 = arith.constant 16 : index
        %parallel_loop3A_329 = tpu.vector_load %parallel_loop3A_326[%parallel_loop3A_327, %parallel_loop3A_328] {strides = array<i32>} : memref<400x32xf32, #tpu.memory_space<vmem>>, vector<16xf32>,
        %parallel_loop3A_330 = arith.addf %parallel_loop3A_308, %parallel_loop3A_322 : vector<16xf32>
        %parallel_loop3A_331 = arith.addf %parallel_loop3A_315, %parallel_loop3A_329 : vector<16xf32>
        %parallel_loop3A_332 = arith.constant 2.000000e-01 : f32
        %parallel_loop3A_333 = vector.broadcast %parallel_loop3A_332 : f32 to vector<16xf32>
        %parallel_loop3A_334 = arith.mulf %parallel_loop3A_330, %parallel_loop3A_333 : vector<16xf32>
        %parallel_loop3A_335 = arith.maximumf %parallel_loop3A_330, %parallel_loop3A_334 : vector<16xf32>
        %parallel_loop3A_336 = arith.constant 2.000000e-01 : f32
        %parallel_loop3A_337 = vector.broadcast %parallel_loop3A_336 : f32 to vector<16xf32>
        %parallel_loop3A_338 = arith.mulf %parallel_loop3A_331, %parallel_loop3A_337 : vector<16xf32>
        %parallel_loop3A_339 = arith.maximumf %parallel_loop3A_331, %parallel_loop3A_338 : vector<16xf32>
        %parallel_loop3A_340 = arith.mulf %get3A_39, %parallel_loop3A_335 : vector<16xf32>
        %parallel_loop3A_341 = arith.mulf %get3A_43, %parallel_loop3A_339 : vector<16xf32>
        %parallel_loop3A_342 = arith.addf %parallel_loop3A_340, %parallel_loop3A_341 : vector<16xf32>
        %parallel_loop3A_343 = arith.constant 3 : i32
        %parallel_loop3A_344 = vector.broadcast %parallel_loop3A_343 : i32 to vector<16xi32>
        %parallel_loop3A_345 = arith.cmpi eq, %iota3A, %parallel_loop3A_344 : vector<16xi32>
        %parallel_loop3A_346 = arith.constant true
        %parallel_loop3A_347 = vector.broadcast %parallel_loop3A_346 : i1 to vector<16xi1>
        %parallel_loop3A_348 = tpu.scan <sum>, %parallel_loop3A_342 masked %parallel_loop3A_347 : vector<16xf32>, vector<16xi1> -> vector<16xf32>
        %parallel_loop3A_349 = vector.extract %parallel_loop3A_348[15] : f32 from vector<16xf32>
        %parallel_loop3A_350 = vector.broadcast %parallel_loop3A_349 : f32 to vector<16xf32>
        %parallel_loop3A_351 = arith.select %parallel_loop3A_345, %parallel_loop3A_350, %parallel_loop3A_299 : vector<16xi1>, vector<16xf32>
        %parallel_loop3A_352 = arith.constant 4 : i32
        %parallel_loop3A_353 = arith.addi %parallel_loop3A_141, %parallel_loop3A_352 : i32
        %parallel_loop3A_354 = arith.constant 0 : i32
        %parallel_loop3A_355 = arith.constant 0 : i32
        %parallel_loop3A_356 = tpu.memref_slice %arg11[%rem3A_94, %parallel_loop3A_354, %parallel_loop3A_355] : memref<2x400x32xf32, #tpu.memory_space<vmem>> -> memref<1x400x32xf32, #tpu.memory_space<vmem>>
        %parallel_loop3A_357 = tpu.memref_squeeze %parallel_loop3A_356 : memref<1x400x32xf32, #tpu.memory_space<vmem>> -> memref<400x32xf32, #tpu.memory_space<vmem>>
        %parallel_loop3A_358 = arith.index_cast %parallel_loop3A_353 : i32 to index
        %parallel_loop3A_359 = arith.constant 0 : index
        %parallel_loop3A_360 = tpu.vector_load %parallel_loop3A_357[%parallel_loop3A_358, %parallel_loop3A_359] {strides = array<i32>} : memref<400x32xf32, #tpu.memory_space<vmem>>, vector<16xf32>,
        %parallel_loop3A_361 = arith.constant 0 : i32
        %parallel_loop3A_362 = arith.constant 0 : i32
        %parallel_loop3A_363 = tpu.memref_slice %arg11[%rem3A_94, %parallel_loop3A_361, %parallel_loop3A_362] : memref<2x400x32xf32, #tpu.memory_space<vmem>> -> memref<1x400x32xf32, #tpu.memory_space<vmem>>
        %parallel_loop3A_364 = tpu.memref_squeeze %parallel_loop3A_363 : memref<1x400x32xf32, #tpu.memory_space<vmem>> -> memref<400x32xf32, #tpu.memory_space<vmem>>
        %parallel_loop3A_365 = arith.index_cast %parallel_loop3A_353 : i32 to index
        %parallel_loop3A_366 = arith.constant 16 : index
        %parallel_loop3A_367 = tpu.vector_load %parallel_loop3A_364[%parallel_loop3A_365, %parallel_loop3A_366] {strides = array<i32>} : memref<400x32xf32, #tpu.memory_space<vmem>>, vector<16xf32>,
        %parallel_loop3A_368 = arith.constant 0 : i32
        %parallel_loop3A_369 = arith.constant 0 : i32
        %parallel_loop3A_370 = tpu.memref_slice %arg12[%rem3A_94, %parallel_loop3A_368, %parallel_loop3A_369] : memref<2x400x32xf32, #tpu.memory_space<vmem>> -> memref<1x400x32xf32, #tpu.memory_space<vmem>>
        %parallel_loop3A_371 = tpu.memref_squeeze %parallel_loop3A_370 : memref<1x400x32xf32, #tpu.memory_space<vmem>> -> memref<400x32xf32, #tpu.memory_space<vmem>>
        %parallel_loop3A_372 = arith.index_cast %parallel_loop3A_353 : i32 to index
        %parallel_loop3A_373 = arith.constant 0 : index
        %parallel_loop3A_374 = tpu.vector_load %parallel_loop3A_371[%parallel_loop3A_372, %parallel_loop3A_373] {strides = array<i32>} : memref<400x32xf32, #tpu.memory_space<vmem>>, vector<16xf32>,
        %parallel_loop3A_375 = arith.constant 0 : i32
        %parallel_loop3A_376 = arith.constant 0 : i32
        %parallel_loop3A_377 = tpu.memref_slice %arg12[%rem3A_94, %parallel_loop3A_375, %parallel_loop3A_376] : memref<2x400x32xf32, #tpu.memory_space<vmem>> -> memref<1x400x32xf32, #tpu.memory_space<vmem>>
        %parallel_loop3A_378 = tpu.memref_squeeze %parallel_loop3A_377 : memref<1x400x32xf32, #tpu.memory_space<vmem>> -> memref<400x32xf32, #tpu.memory_space<vmem>>
        %parallel_loop3A_379 = arith.index_cast %parallel_loop3A_353 : i32 to index
        %parallel_loop3A_380 = arith.constant 16 : index
        %parallel_loop3A_381 = tpu.vector_load %parallel_loop3A_378[%parallel_loop3A_379, %parallel_loop3A_380] {strides = array<i32>} : memref<400x32xf32, #tpu.memory_space<vmem>>, vector<16xf32>,
        %parallel_loop3A_382 = arith.addf %parallel_loop3A_360, %parallel_loop3A_374 : vector<16xf32>
        %parallel_loop3A_383 = arith.addf %parallel_loop3A_367, %parallel_loop3A_381 : vector<16xf32>
        %parallel_loop3A_384 = arith.constant 2.000000e-01 : f32
        %parallel_loop3A_385 = vector.broadcast %parallel_loop3A_384 : f32 to vector<16xf32>
        %parallel_loop3A_386 = arith.mulf %parallel_loop3A_382, %parallel_loop3A_385 : vector<16xf32>
        %parallel_loop3A_387 = arith.maximumf %parallel_loop3A_382, %parallel_loop3A_386 : vector<16xf32>
        %parallel_loop3A_388 = arith.constant 2.000000e-01 : f32
        %parallel_loop3A_389 = vector.broadcast %parallel_loop3A_388 : f32 to vector<16xf32>
        %parallel_loop3A_390 = arith.mulf %parallel_loop3A_383, %parallel_loop3A_389 : vector<16xf32>
        %parallel_loop3A_391 = arith.maximumf %parallel_loop3A_383, %parallel_loop3A_390 : vector<16xf32>
        %parallel_loop3A_392 = arith.mulf %get3A_39, %parallel_loop3A_387 : vector<16xf32>
        %parallel_loop3A_393 = arith.mulf %get3A_43, %parallel_loop3A_391 : vector<16xf32>
        %parallel_loop3A_394 = arith.addf %parallel_loop3A_392, %parallel_loop3A_393 : vector<16xf32>
        %parallel_loop3A_395 = arith.constant 4 : i32
        %parallel_loop3A_396 = vector.broadcast %parallel_loop3A_395 : i32 to vector<16xi32>
        %parallel_loop3A_397 = arith.cmpi eq, %iota3A, %parallel_loop3A_396 : vector<16xi32>
        %parallel_loop3A_398 = arith.constant true
        %parallel_loop3A_399 = vector.broadcast %parallel_loop3A_398 : i1 to vector<16xi1>
        %parallel_loop3A_400 = tpu.scan <sum>, %parallel_loop3A_394 masked %parallel_loop3A_399 : vector<16xf32>, vector<16xi1> -> vector<16xf32>
        %parallel_loop3A_401 = vector.extract %parallel_loop3A_400[15] : f32 from vector<16xf32>
        %parallel_loop3A_402 = vector.broadcast %parallel_loop3A_401 : f32 to vector<16xf32>
        %parallel_loop3A_403 = arith.select %parallel_loop3A_397, %parallel_loop3A_402, %parallel_loop3A_351 : vector<16xi1>, vector<16xf32>
        %parallel_loop3A_404 = arith.constant 5 : i32
        %parallel_loop3A_405 = arith.addi %parallel_loop3A_141, %parallel_loop3A_404 : i32
        %parallel_loop3A_406 = arith.constant 0 : i32
        %parallel_loop3A_407 = arith.constant 0 : i32
        %parallel_loop3A_408 = tpu.memref_slice %arg11[%rem3A_94, %parallel_loop3A_406, %parallel_loop3A_407] : memref<2x400x32xf32, #tpu.memory_space<vmem>> -> memref<1x400x32xf32, #tpu.memory_space<vmem>>
        %parallel_loop3A_409 = tpu.memref_squeeze %parallel_loop3A_408 : memref<1x400x32xf32, #tpu.memory_space<vmem>> -> memref<400x32xf32, #tpu.memory_space<vmem>>
        %parallel_loop3A_410 = arith.index_cast %parallel_loop3A_405 : i32 to index
        %parallel_loop3A_411 = arith.constant 0 : index
        %parallel_loop3A_412 = tpu.vector_load %parallel_loop3A_409[%parallel_loop3A_410, %parallel_loop3A_411] {strides = array<i32>} : memref<400x32xf32, #tpu.memory_space<vmem>>, vector<16xf32>,
        %parallel_loop3A_413 = arith.constant 0 : i32
        %parallel_loop3A_414 = arith.constant 0 : i32
        %parallel_loop3A_415 = tpu.memref_slice %arg11[%rem3A_94, %parallel_loop3A_413, %parallel_loop3A_414] : memref<2x400x32xf32, #tpu.memory_space<vmem>> -> memref<1x400x32xf32, #tpu.memory_space<vmem>>
        %parallel_loop3A_416 = tpu.memref_squeeze %parallel_loop3A_415 : memref<1x400x32xf32, #tpu.memory_space<vmem>> -> memref<400x32xf32, #tpu.memory_space<vmem>>
        %parallel_loop3A_417 = arith.index_cast %parallel_loop3A_405 : i32 to index
        %parallel_loop3A_418 = arith.constant 16 : index
        %parallel_loop3A_419 = tpu.vector_load %parallel_loop3A_416[%parallel_loop3A_417, %parallel_loop3A_418] {strides = array<i32>} : memref<400x32xf32, #tpu.memory_space<vmem>>, vector<16xf32>,
        %parallel_loop3A_420 = arith.constant 0 : i32
        %parallel_loop3A_421 = arith.constant 0 : i32
        %parallel_loop3A_422 = tpu.memref_slice %arg12[%rem3A_94, %parallel_loop3A_420, %parallel_loop3A_421] : memref<2x400x32xf32, #tpu.memory_space<vmem>> -> memref<1x400x32xf32, #tpu.memory_space<vmem>>
        %parallel_loop3A_423 = tpu.memref_squeeze %parallel_loop3A_422 : memref<1x400x32xf32, #tpu.memory_space<vmem>> -> memref<400x32xf32, #tpu.memory_space<vmem>>
        %parallel_loop3A_424 = arith.index_cast %parallel_loop3A_405 : i32 to index
        %parallel_loop3A_425 = arith.constant 0 : index
        %parallel_loop3A_426 = tpu.vector_load %parallel_loop3A_423[%parallel_loop3A_424, %parallel_loop3A_425] {strides = array<i32>} : memref<400x32xf32, #tpu.memory_space<vmem>>, vector<16xf32>,
        %parallel_loop3A_427 = arith.constant 0 : i32
        %parallel_loop3A_428 = arith.constant 0 : i32
        %parallel_loop3A_429 = tpu.memref_slice %arg12[%rem3A_94, %parallel_loop3A_427, %parallel_loop3A_428] : memref<2x400x32xf32, #tpu.memory_space<vmem>> -> memref<1x400x32xf32, #tpu.memory_space<vmem>>
        %parallel_loop3A_430 = tpu.memref_squeeze %parallel_loop3A_429 : memref<1x400x32xf32, #tpu.memory_space<vmem>> -> memref<400x32xf32, #tpu.memory_space<vmem>>
        %parallel_loop3A_431 = arith.index_cast %parallel_loop3A_405 : i32 to index
        %parallel_loop3A_432 = arith.constant 16 : index
        %parallel_loop3A_433 = tpu.vector_load %parallel_loop3A_430[%parallel_loop3A_431, %parallel_loop3A_432] {strides = array<i32>} : memref<400x32xf32, #tpu.memory_space<vmem>>, vector<16xf32>,
        %parallel_loop3A_434 = arith.addf %parallel_loop3A_412, %parallel_loop3A_426 : vector<16xf32>
        %parallel_loop3A_435 = arith.addf %parallel_loop3A_419, %parallel_loop3A_433 : vector<16xf32>
        %parallel_loop3A_436 = arith.constant 2.000000e-01 : f32
        %parallel_loop3A_437 = vector.broadcast %parallel_loop3A_436 : f32 to vector<16xf32>
        %parallel_loop3A_438 = arith.mulf %parallel_loop3A_434, %parallel_loop3A_437 : vector<16xf32>
        %parallel_loop3A_439 = arith.maximumf %parallel_loop3A_434, %parallel_loop3A_438 : vector<16xf32>
        %parallel_loop3A_440 = arith.constant 2.000000e-01 : f32
        %parallel_loop3A_441 = vector.broadcast %parallel_loop3A_440 : f32 to vector<16xf32>
        %parallel_loop3A_442 = arith.mulf %parallel_loop3A_435, %parallel_loop3A_441 : vector<16xf32>
        %parallel_loop3A_443 = arith.maximumf %parallel_loop3A_435, %parallel_loop3A_442 : vector<16xf32>
        %parallel_loop3A_444 = arith.mulf %get3A_39, %parallel_loop3A_439 : vector<16xf32>
        %parallel_loop3A_445 = arith.mulf %get3A_43, %parallel_loop3A_443 : vector<16xf32>
        %parallel_loop3A_446 = arith.addf %parallel_loop3A_444, %parallel_loop3A_445 : vector<16xf32>
        %parallel_loop3A_447 = arith.constant 5 : i32
        %parallel_loop3A_448 = vector.broadcast %parallel_loop3A_447 : i32 to vector<16xi32>
        %parallel_loop3A_449 = arith.cmpi eq, %iota3A, %parallel_loop3A_448 : vector<16xi32>
        %parallel_loop3A_450 = arith.constant true
        %parallel_loop3A_451 = vector.broadcast %parallel_loop3A_450 : i1 to vector<16xi1>
        %parallel_loop3A_452 = tpu.scan <sum>, %parallel_loop3A_446 masked %parallel_loop3A_451 : vector<16xf32>, vector<16xi1> -> vector<16xf32>
        %parallel_loop3A_453 = vector.extract %parallel_loop3A_452[15] : f32 from vector<16xf32>
        %parallel_loop3A_454 = vector.broadcast %parallel_loop3A_453 : f32 to vector<16xf32>
        %parallel_loop3A_455 = arith.select %parallel_loop3A_449, %parallel_loop3A_454, %parallel_loop3A_403 : vector<16xi1>, vector<16xf32>
        %parallel_loop3A_456 = arith.constant 6 : i32
        %parallel_loop3A_457 = arith.addi %parallel_loop3A_141, %parallel_loop3A_456 : i32
        %parallel_loop3A_458 = arith.constant 0 : i32
        %parallel_loop3A_459 = arith.constant 0 : i32
        %parallel_loop3A_460 = tpu.memref_slice %arg11[%rem3A_94, %parallel_loop3A_458, %parallel_loop3A_459] : memref<2x400x32xf32, #tpu.memory_space<vmem>> -> memref<1x400x32xf32, #tpu.memory_space<vmem>>
        %parallel_loop3A_461 = tpu.memref_squeeze %parallel_loop3A_460 : memref<1x400x32xf32, #tpu.memory_space<vmem>> -> memref<400x32xf32, #tpu.memory_space<vmem>>
        %parallel_loop3A_462 = arith.index_cast %parallel_loop3A_457 : i32 to index
        %parallel_loop3A_463 = arith.constant 0 : index
        %parallel_loop3A_464 = tpu.vector_load %parallel_loop3A_461[%parallel_loop3A_462, %parallel_loop3A_463] {strides = array<i32>} : memref<400x32xf32, #tpu.memory_space<vmem>>, vector<16xf32>,
        %parallel_loop3A_465 = arith.constant 0 : i32
        %parallel_loop3A_466 = arith.constant 0 : i32
        %parallel_loop3A_467 = tpu.memref_slice %arg11[%rem3A_94, %parallel_loop3A_465, %parallel_loop3A_466] : memref<2x400x32xf32, #tpu.memory_space<vmem>> -> memref<1x400x32xf32, #tpu.memory_space<vmem>>
        %parallel_loop3A_468 = tpu.memref_squeeze %parallel_loop3A_467 : memref<1x400x32xf32, #tpu.memory_space<vmem>> -> memref<400x32xf32, #tpu.memory_space<vmem>>
        %parallel_loop3A_469 = arith.index_cast %parallel_loop3A_457 : i32 to index
        %parallel_loop3A_470 = arith.constant 16 : index
        %parallel_loop3A_471 = tpu.vector_load %parallel_loop3A_468[%parallel_loop3A_469, %parallel_loop3A_470] {strides = array<i32>} : memref<400x32xf32, #tpu.memory_space<vmem>>, vector<16xf32>,
        %parallel_loop3A_472 = arith.constant 0 : i32
        %parallel_loop3A_473 = arith.constant 0 : i32
        %parallel_loop3A_474 = tpu.memref_slice %arg12[%rem3A_94, %parallel_loop3A_472, %parallel_loop3A_473] : memref<2x400x32xf32, #tpu.memory_space<vmem>> -> memref<1x400x32xf32, #tpu.memory_space<vmem>>
        %parallel_loop3A_475 = tpu.memref_squeeze %parallel_loop3A_474 : memref<1x400x32xf32, #tpu.memory_space<vmem>> -> memref<400x32xf32, #tpu.memory_space<vmem>>
        %parallel_loop3A_476 = arith.index_cast %parallel_loop3A_457 : i32 to index
        %parallel_loop3A_477 = arith.constant 0 : index
        %parallel_loop3A_478 = tpu.vector_load %parallel_loop3A_475[%parallel_loop3A_476, %parallel_loop3A_477] {strides = array<i32>} : memref<400x32xf32, #tpu.memory_space<vmem>>, vector<16xf32>,
        %parallel_loop3A_479 = arith.constant 0 : i32
        %parallel_loop3A_480 = arith.constant 0 : i32
        %parallel_loop3A_481 = tpu.memref_slice %arg12[%rem3A_94, %parallel_loop3A_479, %parallel_loop3A_480] : memref<2x400x32xf32, #tpu.memory_space<vmem>> -> memref<1x400x32xf32, #tpu.memory_space<vmem>>
        %parallel_loop3A_482 = tpu.memref_squeeze %parallel_loop3A_481 : memref<1x400x32xf32, #tpu.memory_space<vmem>> -> memref<400x32xf32, #tpu.memory_space<vmem>>
        %parallel_loop3A_483 = arith.index_cast %parallel_loop3A_457 : i32 to index
        %parallel_loop3A_484 = arith.constant 16 : index
        %parallel_loop3A_485 = tpu.vector_load %parallel_loop3A_482[%parallel_loop3A_483, %parallel_loop3A_484] {strides = array<i32>} : memref<400x32xf32, #tpu.memory_space<vmem>>, vector<16xf32>,
        %parallel_loop3A_486 = arith.addf %parallel_loop3A_464, %parallel_loop3A_478 : vector<16xf32>
        %parallel_loop3A_487 = arith.addf %parallel_loop3A_471, %parallel_loop3A_485 : vector<16xf32>
        %parallel_loop3A_488 = arith.constant 2.000000e-01 : f32
        %parallel_loop3A_489 = vector.broadcast %parallel_loop3A_488 : f32 to vector<16xf32>
        %parallel_loop3A_490 = arith.mulf %parallel_loop3A_486, %parallel_loop3A_489 : vector<16xf32>
        %parallel_loop3A_491 = arith.maximumf %parallel_loop3A_486, %parallel_loop3A_490 : vector<16xf32>
        %parallel_loop3A_492 = arith.constant 2.000000e-01 : f32
        %parallel_loop3A_493 = vector.broadcast %parallel_loop3A_492 : f32 to vector<16xf32>
        %parallel_loop3A_494 = arith.mulf %parallel_loop3A_487, %parallel_loop3A_493 : vector<16xf32>
        %parallel_loop3A_495 = arith.maximumf %parallel_loop3A_487, %parallel_loop3A_494 : vector<16xf32>
        %parallel_loop3A_496 = arith.mulf %get3A_39, %parallel_loop3A_491 : vector<16xf32>
        %parallel_loop3A_497 = arith.mulf %get3A_43, %parallel_loop3A_495 : vector<16xf32>
        %parallel_loop3A_498 = arith.addf %parallel_loop3A_496, %parallel_loop3A_497 : vector<16xf32>
        %parallel_loop3A_499 = arith.constant 6 : i32
        %parallel_loop3A_500 = vector.broadcast %parallel_loop3A_499 : i32 to vector<16xi32>
        %parallel_loop3A_501 = arith.cmpi eq, %iota3A, %parallel_loop3A_500 : vector<16xi32>
        %parallel_loop3A_502 = arith.constant true
        %parallel_loop3A_503 = vector.broadcast %parallel_loop3A_502 : i1 to vector<16xi1>
        %parallel_loop3A_504 = tpu.scan <sum>, %parallel_loop3A_498 masked %parallel_loop3A_503 : vector<16xf32>, vector<16xi1> -> vector<16xf32>
        %parallel_loop3A_505 = vector.extract %parallel_loop3A_504[15] : f32 from vector<16xf32>
        %parallel_loop3A_506 = vector.broadcast %parallel_loop3A_505 : f32 to vector<16xf32>
        %parallel_loop3A_507 = arith.select %parallel_loop3A_501, %parallel_loop3A_506, %parallel_loop3A_455 : vector<16xi1>, vector<16xf32>
        %parallel_loop3A_508 = arith.constant 7 : i32
        %parallel_loop3A_509 = arith.addi %parallel_loop3A_141, %parallel_loop3A_508 : i32
        %parallel_loop3A_510 = arith.constant 0 : i32
        %parallel_loop3A_511 = arith.constant 0 : i32
        %parallel_loop3A_512 = tpu.memref_slice %arg11[%rem3A_94, %parallel_loop3A_510, %parallel_loop3A_511] : memref<2x400x32xf32, #tpu.memory_space<vmem>> -> memref<1x400x32xf32, #tpu.memory_space<vmem>>
        %parallel_loop3A_513 = tpu.memref_squeeze %parallel_loop3A_512 : memref<1x400x32xf32, #tpu.memory_space<vmem>> -> memref<400x32xf32, #tpu.memory_space<vmem>>
        %parallel_loop3A_514 = arith.index_cast %parallel_loop3A_509 : i32 to index
        %parallel_loop3A_515 = arith.constant 0 : index
        %parallel_loop3A_516 = tpu.vector_load %parallel_loop3A_513[%parallel_loop3A_514, %parallel_loop3A_515] {strides = array<i32>} : memref<400x32xf32, #tpu.memory_space<vmem>>, vector<16xf32>,
        %parallel_loop3A_517 = arith.constant 0 : i32
        %parallel_loop3A_518 = arith.constant 0 : i32
        %parallel_loop3A_519 = tpu.memref_slice %arg11[%rem3A_94, %parallel_loop3A_517, %parallel_loop3A_518] : memref<2x400x32xf32, #tpu.memory_space<vmem>> -> memref<1x400x32xf32, #tpu.memory_space<vmem>>
        %parallel_loop3A_520 = tpu.memref_squeeze %parallel_loop3A_519 : memref<1x400x32xf32, #tpu.memory_space<vmem>> -> memref<400x32xf32, #tpu.memory_space<vmem>>
        %parallel_loop3A_521 = arith.index_cast %parallel_loop3A_509 : i32 to index
        %parallel_loop3A_522 = arith.constant 16 : index
        %parallel_loop3A_523 = tpu.vector_load %parallel_loop3A_520[%parallel_loop3A_521, %parallel_loop3A_522] {strides = array<i32>} : memref<400x32xf32, #tpu.memory_space<vmem>>, vector<16xf32>,
        %parallel_loop3A_524 = arith.constant 0 : i32
        %parallel_loop3A_525 = arith.constant 0 : i32
        %parallel_loop3A_526 = tpu.memref_slice %arg12[%rem3A_94, %parallel_loop3A_524, %parallel_loop3A_525] : memref<2x400x32xf32, #tpu.memory_space<vmem>> -> memref<1x400x32xf32, #tpu.memory_space<vmem>>
        %parallel_loop3A_527 = tpu.memref_squeeze %parallel_loop3A_526 : memref<1x400x32xf32, #tpu.memory_space<vmem>> -> memref<400x32xf32, #tpu.memory_space<vmem>>
        %parallel_loop3A_528 = arith.index_cast %parallel_loop3A_509 : i32 to index
        %parallel_loop3A_529 = arith.constant 0 : index
        %parallel_loop3A_530 = tpu.vector_load %parallel_loop3A_527[%parallel_loop3A_528, %parallel_loop3A_529] {strides = array<i32>} : memref<400x32xf32, #tpu.memory_space<vmem>>, vector<16xf32>,
        %parallel_loop3A_531 = arith.constant 0 : i32
        %parallel_loop3A_532 = arith.constant 0 : i32
        %parallel_loop3A_533 = tpu.memref_slice %arg12[%rem3A_94, %parallel_loop3A_531, %parallel_loop3A_532] : memref<2x400x32xf32, #tpu.memory_space<vmem>> -> memref<1x400x32xf32, #tpu.memory_space<vmem>>
        %parallel_loop3A_534 = tpu.memref_squeeze %parallel_loop3A_533 : memref<1x400x32xf32, #tpu.memory_space<vmem>> -> memref<400x32xf32, #tpu.memory_space<vmem>>
        %parallel_loop3A_535 = arith.index_cast %parallel_loop3A_509 : i32 to index
        %parallel_loop3A_536 = arith.constant 16 : index
        %parallel_loop3A_537 = tpu.vector_load %parallel_loop3A_534[%parallel_loop3A_535, %parallel_loop3A_536] {strides = array<i32>} : memref<400x32xf32, #tpu.memory_space<vmem>>, vector<16xf32>,
        %parallel_loop3A_538 = arith.addf %parallel_loop3A_516, %parallel_loop3A_530 : vector<16xf32>
        %parallel_loop3A_539 = arith.addf %parallel_loop3A_523, %parallel_loop3A_537 : vector<16xf32>
        %parallel_loop3A_540 = arith.constant 2.000000e-01 : f32
        %parallel_loop3A_541 = vector.broadcast %parallel_loop3A_540 : f32 to vector<16xf32>
        %parallel_loop3A_542 = arith.mulf %parallel_loop3A_538, %parallel_loop3A_541 : vector<16xf32>
        %parallel_loop3A_543 = arith.maximumf %parallel_loop3A_538, %parallel_loop3A_542 : vector<16xf32>
        %parallel_loop3A_544 = arith.constant 2.000000e-01 : f32
        %parallel_loop3A_545 = vector.broadcast %parallel_loop3A_544 : f32 to vector<16xf32>
        %parallel_loop3A_546 = arith.mulf %parallel_loop3A_539, %parallel_loop3A_545 : vector<16xf32>
        %parallel_loop3A_547 = arith.maximumf %parallel_loop3A_539, %parallel_loop3A_546 : vector<16xf32>
        %parallel_loop3A_548 = arith.mulf %get3A_39, %parallel_loop3A_543 : vector<16xf32>
        %parallel_loop3A_549 = arith.mulf %get3A_43, %parallel_loop3A_547 : vector<16xf32>
        %parallel_loop3A_550 = arith.addf %parallel_loop3A_548, %parallel_loop3A_549 : vector<16xf32>
        %parallel_loop3A_551 = arith.constant 7 : i32
        %parallel_loop3A_552 = vector.broadcast %parallel_loop3A_551 : i32 to vector<16xi32>
        %parallel_loop3A_553 = arith.cmpi eq, %iota3A, %parallel_loop3A_552 : vector<16xi32>
        %parallel_loop3A_554 = arith.constant true
        %parallel_loop3A_555 = vector.broadcast %parallel_loop3A_554 : i1 to vector<16xi1>
        %parallel_loop3A_556 = tpu.scan <sum>, %parallel_loop3A_550 masked %parallel_loop3A_555 : vector<16xf32>, vector<16xi1> -> vector<16xf32>
        %parallel_loop3A_557 = vector.extract %parallel_loop3A_556[15] : f32 from vector<16xf32>
        %parallel_loop3A_558 = vector.broadcast %parallel_loop3A_557 : f32 to vector<16xf32>
        %parallel_loop3A_559 = arith.select %parallel_loop3A_553, %parallel_loop3A_558, %parallel_loop3A_507 : vector<16xi1>, vector<16xf32>
        %parallel_loop3A_560 = arith.constant 8 : i32
        %parallel_loop3A_561 = arith.addi %parallel_loop3A_141, %parallel_loop3A_560 : i32
        %parallel_loop3A_562 = arith.constant 0 : i32
        %parallel_loop3A_563 = arith.constant 0 : i32
        %parallel_loop3A_564 = tpu.memref_slice %arg11[%rem3A_94, %parallel_loop3A_562, %parallel_loop3A_563] : memref<2x400x32xf32, #tpu.memory_space<vmem>> -> memref<1x400x32xf32, #tpu.memory_space<vmem>>
        %parallel_loop3A_565 = tpu.memref_squeeze %parallel_loop3A_564 : memref<1x400x32xf32, #tpu.memory_space<vmem>> -> memref<400x32xf32, #tpu.memory_space<vmem>>
        %parallel_loop3A_566 = arith.index_cast %parallel_loop3A_561 : i32 to index
        %parallel_loop3A_567 = arith.constant 0 : index
        %parallel_loop3A_568 = tpu.vector_load %parallel_loop3A_565[%parallel_loop3A_566, %parallel_loop3A_567] {strides = array<i32>} : memref<400x32xf32, #tpu.memory_space<vmem>>, vector<16xf32>,
        %parallel_loop3A_569 = arith.constant 0 : i32
        %parallel_loop3A_570 = arith.constant 0 : i32
        %parallel_loop3A_571 = tpu.memref_slice %arg11[%rem3A_94, %parallel_loop3A_569, %parallel_loop3A_570] : memref<2x400x32xf32, #tpu.memory_space<vmem>> -> memref<1x400x32xf32, #tpu.memory_space<vmem>>
        %parallel_loop3A_572 = tpu.memref_squeeze %parallel_loop3A_571 : memref<1x400x32xf32, #tpu.memory_space<vmem>> -> memref<400x32xf32, #tpu.memory_space<vmem>>
        %parallel_loop3A_573 = arith.index_cast %parallel_loop3A_561 : i32 to index
        %parallel_loop3A_574 = arith.constant 16 : index
        %parallel_loop3A_575 = tpu.vector_load %parallel_loop3A_572[%parallel_loop3A_573, %parallel_loop3A_574] {strides = array<i32>} : memref<400x32xf32, #tpu.memory_space<vmem>>, vector<16xf32>,
        %parallel_loop3A_576 = arith.constant 0 : i32
        %parallel_loop3A_577 = arith.constant 0 : i32
        %parallel_loop3A_578 = tpu.memref_slice %arg12[%rem3A_94, %parallel_loop3A_576, %parallel_loop3A_577] : memref<2x400x32xf32, #tpu.memory_space<vmem>> -> memref<1x400x32xf32, #tpu.memory_space<vmem>>
        %parallel_loop3A_579 = tpu.memref_squeeze %parallel_loop3A_578 : memref<1x400x32xf32, #tpu.memory_space<vmem>> -> memref<400x32xf32, #tpu.memory_space<vmem>>
        %parallel_loop3A_580 = arith.index_cast %parallel_loop3A_561 : i32 to index
        %parallel_loop3A_581 = arith.constant 0 : index
        %parallel_loop3A_582 = tpu.vector_load %parallel_loop3A_579[%parallel_loop3A_580, %parallel_loop3A_581] {strides = array<i32>} : memref<400x32xf32, #tpu.memory_space<vmem>>, vector<16xf32>,
        %parallel_loop3A_583 = arith.constant 0 : i32
        %parallel_loop3A_584 = arith.constant 0 : i32
        %parallel_loop3A_585 = tpu.memref_slice %arg12[%rem3A_94, %parallel_loop3A_583, %parallel_loop3A_584] : memref<2x400x32xf32, #tpu.memory_space<vmem>> -> memref<1x400x32xf32, #tpu.memory_space<vmem>>
        %parallel_loop3A_586 = tpu.memref_squeeze %parallel_loop3A_585 : memref<1x400x32xf32, #tpu.memory_space<vmem>> -> memref<400x32xf32, #tpu.memory_space<vmem>>
        %parallel_loop3A_587 = arith.index_cast %parallel_loop3A_561 : i32 to index
        %parallel_loop3A_588 = arith.constant 16 : index
        %parallel_loop3A_589 = tpu.vector_load %parallel_loop3A_586[%parallel_loop3A_587, %parallel_loop3A_588] {strides = array<i32>} : memref<400x32xf32, #tpu.memory_space<vmem>>, vector<16xf32>,
        %parallel_loop3A_590 = arith.addf %parallel_loop3A_568, %parallel_loop3A_582 : vector<16xf32>
        %parallel_loop3A_591 = arith.addf %parallel_loop3A_575, %parallel_loop3A_589 : vector<16xf32>
        %parallel_loop3A_592 = arith.constant 2.000000e-01 : f32
        %parallel_loop3A_593 = vector.broadcast %parallel_loop3A_592 : f32 to vector<16xf32>
        %parallel_loop3A_594 = arith.mulf %parallel_loop3A_590, %parallel_loop3A_593 : vector<16xf32>
        %parallel_loop3A_595 = arith.maximumf %parallel_loop3A_590, %parallel_loop3A_594 : vector<16xf32>
        %parallel_loop3A_596 = arith.constant 2.000000e-01 : f32
        %parallel_loop3A_597 = vector.broadcast %parallel_loop3A_596 : f32 to vector<16xf32>
        %parallel_loop3A_598 = arith.mulf %parallel_loop3A_591, %parallel_loop3A_597 : vector<16xf32>
        %parallel_loop3A_599 = arith.maximumf %parallel_loop3A_591, %parallel_loop3A_598 : vector<16xf32>
        %parallel_loop3A_600 = arith.mulf %get3A_39, %parallel_loop3A_595 : vector<16xf32>
        %parallel_loop3A_601 = arith.mulf %get3A_43, %parallel_loop3A_599 : vector<16xf32>
        %parallel_loop3A_602 = arith.addf %parallel_loop3A_600, %parallel_loop3A_601 : vector<16xf32>
        %parallel_loop3A_603 = arith.constant 8 : i32
        %parallel_loop3A_604 = vector.broadcast %parallel_loop3A_603 : i32 to vector<16xi32>
        %parallel_loop3A_605 = arith.cmpi eq, %iota3A, %parallel_loop3A_604 : vector<16xi32>
        %parallel_loop3A_606 = arith.constant true
        %parallel_loop3A_607 = vector.broadcast %parallel_loop3A_606 : i1 to vector<16xi1>
        %parallel_loop3A_608 = tpu.scan <sum>, %parallel_loop3A_602 masked %parallel_loop3A_607 : vector<16xf32>, vector<16xi1> -> vector<16xf32>
        %parallel_loop3A_609 = vector.extract %parallel_loop3A_608[15] : f32 from vector<16xf32>
        %parallel_loop3A_610 = vector.broadcast %parallel_loop3A_609 : f32 to vector<16xf32>
        %parallel_loop3A_611 = arith.select %parallel_loop3A_605, %parallel_loop3A_610, %parallel_loop3A_559 : vector<16xi1>, vector<16xf32>
        %parallel_loop3A_612 = arith.constant 9 : i32
        %parallel_loop3A_613 = arith.addi %parallel_loop3A_141, %parallel_loop3A_612 : i32
        %parallel_loop3A_614 = arith.constant 0 : i32
        %parallel_loop3A_615 = arith.constant 0 : i32
        %parallel_loop3A_616 = tpu.memref_slice %arg11[%rem3A_94, %parallel_loop3A_614, %parallel_loop3A_615] : memref<2x400x32xf32, #tpu.memory_space<vmem>> -> memref<1x400x32xf32, #tpu.memory_space<vmem>>
        %parallel_loop3A_617 = tpu.memref_squeeze %parallel_loop3A_616 : memref<1x400x32xf32, #tpu.memory_space<vmem>> -> memref<400x32xf32, #tpu.memory_space<vmem>>
        %parallel_loop3A_618 = arith.index_cast %parallel_loop3A_613 : i32 to index
        %parallel_loop3A_619 = arith.constant 0 : index
        %parallel_loop3A_620 = tpu.vector_load %parallel_loop3A_617[%parallel_loop3A_618, %parallel_loop3A_619] {strides = array<i32>} : memref<400x32xf32, #tpu.memory_space<vmem>>, vector<16xf32>,
        %parallel_loop3A_621 = arith.constant 0 : i32
        %parallel_loop3A_622 = arith.constant 0 : i32
        %parallel_loop3A_623 = tpu.memref_slice %arg11[%rem3A_94, %parallel_loop3A_621, %parallel_loop3A_622] : memref<2x400x32xf32, #tpu.memory_space<vmem>> -> memref<1x400x32xf32, #tpu.memory_space<vmem>>
        %parallel_loop3A_624 = tpu.memref_squeeze %parallel_loop3A_623 : memref<1x400x32xf32, #tpu.memory_space<vmem>> -> memref<400x32xf32, #tpu.memory_space<vmem>>
        %parallel_loop3A_625 = arith.index_cast %parallel_loop3A_613 : i32 to index
        %parallel_loop3A_626 = arith.constant 16 : index
        %parallel_loop3A_627 = tpu.vector_load %parallel_loop3A_624[%parallel_loop3A_625, %parallel_loop3A_626] {strides = array<i32>} : memref<400x32xf32, #tpu.memory_space<vmem>>, vector<16xf32>,
        %parallel_loop3A_628 = arith.constant 0 : i32
        %parallel_loop3A_629 = arith.constant 0 : i32
        %parallel_loop3A_630 = tpu.memref_slice %arg12[%rem3A_94, %parallel_loop3A_628, %parallel_loop3A_629] : memref<2x400x32xf32, #tpu.memory_space<vmem>> -> memref<1x400x32xf32, #tpu.memory_space<vmem>>
        %parallel_loop3A_631 = tpu.memref_squeeze %parallel_loop3A_630 : memref<1x400x32xf32, #tpu.memory_space<vmem>> -> memref<400x32xf32, #tpu.memory_space<vmem>>
        %parallel_loop3A_632 = arith.index_cast %parallel_loop3A_613 : i32 to index
        %parallel_loop3A_633 = arith.constant 0 : index
        %parallel_loop3A_634 = tpu.vector_load %parallel_loop3A_631[%parallel_loop3A_632, %parallel_loop3A_633] {strides = array<i32>} : memref<400x32xf32, #tpu.memory_space<vmem>>, vector<16xf32>,
        %parallel_loop3A_635 = arith.constant 0 : i32
        %parallel_loop3A_636 = arith.constant 0 : i32
        %parallel_loop3A_637 = tpu.memref_slice %arg12[%rem3A_94, %parallel_loop3A_635, %parallel_loop3A_636] : memref<2x400x32xf32, #tpu.memory_space<vmem>> -> memref<1x400x32xf32, #tpu.memory_space<vmem>>
        %parallel_loop3A_638 = tpu.memref_squeeze %parallel_loop3A_637 : memref<1x400x32xf32, #tpu.memory_space<vmem>> -> memref<400x32xf32, #tpu.memory_space<vmem>>
        %parallel_loop3A_639 = arith.index_cast %parallel_loop3A_613 : i32 to index
        %parallel_loop3A_640 = arith.constant 16 : index
        %parallel_loop3A_641 = tpu.vector_load %parallel_loop3A_638[%parallel_loop3A_639, %parallel_loop3A_640] {strides = array<i32>} : memref<400x32xf32, #tpu.memory_space<vmem>>, vector<16xf32>,
        %parallel_loop3A_642 = arith.addf %parallel_loop3A_620, %parallel_loop3A_634 : vector<16xf32>
        %parallel_loop3A_643 = arith.addf %parallel_loop3A_627, %parallel_loop3A_641 : vector<16xf32>
        %parallel_loop3A_644 = arith.constant 2.000000e-01 : f32
        %parallel_loop3A_645 = vector.broadcast %parallel_loop3A_644 : f32 to vector<16xf32>
        %parallel_loop3A_646 = arith.mulf %parallel_loop3A_642, %parallel_loop3A_645 : vector<16xf32>
        %parallel_loop3A_647 = arith.maximumf %parallel_loop3A_642, %parallel_loop3A_646 : vector<16xf32>
        %parallel_loop3A_648 = arith.constant 2.000000e-01 : f32
        %parallel_loop3A_649 = vector.broadcast %parallel_loop3A_648 : f32 to vector<16xf32>
        %parallel_loop3A_650 = arith.mulf %parallel_loop3A_643, %parallel_loop3A_649 : vector<16xf32>
        %parallel_loop3A_651 = arith.maximumf %parallel_loop3A_643, %parallel_loop3A_650 : vector<16xf32>
        %parallel_loop3A_652 = arith.mulf %get3A_39, %parallel_loop3A_647 : vector<16xf32>
        %parallel_loop3A_653 = arith.mulf %get3A_43, %parallel_loop3A_651 : vector<16xf32>
        %parallel_loop3A_654 = arith.addf %parallel_loop3A_652, %parallel_loop3A_653 : vector<16xf32>
        %parallel_loop3A_655 = arith.constant 9 : i32
        %parallel_loop3A_656 = vector.broadcast %parallel_loop3A_655 : i32 to vector<16xi32>
        %parallel_loop3A_657 = arith.cmpi eq, %iota3A, %parallel_loop3A_656 : vector<16xi32>
        %parallel_loop3A_658 = arith.constant true
        %parallel_loop3A_659 = vector.broadcast %parallel_loop3A_658 : i1 to vector<16xi1>
        %parallel_loop3A_660 = tpu.scan <sum>, %parallel_loop3A_654 masked %parallel_loop3A_659 : vector<16xf32>, vector<16xi1> -> vector<16xf32>
        %parallel_loop3A_661 = vector.extract %parallel_loop3A_660[15] : f32 from vector<16xf32>
        %parallel_loop3A_662 = vector.broadcast %parallel_loop3A_661 : f32 to vector<16xf32>
        %parallel_loop3A_663 = arith.select %parallel_loop3A_657, %parallel_loop3A_662, %parallel_loop3A_611 : vector<16xi1>, vector<16xf32>
        %parallel_loop3A_664 = arith.constant 10 : i32
        %parallel_loop3A_665 = arith.addi %parallel_loop3A_141, %parallel_loop3A_664 : i32
        %parallel_loop3A_666 = arith.constant 0 : i32
        %parallel_loop3A_667 = arith.constant 0 : i32
        %parallel_loop3A_668 = tpu.memref_slice %arg11[%rem3A_94, %parallel_loop3A_666, %parallel_loop3A_667] : memref<2x400x32xf32, #tpu.memory_space<vmem>> -> memref<1x400x32xf32, #tpu.memory_space<vmem>>
        %parallel_loop3A_669 = tpu.memref_squeeze %parallel_loop3A_668 : memref<1x400x32xf32, #tpu.memory_space<vmem>> -> memref<400x32xf32, #tpu.memory_space<vmem>>
        %parallel_loop3A_670 = arith.index_cast %parallel_loop3A_665 : i32 to index
        %parallel_loop3A_671 = arith.constant 0 : index
        %parallel_loop3A_672 = tpu.vector_load %parallel_loop3A_669[%parallel_loop3A_670, %parallel_loop3A_671] {strides = array<i32>} : memref<400x32xf32, #tpu.memory_space<vmem>>, vector<16xf32>,
        %parallel_loop3A_673 = arith.constant 0 : i32
        %parallel_loop3A_674 = arith.constant 0 : i32
        %parallel_loop3A_675 = tpu.memref_slice %arg11[%rem3A_94, %parallel_loop3A_673, %parallel_loop3A_674] : memref<2x400x32xf32, #tpu.memory_space<vmem>> -> memref<1x400x32xf32, #tpu.memory_space<vmem>>
        %parallel_loop3A_676 = tpu.memref_squeeze %parallel_loop3A_675 : memref<1x400x32xf32, #tpu.memory_space<vmem>> -> memref<400x32xf32, #tpu.memory_space<vmem>>
        %parallel_loop3A_677 = arith.index_cast %parallel_loop3A_665 : i32 to index
        %parallel_loop3A_678 = arith.constant 16 : index
        %parallel_loop3A_679 = tpu.vector_load %parallel_loop3A_676[%parallel_loop3A_677, %parallel_loop3A_678] {strides = array<i32>} : memref<400x32xf32, #tpu.memory_space<vmem>>, vector<16xf32>,
        %parallel_loop3A_680 = arith.constant 0 : i32
        %parallel_loop3A_681 = arith.constant 0 : i32
        %parallel_loop3A_682 = tpu.memref_slice %arg12[%rem3A_94, %parallel_loop3A_680, %parallel_loop3A_681] : memref<2x400x32xf32, #tpu.memory_space<vmem>> -> memref<1x400x32xf32, #tpu.memory_space<vmem>>
        %parallel_loop3A_683 = tpu.memref_squeeze %parallel_loop3A_682 : memref<1x400x32xf32, #tpu.memory_space<vmem>> -> memref<400x32xf32, #tpu.memory_space<vmem>>
        %parallel_loop3A_684 = arith.index_cast %parallel_loop3A_665 : i32 to index
        %parallel_loop3A_685 = arith.constant 0 : index
        %parallel_loop3A_686 = tpu.vector_load %parallel_loop3A_683[%parallel_loop3A_684, %parallel_loop3A_685] {strides = array<i32>} : memref<400x32xf32, #tpu.memory_space<vmem>>, vector<16xf32>,
        %parallel_loop3A_687 = arith.constant 0 : i32
        %parallel_loop3A_688 = arith.constant 0 : i32
        %parallel_loop3A_689 = tpu.memref_slice %arg12[%rem3A_94, %parallel_loop3A_687, %parallel_loop3A_688] : memref<2x400x32xf32, #tpu.memory_space<vmem>> -> memref<1x400x32xf32, #tpu.memory_space<vmem>>
        %parallel_loop3A_690 = tpu.memref_squeeze %parallel_loop3A_689 : memref<1x400x32xf32, #tpu.memory_space<vmem>> -> memref<400x32xf32, #tpu.memory_space<vmem>>
        %parallel_loop3A_691 = arith.index_cast %parallel_loop3A_665 : i32 to index
        %parallel_loop3A_692 = arith.constant 16 : index
        %parallel_loop3A_693 = tpu.vector_load %parallel_loop3A_690[%parallel_loop3A_691, %parallel_loop3A_692] {strides = array<i32>} : memref<400x32xf32, #tpu.memory_space<vmem>>, vector<16xf32>,
        %parallel_loop3A_694 = arith.addf %parallel_loop3A_672, %parallel_loop3A_686 : vector<16xf32>
        %parallel_loop3A_695 = arith.addf %parallel_loop3A_679, %parallel_loop3A_693 : vector<16xf32>
        %parallel_loop3A_696 = arith.constant 2.000000e-01 : f32
        %parallel_loop3A_697 = vector.broadcast %parallel_loop3A_696 : f32 to vector<16xf32>
        %parallel_loop3A_698 = arith.mulf %parallel_loop3A_694, %parallel_loop3A_697 : vector<16xf32>
        %parallel_loop3A_699 = arith.maximumf %parallel_loop3A_694, %parallel_loop3A_698 : vector<16xf32>
        %parallel_loop3A_700 = arith.constant 2.000000e-01 : f32
        %parallel_loop3A_701 = vector.broadcast %parallel_loop3A_700 : f32 to vector<16xf32>
        %parallel_loop3A_702 = arith.mulf %parallel_loop3A_695, %parallel_loop3A_701 : vector<16xf32>
        %parallel_loop3A_703 = arith.maximumf %parallel_loop3A_695, %parallel_loop3A_702 : vector<16xf32>
        %parallel_loop3A_704 = arith.mulf %get3A_39, %parallel_loop3A_699 : vector<16xf32>
        %parallel_loop3A_705 = arith.mulf %get3A_43, %parallel_loop3A_703 : vector<16xf32>
        %parallel_loop3A_706 = arith.addf %parallel_loop3A_704, %parallel_loop3A_705 : vector<16xf32>
        %parallel_loop3A_707 = arith.constant 10 : i32
        %parallel_loop3A_708 = vector.broadcast %parallel_loop3A_707 : i32 to vector<16xi32>
        %parallel_loop3A_709 = arith.cmpi eq, %iota3A, %parallel_loop3A_708 : vector<16xi32>
        %parallel_loop3A_710 = arith.constant true
        %parallel_loop3A_711 = vector.broadcast %parallel_loop3A_710 : i1 to vector<16xi1>
        %parallel_loop3A_712 = tpu.scan <sum>, %parallel_loop3A_706 masked %parallel_loop3A_711 : vector<16xf32>, vector<16xi1> -> vector<16xf32>
        %parallel_loop3A_713 = vector.extract %parallel_loop3A_712[15] : f32 from vector<16xf32>
        %parallel_loop3A_714 = vector.broadcast %parallel_loop3A_713 : f32 to vector<16xf32>
        %parallel_loop3A_715 = arith.select %parallel_loop3A_709, %parallel_loop3A_714, %parallel_loop3A_663 : vector<16xi1>, vector<16xf32>
        %parallel_loop3A_716 = arith.constant 11 : i32
        %parallel_loop3A_717 = arith.addi %parallel_loop3A_141, %parallel_loop3A_716 : i32
        %parallel_loop3A_718 = arith.constant 0 : i32
        %parallel_loop3A_719 = arith.constant 0 : i32
        %parallel_loop3A_720 = tpu.memref_slice %arg11[%rem3A_94, %parallel_loop3A_718, %parallel_loop3A_719] : memref<2x400x32xf32, #tpu.memory_space<vmem>> -> memref<1x400x32xf32, #tpu.memory_space<vmem>>
        %parallel_loop3A_721 = tpu.memref_squeeze %parallel_loop3A_720 : memref<1x400x32xf32, #tpu.memory_space<vmem>> -> memref<400x32xf32, #tpu.memory_space<vmem>>
        %parallel_loop3A_722 = arith.index_cast %parallel_loop3A_717 : i32 to index
        %parallel_loop3A_723 = arith.constant 0 : index
        %parallel_loop3A_724 = tpu.vector_load %parallel_loop3A_721[%parallel_loop3A_722, %parallel_loop3A_723] {strides = array<i32>} : memref<400x32xf32, #tpu.memory_space<vmem>>, vector<16xf32>,
        %parallel_loop3A_725 = arith.constant 0 : i32
        %parallel_loop3A_726 = arith.constant 0 : i32
        %parallel_loop3A_727 = tpu.memref_slice %arg11[%rem3A_94, %parallel_loop3A_725, %parallel_loop3A_726] : memref<2x400x32xf32, #tpu.memory_space<vmem>> -> memref<1x400x32xf32, #tpu.memory_space<vmem>>
        %parallel_loop3A_728 = tpu.memref_squeeze %parallel_loop3A_727 : memref<1x400x32xf32, #tpu.memory_space<vmem>> -> memref<400x32xf32, #tpu.memory_space<vmem>>
        %parallel_loop3A_729 = arith.index_cast %parallel_loop3A_717 : i32 to index
        %parallel_loop3A_730 = arith.constant 16 : index
        %parallel_loop3A_731 = tpu.vector_load %parallel_loop3A_728[%parallel_loop3A_729, %parallel_loop3A_730] {strides = array<i32>} : memref<400x32xf32, #tpu.memory_space<vmem>>, vector<16xf32>,
        %parallel_loop3A_732 = arith.constant 0 : i32
        %parallel_loop3A_733 = arith.constant 0 : i32
        %parallel_loop3A_734 = tpu.memref_slice %arg12[%rem3A_94, %parallel_loop3A_732, %parallel_loop3A_733] : memref<2x400x32xf32, #tpu.memory_space<vmem>> -> memref<1x400x32xf32, #tpu.memory_space<vmem>>
        %parallel_loop3A_735 = tpu.memref_squeeze %parallel_loop3A_734 : memref<1x400x32xf32, #tpu.memory_space<vmem>> -> memref<400x32xf32, #tpu.memory_space<vmem>>
        %parallel_loop3A_736 = arith.index_cast %parallel_loop3A_717 : i32 to index
        %parallel_loop3A_737 = arith.constant 0 : index
        %parallel_loop3A_738 = tpu.vector_load %parallel_loop3A_735[%parallel_loop3A_736, %parallel_loop3A_737] {strides = array<i32>} : memref<400x32xf32, #tpu.memory_space<vmem>>, vector<16xf32>,
        %parallel_loop3A_739 = arith.constant 0 : i32
        %parallel_loop3A_740 = arith.constant 0 : i32
        %parallel_loop3A_741 = tpu.memref_slice %arg12[%rem3A_94, %parallel_loop3A_739, %parallel_loop3A_740] : memref<2x400x32xf32, #tpu.memory_space<vmem>> -> memref<1x400x32xf32, #tpu.memory_space<vmem>>
        %parallel_loop3A_742 = tpu.memref_squeeze %parallel_loop3A_741 : memref<1x400x32xf32, #tpu.memory_space<vmem>> -> memref<400x32xf32, #tpu.memory_space<vmem>>
        %parallel_loop3A_743 = arith.index_cast %parallel_loop3A_717 : i32 to index
        %parallel_loop3A_744 = arith.constant 16 : index
        %parallel_loop3A_745 = tpu.vector_load %parallel_loop3A_742[%parallel_loop3A_743, %parallel_loop3A_744] {strides = array<i32>} : memref<400x32xf32, #tpu.memory_space<vmem>>, vector<16xf32>,
        %parallel_loop3A_746 = arith.addf %parallel_loop3A_724, %parallel_loop3A_738 : vector<16xf32>
        %parallel_loop3A_747 = arith.addf %parallel_loop3A_731, %parallel_loop3A_745 : vector<16xf32>
        %parallel_loop3A_748 = arith.constant 2.000000e-01 : f32
        %parallel_loop3A_749 = vector.broadcast %parallel_loop3A_748 : f32 to vector<16xf32>
        %parallel_loop3A_750 = arith.mulf %parallel_loop3A_746, %parallel_loop3A_749 : vector<16xf32>
        %parallel_loop3A_751 = arith.maximumf %parallel_loop3A_746, %parallel_loop3A_750 : vector<16xf32>
        %parallel_loop3A_752 = arith.constant 2.000000e-01 : f32
        %parallel_loop3A_753 = vector.broadcast %parallel_loop3A_752 : f32 to vector<16xf32>
        %parallel_loop3A_754 = arith.mulf %parallel_loop3A_747, %parallel_loop3A_753 : vector<16xf32>
        %parallel_loop3A_755 = arith.maximumf %parallel_loop3A_747, %parallel_loop3A_754 : vector<16xf32>
        %parallel_loop3A_756 = arith.mulf %get3A_39, %parallel_loop3A_751 : vector<16xf32>
        %parallel_loop3A_757 = arith.mulf %get3A_43, %parallel_loop3A_755 : vector<16xf32>
        %parallel_loop3A_758 = arith.addf %parallel_loop3A_756, %parallel_loop3A_757 : vector<16xf32>
        %parallel_loop3A_759 = arith.constant 11 : i32
        %parallel_loop3A_760 = vector.broadcast %parallel_loop3A_759 : i32 to vector<16xi32>
        %parallel_loop3A_761 = arith.cmpi eq, %iota3A, %parallel_loop3A_760 : vector<16xi32>
        %parallel_loop3A_762 = arith.constant true
        %parallel_loop3A_763 = vector.broadcast %parallel_loop3A_762 : i1 to vector<16xi1>
        %parallel_loop3A_764 = tpu.scan <sum>, %parallel_loop3A_758 masked %parallel_loop3A_763 : vector<16xf32>, vector<16xi1> -> vector<16xf32>
        %parallel_loop3A_765 = vector.extract %parallel_loop3A_764[15] : f32 from vector<16xf32>
        %parallel_loop3A_766 = vector.broadcast %parallel_loop3A_765 : f32 to vector<16xf32>
        %parallel_loop3A_767 = arith.select %parallel_loop3A_761, %parallel_loop3A_766, %parallel_loop3A_715 : vector<16xi1>, vector<16xf32>
        %parallel_loop3A_768 = arith.constant 12 : i32
        %parallel_loop3A_769 = arith.addi %parallel_loop3A_141, %parallel_loop3A_768 : i32
        %parallel_loop3A_770 = arith.constant 0 : i32
        %parallel_loop3A_771 = arith.constant 0 : i32
        %parallel_loop3A_772 = tpu.memref_slice %arg11[%rem3A_94, %parallel_loop3A_770, %parallel_loop3A_771] : memref<2x400x32xf32, #tpu.memory_space<vmem>> -> memref<1x400x32xf32, #tpu.memory_space<vmem>>
        %parallel_loop3A_773 = tpu.memref_squeeze %parallel_loop3A_772 : memref<1x400x32xf32, #tpu.memory_space<vmem>> -> memref<400x32xf32, #tpu.memory_space<vmem>>
        %parallel_loop3A_774 = arith.index_cast %parallel_loop3A_769 : i32 to index
        %parallel_loop3A_775 = arith.constant 0 : index
        %parallel_loop3A_776 = tpu.vector_load %parallel_loop3A_773[%parallel_loop3A_774, %parallel_loop3A_775] {strides = array<i32>} : memref<400x32xf32, #tpu.memory_space<vmem>>, vector<16xf32>,
        %parallel_loop3A_777 = arith.constant 0 : i32
        %parallel_loop3A_778 = arith.constant 0 : i32
        %parallel_loop3A_779 = tpu.memref_slice %arg11[%rem3A_94, %parallel_loop3A_777, %parallel_loop3A_778] : memref<2x400x32xf32, #tpu.memory_space<vmem>> -> memref<1x400x32xf32, #tpu.memory_space<vmem>>
        %parallel_loop3A_780 = tpu.memref_squeeze %parallel_loop3A_779 : memref<1x400x32xf32, #tpu.memory_space<vmem>> -> memref<400x32xf32, #tpu.memory_space<vmem>>
        %parallel_loop3A_781 = arith.index_cast %parallel_loop3A_769 : i32 to index
        %parallel_loop3A_782 = arith.constant 16 : index
        %parallel_loop3A_783 = tpu.vector_load %parallel_loop3A_780[%parallel_loop3A_781, %parallel_loop3A_782] {strides = array<i32>} : memref<400x32xf32, #tpu.memory_space<vmem>>, vector<16xf32>,
        %parallel_loop3A_784 = arith.constant 0 : i32
        %parallel_loop3A_785 = arith.constant 0 : i32
        %parallel_loop3A_786 = tpu.memref_slice %arg12[%rem3A_94, %parallel_loop3A_784, %parallel_loop3A_785] : memref<2x400x32xf32, #tpu.memory_space<vmem>> -> memref<1x400x32xf32, #tpu.memory_space<vmem>>
        %parallel_loop3A_787 = tpu.memref_squeeze %parallel_loop3A_786 : memref<1x400x32xf32, #tpu.memory_space<vmem>> -> memref<400x32xf32, #tpu.memory_space<vmem>>
        %parallel_loop3A_788 = arith.index_cast %parallel_loop3A_769 : i32 to index
        %parallel_loop3A_789 = arith.constant 0 : index
        %parallel_loop3A_790 = tpu.vector_load %parallel_loop3A_787[%parallel_loop3A_788, %parallel_loop3A_789] {strides = array<i32>} : memref<400x32xf32, #tpu.memory_space<vmem>>, vector<16xf32>,
        %parallel_loop3A_791 = arith.constant 0 : i32
        %parallel_loop3A_792 = arith.constant 0 : i32
        %parallel_loop3A_793 = tpu.memref_slice %arg12[%rem3A_94, %parallel_loop3A_791, %parallel_loop3A_792] : memref<2x400x32xf32, #tpu.memory_space<vmem>> -> memref<1x400x32xf32, #tpu.memory_space<vmem>>
        %parallel_loop3A_794 = tpu.memref_squeeze %parallel_loop3A_793 : memref<1x400x32xf32, #tpu.memory_space<vmem>> -> memref<400x32xf32, #tpu.memory_space<vmem>>
        %parallel_loop3A_795 = arith.index_cast %parallel_loop3A_769 : i32 to index
        %parallel_loop3A_796 = arith.constant 16 : index
        %parallel_loop3A_797 = tpu.vector_load %parallel_loop3A_794[%parallel_loop3A_795, %parallel_loop3A_796] {strides = array<i32>} : memref<400x32xf32, #tpu.memory_space<vmem>>, vector<16xf32>,
        %parallel_loop3A_798 = arith.addf %parallel_loop3A_776, %parallel_loop3A_790 : vector<16xf32>
        %parallel_loop3A_799 = arith.addf %parallel_loop3A_783, %parallel_loop3A_797 : vector<16xf32>
        %parallel_loop3A_800 = arith.constant 2.000000e-01 : f32
        %parallel_loop3A_801 = vector.broadcast %parallel_loop3A_800 : f32 to vector<16xf32>
        %parallel_loop3A_802 = arith.mulf %parallel_loop3A_798, %parallel_loop3A_801 : vector<16xf32>
        %parallel_loop3A_803 = arith.maximumf %parallel_loop3A_798, %parallel_loop3A_802 : vector<16xf32>
        %parallel_loop3A_804 = arith.constant 2.000000e-01 : f32
        %parallel_loop3A_805 = vector.broadcast %parallel_loop3A_804 : f32 to vector<16xf32>
        %parallel_loop3A_806 = arith.mulf %parallel_loop3A_799, %parallel_loop3A_805 : vector<16xf32>
        %parallel_loop3A_807 = arith.maximumf %parallel_loop3A_799, %parallel_loop3A_806 : vector<16xf32>
        %parallel_loop3A_808 = arith.mulf %get3A_39, %parallel_loop3A_803 : vector<16xf32>
        %parallel_loop3A_809 = arith.mulf %get3A_43, %parallel_loop3A_807 : vector<16xf32>
        %parallel_loop3A_810 = arith.addf %parallel_loop3A_808, %parallel_loop3A_809 : vector<16xf32>
        %parallel_loop3A_811 = arith.constant 12 : i32
        %parallel_loop3A_812 = vector.broadcast %parallel_loop3A_811 : i32 to vector<16xi32>
        %parallel_loop3A_813 = arith.cmpi eq, %iota3A, %parallel_loop3A_812 : vector<16xi32>
        %parallel_loop3A_814 = arith.constant true
        %parallel_loop3A_815 = vector.broadcast %parallel_loop3A_814 : i1 to vector<16xi1>
        %parallel_loop3A_816 = tpu.scan <sum>, %parallel_loop3A_810 masked %parallel_loop3A_815 : vector<16xf32>, vector<16xi1> -> vector<16xf32>
        %parallel_loop3A_817 = vector.extract %parallel_loop3A_816[15] : f32 from vector<16xf32>
        %parallel_loop3A_818 = vector.broadcast %parallel_loop3A_817 : f32 to vector<16xf32>
        %parallel_loop3A_819 = arith.select %parallel_loop3A_813, %parallel_loop3A_818, %parallel_loop3A_767 : vector<16xi1>, vector<16xf32>
        %parallel_loop3A_820 = arith.constant 13 : i32
        %parallel_loop3A_821 = arith.addi %parallel_loop3A_141, %parallel_loop3A_820 : i32
        %parallel_loop3A_822 = arith.constant 0 : i32
        %parallel_loop3A_823 = arith.constant 0 : i32
        %parallel_loop3A_824 = tpu.memref_slice %arg11[%rem3A_94, %parallel_loop3A_822, %parallel_loop3A_823] : memref<2x400x32xf32, #tpu.memory_space<vmem>> -> memref<1x400x32xf32, #tpu.memory_space<vmem>>
        %parallel_loop3A_825 = tpu.memref_squeeze %parallel_loop3A_824 : memref<1x400x32xf32, #tpu.memory_space<vmem>> -> memref<400x32xf32, #tpu.memory_space<vmem>>
        %parallel_loop3A_826 = arith.index_cast %parallel_loop3A_821 : i32 to index
        %parallel_loop3A_827 = arith.constant 0 : index
        %parallel_loop3A_828 = tpu.vector_load %parallel_loop3A_825[%parallel_loop3A_826, %parallel_loop3A_827] {strides = array<i32>} : memref<400x32xf32, #tpu.memory_space<vmem>>, vector<16xf32>,
        %parallel_loop3A_829 = arith.constant 0 : i32
        %parallel_loop3A_830 = arith.constant 0 : i32
        %parallel_loop3A_831 = tpu.memref_slice %arg11[%rem3A_94, %parallel_loop3A_829, %parallel_loop3A_830] : memref<2x400x32xf32, #tpu.memory_space<vmem>> -> memref<1x400x32xf32, #tpu.memory_space<vmem>>
        %parallel_loop3A_832 = tpu.memref_squeeze %parallel_loop3A_831 : memref<1x400x32xf32, #tpu.memory_space<vmem>> -> memref<400x32xf32, #tpu.memory_space<vmem>>
        %parallel_loop3A_833 = arith.index_cast %parallel_loop3A_821 : i32 to index
        %parallel_loop3A_834 = arith.constant 16 : index
        %parallel_loop3A_835 = tpu.vector_load %parallel_loop3A_832[%parallel_loop3A_833, %parallel_loop3A_834] {strides = array<i32>} : memref<400x32xf32, #tpu.memory_space<vmem>>, vector<16xf32>,
        %parallel_loop3A_836 = arith.constant 0 : i32
        %parallel_loop3A_837 = arith.constant 0 : i32
        %parallel_loop3A_838 = tpu.memref_slice %arg12[%rem3A_94, %parallel_loop3A_836, %parallel_loop3A_837] : memref<2x400x32xf32, #tpu.memory_space<vmem>> -> memref<1x400x32xf32, #tpu.memory_space<vmem>>
        %parallel_loop3A_839 = tpu.memref_squeeze %parallel_loop3A_838 : memref<1x400x32xf32, #tpu.memory_space<vmem>> -> memref<400x32xf32, #tpu.memory_space<vmem>>
        %parallel_loop3A_840 = arith.index_cast %parallel_loop3A_821 : i32 to index
        %parallel_loop3A_841 = arith.constant 0 : index
        %parallel_loop3A_842 = tpu.vector_load %parallel_loop3A_839[%parallel_loop3A_840, %parallel_loop3A_841] {strides = array<i32>} : memref<400x32xf32, #tpu.memory_space<vmem>>, vector<16xf32>,
        %parallel_loop3A_843 = arith.constant 0 : i32
        %parallel_loop3A_844 = arith.constant 0 : i32
        %parallel_loop3A_845 = tpu.memref_slice %arg12[%rem3A_94, %parallel_loop3A_843, %parallel_loop3A_844] : memref<2x400x32xf32, #tpu.memory_space<vmem>> -> memref<1x400x32xf32, #tpu.memory_space<vmem>>
        %parallel_loop3A_846 = tpu.memref_squeeze %parallel_loop3A_845 : memref<1x400x32xf32, #tpu.memory_space<vmem>> -> memref<400x32xf32, #tpu.memory_space<vmem>>
        %parallel_loop3A_847 = arith.index_cast %parallel_loop3A_821 : i32 to index
        %parallel_loop3A_848 = arith.constant 16 : index
        %parallel_loop3A_849 = tpu.vector_load %parallel_loop3A_846[%parallel_loop3A_847, %parallel_loop3A_848] {strides = array<i32>} : memref<400x32xf32, #tpu.memory_space<vmem>>, vector<16xf32>,
        %parallel_loop3A_850 = arith.addf %parallel_loop3A_828, %parallel_loop3A_842 : vector<16xf32>
        %parallel_loop3A_851 = arith.addf %parallel_loop3A_835, %parallel_loop3A_849 : vector<16xf32>
        %parallel_loop3A_852 = arith.constant 2.000000e-01 : f32
        %parallel_loop3A_853 = vector.broadcast %parallel_loop3A_852 : f32 to vector<16xf32>
        %parallel_loop3A_854 = arith.mulf %parallel_loop3A_850, %parallel_loop3A_853 : vector<16xf32>
        %parallel_loop3A_855 = arith.maximumf %parallel_loop3A_850, %parallel_loop3A_854 : vector<16xf32>
        %parallel_loop3A_856 = arith.constant 2.000000e-01 : f32
        %parallel_loop3A_857 = vector.broadcast %parallel_loop3A_856 : f32 to vector<16xf32>
        %parallel_loop3A_858 = arith.mulf %parallel_loop3A_851, %parallel_loop3A_857 : vector<16xf32>
        %parallel_loop3A_859 = arith.maximumf %parallel_loop3A_851, %parallel_loop3A_858 : vector<16xf32>
        %parallel_loop3A_860 = arith.mulf %get3A_39, %parallel_loop3A_855 : vector<16xf32>
        %parallel_loop3A_861 = arith.mulf %get3A_43, %parallel_loop3A_859 : vector<16xf32>
        %parallel_loop3A_862 = arith.addf %parallel_loop3A_860, %parallel_loop3A_861 : vector<16xf32>
        %parallel_loop3A_863 = arith.constant 13 : i32
        %parallel_loop3A_864 = vector.broadcast %parallel_loop3A_863 : i32 to vector<16xi32>
        %parallel_loop3A_865 = arith.cmpi eq, %iota3A, %parallel_loop3A_864 : vector<16xi32>
        %parallel_loop3A_866 = arith.constant true
        %parallel_loop3A_867 = vector.broadcast %parallel_loop3A_866 : i1 to vector<16xi1>
        %parallel_loop3A_868 = tpu.scan <sum>, %parallel_loop3A_862 masked %parallel_loop3A_867 : vector<16xf32>, vector<16xi1> -> vector<16xf32>
        %parallel_loop3A_869 = vector.extract %parallel_loop3A_868[15] : f32 from vector<16xf32>
        %parallel_loop3A_870 = vector.broadcast %parallel_loop3A_869 : f32 to vector<16xf32>
        %parallel_loop3A_871 = arith.select %parallel_loop3A_865, %parallel_loop3A_870, %parallel_loop3A_819 : vector<16xi1>, vector<16xf32>
        %parallel_loop3A_872 = arith.constant 14 : i32
        %parallel_loop3A_873 = arith.addi %parallel_loop3A_141, %parallel_loop3A_872 : i32
        %parallel_loop3A_874 = arith.constant 0 : i32
        %parallel_loop3A_875 = arith.constant 0 : i32
        %parallel_loop3A_876 = tpu.memref_slice %arg11[%rem3A_94, %parallel_loop3A_874, %parallel_loop3A_875] : memref<2x400x32xf32, #tpu.memory_space<vmem>> -> memref<1x400x32xf32, #tpu.memory_space<vmem>>
        %parallel_loop3A_877 = tpu.memref_squeeze %parallel_loop3A_876 : memref<1x400x32xf32, #tpu.memory_space<vmem>> -> memref<400x32xf32, #tpu.memory_space<vmem>>
        %parallel_loop3A_878 = arith.index_cast %parallel_loop3A_873 : i32 to index
        %parallel_loop3A_879 = arith.constant 0 : index
        %parallel_loop3A_880 = tpu.vector_load %parallel_loop3A_877[%parallel_loop3A_878, %parallel_loop3A_879] {strides = array<i32>} : memref<400x32xf32, #tpu.memory_space<vmem>>, vector<16xf32>,
        %parallel_loop3A_881 = arith.constant 0 : i32
        %parallel_loop3A_882 = arith.constant 0 : i32
        %parallel_loop3A_883 = tpu.memref_slice %arg11[%rem3A_94, %parallel_loop3A_881, %parallel_loop3A_882] : memref<2x400x32xf32, #tpu.memory_space<vmem>> -> memref<1x400x32xf32, #tpu.memory_space<vmem>>
        %parallel_loop3A_884 = tpu.memref_squeeze %parallel_loop3A_883 : memref<1x400x32xf32, #tpu.memory_space<vmem>> -> memref<400x32xf32, #tpu.memory_space<vmem>>
        %parallel_loop3A_885 = arith.index_cast %parallel_loop3A_873 : i32 to index
        %parallel_loop3A_886 = arith.constant 16 : index
        %parallel_loop3A_887 = tpu.vector_load %parallel_loop3A_884[%parallel_loop3A_885, %parallel_loop3A_886] {strides = array<i32>} : memref<400x32xf32, #tpu.memory_space<vmem>>, vector<16xf32>,
        %parallel_loop3A_888 = arith.constant 0 : i32
        %parallel_loop3A_889 = arith.constant 0 : i32
        %parallel_loop3A_890 = tpu.memref_slice %arg12[%rem3A_94, %parallel_loop3A_888, %parallel_loop3A_889] : memref<2x400x32xf32, #tpu.memory_space<vmem>> -> memref<1x400x32xf32, #tpu.memory_space<vmem>>
        %parallel_loop3A_891 = tpu.memref_squeeze %parallel_loop3A_890 : memref<1x400x32xf32, #tpu.memory_space<vmem>> -> memref<400x32xf32, #tpu.memory_space<vmem>>
        %parallel_loop3A_892 = arith.index_cast %parallel_loop3A_873 : i32 to index
        %parallel_loop3A_893 = arith.constant 0 : index
        %parallel_loop3A_894 = tpu.vector_load %parallel_loop3A_891[%parallel_loop3A_892, %parallel_loop3A_893] {strides = array<i32>} : memref<400x32xf32, #tpu.memory_space<vmem>>, vector<16xf32>,
        %parallel_loop3A_895 = arith.constant 0 : i32
        %parallel_loop3A_896 = arith.constant 0 : i32
        %parallel_loop3A_897 = tpu.memref_slice %arg12[%rem3A_94, %parallel_loop3A_895, %parallel_loop3A_896] : memref<2x400x32xf32, #tpu.memory_space<vmem>> -> memref<1x400x32xf32, #tpu.memory_space<vmem>>
        %parallel_loop3A_898 = tpu.memref_squeeze %parallel_loop3A_897 : memref<1x400x32xf32, #tpu.memory_space<vmem>> -> memref<400x32xf32, #tpu.memory_space<vmem>>
        %parallel_loop3A_899 = arith.index_cast %parallel_loop3A_873 : i32 to index
        %parallel_loop3A_900 = arith.constant 16 : index
        %parallel_loop3A_901 = tpu.vector_load %parallel_loop3A_898[%parallel_loop3A_899, %parallel_loop3A_900] {strides = array<i32>} : memref<400x32xf32, #tpu.memory_space<vmem>>, vector<16xf32>,
        %parallel_loop3A_902 = arith.addf %parallel_loop3A_880, %parallel_loop3A_894 : vector<16xf32>
        %parallel_loop3A_903 = arith.addf %parallel_loop3A_887, %parallel_loop3A_901 : vector<16xf32>
        %parallel_loop3A_904 = arith.constant 2.000000e-01 : f32
        %parallel_loop3A_905 = vector.broadcast %parallel_loop3A_904 : f32 to vector<16xf32>
        %parallel_loop3A_906 = arith.mulf %parallel_loop3A_902, %parallel_loop3A_905 : vector<16xf32>
        %parallel_loop3A_907 = arith.maximumf %parallel_loop3A_902, %parallel_loop3A_906 : vector<16xf32>
        %parallel_loop3A_908 = arith.constant 2.000000e-01 : f32
        %parallel_loop3A_909 = vector.broadcast %parallel_loop3A_908 : f32 to vector<16xf32>
        %parallel_loop3A_910 = arith.mulf %parallel_loop3A_903, %parallel_loop3A_909 : vector<16xf32>
        %parallel_loop3A_911 = arith.maximumf %parallel_loop3A_903, %parallel_loop3A_910 : vector<16xf32>
        %parallel_loop3A_912 = arith.mulf %get3A_39, %parallel_loop3A_907 : vector<16xf32>
        %parallel_loop3A_913 = arith.mulf %get3A_43, %parallel_loop3A_911 : vector<16xf32>
        %parallel_loop3A_914 = arith.addf %parallel_loop3A_912, %parallel_loop3A_913 : vector<16xf32>
        %parallel_loop3A_915 = arith.constant 14 : i32
        %parallel_loop3A_916 = vector.broadcast %parallel_loop3A_915 : i32 to vector<16xi32>
        %parallel_loop3A_917 = arith.cmpi eq, %iota3A, %parallel_loop3A_916 : vector<16xi32>
        %parallel_loop3A_918 = arith.constant true
        %parallel_loop3A_919 = vector.broadcast %parallel_loop3A_918 : i1 to vector<16xi1>
        %parallel_loop3A_920 = tpu.scan <sum>, %parallel_loop3A_914 masked %parallel_loop3A_919 : vector<16xf32>, vector<16xi1> -> vector<16xf32>
        %parallel_loop3A_921 = vector.extract %parallel_loop3A_920[15] : f32 from vector<16xf32>
        %parallel_loop3A_922 = vector.broadcast %parallel_loop3A_921 : f32 to vector<16xf32>
        %parallel_loop3A_923 = arith.select %parallel_loop3A_917, %parallel_loop3A_922, %parallel_loop3A_871 : vector<16xi1>, vector<16xf32>
        %parallel_loop3A_924 = arith.constant 15 : i32
        %parallel_loop3A_925 = arith.addi %parallel_loop3A_141, %parallel_loop3A_924 : i32
        %parallel_loop3A_926 = arith.constant 0 : i32
        %parallel_loop3A_927 = arith.constant 0 : i32
        %parallel_loop3A_928 = tpu.memref_slice %arg11[%rem3A_94, %parallel_loop3A_926, %parallel_loop3A_927] : memref<2x400x32xf32, #tpu.memory_space<vmem>> -> memref<1x400x32xf32, #tpu.memory_space<vmem>>
        %parallel_loop3A_929 = tpu.memref_squeeze %parallel_loop3A_928 : memref<1x400x32xf32, #tpu.memory_space<vmem>> -> memref<400x32xf32, #tpu.memory_space<vmem>>
        %parallel_loop3A_930 = arith.index_cast %parallel_loop3A_925 : i32 to index
        %parallel_loop3A_931 = arith.constant 0 : index
        %parallel_loop3A_932 = tpu.vector_load %parallel_loop3A_929[%parallel_loop3A_930, %parallel_loop3A_931] {strides = array<i32>} : memref<400x32xf32, #tpu.memory_space<vmem>>, vector<16xf32>,
        %parallel_loop3A_933 = arith.constant 0 : i32
        %parallel_loop3A_934 = arith.constant 0 : i32
        %parallel_loop3A_935 = tpu.memref_slice %arg11[%rem3A_94, %parallel_loop3A_933, %parallel_loop3A_934] : memref<2x400x32xf32, #tpu.memory_space<vmem>> -> memref<1x400x32xf32, #tpu.memory_space<vmem>>
        %parallel_loop3A_936 = tpu.memref_squeeze %parallel_loop3A_935 : memref<1x400x32xf32, #tpu.memory_space<vmem>> -> memref<400x32xf32, #tpu.memory_space<vmem>>
        %parallel_loop3A_937 = arith.index_cast %parallel_loop3A_925 : i32 to index
        %parallel_loop3A_938 = arith.constant 16 : index
        %parallel_loop3A_939 = tpu.vector_load %parallel_loop3A_936[%parallel_loop3A_937, %parallel_loop3A_938] {strides = array<i32>} : memref<400x32xf32, #tpu.memory_space<vmem>>, vector<16xf32>,
        %parallel_loop3A_940 = arith.constant 0 : i32
        %parallel_loop3A_941 = arith.constant 0 : i32
        %parallel_loop3A_942 = tpu.memref_slice %arg12[%rem3A_94, %parallel_loop3A_940, %parallel_loop3A_941] : memref<2x400x32xf32, #tpu.memory_space<vmem>> -> memref<1x400x32xf32, #tpu.memory_space<vmem>>
        %parallel_loop3A_943 = tpu.memref_squeeze %parallel_loop3A_942 : memref<1x400x32xf32, #tpu.memory_space<vmem>> -> memref<400x32xf32, #tpu.memory_space<vmem>>
        %parallel_loop3A_944 = arith.index_cast %parallel_loop3A_925 : i32 to index
        %parallel_loop3A_945 = arith.constant 0 : index
        %parallel_loop3A_946 = tpu.vector_load %parallel_loop3A_943[%parallel_loop3A_944, %parallel_loop3A_945] {strides = array<i32>} : memref<400x32xf32, #tpu.memory_space<vmem>>, vector<16xf32>,
        %parallel_loop3A_947 = arith.constant 0 : i32
        %parallel_loop3A_948 = arith.constant 0 : i32
        %parallel_loop3A_949 = tpu.memref_slice %arg12[%rem3A_94, %parallel_loop3A_947, %parallel_loop3A_948] : memref<2x400x32xf32, #tpu.memory_space<vmem>> -> memref<1x400x32xf32, #tpu.memory_space<vmem>>
        %parallel_loop3A_950 = tpu.memref_squeeze %parallel_loop3A_949 : memref<1x400x32xf32, #tpu.memory_space<vmem>> -> memref<400x32xf32, #tpu.memory_space<vmem>>
        %parallel_loop3A_951 = arith.index_cast %parallel_loop3A_925 : i32 to index
        %parallel_loop3A_952 = arith.constant 16 : index
        %parallel_loop3A_953 = tpu.vector_load %parallel_loop3A_950[%parallel_loop3A_951, %parallel_loop3A_952] {strides = array<i32>} : memref<400x32xf32, #tpu.memory_space<vmem>>, vector<16xf32>,
        %parallel_loop3A_954 = arith.addf %parallel_loop3A_932, %parallel_loop3A_946 : vector<16xf32>
        %parallel_loop3A_955 = arith.addf %parallel_loop3A_939, %parallel_loop3A_953 : vector<16xf32>
        %parallel_loop3A_956 = arith.constant 2.000000e-01 : f32
        %parallel_loop3A_957 = vector.broadcast %parallel_loop3A_956 : f32 to vector<16xf32>
        %parallel_loop3A_958 = arith.mulf %parallel_loop3A_954, %parallel_loop3A_957 : vector<16xf32>
        %parallel_loop3A_959 = arith.maximumf %parallel_loop3A_954, %parallel_loop3A_958 : vector<16xf32>
        %parallel_loop3A_960 = arith.constant 2.000000e-01 : f32
        %parallel_loop3A_961 = vector.broadcast %parallel_loop3A_960 : f32 to vector<16xf32>
        %parallel_loop3A_962 = arith.mulf %parallel_loop3A_955, %parallel_loop3A_961 : vector<16xf32>
        %parallel_loop3A_963 = arith.maximumf %parallel_loop3A_955, %parallel_loop3A_962 : vector<16xf32>
        %parallel_loop3A_964 = arith.mulf %get3A_39, %parallel_loop3A_959 : vector<16xf32>
        %parallel_loop3A_965 = arith.mulf %get3A_43, %parallel_loop3A_963 : vector<16xf32>
        %parallel_loop3A_966 = arith.addf %parallel_loop3A_964, %parallel_loop3A_965 : vector<16xf32>
        %parallel_loop3A_967 = arith.constant 15 : i32
        %parallel_loop3A_968 = vector.broadcast %parallel_loop3A_967 : i32 to vector<16xi32>
        %parallel_loop3A_969 = arith.cmpi eq, %iota3A, %parallel_loop3A_968 : vector<16xi32>
        %parallel_loop3A_970 = arith.constant true
        %parallel_loop3A_971 = vector.broadcast %parallel_loop3A_970 : i1 to vector<16xi1>
        %parallel_loop3A_972 = tpu.scan <sum>, %parallel_loop3A_966 masked %parallel_loop3A_971 : vector<16xf32>, vector<16xi1> -> vector<16xf32>
        %parallel_loop3A_973 = vector.extract %parallel_loop3A_972[15] : f32 from vector<16xf32>
        %parallel_loop3A_974 = vector.broadcast %parallel_loop3A_973 : f32 to vector<16xf32>
        %parallel_loop3A_975 = arith.select %parallel_loop3A_969, %parallel_loop3A_974, %parallel_loop3A_923 : vector<16xi1>, vector<16xf32>
        %parallel_loop3A_976 = math.exp %parallel_loop3A_975 : vector<16xf32>
        %parallel_loop3A_977 = arith.index_cast %add3A_93 : i32 to index
        %parallel_loop3A_978 = arith.index_cast %parallel_loop3A_141 : i32 to index
        %parallel_loop3A_979 = tpu.vector_load %arg13[%parallel_loop3A_977, %parallel_loop3A_978] {strides = array<i32>} : memref<25x400xf32, #tpu.memory_space<vmem>>, vector<16xf32>,
        tpu.vector_store %arg13[%parallel_loop3A_977, %parallel_loop3A_978], %parallel_loop3A_976 {strides = array<i32>} : memref<25x400xf32, #tpu.memory_space<vmem>>, vector<16xf32>,
      } {sc.loop_unroll_factor = 2 : i64, sc.parallel_access}
      %dma_start3A_127 = arith.constant 0 : i32
      %dma_start3A_128 = tpu.memref_slice %arg13[%add3A_93, %dma_start3A_127] : memref<25x400xf32, #tpu.memory_space<vmem>> -> memref<1x400xf32, #tpu.memory_space<vmem>>
      %dma_start3A_129 = tpu.memref_squeeze %dma_start3A_128 : memref<1x400xf32, #tpu.memory_space<vmem>> -> memref<400xf32, #tpu.memory_space<vmem>>
      %dma_start3A_130 = arith.constant 0 : i32
      %dma_start3A_131 = tpu.memref_slice %arg9[%add3A_93, %dma_start3A_130] : memref<25x400xi32, #tpu.memory_space<vmem>> -> memref<1x400xi32, #tpu.memory_space<vmem>>
      %dma_start3A_132 = tpu.memref_squeeze %dma_start3A_131 : memref<1x400xi32, #tpu.memory_space<vmem>> -> memref<400xi32, #tpu.memory_space<vmem>>
      %dma_start3A_133 = arith.constant 0 : i32
      %dma_start3A_134 = tpu.memref_slice %arg16[%dma_start3A_133] : memref<10000xf32, #tpu.memory_space<vmem_shared>> -> memref<10000xf32, #tpu.memory_space<vmem_shared>>
      tpu.enqueue_indirect_dma source(%dma_start3A_129 : memref<400xf32, #tpu.memory_space<vmem>>) target(%dma_start3A_134 : memref<10000xf32, #tpu.memory_space<vmem_shared>>) offsets(%dma_start3A_132 : memref<400xi32, #tpu.memory_space<vmem>>) semaphore(%arg21 : memref<!tpu.dma_semaphore, #tpu.memory_space<semaphore_mem>>) {add = true}
      %ge3A = arith.constant 2 : i32
      %ge3A_135 = arith.cmpi sge, %add3A_93, %ge3A : i32
      %convert_element_type3A_136 = arith.extui %ge3A_135 : i1 to i32
      %cond3A_137 = arith.constant 0 : i32
      %cond3A_138 = arith.cmpi ne, %convert_element_type3A_136, %cond3A_137 : i32
      scf.if %cond3A_138 {
        %sub3A = arith.constant 2 : i32
        %sub3A_139 = arith.subi %add3A_93, %sub3A : i32
        %dma_wait3A_140 = arith.constant 0 : i32
        %dma_wait3A_141 = tpu.memref_slice %arg13[%sub3A_139, %dma_wait3A_140] : memref<25x400xf32, #tpu.memory_space<vmem>> -> memref<1x400xf32, #tpu.memory_space<vmem>>
        %dma_wait3A_142 = tpu.memref_squeeze %dma_wait3A_141 : memref<1x400xf32, #tpu.memory_space<vmem>> -> memref<400xf32, #tpu.memory_space<vmem>>
        %dma_wait3A_143 = arith.constant 0 : i32
        %dma_wait3A_144 = tpu.memref_slice %arg9[%sub3A_139, %dma_wait3A_143] : memref<25x400xi32, #tpu.memory_space<vmem>> -> memref<1x400xi32, #tpu.memory_space<vmem>>
        %dma_wait3A_145 = tpu.memref_squeeze %dma_wait3A_144 : memref<1x400xi32, #tpu.memory_space<vmem>> -> memref<400xi32, #tpu.memory_space<vmem>>
        %dma_wait3A_146 = arith.constant 0 : i32
        %dma_wait3A_147 = tpu.memref_slice %arg16[%dma_wait3A_146] : memref<10000xf32, #tpu.memory_space<vmem_shared>> -> memref<10000xf32, #tpu.memory_space<vmem_shared>>
        tpu.wait_indirect_dma semaphore(%arg21 : memref<!tpu.dma_semaphore, #tpu.memory_space<semaphore_mem>>) src(%dma_wait3A_142 : memref<400xf32, #tpu.memory_space<vmem>>) dst(%dma_wait3A_147 : memref<10000xf32, #tpu.memory_space<vmem_shared>>)
      } else {
      }
    }
    %scan3A_77 = arith.constant 25 : i32
    %scan3A_78 = arith.constant 0 : i32
    %scan3A_79 = arith.constant 2 : i32
    %scan3A_80 = arith.addi %scan3A_78, %scan3A_79 : i32
    %scan3A_81 = arith.constant 1 : i32
    scf.for %scan3A_89 = %scan3A_78 to %scan3A_80 step %scan3A_81  : i32 {
      %mul3A_90 = arith.constant 1 : i32
      %mul3A_91 = arith.muli %scan3A_89, %mul3A_90 : i32
      %add3A_92 = arith.constant 23 : i32
      %add3A_93 = arith.addi %add3A_92, %mul3A_91 : i32
      %dma_wait3A_94 = arith.constant 0 : i32
      %dma_wait3A_95 = tpu.memref_slice %arg13[%add3A_93, %dma_wait3A_94] : memref<25x400xf32, #tpu.memory_space<vmem>> -> memref<1x400xf32, #tpu.memory_space<vmem>>
      %dma_wait3A_96 = tpu.memref_squeeze %dma_wait3A_95 : memref<1x400xf32, #tpu.memory_space<vmem>> -> memref<400xf32, #tpu.memory_space<vmem>>
      %dma_wait3A_97 = arith.constant 0 : i32
      %dma_wait3A_98 = tpu.memref_slice %arg9[%add3A_93, %dma_wait3A_97] : memref<25x400xi32, #tpu.memory_space<vmem>> -> memref<1x400xi32, #tpu.memory_space<vmem>>
      %dma_wait3A_99 = tpu.memref_squeeze %dma_wait3A_98 : memref<1x400xi32, #tpu.memory_space<vmem>> -> memref<400xi32, #tpu.memory_space<vmem>>
      %dma_wait3A_100 = arith.constant 0 : i32
      %dma_wait3A_101 = tpu.memref_slice %arg16[%dma_wait3A_100] : memref<10000xf32, #tpu.memory_space<vmem_shared>> -> memref<10000xf32, #tpu.memory_space<vmem_shared>>
      tpu.wait_indirect_dma semaphore(%arg21 : memref<!tpu.dma_semaphore, #tpu.memory_space<semaphore_mem>>) src(%dma_wait3A_96 : memref<400xf32, #tpu.memory_space<vmem>>) dst(%dma_wait3A_101 : memref<10000xf32, #tpu.memory_space<vmem_shared>>)
    }
    %scan3A_82 = arith.constant 2 : i32
    "tpu.region"() ({
      %run_scoped3A = tpu.sem_alloc : memref<!tpu.dma_semaphore, #tpu.memory_space<semaphore_mem>>
      %dma_start3A_89 = arith.constant 0 : i32
      %dma_start3A_90 = arith.constant 0 : i32
      %dma_start3A_91 = tpu.memref_slice %arg7[%add3A, %dma_start3A_89, %dma_start3A_90] : memref<32x25x400xf32, #tpu.memory_space<hbm>> -> memref<1x25x400xf32, #tpu.memory_space<hbm>>
      %dma_start3A_92 = tpu.memref_squeeze %dma_start3A_91 : memref<1x25x400xf32, #tpu.memory_space<hbm>> -> memref<25x400xf32, #tpu.memory_space<hbm>>
      %dma_start3A_93 = arith.constant 0 : i32
      %dma_start3A_94 = arith.constant 0 : i32
      %dma_start3A_95 = tpu.memref_slice %arg7[%add3A, %dma_start3A_93, %dma_start3A_94] : memref<32x25x400xf32, #tpu.memory_space<hbm>> -> memref<1x25x400xf32, #tpu.memory_space<hbm>>
      %dma_start3A_96 = tpu.memref_squeeze %dma_start3A_95 : memref<1x25x400xf32, #tpu.memory_space<hbm>> -> memref<25x400xf32, #tpu.memory_space<hbm>>
      tpu.enqueue_dma source(%arg13 : memref<25x400xf32, #tpu.memory_space<vmem>>) target(%dma_start3A_96 : memref<25x400xf32, #tpu.memory_space<hbm>>) target_semaphore(%run_scoped3A : memref<!tpu.dma_semaphore, #tpu.memory_space<semaphore_mem>>)
      %dma_wait3A_97 = arith.constant 0 : i32
      %dma_wait3A_98 = arith.constant 0 : i32
      %dma_wait3A_99 = tpu.memref_slice %arg7[%add3A, %dma_wait3A_97, %dma_wait3A_98] : memref<32x25x400xf32, #tpu.memory_space<hbm>> -> memref<1x25x400xf32, #tpu.memory_space<hbm>>
      %dma_wait3A_100 = tpu.memref_squeeze %dma_wait3A_99 : memref<1x25x400xf32, #tpu.memory_space<hbm>> -> memref<25x400xf32, #tpu.memory_space<hbm>>
      %dma_wait3A_101 = arith.constant 0 : i32
      %dma_wait3A_102 = arith.constant 0 : i32
      %dma_wait3A_103 = tpu.memref_slice %arg7[%add3A, %dma_wait3A_101, %dma_wait3A_102] : memref<32x25x400xf32, #tpu.memory_space<hbm>> -> memref<1x25x400xf32, #tpu.memory_space<hbm>>
      %dma_wait3A_104 = tpu.memref_squeeze %dma_wait3A_103 : memref<1x25x400xf32, #tpu.memory_space<hbm>> -> memref<25x400xf32, #tpu.memory_space<hbm>>
      tpu.wait_dma2 semaphore(%run_scoped3A : memref<!tpu.dma_semaphore, #tpu.memory_space<semaphore_mem>>) src(%arg13 : memref<25x400xf32, #tpu.memory_space<vmem>>) dst(%dma_wait3A_104 : memref<25x400xf32, #tpu.memory_space<hbm>>)
      tpu.yield
    }) : () -> ()
    %barrier3A_83 = arith.constant 0 : index
    tpu.barrier barrier_id(%barrier3A_83)
    %eq3A_84 = arith.constant 0 : i32
    %eq3A_85 = arith.cmpi eq, %arg1, %eq3A_84 : i32
    %convert_element_type3A_86 = arith.extui %eq3A_85 : i1 to i32
    %cond3A_87 = arith.constant 0 : i32
    %cond3A_88 = arith.cmpi ne, %convert_element_type3A_86, %cond3A_87 : i32
    scf.if %cond3A_88 {
      "tpu.region"() ({
        %run_scoped3A = tpu.sem_alloc : memref<!tpu.dma_semaphore, #tpu.memory_space<semaphore_mem>>
        %dma_start3A_89 = arith.constant 0 : i32
        %dma_start3A_90 = tpu.memref_slice %arg8[%arg0, %dma_start3A_89] : memref<2x10000xf32, #tpu.memory_space<hbm>> -> memref<1x10000xf32, #tpu.memory_space<hbm>>
        %dma_start3A_91 = tpu.memref_squeeze %dma_start3A_90 : memref<1x10000xf32, #tpu.memory_space<hbm>> -> memref<10000xf32, #tpu.memory_space<hbm>>
        tpu.enqueue_dma source(%arg16 : memref<10000xf32, #tpu.memory_space<vmem_shared>>) target(%dma_start3A_91 : memref<10000xf32, #tpu.memory_space<hbm>>) target_semaphore(%run_scoped3A : memref<!tpu.dma_semaphore, #tpu.memory_space<semaphore_mem>>)
        %dma_wait3A_92 = arith.constant 0 : i32
        %dma_wait3A_93 = tpu.memref_slice %arg8[%arg0, %dma_wait3A_92] : memref<2x10000xf32, #tpu.memory_space<hbm>> -> memref<1x10000xf32, #tpu.memory_space<hbm>>
        %dma_wait3A_94 = tpu.memref_squeeze %dma_wait3A_93 : memref<1x10000xf32, #tpu.memory_space<hbm>> -> memref<10000xf32, #tpu.memory_space<hbm>>
        tpu.wait_dma2 semaphore(%run_scoped3A : memref<!tpu.dma_semaphore, #tpu.memory_space<semaphore_mem>>) src(%arg16 : memref<10000xf32, #tpu.memory_space<vmem_shared>>) dst(%dma_wait3A_94 : memref<10000xf32, #tpu.memory_space<hbm>>)
        tpu.yield
      }) : () -> ()
    } else {
    }
    return
  }
}

module attributes {stable_mosaic.version = 14 : i64} {
  func.func @_uv_body(%arg0: i32, %arg1: memref<1000x128xf32, #tpu.memory_space<vmem>>, %arg2: memref<128x64xf32, #tpu.memory_space<vmem>>, %arg3: memref<1x32xf32, #tpu.memory_space<vmem>>, %arg4: memref<1000x32xf32, #tpu.memory_space<vmem>>, %arg5: memref<1000x32xf32, #tpu.memory_space<vmem>>) attributes {dimension_semantics = [#tpu.dimension_semantics<arbitrary>], iteration_bounds = array<i64: 10>, scalar_prefetch = 0 : i64, scratch_operands = 0 : i64, tpu.core_type = #tpu.core_type<tc>, window_params = [{transform_indices = @transform_0, window_bounds = array<i64: 1000, 128>}, {pipeline_mode = #tpu.pipeline_mode<synchronous>, transform_indices = @transform_1, window_bounds = array<i64: 128, 64>}, {pipeline_mode = #tpu.pipeline_mode<synchronous>, transform_indices = @transform_2, window_bounds = array<i64: 1, 32>}, {transform_indices = @transform_3, window_bounds = array<i64: 1000, 32>}, {transform_indices = @transform_4, window_bounds = array<i64: 1000, 32>}]} {
    %get3A = arith.constant 0 : index
    %get3A_0 = arith.constant 0 : index
    %get3A_1 = vector.load %arg1[%get3A, %get3A_0] : memref<1000x128xf32, #tpu.memory_space<vmem>>, vector<1000x128xf32>
    %get3A_2 = arith.constant 0 : index
    %get3A_3 = arith.constant 0 : index
    %get3A_4 = vector.load %arg2[%get3A_2, %get3A_3] : memref<128x64xf32, #tpu.memory_space<vmem>>, vector<128x64xf32>
    %dot_general3A = arith.constant dense<0.000000e+00> : vector<1000x64xf32>
    %dot_general3A_5 = tpu.matmul %get3A_1, %get3A_4, %dot_general3A {dimension_numbers = #tpu.dot_dimension_numbers<[1], [0], [0], [1], [0, 0, 1, 1], [], []>, transpose_lhs_hint = false} : vector<1000x128xf32>, vector<128x64xf32>, vector<1000x64xf32> -> vector<1000x64xf32>
    %slice3A = vector.extract_strided_slice %dot_general3A_5 {offsets = [0, 0], sizes = [1000, 32], strides = [1, 1]} : vector<1000x64xf32> to vector<1000x32xf32>
    %get3A_6 = arith.constant 0 : index
    %get3A_7 = arith.constant 0 : index
    %get3A_8 = vector.load %arg3[%get3A_6, %get3A_7] : memref<1x32xf32, #tpu.memory_space<vmem>>, vector<1x32xf32>
    %add3A = vector.broadcast %get3A_8 : vector<1x32xf32> to vector<1000x32xf32>
    %add3A_9 = arith.addf %slice3A, %add3A : vector<1000x32xf32>
    %swap3A = arith.constant 0 : index
    %swap3A_10 = arith.constant 0 : index
    %swap3A_11 = vector.load %arg4[%swap3A, %swap3A_10] : memref<1000x32xf32, #tpu.memory_space<vmem>>, vector<1000x32xf32>
    tpu.vector_store %arg4[%swap3A, %swap3A_10], %add3A_9 {strides = array<i32>} : memref<1000x32xf32, #tpu.memory_space<vmem>>, vector<1000x32xf32>,
    %slice3A_12 = vector.extract_strided_slice %dot_general3A_5 {offsets = [0, 32], sizes = [1000, 32], strides = [1, 1]} : vector<1000x64xf32> to vector<1000x32xf32>
    %swap3A_13 = arith.constant 0 : index
    %swap3A_14 = arith.constant 0 : index
    %swap3A_15 = vector.load %arg5[%swap3A_13, %swap3A_14] : memref<1000x32xf32, #tpu.memory_space<vmem>>, vector<1000x32xf32>
    tpu.vector_store %arg5[%swap3A_13, %swap3A_14], %slice3A_12 {strides = array<i32>} : memref<1000x32xf32, #tpu.memory_space<vmem>>, vector<1000x32xf32>,
    return
  }
  func.func @transform_0(%arg0: i32) -> (i32, i32) {
    %c0_i32 = arith.constant 0 : i32
    %c0_i32_0 = arith.constant 0 : i32
    return %arg0, %c0_i32 : i32, i32
  }
  func.func @transform_1(%arg0: i32) -> (i32, i32) {
    %c0_i32 = arith.constant 0 : i32
    %c0_i32_0 = arith.constant 0 : i32
    %c0_i32_1 = arith.constant 0 : i32
    return %c0_i32, %c0_i32_0 : i32, i32
  }
  func.func @transform_2(%arg0: i32) -> (i32, i32) {
    %c0_i32 = arith.constant 0 : i32
    %c0_i32_0 = arith.constant 0 : i32
    %c0_i32_1 = arith.constant 0 : i32
    return %c0_i32, %c0_i32_0 : i32, i32
  }
  func.func @transform_3(%arg0: i32) -> (i32, i32) {
    %c0_i32 = arith.constant 0 : i32
    %c0_i32_0 = arith.constant 0 : i32
    return %arg0, %c0_i32 : i32, i32
  }
  func.func @transform_4(%arg0: i32) -> (i32, i32) {
    %c0_i32 = arith.constant 0 : i32
    %c0_i32_0 = arith.constant 0 : i32
    return %arg0, %c0_i32 : i32, i32
  }
}

</mosaic_0001>

<sc_bundles>
// kernel: kernel.5.cloned.1.call-start
scs
__scs_entry_jumppad:
0x0: {  	(pc) =	sbr.rel $0x88, $3  }
0x1: {  	(tag) =	ssettag $0x0;
	lr =	simm.s32 $0x1  }
0x2: {  	[smem:$0x3F9C] =	sst lr;
	_ =	strace $0xD0000000  }
0x3: {  	_ = 	snop  }
0x4: {  	_ = 	snop  }
0x5: {  	_ = 	snop  }
0x6: {  	_ = 	snop  }
0x7: {  	_ = 	snop  }
__scs_overlays_trampoline_lowered:
0x8: {  	[smem:$0x3FAB] =	sst s0  }
0x9: {  	[smem:$0x3FAC] =	sst s1  }
0xa: {  	[smem:$0x3FAD] =	sst s2  }
0xb: {  	[smem:$0x3FAE] =	sst s3  }
0xc: {  	[smem:$0x3FAF] =	sst s4  }
0xd: {  	[smem:$0x3FB0] =	sst s5  }
0xe: {  	[smem:$0x3FB1] =	sst s6  }
0xf: {  	[smem:$0x3FB2] =	sst s7  }
0x10: {  	[smem:$0x3FB3] =	sst s8  }
0x11: {  	[smem:$0x3FB4] =	sst s9;
	s0 =	simm.s32 @!p0 $0x0  }
0x12: {  	s1 =	sld [smem:$0x3F9A];
	s0 =	simm.s32 @p0 $0x1  }
0x13: {  	[smem:$0x3FB5] =	sst s0;
	s0 =	simm.s32 @!p1 $0x0  }
0x14: {  	s2 =	sld [smem:$0x3F99];
	s0 =	simm.s32 @p1 $0x1  }
0x15: {  	[smem:$0x3FB6] =	sst s0;
	s0 =	simm.s32 @!p2 $0x0  }
0x16: {  	s3 =	sld [smem:$0x3FDB];
	s0 =	simm.s32 @p2 $0x1  }
0x17: {  	s4 =	simm.s32 $0x1BF5;
	[smem:$0x3FB8] =	sst s0  }
0x18: {  	s0 =	sld [smem:$0x3F9B];
	_ =	swait.ge [sflag:s4], $0x0  }
0x19: {  	s7 =	sld [smem:$0x3F9C]  }
0x1a: {  	s8 =	sadd.s32 $0xFFFFE003, lr  }
0x1b: {  	s9 =	sadd.s32 $0xFFFFFEF7, lr;
	s5 =	simm.s32 $0xFFFFFFFF;
	p2 =	slt.u32 s8, $0xFFFFF086  }
0x1c: {  	p1 =	slt.u32 s9, $0xF7A;
	s5 =	simm.s32 @!p2 $0x0  }
0x1d: {  	s5 =	simm.s32 @p1 $0x1;
	p0 =	seq.s32 s7, s2  }
0x1e: {  	s7 =	smul.u32 @!p0 $0xF7A, s2;
	p2 =	seq.s32 @!p0 s5, $0x0  }
0x1f: {  	s9 =	smul.u32 $0xF7A, s1;
	s8 =	simm.s32 @!p0 $0x1BF5;
	p2 =	por !p2, p0  }
0x20: {  	[sflag:s8] =	ssyncset.s32 @!p0 $0xFFFFF086;
	s6 =	sadd.s32 @!p0 s3, s7;
	s7 =	simm.s32 @!p0 $0x108  }
0x21: {  	s3 =	sadd.s32 s3, s9;
	s6 =	sadd.s32 @!p0 $0x88, s6;
	s7 =	simm.s32 @p2 $0x1082  }
0x22: {  	[simem:s7], [sflag:s8] =	dma.local @!p0 [hbm:s6], $0xF7A  }
0x23: {  	s9 =	sor.u32 $0xD0000000, s2;
	s6 =	simm.s32 $0x108;
	_ =	swait.ge @!p0 [sflag:s8], $0x0  }
0x24: {  	s3 =	sadd.s32 $0x88, s3;
	s6 =	simm.s32 @!p1 $0x1082;
	[sflag:s4] =	ssyncset.s32 $0xFFFFF086  }
0x25: {  	[simem:s6], [sflag:s4] =	dma.local [hbm:s3], $0xF7A  }
0x26: {  	[smem:$0x3F9C] =	sst s1;
	(tag) =	ssettag s2;
	_ =	strace s9  }
0x27: {  	s1 =	sld [smem:$0x3FAC]  }
0x28: {  	s2 =	sld [smem:$0x3FAD]  }
0x29: {  	s4 =	sld [smem:$0x3FAF]  }
0x2a: {  	p0 =	seq.s32 s5, $0x0;
	s5 =	sld [smem:$0x3FB0]  }
0x2b: {  	s6 =	sld [smem:$0x3FB1]  }
0x2c: {  	s7 =	sld [smem:$0x3FB2]  }
0x2d: {  	s3 =	simm.s32 $0x108;
	s8 =	sld [smem:$0x3FB3]  }
0x2e: {  	s3 =	simm.s32 @!p0 $0x1082;
	s9 =	sld [smem:$0x3FB4]  }
0x2f: {  	lr =	sadd.s32 s0, s3;
	s0 =	sld [smem:$0x3FAB]  }
0x30: {  	s3 =	sld [smem:$0x3FAE]  }
0x31: {  	[smem:$0x3FB7] =	sst s10  }
0x32: {  	s10 =	sld [smem:$0x3FB5];
	_ =	sdelay $0x3  }
0x33: {  	p0 =	seq.s32 s10, $0x1;
	s10 =	sld [smem:$0x3FB7];
	_ =	sdelay $0x3  }
0x34: {  	[smem:$0x3FB7] =	sst s10  }
0x35: {  	s10 =	sld [smem:$0x3FB6];
	_ =	sdelay $0x3  }
0x36: {  	p1 =	seq.s32 s10, $0x1;
	s10 =	sld [smem:$0x3FB7];
	_ =	sdelay $0x3  }
0x37: {  	[smem:$0x3FB7] =	sst s10  }
0x38: {  	s10 =	sld [smem:$0x3FB8]  }
0x39: {  	_ = 	snop;
	(pc) =	sbr.ind lr, $3  }
0x3a: {  	_ = 	snop  }
0x3b: {  	_ = 	snop  }
0x3c: {  	p2 =	seq.s32 s10, $0x1;
	s10 =	sld [smem:$0x3FB7]  }
0x3d: {  	_ =	shalt  }
0x3e: {  	_ =	shalt  }
0x3f: {  	_ =	shalt  }
0x40: {  	_ =	shalt  }
0x41: {  	_ =	shalt  }
0x42: {  	_ =	shalt  }
0x43: {  	_ =	shalt  }
0x44: {  	_ =	shalt  }
0x45: {  	_ =	shalt  }
0x46: {  	_ =	shalt  }
0x47: {  	_ =	shalt  }
0x48: {  	_ =	shalt  }
0x49: {  	_ =	shalt  }
0x4a: {  	_ =	shalt  }
0x4b: {  	_ =	shalt  }
0x4c: {  	_ =	shalt  }
0x4d: {  	_ =	shalt  }
0x4e: {  	_ =	shalt  }
0x4f: {  	_ =	shalt  }
0x50: {  	_ =	shalt  }
0x51: {  	_ =	shalt  }
0x52: {  	_ =	shalt  }
0x53: {  	_ =	shalt  }
0x54: {  	_ =	shalt  }
0x55: {  	_ =	shalt  }
0x56: {  	_ =	shalt  }
0x57: {  	_ =	shalt  }
0x58: {  	_ =	shalt  }
0x59: {  	_ =	shalt  }
0x5a: {  	_ =	shalt  }
0x5b: {  	_ =	shalt  }
0x5c: {  	_ =	shalt  }
0x5d: {  	_ =	shalt  }
0x5e: {  	_ =	shalt  }
0x5f: {  	_ =	shalt  }
0x60: {  	_ =	shalt  }
0x61: {  	_ =	shalt  }
0x62: {  	_ =	shalt  }
0x63: {  	_ =	shalt  }
0x64: {  	_ =	shalt  }
0x65: {  	_ =	shalt  }
0x66: {  	_ =	shalt  }
0x67: {  	_ =	shalt  }
0x68: {  	_ =	shalt  }
0x69: {  	_ =	shalt  }
0x6a: {  	_ =	shalt  }
0x6b: {  	_ =	shalt  }
0x6c: {  	_ =	shalt  }
0x6d: {  	_ =	shalt  }
0x6e: {  	_ =	shalt  }
0x6f: {  	_ =	shalt  }
0x70: {  	_ =	shalt  }
0x71: {  	_ =	shalt  }
0x72: {  	_ =	shalt  }
0x73: {  	_ =	shalt  }
0x74: {  	_ =	shalt  }
0x75: {  	_ =	shalt  }
0x76: {  	_ =	shalt  }
0x77: {  	_ =	shalt  }
0x78: {  	_ =	shalt  }
0x79: {  	_ =	shalt  }
0x7a: {  	_ =	shalt  }
0x7b: {  	_ =	shalt  }
0x7c: {  	_ =	shalt  }
0x7d: {  	_ =	shalt  }
0x7e: {  	_ =	shalt  }
0x7f: {  	_ =	shalt  }
0x80: {  	_ =	shalt  }
0x81: {  	_ =	shalt  }
0x82: {  	_ =	shalt  }
0x83: {  	_ =	shalt  }
0x84: {  	_ =	shalt  }
0x85: {  	_ =	shalt  }
0x86: {  	_ =	shalt  }
0x87: {  	_ =	shalt  }
.Lfunc_end0:
.L_simem_size_0:
called_computation_lowered:
.L_overlay_start_0:
0x88: {  	s2 =	sld [smem:$0x3FD9]  }
0x89: {  	s3 =	sld [smem:$0x3FFE];
	_ =	sdelay $0x1  }
0x8a: {  	s1 =	srdreg.scid  }
0x8b: {  	s0 =	sand.u32 $0x1, s1  }
0x8c: {  	s17 =	sshll.u32 s0, $0xA;
	s2 =	sadd.s32 s3, s2  }
0x8d: {  	s2 =	sadd.s32 s2, s17  }
0x8e: {  	[smem:$0x3FC3] =	sst s2  }
0x8f: {  	_ = 	snop  }
0x90: {  	s2 =	sld [smem:$0x3FC5]  }
0x91: {  	s18 =	sld [smem:$0x3FD0];
	(tm) =	ssettm $0x1  }
0x92: {  	s4 =	sld [smem:$0x3FFB];
	_ =	sdelay $0x3  }
0x93: {  	_ =	strace s4  }
0x94: {  	s4 =	sld [smem:$0x3FFC];
	_ =	sdelay $0x3  }
0x95: {  	_ =	strace s4  }
0x96: {  	s4 =	sld [smem:$0x3FFD];
	_ =	sdelay $0x3  }
0x97: {  	_ =	strace s4  }
0x98: {  	_ =	strace $0x8FFFFFFF  }
0x99: {  	s19 =	sld [smem:$0x3FDB];
	_ =	sdelay $0x1  }
0x9a: {  	s5 =	simm.s32 $_scs_section_size  }
0x9b: {  	s6 =	simm.s32 $_size__tile_overlayer_lowered;
	s7 =	simm.s32 $_tile_overlayer_lowered  }
0x9c: {  	s22 =	simm.s32 $0x1BFF;
	s21 =	sshll.u32 s7, $0x1;
	s4 =	sadd.s32 s5, s19  }
0x9d: {  	s8 =	simm.s32 $0x0;
	s20 =	sshll.u32 s6, $0x1;
	s6 =	sadd.s32 s21, s4  }
0x9e: {  	[timem:s8], [sflag:s22] =	dma.local [hbm:s6], s20  }
0x9f: {  	_ =	swait.ge [sflag:s22], s20  }
0xa0: {  	s5 =	ssub.s32 $0x0, s20;
	[sflag:s22] =	ssyncset.done $0x0  }
0xa1: {  	[sflag:s22] =	ssyncadd.s32 s5;
	_ =	sdelay $0x1  }
0xa2: {  	s23 =	simm.s32 $0x1B8B  }
0xa3: {  	_ =	swait.ge [sflag:s23], $0x1  }
0xa4: {  	[sflag:s23] =	ssyncset.done $0x0  }
0xa5: {  	s25 =	simm.s32 $0x1B8E;
	s24 =	sld [smem:$0x3FFE];
	[sflag:s23] =	ssyncadd.s32 $0xFFFFFFFF  }
0xa6: {  	s26 =	simm.s32 $execute0_lowered;
	[smem:$0x3FD2] =	sst s25  }
0xa7: {  	s6 =	sshll.u32 s26, $0x1;
	_ =	strace $0x80000046;
	[dreg:$0x1] =	wrdreg $0xFFFFFFFF  }
0xa8: {  	s28 =	simm.s32 $_size_execute0_lowered;
	s4 =	sadd.s32 s4, s6;
	[dreg:$0x0] =	wrdreg $0x0  }
0xa9: {  	s6 =	sshll.u32 s28, $0x1;
	[dreg:$0x2] =	wrdreg s4  }
0xaa: {  	[dreg:$0x3] =	wrdreg s6  }
0xab: {  	[dreg:$0x4] =	wrdreg $0xC0  }
0xac: {  	_ =	task [dreg:s8], $0x5FFFF  }
0xad: {  	[dreg:$0x1] =	wrdreg $0xFFFFFFFF  }
0xae: {  	[dreg:$0x0] =	wrdreg $0x60  }
0xaf: {  	[dreg:$0x2] =	wrdreg s18  }
0xb0: {  	[dreg:$0x3] =	wrdreg s24  }
0xb1: {  	[dreg:$0x4] =	wrdreg s2  }
0xb2: {  	[dreg:$0x5] =	wrdreg $0x141580  }
0xb3: {  	[dreg:$0x6] =	wrdreg $0x18F780  }
0xb4: {  	[dreg:$0x7] =	wrdreg $0x13EE00  }
0xb5: {  	[dreg:$0x8] =	wrdreg $0x9  }
0xb6: {  	_ =	task.clear_ibuf [dreg:s8], $0x9FFFF;
	_ =	strace $0x90000046  }
0xb7: {  	s29 =	simm.s32 $0x9;
	_ =	strace $0x80000048  }
0xb8: {  	_ =	swait.ge [sflag:s29], $0x1  }
0xb9: {  	[sflag:s29] =	ssyncadd.s32 $0xFFFFFFFF  }
0xba: {  	_ =	strace $0x90000048  }
0xbb: {  	_ =	sfence  }
0xbc: {  	s30 =	sld [smem:$0x0];
	_ =	sdelay $0x2  }
0xbd: {  	s31 =	sshll.u32 s1, $0xD;
	s1 =	sshrl.u32 s1, $0x2  }
0xbe: {  	s3 =	sand.u32 $0x4000, s31;
	s1 =	sadd.s32 s1, s30  }
0xbf: {  	s0 =	sor.u32 s3, s0;
	s1 =	sshll.u32 s1, $0x11  }
0xc0: {  	s0 =	sor.u32 s1, s0  }
0xc1: {  	s0 =	sadd.s32 $0x8F2B, s0  }
0xc2: {  	[sflag:s0] =	ssyncadd.remote.s32 $0x1  }
0xc3: {  	_ =	sfence.sel $0xFFFF  }
0xc4: {  	[dreg:$0x0] =	wrdreg $0xFFFFFFFF;
	(pc) =	sbr.abs _section_cstart, $3  }
0xc5: {  	[dreg:$0x1] =	wrdreg $0xFFFFFFFF  }
0xc6: {  	_ =	task.clear_ibuf [dreg:s8], $0x2FFFF;
	_ =	strace $0x9FFFFFFF  }
0xc7: {  	(tm) =	ssettm $0x7FFFFFFF  }
tec
execute0_lowered:
.L_overlay_start_1:
0x0: {  	(tag) =	ssettag $0x1  }
0x1: {  	s0 =	rddreg [dreg:$0x0]  }
0x2: {  	s1 =	rddreg [dreg:$0x1]  }
0x3: {  	s2 =	rddreg [dreg:$0x3]  }
0x4: {  	s3 =	rddreg [dreg:$0x4]  }
0x5: {  	s4 =	rddreg [dreg:$0x5]  }
0x6: {  	s5 =	stileid.u32;
	s6 =	srdreg.scid;
	s9 =	simm.s32 $0x0  }
0x7: {  	s17 =	simm.s32 $0x13D50;
	s18 =	simm.s32 $0x6;
	s21 =	simm.s32 $0x1  }
0x8: {  	s22 =	simm.s32 $0x3;
	s23 =	simm.s32 $0x190;
	s26 =	simm.s32 $0x5  }
0x9: {  	s29 =	simm.s32 $0x0;
	s6 =	sand.u32 $0x1, s6;
	s7 =	sshll.u32 s5, $0x1  }
0xa: {  	s8 =	smul.u32 $0x4E20, s5;
	[smem:$0x7FF] =	sst s9;
	s30 =	sshll.u32 s5, $0x6  }
0xb: {  	p0 =	sne.s32 s5, $0x0;
	s7 =	sor.u32 s6, s7;
	s10 =	smul.u32 $0x4E2, s6  }
0xc: {  	s6 =	ssub.s32 $0x2, s6;
	_ =	strace $0x80000047;
	s31 =	sor.u32 $0x1C01, s30  }
0xd: {  	s7 =	smul.u32 $0x4E2, s7;
	s28 =	sshrl.u32 s8, $0x3;
	s12 =	sshrl.u32 s6, $0x1  }
0xe: {  	v0 =	vimm.f32 $0.0e+00;
	s15 =	sadd.s32 s8, s2;
	[dreg:$0x8] =	wrdreg s31;
	s16 =	sadd.s32 s8, s3  }
0xf: {  	vm0 =	vmmov $0x1;
	vm1 =	vmmov $0x3;
	vm2 =	vmmov $0x7;
	s11 =	sadd.s32 s28, s1;
	s14 =	ssub.s32 s6, s12;
	s0 =	sadd.s32 s0, s28  }
0x10: {  	vm3 =	vmmov $0xf;
	vm4 =	vmmov $0x1f;
	vm5 =	vmmov $0x3f;
	s16 =	sshrl.u32 s16, $0x3;
	s13 =	sadd.s32 s7, s1;
	s1 =	sadd.s32 s10, s1  }
0x11: {  	vm6 =	vmmov $0x7f;
	vm7 =	vmmov $0xff;
	vm8 =	vmmov $0x1ff;
	[dreg:$0x7] =	wrdreg s0;
	s8 =	sadd.s32 $0xE00, s11;
	s9 =	sadd.s32 $0x14A00, s13  }
0x12: {  	vm9 =	vmmov $0x3ff;
	vm10 =	vmmov $0x7ff;
	vm11 =	vmmov $0xfff;
	s10 =	sadd.s32 $0xAC00, s13;
	s11 =	sadd.s32 $0x1E800, s13;
	s12 =	sadd.s32 $0x28600, s1  }
0x13: {  	vm12 =	vmmov $0x1fff;
	vm13 =	vmmov $0x3fff;
	vm14 =	vmmov $0x7fff;
	s13 =	smax.u32 s14, $0x1;
	s14 =	sshrl.u32 s15, $0x3;
	s15 =	sor.u32 $0x1C03, s30  }
.LBB2_1:
.Ltmp0:
0x14: {  	(pc) =	sbr.rel @p0 .LBB2_5-.Ltmp0, $4  }
0x15: {  	s0 =	rddreg [dreg:$0x7]  }
0x16: {  	s1 =	rddreg [dreg:$0x8]  }
0x17: {  	[spmem:s14], [sflag:s1] =	dma.local [hbm:s0], $0x9C4  }
0x18: {  	[spmem:s16], [sflag:s15] =	dma.local [hbm:s8], $0x9C4  }
0x19: {  	[tilespmem:$0x13D50] =	vst v0  }
0x1a: {  	[tilespmem:$0x13D60] =	vst v0  }
0x1b: {  	[tilespmem:$0x13D70] =	vst v0  }
0x1c: {  	[tilespmem:$0x13D80] =	vst v0  }
0x1d: {  	[tilespmem:$0x13D90] =	vst v0  }
0x1e: {  	[tilespmem:$0x13DA0] =	vst v0  }
0x1f: {  	[tilespmem:$0x13DB0] =	vst v0  }
0x20: {  	[tilespmem:$0x13DC0] =	vst v0  }
0x21: {  	[tilespmem:$0x13DD0] =	vst v0  }
0x22: {  	[tilespmem:$0x13DE0] =	vst v0  }
0x23: {  	[tilespmem:$0x13DF0] =	vst v0  }
0x24: {  	[tilespmem:$0x13E00] =	vst v0  }
0x25: {  	[tilespmem:$0x13E10] =	vst v0  }
0x26: {  	[tilespmem:$0x13E20] =	vst v0  }
0x27: {  	[tilespmem:$0x13E30] =	vst v0  }
0x28: {  	[tilespmem:$0x13E40] =	vst v0  }
0x29: {  	[tilespmem:$0x13E50] =	vst v0  }
0x2a: {  	[tilespmem:$0x13E60] =	vst v0  }
0x2b: {  	[tilespmem:$0x13E70] =	vst v0  }
0x2c: {  	[tilespmem:$0x13E80] =	vst v0  }
0x2d: {  	[tilespmem:$0x13E90] =	vst v0  }
0x2e: {  	[tilespmem:$0x13EA0] =	vst v0  }
0x2f: {  	[tilespmem:$0x13EB0] =	vst v0  }
0x30: {  	[tilespmem:$0x13EC0] =	vst v0  }
0x31: {  	[tilespmem:$0x13ED0] =	vst v0;
	s0 =	sadd.s32 $0x0, s4  }
0x32: {  	[spmem:s0] =	stream.linear.scatter [tilespmem:s17], [sflag:$0x6], $0x190, $0x38;
	[tilespmem:$0x1DD98] =	vst v63  }
0x33: {  	s0 =	simm.s32 $0x640;
	_ =	swait.ge [sflag:s18], $0x190  }
.LBB2_3:
0x34: {  	s1 =	sshra.s32 s0, $0x2;
	[sflag:s18] =	ssyncset.done $0x0;
	p1 =	sne.s32 s0, $0x9600  }
.Ltmp1:
0x35: {  	s1 =	sadd.s32 s1, s4;
	[sflag:s18] =	ssyncadd.s32 $0xFFFFFE70;
	(pc) =	sbr.rel @p1 .LBB2_3-.Ltmp1, $3  }
0x36: {  	[spmem:s1] =	stream.linear.scatter [tilespmem:s17], [sflag:$0x6], $0x190, $0x38;
	[tilespmem:$0x1DD98] =	vst v63  }
0x37: {  	s0 =	sadd.s32 $0x640, s0;
	_ =	sdelay $0x1  }
0x38: {  	_ =	swait.ge [sflag:s18], $0x190  }
0x39: {  	[sflag:s18] =	ssyncset.done $0x0  }
0x3a: {  	[sflag:s18] =	ssyncadd.s32 $0xFFFFFE70  }
.LBB2_5:
0x3b: {  	s30 =	simm.s32 $0x0;
	s0 =	rddreg [dreg:$0x2];
	s1 =	simm.s32 $0x13D30  }
0x3c: {  	[tilespmem:s1], [sflag:$0x6] =	stream.linear.gather [hbm4b:s0+s30], $0x20, $0x38;
	[tilespmem:$0x1DD98] =	vst v63  }
0x3d: {  	_ =	swait.ge [sflag:s18], $0x20  }
0x3e: {  	[sflag:s18] =	ssyncset.done $0x0  }
0x3f: {  	[sflag:s18] =	ssyncadd.s32 $0xFFFFFFE0  }
0x40: {  	[tilespmem:s30], [sflag:$0x6] =	stream.linear.gather [hbm4b:s9+s30], $0x2710, $0x38;
	[tilespmem:$0x1DD98] =	vst v63  }
0x41: {  	_ =	swait.ge [sflag:s18], $0x2710  }
0x42: {  	[sflag:s18] =	ssyncset.done $0x0  }
0x43: {  	s25 =	simm.s32 $0x2710;
	[sflag:s18] =	ssyncadd.s32 $0xFFFFD8F0  }
0x44: {  	[tilespmem:s25], [sflag:$0x6] =	stream.linear.gather [hbm4b:s10+s30], $0x2710, $0x38;
	[tilespmem:$0x1DD98] =	vst v63  }
0x45: {  	_ =	swait.ge [sflag:s18], $0x2710  }
0x46: {  	[sflag:s18] =	ssyncset.done $0x0  }
0x47: {  	[sflag:s18] =	ssyncadd.s32 $0xFFFFD8F0  }
0x48: {  	_ =	swait.ge [sflag:s21], $0x9C4  }
0x49: {  	[sflag:s21] =	ssyncset.done $0x0  }
0x4a: {  	[sflag:s21] =	ssyncadd.s32 $0xFFFFF63C  }
0x4b: {  	_ =	swait.ge [sflag:s22], $0x9C4  }
0x4c: {  	[sflag:s22] =	ssyncset.done $0x0  }
0x4d: {  	[sflag:s22] =	ssyncadd.s32 $0xFFFFF63C  }
0x4e: {  	[bflag:$0x0] =	sbarrier.arrive $0xFFFF  }
0x4f: {  	s28 =	simm.s32 $0x4E20;
	v1 =	vld [tilespmem:$0x13D30]  }
0x50: {  	v2 =	vld [tilespmem:$0x13D40];
	[tilespmem:s28], [sflag:$0x1] =	stream.indirect.gather [spmem:s2], $0x20, s30, s23, $0xb8  }
0x51: {  	s31 =	simm.s32 $0xB220  }
0x52: {  	[tilespmem:s31], [sflag:$0x3] =	stream.indirect.gather [spmem:s3], $0x20, s25, s23, $0xb8;
	[tilespmem:$0x1DD98] =	vst v63  }
0x53: {  	p1 =	por $0x0, $0x0;
	s25 =	simm.s32 $0x11630  }
.LBB2_6:
0x54: {  	s19 =	sand.u32 $0x1, s30  }
0x55: {  	s1 =	sadd.s32 $0x1, s19  }
0x56: {  	s0 =	simm.s32 $0x1;
	_ =	swait.ge [sflag:s1], $0x3200  }
0x57: {  	p2 =	seq.s32 s30, $0x18;
	s0 =	simm.s32 @!p1 $0x0;
	[sflag:s1] =	ssyncset.done $0x0  }
0x58: {  	s5 =	sadd.s32 $0x3, s19;
	s28 =	sxor.u32 @!p2 $0x1, s19;
	[sflag:s1] =	ssyncadd.s32 $0xFFFFCE00  }
0x59: {  	s7 =	simm.s32 @!p2 $0x190;
	s0 =	smul.u32 $0xC800, s0;
	_ =	swait.ge [sflag:s5], $0x3200  }
0x5a: {  	s31 =	smul.u32 @!p2 $0x3200, s28;
	s1 =	sadd.s32 $0x1, s30;
	[sflag:s5] =	ssyncset.done $0x0  }
0x5b: {  	s24 =	sshrl.u32 s0, $0x2;
	[sflag:s5] =	ssyncadd.s32 $0xFFFFCE00;
	s5 =	smul.u32 @!p2 $0x190, s1  }
0x5c: {  	s6 =	sadd.s32 @!p2 $0x1, s28;
	s20 =	sadd.s32 @!p2 $0x4E20, s31;
	s0 =	sadd.s32 $0x5020, s24  }
0x5d: {  	[tilespmem:s20], [sflag:s6] =	stream.indirect.gather @!p2 [spmem:s2], $0x20, s5, s7, $0xb8;
	[tilespmem:$0x1DD98] =	vst v63  }
0x5e: {  	s6 =	sadd.s32 @!p2 $0xB220, s31;
	s5 =	sadd.s32 @!p2 $0x2710, s5;
	s20 =	sadd.s32 @!p2 $0x3, s28  }
0x5f: {  	[tilespmem:s6], [sflag:s20] =	stream.indirect.gather @!p2 [spmem:s3], $0x20, s5, s7, $0xb8;
	[tilespmem:$0x1DD98] =	vst v63  }
0x60: {  	v6 =	vld [tilespmem:s0+$0x1C0]  }
0x61: {  	s24 =	sadd.s32 $0xB420, s24;
	v7 =	vld [tilespmem:s0+$0x1D0]  }
0x62: {  	v8 =	vld [tilespmem:s24+$0x1C0]  }
0x63: {  	v9 =	vld [tilespmem:s24+$0x1D0]  }
0x64: {  	v3 =	vld [tilespmem:s0+$0x1A0]  }
0x65: {  	v10 =	vld [tilespmem:s0+$0x180]  }
0x66: {  	v11 =	vld [tilespmem:s0+$0x190]  }
0x67: {  	v12 =	vld [tilespmem:s24+$0x180]  }
0x68: {  	v13 =	vld [tilespmem:s24+$0x190]  }
0x69: {  	v14 =	vld [tilespmem:s0+$0x160]  }
0x6a: {  	v15 =	vld [tilespmem:s0+$0x170]  }
0x6b: {  	v16 =	vld [tilespmem:s24+$0x160]  }
0x6c: {  	v17 =	vld [tilespmem:s24+$0x170]  }
0x6d: {  	v4 =	vld [tilespmem:s0+$0x140]  }
0x6e: {  	v18 =	vld [tilespmem:s0+$0x120]  }
0x6f: {  	v19 =	vld [tilespmem:s0+$0x130]  }
0x70: {  	v20 =	vld [tilespmem:s24+$0x120]  }
0x71: {  	v21 =	vld [tilespmem:s24+$0x130]  }
0x72: {  	v22 =	vld [tilespmem:s0+$0x100]  }
0x73: {  	v23 =	vld [tilespmem:s0+$0x110]  }
0x74: {  	v24 =	vld [tilespmem:s24+$0x100]  }
0x75: {  	v25 =	vld [tilespmem:s24+$0x110]  }
0x76: {  	v5 =	vld [tilespmem:s0+$0xE0]  }
0x77: {  	v26 =	vld [tilespmem:s0+$0xC0]  }
0x78: {  	v27 =	vld [tilespmem:s0+$0xD0]  }
0x79: {  	v28 =	vld [tilespmem:s24+$0xC0]  }
0x7a: {  	v29 =	vld [tilespmem:s24+$0xD0]  }
0x7b: {  	v30 =	vld [tilespmem:s0+$0xA0]  }
0x7c: {  	v31 =	vld [tilespmem:s0+$0xB0]  }
0x7d: {  	v32 =	vld [tilespmem:s24+$0xA0]  }
0x7e: {  	v33 =	vld [tilespmem:s24+$0xB0]  }
0x7f: {  	v34 =	vld [tilespmem:s0+$0x80]  }
0x80: {  	v35 =	vld [tilespmem:s0+$0x60]  }
0x81: {  	v36 =	vld [tilespmem:s0+$0x70]  }
0x82: {  	v37 =	vld [tilespmem:s24+$0x60]  }
0x83: {  	v38 =	vld [tilespmem:s0+$0x50]  }
0x84: {  	v52 =	vld [tilespmem:s24+$0x10]  }
0x85: {  	v55 =	vld [tilespmem:s24+$0x20]  }
0x86: {  	v57 =	vld [tilespmem:s24+$0x30]  }
0x87: {  	v59 =	vld [tilespmem:s24+$0x80];
	v6 =	vadd.f32 v8, v6  }
0x88: {  	v63 =	vld [tilespmem:s24+$0xE0];
	v7 =	vadd.f32 v9, v7;
	v9 =	vadd.f32 v12, v10  }
0x89: {  	v43 =	vld [tilespmem:s24+$0xF0];
	v11 =	vadd.f32 v13, v11;
	v14 =	vadd.f32 v16, v14  }
0x8a: {  	v45 =	vld [tilespmem:s24+$0x140];
	v15 =	vadd.f32 v17, v15;
	v19 =	vadd.f32 v21, v19  }
0x8b: {  	v47 =	vld [tilespmem:s24+$0x150];
	v22 =	vadd.f32 v24, v22;
	v23 =	vadd.f32 v25, v23  }
0x8c: {  	v50 =	vld [tilespmem:s24+$0x1A0];
	v27 =	vadd.f32 v29, v27;
	v12 =	vmul.f32 $2.000000030e-01, v6;
	v13 =	vmul.f32 $2.000000030e-01, v7  }
0x8d: {  	v40 =	vld [tilespmem:s0+$0xFFFFFEF0];
	v30 =	vadd.f32 v32, v30;
	v16 =	vmul.f32 $2.000000030e-01, v9;
	v39 =	vmul.f32 $2.000000030e-01, v11  }
0x8e: {  	v8 =	vld [tilespmem:s24+$0x70];
	v31 =	vadd.f32 v33, v31;
	v21 =	vmul.f32 $2.000000030e-01, v15;
	v54 =	vmul.f32 $2.000000030e-01, v19  }
0x8f: {  	v10 =	vld [tilespmem:s0+$0x40];
	v62 =	vadd.f32 v37, v35;
	v56 =	vmul.f32 $2.000000030e-01, v22;
	v58 =	vmul.f32 $2.000000030e-01, v23  }
0x90: {  	v17 =	vld [tilespmem:s24+$0x40];
	v5 =	vadd.f32 v63, v5;
	v61 =	vmul.f32 $2.000000030e-01, v27;
	v42 =	vmul.f32 $2.000000030e-01, v30  }
0x91: {  	v25 =	vld [tilespmem:s0+$0xFFFFFE30];
	v44 =	vmul.f32 $2.000000030e-01, v31;
	v46 =	vmul.f32 $2.000000030e-01, v62;
	v6 =	vmax.f32 v6, v12  }
0x92: {  	v7 =	vmax.f32 v7, v13;
	v12 =	vld [tilespmem:s24+$0x50];
	v13 =	vadd.f32 v20, v18;
	v20 =	vmul.f32 $2.000000030e-01, v14  }
0x93: {  	v18 =	vld [tilespmem:s0+$0x0];
	v9 =	vmax.f32 v9, v16;
	v11 =	vmax.f32 v11, v39;
	v15 =	vmax.f32 v15, v21  }
0x94: {  	v16 =	vld [tilespmem:s0+$0x10];
	v21 =	vadd.f32 v28, v26;
	v19 =	vmax.f32 v19, v54;
	v22 =	vmax.f32 v22, v56  }
0x95: {  	v28 =	vld [tilespmem:s24+$0x90];
	v23 =	vmax.f32 v23, v58;
	v27 =	vmax.f32 v27, v61;
	v6 =	vmul.f32 v6, v1  }
0x96: {  	v30 =	vmax.f32 v30, v42;
	v54 =	vld [tilespmem:s0+$0xFFFFFE10];
	v7 =	vmul.f32 v7, v2;
	v9 =	vmul.f32 v9, v1  }
0x97: {  	v31 =	vmax.f32 v31, v44;
	v61 =	vld [tilespmem:s24+$0x1F0];
	v11 =	vmul.f32 v11, v2;
	v15 =	vmul.f32 v15, v2  }
0x98: {  	s20 =	sadd.s32 $0x400, s0;
	v29 =	vmax.f32 v62, v46;
	v62 =	vld [tilespmem:s0+$0xFFFFFE00];
	v19 =	vmul.f32 v19, v2;
	v22 =	vmul.f32 v22, v1  }
0x99: {  	v23 =	vmul.f32 v23, v2;
	v8 =	vadd.f32 v8, v36;
	v10 =	vadd.f32 v17, v10;
	v36 =	vld [tilespmem:s20+$0x110]  }
0x9a: {  	v49 =	vmul.f32 v31, v2;
	v53 =	vmul.f32 $2.000000030e-01, v13;
	v14 =	vmax.f32 v14, v20;
	v20 =	vld [tilespmem:s0+$0x20]  }
0x9b: {  	v60 =	vmul.f32 $2.000000030e-01, v21;
	v7 =	vadd.f32 v7, v6;
	v6 =	vld [tilespmem:s24+$0x0];
	v9 =	vadd.f32 v11, v9  }
0x9c: {  	v11 =	vld [tilespmem:s0+$0x30];
	v14 =	vmul.f32 v14, v1;
	v22 =	vadd.f32 v23, v22;
	v48 =	vmul.f32 $2.000000030e-01, v8  }
0x9d: {  	v23 =	vld [tilespmem:s0+$0x150];
	v51 =	vmul.f32 $2.000000030e-01, v10;
	v13 =	vmax.f32 v13, v53;
	v21 =	vmax.f32 v21, v60  }
0x9e: {  	v14 =	vadd.f32 v15, v14;
	v15 =	vld [tilespmem:s0+$0x90];
	v13 =	vmul.f32 v13, v1;
	v17 =	vmul.f32 v21, v1  }
0x9f: {  	v21 =	vmul.f32 v27, v2;
	v12 =	vadd.f32 v12, v38;
	v16 =	vadd.f32 v52, v16;
	v52 =	vld [tilespmem:s24+$0x1B0]  }
0xa0: {  	v8 =	vmax.f32 v8, v48;
	v10 =	vmax.f32 v10, v51;
	v13 =	vadd.f32 v19, v13;
	v19 =	vld [tilespmem:s0+$0xF0]  }
0xa1: {  	(xrf2) =	vadd.scan.msk.f32 $0xffff, v7;
	v8 =	vmul.f32 v8, v2;
	v17 =	vadd.f32 v21, v17;
	v21 =	vld [tilespmem:s0+$0x1B0];
	v53 =	vmul.f32 $2.000000030e-01, v12  }
0xa2: {  	(xrf2) =	vadd.scan.msk.f32 $0xffff, v9;
	v20 =	vadd.f32 v55, v20;
	v55 =	vld [tilespmem:s0+$0x1E0];
	v18 =	vadd.f32 v6, v18;
	v6 =	vmul.f32 v30, v1  }
0xa3: {  	v7 =	vmul.f32 v10, v1;
	v58 =	vmul.f32 $2.000000030e-01, v16;
	(xrf2) =	vadd.scan.msk.f32 $0xffff, v14;
	v11 =	vadd.f32 v57, v11;
	v57 =	vld [tilespmem:s24+$0x1E0]  }
0xa4: {  	v23 =	vadd.f32 v47, v23;
	v47 =	vld [tilespmem:s24+$0xFFFFFE80];
	v12 =	vmax.f32 v12, v53;
	(xrf2) =	vadd.scan.msk.f32 $0xffff, v13;
	v30 =	vadd.f32 v49, v6  }
0xa5: {  	v6 =	vmul.f32 v29, v1;
	v10 =	vmul.f32 v12, v2;
	v12 =	vadd.f32 v59, v34;
	v59 =	vld [tilespmem:s0+$0x1F0];
	(xrf2) =	vadd.scan.msk.f32 $0xffff, v22  }
0xa6: {  	v4 =	vadd.f32 v45, v4;
	v3 =	vadd.f32 v50, v3;
	v9 =	vmul.f32 $2.000000030e-01, v20;
	(xrf2) =	vadd.scan.msk.f32 $0xffff, v17;
	v17 =	vld [tilespmem:s24+$0xFFFFFE30]  }
0xa7: {  	v16 =	vmax.f32 v16, v58;
	v56 =	vmul.f32 $2.000000030e-01, v18;
	v8 =	vadd.f32 v8, v6;
	v6 =	vld [tilespmem:s24+$0xFFFFFE00]  }
0xa8: {  	v60 =	vmul.f32 $2.000000030e-01, v11;
	v15 =	vadd.f32 v28, v15;
	v7 =	vadd.f32 v10, v7;
	v10 =	vld [tilespmem:s24+$0xFFFFFE10]  }
0xa9: {  	v14 =	vmax.f32 v18, v56;
	v18 =	vmul.f32 $2.000000030e-01, v12;
	v21 =	vadd.f32 v52, v21;
	v52 =	vld [tilespmem:s0+$0xFFFFFEA0]  }
0xaa: {  	v9 =	vmax.f32 v20, v9;
	v13 =	vmul.f32 v14, v1;
	v14 =	vmul.f32 v16, v2;
	v16 =	vld [tilespmem:s0+$0xFFFFFE20]  }
0xab: {  	v22 =	vmul.f32 $2.000000030e-01, v15;
	v11 =	vmax.f32 v11, v60;
	v24 =	vadd.f32 v57, v55;
	v55 =	vld [tilespmem:s24+$0xFFFFFEA0]  }
0xac: {  	v19 =	vadd.f32 v43, v19;
	(xrf2) =	vadd.scan.msk.f32 $0xffff, v30;
	v9 =	vmul.f32 v9, v1;
	v11 =	vmul.f32 v11, v2;
	v57 =	vld [tilespmem:s24+$0xFFFFFEB0]  }
0xad: {  	v43 =	vmul.f32 $2.000000030e-01, v3;
	(xrf2) =	vadd.scan.msk.f32 $0xffff, v8;
	v8 =	vmul.f32 $2.000000030e-01, v5;
	v13 =	vadd.f32 v14, v13;
	v14 =	vld [tilespmem:s24+$0xFFFFFE20]  }
0xae: {  	v20 =	vmul.f32 $2.000000030e-01, v19;
	(xrf2) =	vadd.scan.msk.f32 $0xffff, v7;
	v7 =	vadd.f32 v11, v9;
	v9 =	vmax.f32 v12, v18;
	v12 =	vld [tilespmem:s0+$0xFFFFFE40]  }
0xaf: {  	v44 =	vmul.f32 $2.000000030e-01, v21;
	v3 =	vmax.f32 v3, v43;
	v28 =	vadd.f32 v61, v59;
	v59 =	vld [tilespmem:s0+$0xFFFFFEC0]  }
0xb0: {  	v11 =	vmax.f32 v15, v22;
	v18 =	vmul.f32 $2.000000030e-01, v4;
	v22 =	vmul.f32 $2.000000030e-01, v23;
	v61 =	vld [tilespmem:s24+$0xFFFFFEC0]  }
0xb1: {  	v3 =	vmul.f32 v3, v1;
	v5 =	vmax.f32 v5, v8;
	v8 =	vmax.f32 v19, v20;
	v20 =	vld [tilespmem:s0+$0xFFFFFE60]  }
0xb2: {  	v49 =	vmul.f32 $2.000000030e-01, v24;
	v9 =	vmul.f32 v9, v1;
	(xrf2) =	vadd.scan.msk.f32 $0xffff, v13;
	v13 =	vld [tilespmem:s0+$0xFFFFFE50]  }
0xb3: {  	v15, _, _ =	vpop (xrf2);
	v11 =	vmul.f32 v11, v2;
	v21 =	vmax.f32 v21, v44;
	v4 =	vmax.f32 v4, v18;
	v18 =	vld [tilespmem:s24+$0xFFFFFE60]  }
0xb4: {  	v15 =	vbroadcast v15, $0xF;
	v5 =	vmul.f32 v5, v1;
	v10 =	vadd.f32 v10, v54;
	v54 =	vld [tilespmem:s0+$0xFFFFFEB0]  }
0xb5: {  	v8 =	vmul.f32 v8, v2;
	v21 =	vmul.f32 v21, v2;
	v6 =	vadd.f32 v6, v62;
	v62 =	vld [tilespmem:s24+$0xFFFFFED0]  }
0xb6: {  	v29, _, _ =	vpop (xrf2);
	v50 =	vmul.f32 $2.000000030e-01, v28;
	v24 =	vmax.f32 v24, v49;
	v49 =	vld [tilespmem:s0+$0xFFFFFF40];
	v9 =	vadd.f32 v11, v9  }
0xb7: {  	v19, _, _ =	vpop (xrf2);
	(xrf2) =	vadd.scan.msk.f32 $0xffff, v7;
	v7 =	vld [tilespmem:s24+$0xFFFFFE40];
	v4 =	vmul.f32 v4, v1;
	v24 =	vmul.f32 v24, v1;
	v5 =	vadd.f32 v8, v5  }
0xb8: {  	v11 =	vld [tilespmem:s24+$0xFFFFFE50];
	v30, _, _ =	vpop (xrf2);
	v8 =	vmax.f32 v23, v22;
	v28 =	vmax.f32 v28, v50;
	v41 =	vmul.f32 $2.000000030e-01, v10  }
0xb9: {  	v17 =	vadd.f32 v17, v25;
	v23 =	vld [tilespmem:s24+$0xFFFFFE70];
	v63, _, _ =	vpop (xrf2);
	v8 =	vmul.f32 v8, v2;
	v28 =	vmul.f32 v28, v2  }
0xba: {  	v3 =	vadd.f32 v21, v3;
	(xrf2) =	vadd.scan.msk.f32 $0xffff, v9;
	v9 =	vld [tilespmem:s0+$0xFFFFFE70];
	v14 =	vadd.f32 v14, v16;
	v22, _, _ =	vpop (xrf2);
	v10 =	vmax.f32 v10, v41  }
0xbb: {  	(xrf2) =	vadd.scan.msk.f32 $0xffff, v5;
	v5 =	vld [tilespmem:s0+$0xFFFFFE80];
	v4 =	vadd.f32 v8, v4;
	v24 =	vadd.f32 v28, v24;
	v22 =	vbroadcast v22, $0xF  }
0xbc: {  	v41 =	vld [tilespmem:s0+$0xFFFFFFD0];
	v42, _, _ =	vpop (xrf2);
	v43 =	vmul.f32 $2.000000030e-01, v14;
	v18 =	vadd.f32 v18, v20;
	v10 =	vmul.f32 v10, v2  }
0xbd: {  	v8 =	vld [tilespmem:s0+$0xFFFFFE90];
	v28 =	vadd.f32 v61, v59;
	v16 =	vbroadcast v42, $0xF;
	v7 =	vadd.f32 v7, v12  }
0xbe: {  	v61 =	vld [tilespmem:s0+$0xFFFFFFA0];
	v12 =	vbroadcast v30, $0xF;
	v11 =	vadd.f32 v11, v13;
	v45, _, _ =	vpop (xrf2);
	v14 =	vmax.f32 v14, v43  }
0xbf: {  	(xrf2) =	vadd.scan.msk.f32 $0xffff, v4;
	v4 =	vld [tilespmem:s24+$0xFFFFFE90];
	v46, _, _ =	vpop (xrf2);
	v9 =	vadd.f32 v23, v9;
	v23 =	vmul.f32 $2.000000030e-01, v17;
	v44 =	vmul.f32 $2.000000030e-01, v7  }
0xc0: {  	v42 =	vld [tilespmem:s0+$0xFFFFFF00];
	v14 =	vmul.f32 v14, v1;
	v26 =	vbroadcast v46, $0xF;
	v5 =	vadd.f32 v47, v5  }
0xc1: {  	v43 =	vld [tilespmem:s24+$0xFFFFFFC0];
	v46 =	vadd.f32 v55, v52;
	v48, _, _ =	vpop (xrf2);
	v17 =	vmax.f32 v17, v23;
	v50 =	vmul.f32 $2.000000030e-01, v9  }
0xc2: {  	v47 =	vld [tilespmem:s24+$0xFFFFFF30];
	v7 =	vmax.f32 v7, v44;
	v51, _, _ =	vpop (xrf2);
	v21 =	vbroadcast v48, $0xF;
	v17 =	vmul.f32 v17, v2  }
0xc3: {  	v23 =	vld [tilespmem:s24+$0xFFFFFF20];
	v48 =	vadd.f32 v57, v54;
	v52 =	vmul.f32 $2.000000030e-01, v5;
	v53 =	vbroadcast v51, $0xF  }
0xc4: {  	(xrf2) =	vadd.scan.msk.f32 $0xffff, v3;
	v44 =	vld [tilespmem:s0+$0xFFFFFFE0];
	v7 =	vmul.f32 v7, v1;
	v55 =	vmul.f32 $2.000000030e-01, v46;
	v4 =	vadd.f32 v4, v8  }
0xc5: {  	v54 =	vld [tilespmem:s0+$0xFFFFFF60];
	v9 =	vmax.f32 v9, v50;
	v56, _, _ =	vpop (xrf2);
	v3 =	vsel vm0, v21, v53;
	v21 =	vbroadcast v45, $0xF  }
0xc6: {  	v57 =	vld [tilespmem:s24+$0xFFFFFF70];
	v14 =	vadd.f32 v17, v14;
	v58 =	vbroadcast v56, $0xF;
	v3 =	vsel vm1, v3, v26  }
0xc7: {  	(xrf2) =	vadd.scan.msk.f32 $0xffff, v24;
	v8 =	vld [tilespmem:s24+$0xFFFFFF10];
	v24 =	vmax.f32 v46, v55;
	v56 =	vmul.f32 $2.000000030e-01, v48;
	v3 =	vsel vm2, v3, v21  }
0xc8: {  	v5 =	vmax.f32 v5, v52;
	v60, _, _ =	vpop (xrf2);
	v24 =	vmul.f32 v24, v1;
	v21 =	vld [tilespmem:s0+$0xFFFFFED0];
	v3 =	vsel vm3, v3, v58  }
0xc9: {  	v51 =	vld [tilespmem:s0+$0xFFFFFF50];
	v25 =	vmax.f32 v48, v56;
	v3 =	vsel vm4, v3, v16;
	v16 =	vbroadcast v60, $0xF  }
0xca: {  	v53 =	vld [tilespmem:s24+$0xFFFFFF50];
	v25 =	vmul.f32 v25, v2;
	v3 =	vsel vm5, v3, v22;
	v22 =	vbroadcast v63, $0xF  }
0xcb: {  	v17 =	vld [tilespmem:s24+$0xFFFFFF60];
	v9 =	vmul.f32 v9, v2;
	v5 =	vmul.f32 v5, v1;
	v3 =	vsel vm6, v3, v16  }
0xcc: {  	v46 =	vld [tilespmem:s24+$0xFFFFFFF0];
	v24 =	vadd.f32 v25, v24;
	v3 =	vsel vm7, v3, v22;
	v22 =	vmul.f32 $2.000000030e-01, v6  }
0xcd: {  	v63 =	vld [tilespmem:s0+$0xFFFFFEE0];
	v21 =	vadd.f32 v62, v21;
	v16, _, _ =	vpop (xrf2);
	v3 =	vsel vm8, v3, v12;
	v12 =	vbroadcast v19, $0xF  }
0xce: {  	v19 =	vld [tilespmem:s24+$0xFFFFFEF0];
	v13 =	vbroadcast v16, $0xF;
	v20, _, _ =	vpop (xrf2);
	v6 =	vmax.f32 v6, v22;
	v22 =	vmul.f32 $2.000000030e-01, v11  }
0xcf: {  	v26 =	vadd.f32 v53, v51;
	v16 =	vld [tilespmem:s24+$0xFFFFFEE0];
	v59 =	vmul.f32 $2.000000030e-01, v21;
	v20 =	vbroadcast v20, $0xF  }
0xd0: {  	v52 =	vld [tilespmem:s20+$0x180];
	v6 =	vmul.f32 v6, v1;
	v3 =	vsel vm9, v3, v13;
	v13 =	vbroadcast v29, $0xF  }
0xd1: {  	v11 =	vmax.f32 v11, v22;
	v22 =	vld [tilespmem:s24+$0xFFFFFF40];
	v21 =	vmax.f32 v21, v59;
	v3 =	vsel vm10, v3, v12  }
0xd2: {  	v12 =	vld [tilespmem:s0+$0xFFFFFF10];
	v11 =	vmul.f32 v11, v2;
	v6 =	vadd.f32 v10, v6;
	v3 =	vsel vm11, v3, v13  }
0xd3: {  	v10 =	vld [tilespmem:s0+$0xFFFFFF70];
	v21 =	vmul.f32 v21, v2;
	v19 =	vadd.f32 v19, v40;
	v3 =	vsel vm12, v3, v20  }
0xd4: {  	v13 =	vld [tilespmem:s24+$0xFFFFFF00];
	v16 =	vadd.f32 v16, v63;
	v7 =	vadd.f32 v11, v7;
	v11 =	vmul.f32 $2.000000030e-01, v28;
	(xrf2) =	vadd.scan.msk.f32 $0xffff, v6  }
0xd5: {  	v20 =	vld [tilespmem:s0+$0xFFFFFF20];
	v3 =	vsel vm13, v3, v15;
	v15, _, _ =	vpop (xrf2);
	v62 =	vmul.f32 $2.000000030e-01, v19;
	(xrf2) =	vadd.scan.msk.f32 $0xffff, v14;
	v14 =	vadd.f32 v17, v54  }
0xd6: {  	v45 =	vld [tilespmem:s0+$0xFFFFFF30];
	v3 =	vsel vm14, v3, v15;
	v15 =	vmul.f32 $2.000000030e-01, v18;
	v11 =	vmax.f32 v28, v11  }
0xd7: {  	v56 =	vld [tilespmem:s20+$0x130];
	v22 =	vadd.f32 v22, v49;
	v3 =	vmul.f32 $1.442695020e+00, v3;
	v8 =	vadd.f32 v8, v12  }
0xd8: {  	v17 =	vld [tilespmem:s24+$0xFFFFFFE0];
	v19 =	vmax.f32 v19, v62;
	v11 =	vmul.f32 v11, v1;
	v10 =	vadd.f32 v57, v10  }
0xd9: {  	v58 =	vld [tilespmem:s0+$0xFFFFFF90];
	v15 =	vmax.f32 v18, v15;
	v18 =	vmul.f32 $2.000000030e-01, v4;
	v13 =	vadd.f32 v13, v42  }
0xda: {  	v60 =	vld [tilespmem:s24+$0xFFFFFF80];
	v19 =	vmul.f32 v19, v2;
	v15 =	vmul.f32 v15, v1;
	v20 =	vadd.f32 v23, v20  }
0xdb: {  	v40 =	vld [tilespmem:s0+$0xFFFFFFC0];
	v39 =	vmul.f32 $2.000000030e-01, v8;
	v11 =	vadd.f32 v21, v11;
	v48 =	vmul.f32 $2.000000030e-01, v10  }
0xdc: {  	v63 =	vld [tilespmem:s24+$0xFFFFFFA0];
	(erf) = vpow2.f32 v3;
	v4 =	vmax.f32 v4, v18;
	v38 =	vmul.f32 $2.000000030e-01, v13  }
0xdd: {  	v49 =	vld [tilespmem:s20+$0x1D0];
	v17 =	vadd.f32 v17, v44;
	v4 =	vmul.f32 v4, v2;
	v9 =	vadd.f32 v9, v15  }
0xde: {  	v12 =	vld [tilespmem:s24+$0xFFFFFF90];
	v15 =	vmul.f32 $2.000000030e-01, v16;
	v42 =	vmul.f32 $2.000000030e-01, v20;
	v8 =	vmax.f32 v8, v39  }
0xdf: {  	v62 =	vld [tilespmem:s20+$0x100];
	v10 =	vmax.f32 v10, v48;
	v13 =	vmax.f32 v13, v38;
	v8 =	vmul.f32 v8, v2  }
0xe0: {  	v23 =	vld [tilespmem:s0+$0xFFFFFFB0];
	v10 =	vmul.f32 v10, v2;
	v59 =	vmul.f32 $2.000000030e-01, v17;
	v5 =	vadd.f32 v4, v5  }
0xe1: {  	v21 =	vld [tilespmem:s24+$0xFFFFFFD0];
	v4 =	vadd.f32 v47, v45;
	v15 =	vmax.f32 v16, v15;
	v45 =	vmul.f32 $2.000000030e-01, v22  }
0xe2: {  	v18 =	vld [tilespmem:s0+$0xFFFFFF80];
	v20 =	vmax.f32 v20, v42;
	v13 =	vmul.f32 v13, v1;
	v47 =	vmul.f32 $2.000000030e-01, v14  }
0xe3: {  	v12 =	vadd.f32 v12, v58;
	v16 =	vld [tilespmem:s24+$0xFFFFFFB0];
	v15 =	vmul.f32 v15, v1;
	v20 =	vmul.f32 v20, v1  }
0xe4: {  	v51, _, _ =	vpop (xrf2);
	v17 =	vmax.f32 v17, v59;
	v6 =	vmul.f32 $2.000000030e-01, v4;
	v8 =	vadd.f32 v8, v13;
	v13 =	vld [tilespmem:s20+$0x1C0]  }
0xe5: {  	(xrf2) =	vadd.scan.msk.f32 $0xffff, v7;
	v22 =	vmax.f32 v22, v45;
	v14 =	vmax.f32 v14, v47;
	v53 =	vbroadcast v51, $0xF;
	v45 =	vld [tilespmem:s20+$0xB0]  }
0xe6: {  	(xrf2) =	vadd.scan.msk.f32 $0xffff, v9;
	v15 =	vadd.f32 v19, v15;
	v19 =	vmul.f32 $2.000000030e-01, v26;
	v4 =	vmax.f32 v4, v6;
	v6 =	vld [tilespmem:s0+$0xFFFFFFF0];
	s0 =	sadd.s32 $0x400, s24  }
0xe7: {  	v18 =	vadd.f32 v60, v18;
	(xrf2) =	vadd.scan.msk.f32 $0xffff, v5;
	v7 =	vmul.f32 v22, v1;
	v14 =	vmul.f32 v14, v1;
	v22 =	vld [tilespmem:s0+$0x1C0]  }
0xe8: {  	(xrf2) =	vadd.scan.msk.f32 $0xffff, v24;
	v19 =	vmax.f32 v26, v19;
	v4 =	vmul.f32 v4, v2;
	v50 =	vld [tilespmem:s0+$0x1D0];
	v16 =	vadd.f32 v16, v23  }
0xe9: {  	v17 =	vmul.f32 v17, v1;
	(xrf2) =	vadd.scan.msk.f32 $0xffff, v11;
	v23 =	vld [tilespmem:s20+$0x190];
	v10 =	vadd.f32 v10, v14;
	v19 =	vmul.f32 v19, v2  }
0xea: {  	(xrf2) =	vadd.scan.msk.f32 $0xffff, v15;
	v15 =	vld [tilespmem:s0+$0x190];
	v9 =	vadd.f32 v4, v20;
	v20 =	vmul.f32 $2.000000030e-01, v18;
	v14 =	vmul.f32 $2.000000030e-01, v16  }
0xeb: {  	v38 =	vld [tilespmem:s0+$0x100];
	v5 =	vadd.f32 v19, v7;
	v7 =	vmul.f32 $2.000000030e-01, v12;
	v19 =	vadd.f32 v63, v61  }
0xec: {  	v51 =	vld [tilespmem:s20+$0x50];
	v11 =	vmax.f32 v18, v20;
	v14 =	vmax.f32 v16, v14;
	v16 =	vadd.f32 v21, v41  }
0xed: {  	v24 =	vld [tilespmem:s20+$0x80];
	(xrf2) =	vadd.scan.msk.f32 $0xffff, v8;
	v6 =	vadd.f32 v46, v6;
	v7 =	vmax.f32 v12, v7;
	v12 =	vmul.f32 $2.000000030e-01, v19  }
0xee: {  	v57 =	vld [tilespmem:s0+$0x120];
	(xrf2) =	vadd.scan.msk.f32 $0xffff, v9;
	v11 =	vmul.f32 v11, v1;
	v9 =	vmul.f32 v14, v2;
	v13 =	vadd.f32 v22, v13  }
0xef: {  	v39 =	vld [tilespmem:s0+$0x110];
	v22 =	vadd.f32 v50, v49;
	v15 =	vadd.f32 v15, v23;
	v7 =	vmul.f32 v7, v2  }
0xf0: {  	v18 =	vld [tilespmem:s0+$0x180];
	v27 =	vadd.f32 v38, v62;
	v20, _, _ =	vpop (xrf2);
	v54 =	vmul.f32 $2.000000030e-01, v16;
	v61 =	vmul.f32 $2.000000030e-01, v6  }
0xf1: {  	v21 =	vld [tilespmem:s20+$0x170];
	v20 =	vbroadcast v20, $0xF;
	v8 =	vmax.f32 v19, v12;
	v23 =	vmul.f32 $2.000000030e-01, v13  }
0xf2: {  	v46 =	vld [tilespmem:s0+$0xB0];
	(xrf2) =	vadd.scan.msk.f32 $0xffff, v5;
	v19 =	vadd.f32 v43, v40;
	v5, _, _ =	vpop (xrf2);
	v44 =	vmul.f32 $2.000000030e-01, v22;
	v8 =	vmul.f32 v8, v1  }
0xf3: {  	v14 =	vld [tilespmem:s0+$0x160];
	v7 =	vadd.f32 v7, v11;
	v55 =	vbroadcast v5, $0xF;
	v16 =	vmax.f32 v16, v54  }
0xf4: {  	v12 =	vld [tilespmem:s20+$0x160];
	v6 =	vmax.f32 v6, v61;
	v11 =	vmul.f32 $2.000000030e-01, v19;
	v20 =	vsel vm0, v53, v20  }
0xf5: {  	(xrf2) =	vadd.scan.msk.f32 $0xffff, v10;
	v10 =	vld [tilespmem:s0+$0x170];
	v16 =	vmul.f32 v16, v2;
	v6 =	vmul.f32 v6, v2;
	v18 =	vadd.f32 v18, v52  }
0xf6: {  	v42 =	vld [tilespmem:s0+$0xC0];
	v13 =	vmax.f32 v13, v23;
	v23 =	vmul.f32 $2.000000030e-01, v15;
	v22 =	vmax.f32 v22, v44  }
0xf7: {  	v48 =	vld [tilespmem:s0+$0x60];
	v28 =	vadd.f32 v46, v45;
	v8 =	vadd.f32 v9, v8;
	v20 =	vsel vm1, v20, v55  }
0xf8: {  	v4 =	vld [tilespmem:s20+$0x1A0];
	v9, _, _ =	vpop (xrf2);
	v13 =	vmul.f32 v13, v1;
	v22 =	vmul.f32 v22, v2;
	v11 =	vmax.f32 v19, v11  }
0xf9: {  	v41 =	vld [tilespmem:s20+$0xC0];
	v9 =	vbroadcast v9, $0xF;
	v15 =	vmax.f32 v15, v23;
	v59 =	vmul.f32 $2.000000030e-01, v28  }
0xfa: {  	v38 =	vld [tilespmem:s20+$0x90];
	v11 =	vmul.f32 v11, v1;
	v12 =	vadd.f32 v14, v12;
	v10 =	vadd.f32 v10, v21  }
0xfb: {  	(xrf2) =	vadd.scan.msk.f32 $0xffff, v7;
	v19 =	vld [tilespmem:s20+$0x120];
	v7, _, _ =	vpop (xrf2);
	v14 =	vmul.f32 $2.000000030e-01, v18;
	v13 =	vadd.f32 v22, v13;
	v15 =	vmul.f32 v15, v2  }
0xfc: {  	v23 =	vld [tilespmem:s20+$0x60];
	v7 =	vbroadcast v7, $0xF;
	v9 =	vsel vm2, v20, v9;
	v28 =	vmax.f32 v28, v59  }
0xfd: {  	v43 =	vld [tilespmem:s20+$0xA0];
	(xrf2) =	vadd.scan.msk.f32 $0xffff, v8;
	v8, _, _ =	vpop (xrf2);
	v11 =	vadd.f32 v16, v11;
	v16 =	vadd.f32 v6, v17;
	v47 =	vmul.f32 $2.000000030e-01, v12  }
0xfe: {  	v21 =	vld [tilespmem:s0+$0xA0];
	v14 =	vmax.f32 v18, v14;
	v18 =	vmul.f32 $2.000000030e-01, v10;
	v58, _, _ =	vpop (xrf2);
	v8 =	vbroadcast v8, $0xF  }
0xff: {  	v20 =	vld [tilespmem:s0+$0x130];
	v7 =	vsel vm3, v9, v7;
	v14 =	vmul.f32 v14, v1;
	v9 =	vbroadcast v58, $0xF  }
0x100: {  	v5 =	vld [tilespmem:s20+$0x140];
	v60, _, _ =	vpop (xrf2);
	v19 =	vadd.f32 v57, v19;
	v12 =	vmax.f32 v12, v47;
	v10 =	vmax.f32 v10, v18  }
0x101: {  	v53 =	vld [tilespmem:s0+$0x40];
	v23 =	vadd.f32 v48, v23;
	v30 =	vbroadcast v60, $0xF;
	v7 =	vsel vm4, v7, v8  }
0x102: {  	v22 =	vld [tilespmem:s20+$0x70];
	v63, _, _ =	vpop (xrf2);
	v14 =	vadd.f32 v15, v14;
	v12 =	vmul.f32 v12, v1;
	v10 =	vmul.f32 v10, v2  }
0x103: {  	v18 =	vld [tilespmem:s0+$0x70];
	v21 =	vadd.f32 v21, v43;
	v8 =	vbroadcast v63, $0xF;
	v37, _, _ =	vpop (xrf2);
	v7 =	vsel vm5, v7, v9  }
0x104: {  	v57 =	vld [tilespmem:s20+$0x10];
	v20 =	vadd.f32 v20, v56;
	v49 =	vmul.f32 $2.000000030e-01, v19;
	v29 =	vbroadcast v37, $0xF  }
0x105: {  	v58 =	vld [tilespmem:s0+$0x10];
	v7 =	vsel vm6, v7, v30;
	v30 =	vadd.f32 v39, v36;
	v10 =	vadd.f32 v10, v12  }
0x106: {  	v15 =	vld [tilespmem:s20+$0x40];
	v36 =	vmul.f32 $2.000000030e-01, v23;
	v39 =	vmul.f32 v28, v2;
	v9, _, _ =	vpop (xrf2);
	v7 =	vsel vm7, v7, v8  }
0x107: {  	v54 =	vld [tilespmem:s20+$0x0];
	v50 =	vmul.f32 $2.000000030e-01, v20;
	v19 =	vmax.f32 v19, v49;
	v8 =	vbroadcast v9, $0xF  }
0x108: {  	v60 =	vld [tilespmem:s20+$0x20];
	v3 =	vsel vm8, v7, v29;
	v29 =	vadd.f32 v42, v41;
	v52 =	vmul.f32 $2.000000030e-01, v30  }
0x109: {  	v63 =	vld [tilespmem:s0+$0x20];
	v40, _, _ =	vpop (xrf2);
	v19 =	vmul.f32 v19, v1;
	v18 =	vadd.f32 v18, v22;
	v22 =	vmul.f32 $2.000000030e-01, v21  }
0x10a: {  	v12 =	vld [tilespmem:s0+$0x50];
	v23 =	vmax.f32 v23, v36;
	v7 =	vbroadcast v40, $0xF;
	v20 =	vmax.f32 v20, v50  }
0x10b: {  	v61 =	vld [tilespmem:s20+$0x30];
	v6, _, _ =	vpop (xrf2);
	v15 =	vadd.f32 v53, v15;
	v40 =	vadd.f32 v58, v57;
	v23 =	vmul.f32 v23, v1  }
0x10c: {  	v17 =	vld [tilespmem:s20+$0xD0];
	v3 =	vsel vm9, v3, v8;
	v8 =	vbroadcast v6, $0xF;
	v20 =	vmul.f32 v20, v2  }
0x10d: {  	v47 =	vld [tilespmem:s0+$0xE0];
	v55 =	vmul.f32 $2.000000030e-01, v29;
	v30 =	vmax.f32 v30, v52;
	v21 =	vmax.f32 v21, v22  }
0x10e: {  	v9 =	vld [tilespmem:s20+$0xE0];
	v22 =	vmul.f32 $2.000000030e-01, v18;
	v44 =	vadd.f32 v63, v60;
	v7 =	vsel vm10, v3, v7  }
0x10f: {  	v42 =	vld [tilespmem:s0+$0x80];
	v30 =	vmul.f32 v30, v2;
	v12 =	vadd.f32 v12, v51;
	v21 =	vmul.f32 v21, v1  }
0x110: {  	v41 =	vmul.f32 $2.000000030e-01, v15;
	v46 =	vmul.f32 $2.000000030e-01, v40;
	v19 =	vadd.f32 v20, v19;
	v20 =	vld [tilespmem:s0+$0x0];
	v3, _, _ =	vpop (xrf2)  }
0x111: {  	v29 =	vmax.f32 v29, v55;
	v18 =	vmax.f32 v18, v22;
	v6 =	vbroadcast v3, $0xF;
	v3 =	vld [tilespmem:s0+$0xD0]  }
0x112: {  	(xrf2) =	vadd.scan.msk.f32 $0xffff, v11;
	v22 =	vld [tilespmem:s0+$0x90];
	v7 =	vsel vm11, v7, v8;
	v62 =	vmul.f32 v29, v1;
	v18 =	vmul.f32 v18, v2  }
0x113: {  	v45 =	vld [tilespmem:s20+$0xF0];
	(xrf2) =	vadd.scan.msk.f32 $0xffff, v16;
	v43 =	vmul.f32 $2.000000030e-01, v12;
	v21 =	vadd.f32 v39, v21;
	v15 =	vmax.f32 v15, v41  }
0x114: {  	(xrf2) =	vadd.scan.msk.f32 $0xffff, v13;
	v9 =	vadd.f32 v47, v9;
	v13 =	vmul.f32 v15, v1;
	v16 =	vadd.f32 v18, v23;
	v18 =	vld [tilespmem:s0+$0xF0]  }
0x115: {  	v37 =	vld [tilespmem:s0+$0x30];
	v15 =	vadd.f32 v42, v24;
	v12 =	vmax.f32 v12, v43;
	v20 =	vadd.f32 v20, v54  }
0x116: {  	v49 =	vld [tilespmem:s0+$0x140];
	v12 =	vmul.f32 v12, v2;
	v3 =	vadd.f32 v3, v17;
	v17 =	vmul.f32 $2.000000030e-01, v27  }
0x117: {  	v50 =	vld [tilespmem:s0+$0x1A0];
	(xrf2) =	vadd.scan.msk.f32 $0xffff, v14;
	v14 =	vmul.f32 $2.000000030e-01, v44;
	v22 =	vadd.f32 v22, v38;
	v11 =	vmul.f32 $2.000000030e-01, v20  }
0x118: {  	v23 =	vld [tilespmem:s20+$0x150];
	v12 =	vadd.f32 v12, v13;
	v17 =	vmax.f32 v27, v17;
	v56 =	vmul.f32 $2.000000030e-01, v3  }
0x119: {  	(xrf2) =	vadd.scan.msk.f32 $0xffff, v10;
	v13 =	vld [tilespmem:s0+$0x150];
	v18 =	vadd.f32 v18, v45;
	v10 =	vmax.f32 v20, v11;
	v17 =	vmul.f32 v17, v1  }
0x11a: {  	v58 =	vld [tilespmem:s0+$0xFFFFFE30];
	v11 =	vmax.f32 v40, v46;
	v20 =	vmul.f32 $2.000000030e-01, v22;
	v3 =	vmax.f32 v3, v56  }
0x11b: {  	v60 =	vld [tilespmem:s20+$0xFFFFFE00];
	v17 =	vadd.f32 v30, v17;
	v3 =	vmul.f32 v3, v2;
	v30 =	vadd.f32 v37, v61  }
0x11c: {  	v8 =	vld [tilespmem:s0+$0xFFFFFE10];
	v4 =	vadd.f32 v50, v4;
	v10 =	vmul.f32 v10, v1;
	v11 =	vmul.f32 v11, v2  }
0x11d: {  	v55 =	vld [tilespmem:s20+$0xFFFFFE20];
	(xrf2) =	vadd.scan.msk.f32 $0xffff, v19;
	v51 =	vmul.f32 $2.000000030e-01, v18;
	v3 =	vadd.f32 v3, v62;
	v48 =	vmul.f32 $2.000000030e-01, v30  }
0x11e: {  	v41 =	vld [tilespmem:s0+$0xFFFFFEB0];
	v13 =	vadd.f32 v13, v23;
	v56 =	vmul.f32 $2.000000030e-01, v4;
	v10 =	vadd.f32 v11, v10;
	(xrf2) =	vadd.scan.msk.f32 $0xffff, v17  }
0x11f: {  	v19 =	vld [tilespmem:s20+$0x1B0];
	v17 =	vmul.f32 $2.000000030e-01, v15;
	(xrf2) =	vadd.scan.msk.f32 $0xffff, v3;
	v3 =	vmax.f32 v44, v14;
	v11 =	vmax.f32 v30, v48  }
0x120: {  	v5 =	vadd.f32 v49, v5;
	v14 =	vld [tilespmem:s0+$0x1B0];
	(xrf2) =	vadd.scan.msk.f32 $0xffff, v21;
	v3 =	vmul.f32 v3, v1;
	v11 =	vmul.f32 v11, v2  }
0x121: {  	v6 =	vsel vm12, v7, v6;
	v40 =	vld [tilespmem:s20+$0xFFFFFEB0];
	v53 =	vmul.f32 $2.000000030e-01, v13;
	(xrf2) =	vadd.scan.msk.f32 $0xffff, v16;
	v16 =	vmul.f32 $2.000000030e-01, v9  }
0x122: {  	v52, _, _ =	vpop (xrf2);
	v23 =	vld [tilespmem:s20+$0x1E0];
	(xrf2) =	vadd.scan.msk.f32 $0xffff, v12;
	v11 =	vadd.f32 v11, v3;
	v12 =	vmax.f32 v15, v17;
	v15 =	vmax.f32 v22, v20  }
0x123: {  	v13 =	vmax.f32 v13, v53;
	v17 =	vld [tilespmem:s0+$0x1E0];
	v12 =	vmul.f32 v12, v1;
	v15 =	vmul.f32 v15, v2  }
0x124: {  	v13 =	vmul.f32 v13, v2;
	v22 =	vmul.f32 $2.000000030e-01, v5;
	v9 =	vmax.f32 v9, v16;
	v16 =	vld [tilespmem:s0+$0x1F0];
	v3, _, _ =	vpop (xrf2);
	(xrf2) =	vadd.scan.msk.f32 $0xffff, v10  }
0x125: {  	v14 =	vadd.f32 v14, v19;
	v19 =	vld [tilespmem:s20+$0x1F0];
	v20, _, _ =	vpop (xrf2);
	(xrf2) =	vadd.scan.msk.f32 $0xffff, v11;
	v12 =	vadd.f32 v15, v12;
	v15 =	vmax.f32 v18, v51  }
0x126: {  	v21 =	vld [tilespmem:s20+$0xFFFFFE10];
	v9 =	vmul.f32 v9, v1;
	v5 =	vmax.f32 v5, v22;
	v11, _, _ =	vpop (xrf2);
	v15 =	vmul.f32 v15, v2  }
0x127: {  	v7 =	vld [tilespmem:s0+$0xFFFFFE20];
	v4 =	vmax.f32 v4, v56;
	v5 =	vmul.f32 v5, v1;
	v57 =	vmul.f32 $2.000000030e-01, v14;
	v18, _, _ =	vpop (xrf2)  }
0x128: {  	v28 =	vmul.f32 v4, v1;
	v62 =	vld [tilespmem:s20+$0xFFFFFE50];
	v17 =	vadd.f32 v17, v23;
	(xrf2) =	vadd.scan.msk.f32 $0xffff, v12;
	v54, _, _ =	vpop (xrf2);
	v9 =	vadd.f32 v15, v9  }
0x129: {  	v24 =	vadd.f32 v41, v40;
	v10 =	vld [tilespmem:s0+$0xFFFFFE00];
	v5 =	vadd.f32 v13, v5;
	v13 =	vmax.f32 v14, v57;
	v12, _, _ =	vpop (xrf2)  }
0x12a: {  	v23 =	vld [tilespmem:s20+$0xFFFFFE30];
	v16 =	vadd.f32 v16, v19;
	v19 =	vmul.f32 $2.000000030e-01, v17;
	v15, _, _ =	vpop (xrf2);
	(xrf2) =	vadd.scan.msk.f32 $0xffff, v9;
	v9 =	vbroadcast v52, $0xF  }
0x12b: {  	v8 =	vadd.f32 v8, v21;
	v21 =	vld [tilespmem:s20+$0xFFFFFE40];
	v11 =	vbroadcast v11, $0xF;
	v13 =	vmul.f32 v13, v2;
	v22, _, _ =	vpop (xrf2)  }
0x12c: {  	v17 =	vmax.f32 v17, v19;
	v19 =	vmul.f32 $2.000000030e-01, v16;
	v59, _, _ =	vpop (xrf2);
	v4 =	vsel vm13, v6, v9;
	v6 =	vld [tilespmem:s0+$0xFFFFFE40]  }
0x12d: {  	(xrf2) =	vadd.scan.msk.f32 $0xffff, v5;
	v5 =	vadd.f32 v7, v55;
	v7 =	vadd.f32 v13, v28;
	v9 =	vmul.f32 v17, v1;
	v17 =	vld [tilespmem:s0+$0xFFFFFE50];
	v14, _, _ =	vpop (xrf2)  }
0x12e: {  	v33 =	vld [tilespmem:s0+$0xFFFFFE60];
	v12 =	vbroadcast v12, $0xF;
	v16 =	vmax.f32 v16, v19;
	v25 =	vbroadcast v59, $0xF;
	v61, _, _ =	vpop (xrf2)  }
0x12f: {  	v19 =	vld [tilespmem:s20+$0xFFFFFE60];
	(xrf2) =	vadd.scan.msk.f32 $0xffff, v7;
	v7 =	vadd.f32 v58, v23;
	v14 =	vbroadcast v14, $0xF;
	v16 =	vmul.f32 v16, v2;
	v13, _, _ =	vpop (xrf2)  }
0x130: {  	v10 =	vadd.f32 v10, v60;
	v23 =	vld [tilespmem:s20+$0xFFFFFE70];
	v63 =	vbroadcast v61, $0xF;
	v13 =	vbroadcast v13, $0xF  }
0x131: {  	v38 =	vmul.f32 $2.000000030e-01, v7;
	v9 =	vadd.f32 v16, v9;
	v16 =	vld [tilespmem:s0+$0xFFFFFE70];
	v6 =	vadd.f32 v6, v21  }
0x132: {  	v32, _, _ =	vpop (xrf2);
	v21 =	vbroadcast v22, $0xF;
	v17 =	vadd.f32 v17, v62;
	v13 =	vsel vm0, v63, v13  }
0x133: {  	v34 =	vld [tilespmem:s20+$0xFFFFFE90];
	(xrf2) =	vadd.scan.msk.f32 $0xffff, v9;
	v9 =	vmul.f32 $2.000000030e-01, v10;
	v13 =	vsel vm1, v13, v14;
	v14 =	vbroadcast v32, $0xF  }
0x134: {  	v35 =	vld [tilespmem:s0+$0xFFFFFE80];
	v7 =	vmax.f32 v7, v38;
	v19 =	vadd.f32 v33, v19;
	v13 =	vsel vm2, v13, v25  }
0x135: {  	v36 =	vld [tilespmem:s0+$0xFFFFFE90];
	v7 =	vmul.f32 v7, v2;
	v9 =	vmax.f32 v10, v9;
	v13 =	vsel vm3, v13, v14  }
0x136: {  	v49 =	vld [tilespmem:s0+$0xFFFFFF20];
	v14 =	vbroadcast v15, $0xF;
	v15, _, _ =	vpop (xrf2);
	v16 =	vadd.f32 v16, v23;
	v23 =	vmul.f32 $2.000000030e-01, v6  }
0x137: {  	v39 =	vld [tilespmem:s20+$0xFFFFFEA0];
	v9 =	vmul.f32 v9, v1;
	v13 =	vsel vm4, v13, v21;
	v15 =	vbroadcast v15, $0xF  }
0x138: {  	v47 =	vld [tilespmem:s20+$0xFFFFFF10];
	v21 =	vmul.f32 $2.000000030e-01, v8;
	v13 =	vsel vm5, v13, v14;
	v14 =	vmul.f32 $2.000000030e-01, v5  }
0x139: {  	v42 =	vld [tilespmem:s20+$0xFFFFFEC0];
	v37, _, _ =	vpop (xrf2);
	v6 =	vmax.f32 v6, v23;
	v13 =	vsel vm6, v13, v15;
	v15 =	vbroadcast v54, $0xF  }
0x13a: {  	v22 =	vld [tilespmem:s20+$0xFFFFFE80];
	v8 =	vmax.f32 v8, v21;
	v12 =	vsel vm7, v13, v12;
	v13 =	vbroadcast v37, $0xF  }
0x13b: {  	v10 =	vld [tilespmem:s0+$0xFFFFFEC0];
	v21 =	vmul.f32 $2.000000030e-01, v16;
	v12 =	vsel vm8, v12, v15;
	v15 =	vbroadcast v18, $0xF  }
0x13c: {  	v6 =	vmul.f32 v6, v1;
	v5 =	vmax.f32 v5, v14;
	v18 =	vld [tilespmem:s0+$0xFFFFFEA0];
	v12 =	vsel vm9, v12, v13  }
0x13d: {  	v46 =	vld [tilespmem:s20+$0xFFFFFF00];
	v8 =	vmul.f32 v8, v2;
	v5 =	vmul.f32 v5, v1;
	v12 =	vsel vm10, v12, v15  }
0x13e: {  	v16 =	vmax.f32 v16, v21;
	v21 =	vld [tilespmem:s0+$0xFFFFFF00];
	v13, _, _ =	vpop (xrf2);
	v11 =	vsel vm11, v12, v11;
	v12 =	vbroadcast v20, $0xF  }
0x13f: {  	v43 =	vld [tilespmem:s20+$0xFFFFFED0];
	v8 =	vadd.f32 v8, v9;
	v9 =	vmul.f32 $2.000000030e-01, v24;
	v13 =	vbroadcast v13, $0xF  }
0x140: {  	v23 =	vld [tilespmem:s0+$0xFFFFFEE0];
	v10 =	vadd.f32 v10, v42;
	v16 =	vmul.f32 v16, v2;
	v15 =	vmul.f32 $2.000000030e-01, v17  }
0x141: {  	v20 =	vadd.f32 v35, v22;
	v14 =	vadd.f32 v18, v39;
	v18 =	vld [tilespmem:s20+$0xFFFFFEE0];
	v11 =	vsel vm12, v11, v13  }
0x142: {  	v22 =	vadd.f32 v36, v34;
	v9 =	vmax.f32 v24, v9;
	v13 =	vld [tilespmem:s0+$0xFFFFFED0];
	v11 =	vsel vm13, v11, v12;
	v12, _, _ =	vpop (xrf2)  }
0x143: {  	v50 =	vld [tilespmem:s0+$0xFFFFFF30];
	v21 =	vadd.f32 v21, v46;
	v11 =	vsel vm14, v11, v12;
	v12 =	vmul.f32 $2.000000030e-01, v19  }
0x144: {  	v44 =	vld [tilespmem:s20+$0xFFFFFEF0];
	v5 =	vadd.f32 v7, v5;
	v9 =	vmul.f32 v9, v2;
	v11 =	vmul.f32 $1.442695020e+00, v11  }
0x145: {  	v57 =	vld [tilespmem:s0+$0xFFFFFF60];
	v45 =	vmul.f32 $2.000000030e-01, v22;
	v53 =	vmul.f32 $2.000000030e-01, v21;
	v12 =	vmax.f32 v19, v12  }
0x146: {  	v52 =	vld [tilespmem:s20+$0xFFFFFF50];
	v19 =	vmul.f32 $2.000000030e-01, v14;
	v18 =	vadd.f32 v23, v18;
	(erf) = vpow2.f32 v11  }
0x147: {  	v23 =	vld [tilespmem:s0+$0xFFFFFF10];
	v11 =	vmax.f32 v17, v15;
	v17 =	vmul.f32 $2.000000030e-01, v20;
	v13 =	vadd.f32 v13, v43  }
0x148: {  	v15 =	vld [tilespmem:s0+$0xFFFFFEF0];
	v7 =	vmul.f32 v12, v1;
	v11 =	vmul.f32 v11, v2;
	v14 =	vmax.f32 v14, v19  }
0x149: {  	v55 =	vld [tilespmem:s20+$0xFFFFFF60];
	v17 =	vmax.f32 v20, v17;
	v20 =	vmax.f32 v22, v45;
	v48 =	vmul.f32 $2.000000030e-01, v13  }
0x14a: {  	v54 =	vld [tilespmem:s0+$0xFFFFFF50];
	v7 =	vadd.f32 v16, v7;
	v16 =	vmul.f32 $2.000000030e-01, v18;
	v14 =	vmul.f32 v14, v1  }
0x14b: {  	v22 =	vld [tilespmem:s20+$0xFFFFFF30];
	v6 =	vadd.f32 v11, v6;
	v11 =	vmul.f32 $2.000000030e-01, v10;
	v17 =	vmul.f32 v17, v1  }
0x14c: {  	(xrf2) =	vadd.scan.msk.f32 $0xffff, v8;
	v20 =	vmul.f32 v20, v2;
	v19 =	vadd.f32 v23, v47;
	v23 =	vld [tilespmem:s20+$0xFFFFFF40];
	v13 =	vmax.f32 v13, v48  }
0x14d: {  	(xrf2) =	vadd.scan.msk.f32 $0xffff, v5;
	v16 =	vmax.f32 v18, v16;
	v5 =	vadd.f32 v9, v14;
	v12 =	vadd.f32 v15, v44;
	v15 =	vld [tilespmem:s20+$0xFFFFFF20]  }
0x14e: {  	v10 =	vmax.f32 v10, v11;
	v11 =	vld [tilespmem:s0+$0xFFFFFF40];
	v13 =	vmul.f32 v13, v2;
	v9 =	vmul.f32 v16, v1  }
0x14f: {  	v58 =	vld [tilespmem:s0+$0xFFFFFF90];
	v17 =	vadd.f32 v20, v17;
	v20 =	vmul.f32 $2.000000030e-01, v19;
	v10 =	vmul.f32 v10, v1  }
0x150: {  	v18 =	vld [tilespmem:s20+$0xFFFFFF70];
	v16 =	vmax.f32 v21, v53;
	v51 =	vmul.f32 $2.000000030e-01, v12;
	v22 =	vadd.f32 v50, v22  }
0x151: {  	v21 =	vadd.f32 v54, v52;
	v10 =	vadd.f32 v13, v10;
	v13 =	vmax.f32 v19, v20;
	v20 =	vld [tilespmem:s20+$0xFFFFFF90]  }
0x152: {  	v14 =	vld [tilespmem:s0+$0xFFFFFF70];
	(xrf2) =	vadd.scan.msk.f32 $0xffff, v6;
	v6 =	vmul.f32 v16, v1;
	v8 =	vmax.f32 v12, v51;
	v56 =	vmul.f32 $2.000000030e-01, v22  }
0x153: {  	v16 =	vld [tilespmem:s0+$0xFFFFFF80];
	(xrf2) =	vadd.scan.msk.f32 $0xffff, v7;
	v7 =	vmul.f32 v13, v2;
	v15 =	vadd.f32 v49, v15;
	v11 =	vadd.f32 v11, v23  }
0x154: {  	v8 =	vmul.f32 v8, v2;
	v23 =	vld [tilespmem:s20+$0xFFFFFF80];
	v13 =	vmax.f32 v22, v56;
	v22 =	vadd.f32 v57, v55  }
0x155: {  	v59 =	vadd.f32 v7, v6;
	v12 =	vmul.f32 $2.000000030e-01, v15;
	v19 =	vmul.f32 $2.000000030e-01, v11  }
0x156: {  	v9 =	vadd.f32 v8, v9;
	v13 =	vmul.f32 v13, v2;
	v20 =	vadd.f32 v58, v20  }
0x157: {  	(xrf2) =	vadd.scan.msk.f32 $0xffff, v17;
	v17 =	vld [tilespmem:s20+$0xFFFFFFA0];
	v12 =	vmax.f32 v15, v12;
	v15 =	vmul.f32 $2.000000030e-01, v21;
	v11 =	vmax.f32 v11, v19  }
0x158: {  	v7 =	vld [tilespmem:s0+$0xFFFFFFA0];
	v8 =	vmul.f32 v12, v1;
	v12 =	vadd.f32 v14, v18;
	v14 =	vmul.f32 $2.000000030e-01, v22  }
0x159: {  	(xrf2) =	vadd.scan.msk.f32 $0xffff, v5;
	v11 =	vmul.f32 v11, v1;
	v5 =	vmax.f32 v21, v15;
	v15 =	vadd.f32 v16, v23  }
0x15a: {  	v18 =	vld [tilespmem:s20+$0xFFFFFFB0];
	v6 =	vmul.f32 $2.000000030e-01, v12;
	v5 =	vmul.f32 v5, v2;
	v14 =	vmax.f32 v22, v14  }
0x15b: {  	v16 =	vld [tilespmem:s0+$0xFFFFFFB0];
	v8 =	vadd.f32 v13, v8;
	v13 =	vmul.f32 v14, v1;
	v23 =	vmul.f32 $2.000000030e-01, v15  }
0x15c: {  	v61 =	vld [tilespmem:s0+$0xFFFFFFC0];
	v19, _, _ =	vpop (xrf2);
	(xrf2) =	vadd.scan.msk.f32 $0xffff, v10;
	v12 =	vmax.f32 v12, v6;
	v6 =	vadd.f32 v5, v11;
	v5 =	vmul.f32 $2.000000030e-01, v20  }
0x15d: {  	v60 =	vpop (erf);
	v21 =	vld [tilespmem:s20+$0xFFFFFFC0];
	v12 =	vmul.f32 v12, v2;
	v15 =	vmax.f32 v15, v23;
	v23 =	vadd.f32 v7, v17  }
0x15e: {  	v62 =	vpop (erf);
	v14 =	vld [tilespmem:s20+$0xFFFFFFD0]  }
0x15f: {  	v22, _, _ =	vpop (xrf2);
	(xrf2) =	vadd.scan.msk.f32 $0xffff, v9;
	v11 =	vbroadcast v19, $0xF;
	v17 =	vld [tilespmem:s0+$0xFFFFFFD0];
	v10 =	vadd.f32 v12, v13;
	v13 =	vmul.f32 $2.000000030e-01, v23  }
0x160: {  	v7, _, _ =	vpop (xrf2);
	v19 =	vmax.f32 v20, v5;
	v63 =	vmul.f32 v15, v1;
	v20 =	vadd.f32 v16, v18;
	v15 =	vld [tilespmem:s20+$0xFFFFFFE0]  }
0x161: {  	[tilespmem:s25+$0x0] =	vst v60;
	v16 =	vld [tilespmem:s20+$0xFFFFFFF0];
	v12 =	vmul.f32 v19, v2;
	v5, _, _ =	vpop (xrf2)  }
0x162: {  	s19 =	smul.u32 $0x3200, s19;
	s24 =	sadd.s32 $0x20, s25;
	v3 =	vsel vm14, v4, v3;
	v18 =	vbroadcast v22, $0xF;
	v19 =	vld [tilespmem:s0+$0xFFFFFFE0];
	v22 =	vmul.f32 $2.000000030e-01, v20;
	v9, _, _ =	vpop (xrf2);
	(xrf2) =	vadd.scan.msk.f32 $0xffff, v59  }
0x163: {  	s28 =	simm.s32 $0x2;
	s31 =	smov.u32 s25;
	s5 =	sadd.s32 $0x400, s20;
	[tilespmem:s24+$0x0] =	vst v62;
	v4 =	vadd.f32 v61, v21;
	v21 =	vld [tilespmem:s0+$0xFFFFFFF0];
	v12 =	vadd.f32 v12, v63;
	v23 =	vmax.f32 v23, v13;
	v13, _, _ =	vpop (xrf2)  }
.LBB2_7:
0x164: {  	v24 =	vld [tilespmem:s5+$0x1C0];
	v20 =	vmax.f32 v20, v22;
	v22 =	vmul.f32 v23, v1;
	v14 =	vadd.f32 v17, v14  }
0x165: {  	v11 =	vsel vm0, v11, v18;
	s0 =	sadd.s32 $0x400, s0;
	v17 =	vld [tilespmem:s5+$0x1D0];
	v18 =	vmul.f32 v20, v2;
	v20 =	vmul.f32 $2.000000030e-01, v4;
	(xrf2) =	vadd.scan.msk.f32 $0xffff, v8  }
0x166: {  	v7 =	vbroadcast v7, $0xF;
	v23 =	vld [tilespmem:s0+$0x1C0];
	v8 =	vmul.f32 $2.000000030e-01, v14;
	v25, _, _ =	vpop (xrf2)  }
0x167: {  	v26 =	vld [tilespmem:s0+$0x1D0];
	v18 =	vadd.f32 v18, v22;
	v20 =	vmax.f32 v4, v20;
	v15 =	vadd.f32 v19, v15  }
0x168: {  	v4 =	vld [tilespmem:s5+$0x1A0];
	v8 =	vmax.f32 v14, v8;
	v14 =	vmul.f32 v20, v1;
	v16 =	vadd.f32 v21, v16;
	(xrf2) =	vadd.scan.msk.f32 $0xffff, v6  }
0x169: {  	v7 =	vsel vm1, v11, v7;
	v6 =	vld [tilespmem:s5+$0x180];
	v8 =	vmul.f32 v8, v2;
	v27 =	vmul.f32 $2.000000030e-01, v15;
	v19, _, _ =	vpop (xrf2)  }
0x16a: {  	v5 =	vbroadcast v5, $0xF;
	v20 =	vld [tilespmem:s5+$0x190];
	v21 =	vmul.f32 $2.000000030e-01, v16  }
0x16b: {  	v9 =	vbroadcast v9, $0xF;
	v22 =	vld [tilespmem:s0+$0x180];
	v14 =	vadd.f32 v8, v14;
	v8 =	vmax.f32 v15, v27;
	(xrf2) =	vadd.scan.msk.f32 $0xffff, v10  }
0x16c: {  	v5 =	vsel vm2, v7, v5;
	v10 =	vld [tilespmem:s0+$0x190];
	v7 =	vmax.f32 v16, v21;
	v21 =	vmul.f32 v8, v1;
	v11, _, _ =	vpop (xrf2)  }
0x16d: {  	v5 =	vsel vm3, v5, v9;
	v9 =	vbroadcast v13, $0xF;
	v15 =	vld [tilespmem:s5+$0x160];
	v7 =	vmul.f32 v7, v2  }
0x16e: {  	v19 =	vbroadcast v19, $0xF;
	v16 =	vbroadcast v25, $0xF;
	v13 =	vld [tilespmem:s5+$0x170];
	(xrf2) =	vadd.scan.msk.f32 $0xffff, v12  }
0x16f: {  	v5 =	vsel vm4, v5, v9;
	v25 =	vbroadcast v11, $0xF;
	v12 =	vld [tilespmem:s0+$0x160];
	v7 =	vadd.f32 v7, v21;
	v8, _, _ =	vpop (xrf2)  }
0x170: {  	v3 =	vmul.f32 $1.442695020e+00, v3;
	v5 =	vsel vm5, v5, v16;
	v21 =	vld [tilespmem:s0+$0x170];
	v11 =	vbroadcast v8, $0xF  }
0x171: {  	v5 =	vsel vm6, v5, v19;
	v8 =	vld [tilespmem:s5+$0x140];
	(xrf2) =	vadd.scan.msk.f32 $0xffff, v18  }
0x172: {  	v5 =	vsel vm7, v5, v25;
	v16 =	vld [tilespmem:s5+$0x120];
	v9, _, _ =	vpop (xrf2)  }
0x173: {  	v11 =	vsel vm8, v5, v11;
	v18 =	vld [tilespmem:s5+$0x130];
	v9 =	vbroadcast v9, $0xF;
	(erf) = vpow2.f32 v3  }
0x174: {  	v19 =	vld [tilespmem:s0+$0x120];
	(xrf2) =	vadd.scan.msk.f32 $0xffff, v14  }
0x175: {  	v14 =	vld [tilespmem:s0+$0x130];
	v3 =	vsel vm9, v11, v9;
	v5, _, _ =	vpop (xrf2)  }
0x176: {  	v9 =	vld [tilespmem:s5+$0x100];
	v11 =	vbroadcast v5, $0xF  }
0x177: {  	v25 =	vld [tilespmem:s5+$0x110];
	(xrf2) =	vadd.scan.msk.f32 $0xffff, v7  }
0x178: {  	v27 =	vld [tilespmem:s0+$0x100];
	v3 =	vsel vm10, v3, v11;
	v5, _, _ =	vpop (xrf2)  }
0x179: {  	v28 =	vld [tilespmem:s0+$0x110];
	v31 =	vbroadcast v5, $0xF  }
0x17a: {  	v11 =	vld [tilespmem:s5+$0xE0]  }
0x17b: {  	v29 =	vld [tilespmem:s5+$0xC0];
	v3 =	vsel vm11, v3, v31;
	v5, _, _ =	vpop (xrf2)  }
0x17c: {  	v30 =	vld [tilespmem:s5+$0xD0];
	v5 =	vbroadcast v5, $0xF;
	v7 =	vpop (erf)  }
0x17d: {  	v23 =	vadd.f32 v23, v24;
	v17 =	vadd.f32 v26, v17;
	v31 =	vld [tilespmem:s0+$0xC0];
	[tilespmem:s31+$0xFFFFFFF0] =	vst v7;
	s31 =	smov.u32 s24  }
0x17e: {  	v6 =	vadd.f32 v22, v6;
	v24 =	vld [tilespmem:s0+$0xD0];
	v5 =	vsel vm12, v3, v5;
	v7, _, _ =	vpop (xrf2)  }
0x17f: {  	v34 =	vmul.f32 $2.000000030e-01, v23;
	v10 =	vadd.f32 v10, v20;
	v20 =	vmul.f32 $2.000000030e-01, v17;
	v22 =	vld [tilespmem:s5+$0xA0]  }
0x180: {  	v12 =	vadd.f32 v12, v15;
	v15 =	vadd.f32 v21, v13;
	v21 =	vmul.f32 $2.000000030e-01, v6;
	v26 =	vld [tilespmem:s5+$0xB0]  }
0x181: {  	v33 =	vmul.f32 $2.000000030e-01, v10;
	v17 =	vmax.f32 v17, v20;
	v13 =	vmax.f32 v23, v34;
	v32 =	vld [tilespmem:s0+$0xA0];
	v3, _, _ =	vpop (xrf2)  }
0x182: {  	v17 =	vmul.f32 v17, v2;
	v16 =	vadd.f32 v19, v16;
	v19 =	vmul.f32 v13, v1;
	v20 =	vld [tilespmem:s0+$0xB0]  }
0x183: {  	v23 =	vmul.f32 $2.000000030e-01, v15;
	v14 =	vadd.f32 v14, v18;
	v18 =	vmul.f32 $2.000000030e-01, v12;
	v13 =	vld [tilespmem:s5+$0x80]  }
0x184: {  	v10 =	vmax.f32 v10, v33;
	v6 =	vmax.f32 v6, v21;
	v17 =	vadd.f32 v17, v19;
	v34 =	vld [tilespmem:s5+$0x60]  }
0x185: {  	v10 =	vmul.f32 v10, v2;
	v6 =	vmul.f32 v6, v1;
	v9 =	vadd.f32 v27, v9;
	v19 =	vld [tilespmem:s5+$0x70]  }
0x186: {  	v27 =	vmul.f32 $2.000000030e-01, v16;
	v25 =	vadd.f32 v28, v25;
	v28 =	vmul.f32 $2.000000030e-01, v14;
	v21 =	vld [tilespmem:s0+$0x60];
	(xrf2) =	vadd.scan.msk.f32 $0xffff, v17  }
0x187: {  	v15 =	vmax.f32 v15, v23;
	v6 =	vadd.f32 v10, v6;
	v12 =	vmax.f32 v12, v18;
	v17 =	vld [tilespmem:s0+$0x70]  }
0x188: {  	v15 =	vmul.f32 v15, v2;
	v12 =	vmul.f32 v12, v1;
	v18 =	vadd.f32 v31, v29;
	v10 =	vld [tilespmem:s5+$0x40]  }
0x189: {  	v29 =	vmul.f32 $2.000000030e-01, v9;
	v24 =	vadd.f32 v24, v30;
	v30 =	vmul.f32 $2.000000030e-01, v25;
	v23 =	vld [tilespmem:s5+$0x50];
	(xrf2) =	vadd.scan.msk.f32 $0xffff, v6  }
0x18a: {  	v12 =	vadd.f32 v15, v12;
	v14 =	vmax.f32 v14, v28;
	v6 =	vmax.f32 v16, v27;
	v31 =	vld [tilespmem:s0+$0x40]  }
0x18b: {  	v14 =	vmul.f32 v14, v2;
	v16 =	vadd.f32 v32, v22;
	v6 =	vmul.f32 v6, v1;
	v15 =	vld [tilespmem:s0+$0x50]  }
0x18c: {  	v20 =	vadd.f32 v20, v26;
	v26 =	vmul.f32 $2.000000030e-01, v18;
	v27 =	vmul.f32 $2.000000030e-01, v24;
	v22 =	vld [tilespmem:s5+$0x0];
	(xrf2) =	vadd.scan.msk.f32 $0xffff, v12  }
0x18d: {  	v9 =	vmax.f32 v9, v29;
	v25 =	vmax.f32 v25, v30;
	v32 =	vadd.f32 v14, v6;
	v12 =	vld [tilespmem:s5+$0x10]  }
0x18e: {  	v9 =	vmul.f32 v9, v1;
	v25 =	vmul.f32 v25, v2;
	v21 =	vadd.f32 v21, v34;
	v14 =	vld [tilespmem:s0+$0x0]  }
0x18f: {  	v29 =	vmul.f32 $2.000000030e-01, v20;
	v17 =	vadd.f32 v17, v19;
	v19 =	vmul.f32 $2.000000030e-01, v16;
	v28 =	vld [tilespmem:s0+$0x10];
	(xrf2) =	vadd.scan.msk.f32 $0xffff, v32  }
0x190: {  	v18 =	vmax.f32 v18, v26;
	v24 =	vmax.f32 v24, v27;
	v32 =	vadd.f32 v25, v9;
	v30 =	vld [tilespmem:s5+$0x20];
	v6, _, _ =	vpop (xrf2)  }
0x191: {  	v26 =	vadd.f32 v31, v10;
	v10 =	vmul.f32 v18, v1;
	v18 =	vmul.f32 v24, v2;
	v25 =	vld [tilespmem:s5+$0x30]  }
0x192: {  	v27 =	vmul.f32 $2.000000030e-01, v17;
	v15 =	vadd.f32 v15, v23;
	v23 =	vmul.f32 $2.000000030e-01, v21;
	v24 =	vld [tilespmem:s0+$0x20];
	(xrf2) =	vadd.scan.msk.f32 $0xffff, v32  }
0x193: {  	v16 =	vmax.f32 v16, v19;
	v19 =	vmax.f32 v20, v29;
	v29 =	vadd.f32 v18, v10;
	v31 =	vld [tilespmem:s0+$0x30];
	v9, _, _ =	vpop (xrf2)  }
0x194: {  	v16 =	vmul.f32 v16, v1;
	v19 =	vmul.f32 v19, v2;
	v14 =	vadd.f32 v14, v22;
	v18 =	vld [tilespmem:s5+$0x90]  }
0x195: {  	v22 =	vmul.f32 $2.000000030e-01, v15;
	v20 =	vadd.f32 v28, v12;
	v12 =	vmul.f32 $2.000000030e-01, v26;
	v28 =	vld [tilespmem:s0+$0x80];
	(xrf2) =	vadd.scan.msk.f32 $0xffff, v29  }
0x196: {  	s28 =	sadd.s32 $0x2, s28;
	v17 =	vmax.f32 v17, v27;
	v16 =	vadd.f32 v19, v16;
	v21 =	vmax.f32 v21, v23;
	v23 =	vld [tilespmem:s0+$0x90];
	v10, _, _ =	vpop (xrf2)  }
0x197: {  	p2 =	slt.u32 s28, $0x16;
	v17 =	vmul.f32 v17, v2;
	v21 =	vmul.f32 v21, v1;
	v19 =	vadd.f32 v24, v30;
	v24 =	vld [tilespmem:s5+$0xF0]  }
0x198: {  	v27 =	vmul.f32 $2.000000030e-01, v14;
	v29 =	vmul.f32 $2.000000030e-01, v20;
	v25 =	vadd.f32 v31, v25;
	v30 =	vld [tilespmem:s0+$0xE0];
	(xrf2) =	vadd.scan.msk.f32 $0xffff, v16  }
0x199: {  	v15 =	vmax.f32 v15, v22;
	v17 =	vadd.f32 v17, v21;
	v16 =	vmax.f32 v26, v12;
	v21 =	vld [tilespmem:s0+$0xF0];
	v12, _, _ =	vpop (xrf2)  }
0x19a: {  	v15 =	vmul.f32 v15, v2;
	v16 =	vmul.f32 v16, v1;
	v22 =	vadd.f32 v28, v13;
	v26 =	vld [tilespmem:s5+$0x150]  }
0x19b: {  	v28 =	vmul.f32 $2.000000030e-01, v19;
	v31 =	vmul.f32 $2.000000030e-01, v25;
	v18 =	vadd.f32 v23, v18;
	v23 =	vld [tilespmem:s0+$0x140];
	(xrf2) =	vadd.scan.msk.f32 $0xffff, v17  }
0x19c: {  	v14 =	vmax.f32 v14, v27;
	v17 =	vmax.f32 v20, v29;
	v15 =	vadd.f32 v15, v16;
	v16 =	vld [tilespmem:s0+$0x150];
	v13, _, _ =	vpop (xrf2)  }
0x19d: {  	v14 =	vmul.f32 v14, v1;
	v17 =	vmul.f32 v17, v2;
	v11 =	vadd.f32 v30, v11;
	v20 =	vld [tilespmem:s5+$0x1B0]  }
0x19e: {  	v27 =	vmul.f32 $2.000000030e-01, v22;
	v29 =	vmul.f32 $2.000000030e-01, v18;
	v21 =	vadd.f32 v21, v24;
	v24 =	vld [tilespmem:s0+$0x1A0];
	(xrf2) =	vadd.scan.msk.f32 $0xffff, v15  }
0x19f: {  	v14 =	vadd.f32 v17, v14;
	v15 =	vmax.f32 v19, v28;
	v17 =	vmax.f32 v25, v31;
	v19 =	vld [tilespmem:s0+$0x1B0];
	v25, _, _ =	vpop (xrf2)  }
0x1a0: {  	v15 =	vmul.f32 v15, v1;
	v17 =	vmul.f32 v17, v2;
	v28 =	vld [tilespmem:s5+$0xFFFFFE10];
	v8 =	vadd.f32 v23, v8  }
0x1a1: {  	v23 =	vmul.f32 $2.000000030e-01, v11;
	v30 =	vmul.f32 $2.000000030e-01, v21;
	v16 =	vadd.f32 v16, v26;
	v26 =	vld [tilespmem:s5+$0x1E0];
	(xrf2) =	vadd.scan.msk.f32 $0xffff, v14  }
0x1a2: {  	v14 =	vadd.f32 v17, v15;
	v15 =	vmax.f32 v22, v27;
	v17 =	vmax.f32 v18, v29;
	v18 =	vld [tilespmem:s0+$0x1E0];
	v22, _, _ =	vpop (xrf2)  }
0x1a3: {  	v15 =	vmul.f32 v15, v1;
	v17 =	vmul.f32 v17, v2;
	v27 =	vld [tilespmem:s0+$0xFFFFFE00];
	v4 =	vadd.f32 v24, v4  }
0x1a4: {  	v24 =	vmul.f32 $2.000000030e-01, v8;
	v29 =	vmul.f32 $2.000000030e-01, v16;
	v19 =	vadd.f32 v19, v20;
	v20 =	vld [tilespmem:s5+$0x1F0];
	(xrf2) =	vadd.scan.msk.f32 $0xffff, v14  }
0x1a5: {  	v11 =	vmax.f32 v11, v23;
	v14 =	vadd.f32 v17, v15;
	v15 =	vmax.f32 v21, v30;
	v17 =	vld [tilespmem:s0+$0x1F0];
	v21, _, _ =	vpop (xrf2)  }
0x1a6: {  	v11 =	vmul.f32 v11, v1;
	v15 =	vmul.f32 v15, v2;
	v23 =	vld [tilespmem:s0+$0xFFFFFE10]  }
0x1a7: {  	v31 =	vmul.f32 $2.000000030e-01, v4;
	v32 =	vmul.f32 $2.000000030e-01, v19;
	v30 =	vld [tilespmem:s5+$0xFFFFFE20];
	v18 =	vadd.f32 v18, v26;
	(xrf2) =	vadd.scan.msk.f32 $0xffff, v14  }
0x1a8: {  	v8 =	vmax.f32 v8, v24;
	v11 =	vadd.f32 v15, v11;
	v15 =	vmax.f32 v16, v29;
	v14 =	vld [tilespmem:s5+$0xFFFFFE30];
	v16, _, _ =	vpop (xrf2)  }
0x1a9: {  	v8 =	vmul.f32 v8, v1;
	v15 =	vmul.f32 v15, v2;
	v24 =	vld [tilespmem:s0+$0xFFFFFE20]  }
0x1aa: {  	v7 =	vbroadcast v7, $0xF;
	v26 =	vld [tilespmem:s0+$0xFFFFFE30];
	v17 =	vadd.f32 v17, v20;
	v20 =	vmul.f32 $2.000000030e-01, v18;
	(xrf2) =	vadd.scan.msk.f32 $0xffff, v11  }
0x1ab: {  	v4 =	vmax.f32 v4, v31;
	v8 =	vadd.f32 v15, v8;
	v15 =	vmax.f32 v19, v32;
	v11 =	vld [tilespmem:s5+$0xFFFFFE00];
	v19, _, _ =	vpop (xrf2)  }
0x1ac: {  	v29 =	vmul.f32 v4, v1;
	v23 =	vadd.f32 v23, v28;
	v15 =	vmul.f32 v15, v2;
	v28 =	vld [tilespmem:s5+$0xFFFFFE40]  }
0x1ad: {  	v4 =	vsel vm13, v5, v7;
	v32 =	vmax.f32 v18, v20;
	v20 =	vmul.f32 $2.000000030e-01, v17;
	v31 =	vld [tilespmem:s5+$0xFFFFFE50];
	(xrf2) =	vadd.scan.msk.f32 $0xffff, v8  }
0x1ae: {  	v8 =	vadd.f32 v15, v29;
	v15 =	vmul.f32 v32, v1;
	v5 =	vadd.f32 v24, v30;
	v7 =	vld [tilespmem:s0+$0xFFFFFE40];
	v18, _, _ =	vpop (xrf2)  }
0x1af: {  	v19 =	vbroadcast v19, $0xF;
	v17 =	vmax.f32 v17, v20;
	v24 =	vld [tilespmem:s0+$0xFFFFFE50];
	v18 =	vbroadcast v18, $0xF  }
0x1b0: {  	v16 =	vbroadcast v16, $0xF;
	v17 =	vmul.f32 v17, v2;
	v11 =	vadd.f32 v27, v11;
	v20 =	vld [tilespmem:s5+$0xFFFFFE60];
	(xrf2) =	vadd.scan.msk.f32 $0xffff, v8  }
0x1b1: {  	v8 =	vadd.f32 v26, v14;
	v14 =	vld [tilespmem:s5+$0xFFFFFE70];
	v18 =	vsel vm0, v19, v18;
	v19 =	vbroadcast v21, $0xF;
	v21, _, _ =	vpop (xrf2)  }
0x1b2: {  	v15 =	vadd.f32 v17, v15;
	v26 =	vld [tilespmem:s0+$0xFFFFFE60];
	v16 =	vsel vm1, v18, v16;
	v18 =	vbroadcast v21, $0xF  }
0x1b3: {  	v7 =	vadd.f32 v7, v28;
	v17 =	vld [tilespmem:s0+$0xFFFFFE70];
	v16 =	vsel vm2, v16, v19;
	v19 =	vbroadcast v22, $0xF  }
0x1b4: {  	v21 =	vadd.f32 v24, v31;
	v22 =	vld [tilespmem:s5+$0xFFFFFE80];
	v16 =	vsel vm3, v16, v18;
	v18 =	vbroadcast v25, $0xF;
	v24, _, _ =	vpop (xrf2);
	(xrf2) =	vadd.scan.msk.f32 $0xffff, v15  }
0x1b5: {  	v15 =	vmul.f32 $2.000000030e-01, v11;
	v25 =	vld [tilespmem:s5+$0xFFFFFE90];
	v16 =	vsel vm4, v16, v19;
	v29 =	vbroadcast v24, $0xF  }
0x1b6: {  	v13 =	vbroadcast v13, $0xF;
	v24 =	vmul.f32 $2.000000030e-01, v23;
	v27 =	vld [tilespmem:s0+$0xFFFFFE80];
	v16 =	vsel vm5, v16, v18  }
0x1b7: {  	v12 =	vbroadcast v12, $0xF;
	v18 =	vmul.f32 $2.000000030e-01, v5;
	v28 =	vld [tilespmem:s0+$0xFFFFFE90];
	v16 =	vsel vm6, v16, v29;
	v19, _, _ =	vpop (xrf2)  }
0x1b8: {  	v29 =	vmul.f32 $2.000000030e-01, v8;
	v30 =	vld [tilespmem:s5+$0xFFFFFEA0];
	v13 =	vsel vm7, v16, v13;
	v31 =	vbroadcast v19, $0xF  }
0x1b9: {  	v10 =	vbroadcast v10, $0xF;
	v19 =	vadd.f32 v26, v20;
	v20 =	vld [tilespmem:s5+$0xFFFFFEB0];
	v12 =	vsel vm8, v13, v12  }
0x1ba: {  	v9 =	vbroadcast v9, $0xF;
	v13 =	vadd.f32 v17, v14;
	v14 =	vld [tilespmem:s0+$0xFFFFFEA0];
	v12 =	vsel vm9, v12, v31;
	v16, _, _ =	vpop (xrf2)  }
0x1bb: {  	v17 =	vmul.f32 $2.000000030e-01, v7;
	v26 =	vld [tilespmem:s0+$0xFFFFFEB0];
	v10 =	vsel vm10, v12, v10;
	v12 =	vbroadcast v16, $0xF  }
0x1bc: {  	v6 =	vbroadcast v6, $0xF;
	v16 =	vmul.f32 $2.000000030e-01, v21;
	v31 =	vld [tilespmem:s5+$0xFFFFFEC0];
	v32 =	vsel vm11, v10, v9  }
0x1bd: {  	v10 =	vadd.f32 v27, v22;
	v22 =	vadd.f32 v28, v25;
	v25 =	vld [tilespmem:s5+$0xFFFFFED0];
	v27 =	vsel vm12, v32, v12  }
0x1be: {  	v11 =	vmax.f32 v11, v15;
	v12 =	vmax.f32 v23, v24;
	v15 =	vld [tilespmem:s0+$0xFFFFFEC0];
	v6 =	vsel vm13, v27, v6;
	v9, _, _ =	vpop (xrf2)  }
0x1bf: {  	v5 =	vmax.f32 v5, v18;
	v8 =	vmax.f32 v8, v29;
	v18 =	vld [tilespmem:s0+$0xFFFFFED0];
	v6 =	vsel vm14, v6, v9  }
0x1c0: {  	v9 =	vmul.f32 $2.000000030e-01, v19;
	v14 =	vadd.f32 v14, v30;
	v23 =	vld [tilespmem:s5+$0xFFFFFEE0];
	v6 =	vmul.f32 $1.442695020e+00, v6  }
0x1c1: {  	v11 =	vmul.f32 v11, v1;
	v24 =	vmul.f32 $2.000000030e-01, v13;
	v20 =	vadd.f32 v26, v20;
	v26 =	vld [tilespmem:s5+$0xFFFFFEF0]  }
0x1c2: {  	v7 =	vmax.f32 v7, v17;
	v12 =	vmul.f32 v12, v2;
	v17 =	vld [tilespmem:s0+$0xFFFFFEE0];
	(erf) = vpow2.f32 v6  }
0x1c3: {  	v5 =	vmul.f32 v5, v1;
	v6 =	vmul.f32 v8, v2;
	v8 =	vmax.f32 v21, v16;
	v16 =	vld [tilespmem:s0+$0xFFFFFEF0]  }
0x1c4: {  	v27 =	vmul.f32 $2.000000030e-01, v22;
	v21 =	vmul.f32 $2.000000030e-01, v10;
	v15 =	vadd.f32 v15, v31;
	v28 =	vld [tilespmem:s5+$0xFFFFFF00]  }
0x1c5: {  	v7 =	vmul.f32 v7, v1;
	v8 =	vmul.f32 v8, v2;
	v18 =	vadd.f32 v18, v25;
	v25 =	vld [tilespmem:s5+$0xFFFFFF10]  }
0x1c6: {  	v13 =	vmax.f32 v13, v24;
	v9 =	vmax.f32 v19, v9;
	v19 =	vmul.f32 $2.000000030e-01, v14;
	v24 =	vld [tilespmem:s0+$0xFFFFFF00]  }
0x1c7: {  	v11 =	vadd.f32 v12, v11;
	v12 =	vmul.f32 $2.000000030e-01, v20;
	v17 =	vadd.f32 v17, v23;
	v23 =	vld [tilespmem:s0+$0xFFFFFF10]  }
0x1c8: {  	v5 =	vadd.f32 v6, v5;
	v6 =	vmul.f32 v9, v1;
	v9 =	vadd.f32 v16, v26;
	v16 =	vld [tilespmem:s5+$0xFFFFFF20]  }
0x1c9: {  	v13 =	vmul.f32 v13, v2;
	v10 =	vmax.f32 v10, v21;
	v21 =	vmax.f32 v22, v27;
	v22 =	vld [tilespmem:s5+$0xFFFFFF30];
	(xrf2) =	vadd.scan.msk.f32 $0xffff, v11  }
0x1ca: {  	v7 =	vadd.f32 v8, v7;
	v8 =	vmul.f32 $2.000000030e-01, v15;
	v11 =	vmul.f32 $2.000000030e-01, v18;
	v26 =	vld [tilespmem:s0+$0xFFFFFF20]  }
0x1cb: {  	s24 =	sadd.s32 $0x20, s24;
	v10 =	vmul.f32 v10, v1;
	v21 =	vmul.f32 v21, v2;
	v24 =	vadd.f32 v24, v28;
	v27 =	vld [tilespmem:s0+$0xFFFFFF30];
	v28 =	vpop (erf)  }
0x1cc: {  	v14 =	vmax.f32 v14, v19;
	v12 =	vmax.f32 v20, v12;
	v19 =	vadd.f32 v23, v25;
	v20 =	vld [tilespmem:s5+$0xFFFFFF40];
	[tilespmem:s24+$0x0] =	vst v28  }
0x1cd: {  	v6 =	vadd.f32 v13, v6;
	v13 =	vmul.f32 $2.000000030e-01, v17;
	v23 =	vmul.f32 $2.000000030e-01, v9;
	v25 =	vld [tilespmem:s5+$0xFFFFFF50];
	(xrf2) =	vadd.scan.msk.f32 $0xffff, v5  }
0x1ce: {  	v12 =	vmul.f32 v12, v2;
	v8 =	vmax.f32 v15, v8;
	v5 =	vmul.f32 v14, v1;
	v14 =	vld [tilespmem:s0+$0xFFFFFF40]  }
0x1cf: {  	v11 =	vmax.f32 v18, v11;
	v15 =	vmul.f32 $2.000000030e-01, v24;
	v16 =	vadd.f32 v26, v16;
	v18 =	vld [tilespmem:s0+$0xFFFFFF50]  }
0x1d0: {  	v10 =	vadd.f32 v21, v10;
	v21 =	vmul.f32 $2.000000030e-01, v19;
	v22 =	vadd.f32 v27, v22;
	v26 =	vld [tilespmem:s5+$0xFFFFFF60];
	(xrf2) =	vadd.scan.msk.f32 $0xffff, v7  }
0x1d1: {  	v7 =	vmul.f32 v8, v1;
	v8 =	vmul.f32 v11, v2;
	v11 =	vmax.f32 v17, v13;
	v13 =	vld [tilespmem:s5+$0xFFFFFF70]  }
0x1d2: {  	v9 =	vmax.f32 v9, v23;
	v17 =	vmul.f32 $2.000000030e-01, v16;
	v23 =	vmul.f32 $2.000000030e-01, v22;
	v27 =	vld [tilespmem:s0+$0xFFFFFF60]  }
0x1d3: {  	v5 =	vadd.f32 v12, v5;
	v11 =	vmul.f32 v11, v1;
	v12 =	vadd.f32 v14, v20;
	v14 =	vld [tilespmem:s0+$0xFFFFFF70];
	v20, _, _ =	vpop (xrf2);
	(xrf2) =	vadd.scan.msk.f32 $0xffff, v6  }
0x1d4: {  	v6 =	vmul.f32 v9, v2;
	v9 =	vmax.f32 v24, v15;
	v15 =	vadd.f32 v18, v25;
	v18 =	vld [tilespmem:s5+$0xFFFFFF80]  }
0x1d5: {  	v8 =	vadd.f32 v8, v7;
	v7 =	vmax.f32 v19, v21;
	v19 =	vmul.f32 $2.000000030e-01, v12;
	v21 =	vld [tilespmem:s5+$0xFFFFFF90]  }
0x1d6: {  	v16 =	vmax.f32 v16, v17;
	v9 =	vmul.f32 v9, v1;
	v17 =	vmul.f32 $2.000000030e-01, v15;
	v24 =	vld [tilespmem:s0+$0xFFFFFF80];
	(xrf2) =	vadd.scan.msk.f32 $0xffff, v10  }
0x1d7: {  	v28 =	vmul.f32 v7, v2;
	v10 =	vmax.f32 v22, v23;
	v22 =	vadd.f32 v27, v26;
	v23 =	vld [tilespmem:s0+$0xFFFFFF90];
	v25, _, _ =	vpop (xrf2)  }
0x1d8: {  	v26 =	vadd.f32 v6, v11;
	v6 =	vmul.f32 v16, v1;
	v11 =	vadd.f32 v14, v13;
	v13 =	vld [tilespmem:s5+$0xFFFFFFA0]  }
0x1d9: {  	v10 =	vmul.f32 v10, v2;
	v12 =	vmax.f32 v12, v19;
	v14 =	vmul.f32 $2.000000030e-01, v22;
	v16 =	vld [tilespmem:s5+$0xFFFFFFB0];
	(xrf2) =	vadd.scan.msk.f32 $0xffff, v5  }
0x1da: {  	v27 =	vadd.f32 v28, v9;
	v5 =	vmax.f32 v15, v17;
	v9 =	vmul.f32 $2.000000030e-01, v11;
	v15 =	vld [tilespmem:s0+$0xFFFFFFA0];
	v7, _, _ =	vpop (xrf2)  }
0x1db: {  	v12 =	vmul.f32 v12, v1;
	v17 =	vmul.f32 v5, v2;
	v18 =	vadd.f32 v24, v18;
	v19 =	vld [tilespmem:s0+$0xFFFFFFB0]  }
0x1dc: {  	v28 =	vmax.f32 v22, v14;
	v9 =	vmax.f32 v11, v9;
	v21 =	vadd.f32 v23, v21;
	v24 =	vld [tilespmem:s5+$0xFFFFFFC0];
	(xrf2) =	vadd.scan.msk.f32 $0xffff, v8  }
0x1dd: {  	v8 =	vadd.f32 v10, v6;
	v10 =	vmul.f32 v28, v1;
	v22 =	vmul.f32 $2.000000030e-01, v18;
	v14 =	vld [tilespmem:s5+$0xFFFFFFD0];
	v5, _, _ =	vpop (xrf2)  }
0x1de: {  	v6 =	vadd.f32 v17, v12;
	v12 =	vmul.f32 v9, v2;
	v29 =	vmul.f32 $2.000000030e-01, v21;
	v28 =	vld [tilespmem:s0+$0xFFFFFFC0]  }
.Ltmp2:
0x1df: {  	v11 =	vbroadcast v20, $0xF;
	v18 =	vmax.f32 v18, v22;
	v13 =	vadd.f32 v15, v13;
	v17 =	vld [tilespmem:s0+$0xFFFFFFD0];
	(xrf2) =	vadd.scan.msk.f32 $0xffff, v26;
	(pc) =	sbr.rel @p2 .LBB2_7-.Ltmp2, $4  }
0x1e0: {  	v21 =	vmax.f32 v21, v29;
	v23 =	vmul.f32 v18, v1;
	v20 =	vadd.f32 v19, v16;
	v15 =	vld [tilespmem:s5+$0xFFFFFFE0];
	v9, _, _ =	vpop (xrf2)  }
0x1e1: {  	v10 =	vadd.f32 v12, v10;
	v12 =	vmul.f32 v21, v2;
	v21 =	vmul.f32 $2.000000030e-01, v13;
	v16 =	vld [tilespmem:s5+$0xFFFFFFF0]  }
0x1e2: {  	v3 =	vsel vm14, v4, v3;
	v18 =	vbroadcast v25, $0xF;
	v22 =	vmul.f32 $2.000000030e-01, v20;
	v19 =	vld [tilespmem:s0+$0xFFFFFFE0];
	(xrf2) =	vadd.scan.msk.f32 $0xffff, v27  }
0x1e3: {  	s5 =	sadd.s32 $0x400, s5;
	v12 =	vadd.f32 v12, v23;
	v23 =	vmax.f32 v13, v21;
	v4 =	vadd.f32 v28, v24;
	v21 =	vld [tilespmem:s0+$0xFFFFFFF0];
	v13, _, _ =	vpop (xrf2)  }
0x1e4: {  	v14 =	vadd.f32 v17, v14  }
0x1e5: {  	v56 =	vmul.f32 $2.000000030e-01, v4  }
0x1e6: {  	v20 =	vmax.f32 v20, v22;
	v57 =	vmul.f32 $2.000000030e-01, v14  }
0x1e7: {  	v23 =	vmul.f32 v23, v1;
	v20 =	vmul.f32 v20, v2;
	v4 =	vmax.f32 v4, v56  }
0x1e8: {  	v15 =	vadd.f32 v19, v15;
	v14 =	vmax.f32 v14, v57;
	v16 =	vadd.f32 v21, v16  }
0x1e9: {  	(xrf2) =	vadd.scan.msk.f32 $0xffff, v8;
	v4 =	vmul.f32 v4, v1;
	v58 =	vmul.f32 v14, v2  }
0x1ea: {  	(xrf2) =	vadd.scan.msk.f32 $0xffff, v6;
	v59 =	vmul.f32 $2.000000030e-01, v15;
	v60 =	vmul.f32 $2.000000030e-01, v16  }
0x1eb: {  	v7 =	vbroadcast v7, $0xF;
	(xrf2) =	vadd.scan.msk.f32 $0xffff, v10;
	v61 =	vadd.f32 v20, v23  }
0x1ec: {  	(xrf2) =	vadd.scan.msk.f32 $0xffff, v12;
	v4 =	vadd.f32 v58, v4;
	v6 =	vmax.f32 v15, v59;
	v62 =	vmax.f32 v16, v60  }
0x1ed: {  	(xrf2) =	vadd.scan.msk.f32 $0xffff, v61;
	v6 =	vmul.f32 v6, v1;
	v8 =	vmul.f32 v62, v2  }
0x1ee: {  	v63 =	vsel vm0, v11, v18;
	v5 =	vbroadcast v5, $0xF;
	(xrf2) =	vadd.scan.msk.f32 $0xffff, v4  }
0x1ef: {  	v12 =	vsel vm1, v63, v7;
	v14 =	vbroadcast v9, $0xF;
	v6 =	vadd.f32 v8, v6  }
0x1f0: {  	v15, _, _ =	vpop (xrf2);
	v16 =	vbroadcast v13, $0xF;
	v4 =	vsel vm2, v12, v5  }
0x1f1: {  	v17, _, _ =	vpop (xrf2);
	v18 =	vbroadcast v15, $0xF;
	v4 =	vsel vm3, v4, v14;
	(xrf2) =	vadd.scan.msk.f32 $0xffff, v6  }
0x1f2: {  	v19, _, _ =	vpop (xrf2);
	v20 =	vbroadcast v17, $0xF;
	v4 =	vsel vm4, v4, v16  }
0x1f3: {  	v21 =	vbroadcast v19, $0xF;
	v22, _, _ =	vpop (xrf2);
	v4 =	vsel vm5, v4, v18  }
0x1f4: {  	v23, _, _ =	vpop (xrf2);
	v6 =	vbroadcast v22, $0xF;
	v4 =	vsel vm6, v4, v20  }
0x1f5: {  	v24 =	vbroadcast v23, $0xF;
	v25, _, _ =	vpop (xrf2);
	v4 =	vsel vm7, v4, v21  }
0x1f6: {  	v26 =	vbroadcast v25, $0xF;
	v27, _, _ =	vpop (xrf2);
	v4 =	vsel vm8, v4, v6  }
0x1f7: {  	v28 =	vbroadcast v27, $0xF;
	v29, _, _ =	vpop (xrf2);
	v4 =	vsel vm9, v4, v24  }
0x1f8: {  	v30 =	vbroadcast v29, $0xF;
	v4 =	vsel vm10, v4, v26;
	v31, _, _ =	vpop (xrf2)  }
0x1f9: {  	v4 =	vsel vm11, v4, v28;
	v32 =	vbroadcast v31, $0xF  }
0x1fa: {  	v4 =	vsel vm12, v4, v30  }
0x1fb: {  	v4 =	vsel vm13, v4, v32;
	v33, _, _ =	vpop (xrf2)  }
0x1fc: {  	v3 =	vmul.f32 $1.442695020e+00, v3;
	v4 =	vsel vm14, v4, v33  }
0x1fd: {  	v4 =	vmul.f32 $1.442695020e+00, v4  }
0x1fe: {  	(erf) = vpow2.f32 v3  }
0x1ff: {  	(erf) = vpow2.f32 v4;
	_ =	sdelay $0x7  }
0x200: {  	v3 =	vpop (erf)  }
0x201: {  	[tilespmem:s31+$0xFFFFFFF0] =	vst v3;
	v3 =	vpop (erf)  }
0x202: {  	[tilespmem:s24+$0xFFFFFFF0] =	vst v3  }
0x203: {  	v3 =	vld [tilespmem:s19+$0x7E20]  }
0x204: {  	v34 =	vld [tilespmem:s19+$0x7E30]  }
0x205: {  	v35 =	vld [tilespmem:s19+$0xE220]  }
0x206: {  	v36 =	vld [tilespmem:s19+$0xE230]  }
0x207: {  	v37 =	vld [tilespmem:s19+$0x7E40]  }
0x208: {  	v38 =	vld [tilespmem:s19+$0x7E50]  }
0x209: {  	v39 =	vld [tilespmem:s19+$0xE240]  }
0x20a: {  	v40 =	vld [tilespmem:s19+$0xE250]  }
0x20b: {  	v41 =	vld [tilespmem:s19+$0x7E60]  }
0x20c: {  	v42 =	vld [tilespmem:s19+$0x7E70]  }
0x20d: {  	v43 =	vld [tilespmem:s19+$0xE260]  }
0x20e: {  	v44 =	vld [tilespmem:s19+$0xE270]  }
0x20f: {  	v45 =	vld [tilespmem:s19+$0x7E80]  }
0x210: {  	v46 =	vld [tilespmem:s19+$0x7E90]  }
0x211: {  	v47 =	vld [tilespmem:s19+$0xE280]  }
0x212: {  	v48 =	vld [tilespmem:s19+$0xE290]  }
0x213: {  	v49 =	vld [tilespmem:s19+$0x7EA0]  }
0x214: {  	v50 =	vld [tilespmem:s19+$0x7EB0]  }
0x215: {  	v51 =	vld [tilespmem:s19+$0xE2A0]  }
0x216: {  	v52 =	vld [tilespmem:s19+$0xE2B0]  }
0x217: {  	v53 =	vld [tilespmem:s19+$0x7EC0]  }
0x218: {  	v54 =	vld [tilespmem:s19+$0x7ED0]  }
0x219: {  	v55 =	vld [tilespmem:s19+$0xE2C0]  }
0x21a: {  	v25 =	vld [tilespmem:s19+$0xE2D0]  }
0x21b: {  	v27 =	vld [tilespmem:s19+$0x7EE0]  }
0x21c: {  	v56 =	vld [tilespmem:s19+$0x7EF0]  }
0x21d: {  	v57 =	vld [tilespmem:s19+$0xE2E0];
	v3 =	vadd.f32 v35, v3;
	v4 =	vadd.f32 v36, v34  }
0x21e: {  	v59 =	vld [tilespmem:s19+$0xE2F0];
	v7 =	vadd.f32 v39, v37;
	v8 =	vadd.f32 v40, v38  }
0x21f: {  	v62 =	vld [tilespmem:s19+$0x7F00];
	v58 =	vadd.f32 v43, v41;
	v12 =	vadd.f32 v44, v42  }
0x220: {  	v28 =	vld [tilespmem:s19+$0x7F10];
	v32 =	vadd.f32 v47, v45;
	v33 =	vadd.f32 v48, v46  }
0x221: {  	v31 =	vld [tilespmem:s19+$0xE310];
	v35 =	vadd.f32 v51, v49;
	v20 =	vadd.f32 v52, v50;
	v24 =	vmul.f32 $2.000000030e-01, v3  }
0x222: {  	v30 =	vld [tilespmem:s19+$0xE300];
	v6 =	vadd.f32 v55, v53;
	v26 =	vmul.f32 $2.000000030e-01, v4;
	v60 =	vmul.f32 $2.000000030e-01, v7  }
0x223: {  	v34 =	vld [tilespmem:s19+$0x7F20];
	v5 =	vadd.f32 v25, v54;
	v61 =	vmul.f32 $2.000000030e-01, v8;
	v63 =	vmul.f32 $2.000000030e-01, v58  }
0x224: {  	v36 =	vld [tilespmem:s19+$0x7F30];
	v9 =	vadd.f32 v57, v27;
	v29 =	vmul.f32 $2.000000030e-01, v12;
	v37 =	vmul.f32 $2.000000030e-01, v32  }
0x225: {  	v39 =	vld [tilespmem:s19+$0xE320];
	v11 =	vadd.f32 v59, v56;
	v38 =	vmul.f32 $2.000000030e-01, v33;
	v40 =	vmul.f32 $2.000000030e-01, v35  }
0x226: {  	v41 =	vld [tilespmem:s19+$0xE330];
	v10 =	vadd.f32 v31, v28;
	v42 =	vmul.f32 $2.000000030e-01, v20;
	v47 =	vmul.f32 $2.000000030e-01, v6  }
0x227: {  	v43 =	vld [tilespmem:s19+$0x7F40];
	v48 =	vmul.f32 $2.000000030e-01, v5;
	v50 =	vmul.f32 $2.000000030e-01, v9  }
0x228: {  	v44 =	vld [tilespmem:s19+$0x7F50];
	v14 =	vadd.f32 v30, v62;
	v52 =	vmul.f32 $2.000000030e-01, v11;
	v28 =	vmul.f32 $2.000000030e-01, v10  }
0x229: {  	v45 =	vld [tilespmem:s19+$0xE340];
	v3 =	vmax.f32 v3, v24;
	v4 =	vmax.f32 v4, v26;
	v7 =	vmax.f32 v7, v60  }
0x22a: {  	v46 =	vld [tilespmem:s19+$0xE350];
	v8 =	vmax.f32 v8, v61;
	v12 =	vmax.f32 v12, v29;
	v13 =	vmax.f32 v32, v37  }
0x22b: {  	v49 =	vld [tilespmem:s19+$0x7F60];
	v15 =	vmax.f32 v33, v38;
	v19 =	vmax.f32 v20, v42;
	v26 =	vmul.f32 $2.000000030e-01, v14  }
0x22c: {  	v51 =	vld [tilespmem:s19+$0x7F70];
	v6 =	vmax.f32 v6, v47;
	v3 =	vmul.f32 v3, v1;
	v4 =	vmul.f32 v4, v2  }
0x22d: {  	v55 =	vld [tilespmem:s19+$0x7F80];
	v5 =	vmax.f32 v5, v48;
	v7 =	vmul.f32 v7, v1;
	v8 =	vmul.f32 v8, v2  }
0x22e: {  	v59 =	vld [tilespmem:s19+$0xE380];
	v9 =	vmax.f32 v9, v50;
	v12 =	vmul.f32 v12, v2;
	v13 =	vmul.f32 v13, v1  }
0x22f: {  	v53 =	vld [tilespmem:s19+$0xE360];
	v11 =	vmax.f32 v11, v52;
	v15 =	vmul.f32 v15, v2;
	v19 =	vmul.f32 v19, v2  }
0x230: {  	v54 =	vld [tilespmem:s19+$0xE370];
	v10 =	vmax.f32 v10, v28;
	v6 =	vmul.f32 v6, v1;
	v5 =	vmul.f32 v5, v2  }
0x231: {  	v30 =	vld [tilespmem:s19+$0xE3E0];
	v56 =	vmul.f32 v9, v1;
	v16 =	vadd.f32 v39, v34;
	v60 =	vadd.f32 v41, v36  }
0x232: {  	v61 =	vld [tilespmem:s19+$0xE390];
	v57 =	vmul.f32 v11, v2;
	v20 =	vadd.f32 v45, v43;
	v17 =	vadd.f32 v46, v44  }
0x233: {  	v33 =	vld [tilespmem:s19+$0x7FB0];
	v10 =	vmul.f32 v10, v2;
	v22 =	vadd.f32 v59, v55;
	v14 =	vmax.f32 v14, v26  }
0x234: {  	v37 =	vld [tilespmem:s19+$0xE3B0];
	v3 =	vadd.f32 v4, v3;
	v4 =	vmax.f32 v58, v63;
	v7 =	vadd.f32 v8, v7  }
0x235: {  	v42 =	vld [tilespmem:s19+$0xE3C0];
	v8 =	vmax.f32 v35, v40;
	v13 =	vadd.f32 v15, v13;
	v5 =	vadd.f32 v5, v6  }
0x236: {  	v39 =	vld [tilespmem:s19+$0x7FC0];
	v6 =	vadd.f32 v57, v56;
	v62 =	vmul.f32 $2.000000030e-01, v16;
	v32 =	vmul.f32 $2.000000030e-01, v60  }
0x237: {  	v41 =	vld [tilespmem:s19+$0x7FD0];
	v36 =	vmul.f32 $2.000000030e-01, v20;
	v23 =	vmul.f32 $2.000000030e-01, v17;
	v40 =	vadd.f32 v53, v49  }
0x238: {  	v43 =	vld [tilespmem:s19+$0xE3D0];
	v15 =	vadd.f32 v54, v51;
	v46 =	vmul.f32 $2.000000030e-01, v22;
	v4 =	vmul.f32 v4, v1  }
0x239: {  	v45 =	vld [tilespmem:s19+$0x7FE0];
	v8 =	vmul.f32 v8, v1;
	(xrf2) =	vadd.scan.msk.f32 $0xffff, v3;
	v3 =	vmul.f32 v14, v1;
	v34 =	vmax.f32 v16, v62  }
0x23a: {  	v58 =	vld [tilespmem:s19+$0x7F90];
	v9 =	vmax.f32 v60, v32;
	v18 =	vmax.f32 v20, v36;
	v17 =	vmax.f32 v17, v23  }
0x23b: {  	v63 =	vld [tilespmem:s19+$0x7FA0];
	v24 =	vmul.f32 $2.000000030e-01, v40;
	v44 =	vmul.f32 $2.000000030e-01, v15;
	v21 =	vadd.f32 v37, v33  }
0x23c: {  	v35 =	vld [tilespmem:s19+$0xE3A0];
	v4 =	vadd.f32 v12, v4;
	v8 =	vadd.f32 v19, v8;
	v38 =	vmul.f32 v34, v1  }
0x23d: {  	v48 =	vld [tilespmem:s19+$0x7FF0];
	v9 =	vmul.f32 v9, v2;
	v18 =	vmul.f32 v18, v1;
	v14 =	vadd.f32 v42, v39  }
0x23e: {  	v51 =	vld [tilespmem:s19+$0xE3F0];
	v17 =	vmul.f32 v17, v2;
	v12 =	vadd.f32 v43, v41;
	v59 =	vadd.f32 v30, v45  }
0x23f: {  	v3 =	vadd.f32 v10, v3;
	v29 =	vmul.f32 $2.000000030e-01, v21;
	v50 =	vmax.f32 v40, v24  }
0x240: {  	v15 =	vmax.f32 v15, v44;
	v10 =	vmax.f32 v22, v46;
	v11 =	vadd.f32 v61, v58  }
0x241: {  	v57 =	vld [tilespmem:s19+$0x8010];
	(xrf2) =	vadd.scan.msk.f32 $0xffff, v7;
	v16 =	vadd.f32 v35, v63;
	v9 =	vadd.f32 v9, v38;
	v7 =	vmul.f32 v50, v1  }
0x242: {  	v60 =	vld [tilespmem:s19+$0xE410];
	v17 =	vadd.f32 v17, v18;
	v15 =	vmul.f32 v15, v2;
	v10 =	vmul.f32 v10, v1  }
0x243: {  	v56 =	vld [tilespmem:s19+$0x8000];
	(xrf2) =	vadd.scan.msk.f32 $0xffff, v4;
	v61 =	vmul.f32 $2.000000030e-01, v14;
	v20 =	vadd.f32 v51, v48;
	v62 =	vmul.f32 $2.000000030e-01, v12  }
0x244: {  	v58 =	vld [tilespmem:s19+$0xE400];
	v26 =	vmul.f32 $2.000000030e-01, v59;
	v55 =	vmax.f32 v21, v29;
	(xrf2) =	vadd.scan.msk.f32 $0xffff, v13;
	v47 =	vmul.f32 $2.000000030e-01, v11  }
0x245: {  	v49 =	vmul.f32 $2.000000030e-01, v16;
	(xrf2) =	vadd.scan.msk.f32 $0xffff, v8;
	v63 =	vadd.f32 v15, v7;
	v25 =	vmul.f32 v55, v2  }
0x246: {  	v27 =	vmax.f32 v14, v61;
	v28 =	vmax.f32 v12, v62;
	v29 =	vmul.f32 $2.000000030e-01, v20;
	(xrf2) =	vadd.scan.msk.f32 $0xffff, v5  }
0x247: {  	v31 =	vmax.f32 v59, v26;
	v34 =	vadd.f32 v60, v57;
	v52 =	vmax.f32 v11, v47;
	(xrf2) =	vadd.scan.msk.f32 $0xffff, v6  }
0x248: {  	v30 =	vmul.f32 v28, v2;
	v53 =	vmax.f32 v16, v49;
	v4 =	vmul.f32 v52, v2;
	(xrf2) =	vadd.scan.msk.f32 $0xffff, v3  }
0x249: {  	v8 =	vmul.f32 v31, v1;
	v11 =	vmul.f32 v53, v1;
	v33 =	vadd.f32 v58, v56;
	v54, _, _ =	vpop (xrf2);
	(xrf2) =	vadd.scan.msk.f32 $0xffff, v9  }
0x24a: {  	v39 =	vmul.f32 $2.000000030e-01, v34;
	v3 =	vmul.f32 v27, v1;
	v4 =	vadd.f32 v4, v10;
	(xrf2) =	vadd.scan.msk.f32 $0xffff, v17  }
0x24b: {  	v32 =	vmax.f32 v20, v29;
	v37 =	vadd.f32 v25, v11;
	v38 =	vmul.f32 $2.000000030e-01, v33;
	(xrf2) =	vadd.scan.msk.f32 $0xffff, v63  }
0x24c: {  	v42 =	vmax.f32 v34, v39;
	v9 =	vmul.f32 v32, v2;
	v3 =	vadd.f32 v30, v3;
	v35, _, _ =	vpop (xrf2);
	(xrf2) =	vadd.scan.msk.f32 $0xffff, v4  }
0x24d: {  	v44 =	vmul.f32 v42, v2;
	v16 =	vbroadcast v54, $0xF;
	v41 =	vmax.f32 v33, v38;
	v36, _, _ =	vpop (xrf2);
	(xrf2) =	vadd.scan.msk.f32 $0xffff, v37  }
0x24e: {  	v14 =	vbroadcast v35, $0xF;
	v40 =	vadd.f32 v9, v8;
	v43, _, _ =	vpop (xrf2);
	(xrf2) =	vadd.scan.msk.f32 $0xffff, v3;
	v3 =	vmul.f32 v41, v1  }
0x24f: {  	v10 =	vbroadcast v36, $0xF  }
0x250: {  	v45 =	vsel vm0, v16, v14;
	v7 =	vbroadcast v43, $0xF;
	v46, _, _ =	vpop (xrf2);
	(xrf2) =	vadd.scan.msk.f32 $0xffff, v40;
	v3 =	vadd.f32 v44, v3  }
0x251: {  	v47, _, _ =	vpop (xrf2);
	v6 =	vsel vm1, v45, v10;
	v8 =	vbroadcast v46, $0xF  }
0x252: {  	v48, _, _ =	vpop (xrf2);
	v6 =	vsel vm2, v6, v7;
	v4 =	vbroadcast v47, $0xF  }
0x253: {  	v6 =	vsel vm3, v6, v8;
	v5 =	vbroadcast v48, $0xF;
	v49, _, _ =	vpop (xrf2);
	(xrf2) =	vadd.scan.msk.f32 $0xffff, v3  }
0x254: {  	v4 =	vsel vm4, v6, v4;
	v50 =	vbroadcast v49, $0xF;
	v3, _, _ =	vpop (xrf2)  }
0x255: {  	v4 =	vsel vm5, v4, v5;
	v51, _, _ =	vpop (xrf2);
	v3 =	vbroadcast v3, $0xF  }
0x256: {  	v4 =	vsel vm6, v4, v50;
	v52, _, _ =	vpop (xrf2);
	v53 =	vbroadcast v51, $0xF  }
0x257: {  	v54, _, _ =	vpop (xrf2);
	v3 =	vsel vm7, v4, v3;
	v55 =	vbroadcast v52, $0xF  }
0x258: {  	v3 =	vsel vm8, v3, v53;
	v56 =	vbroadcast v54, $0xF;
	v57, _, _ =	vpop (xrf2)  }
0x259: {  	v3 =	vsel vm9, v3, v55;
	v58 =	vbroadcast v57, $0xF;
	v59, _, _ =	vpop (xrf2)  }
0x25a: {  	v3 =	vsel vm10, v3, v56;
	v60 =	vbroadcast v59, $0xF;
	v61, _, _ =	vpop (xrf2)  }
0x25b: {  	v3 =	vsel vm11, v3, v58;
	v62 =	vbroadcast v61, $0xF  }
0x25c: {  	v3 =	vsel vm12, v3, v60  }
0x25d: {  	v63, _, _ =	vpop (xrf2);
	v3 =	vsel vm13, v3, v62  }
0x25e: {  	v3 =	vsel vm14, v3, v63  }
0x25f: {  	v3 =	vmul.f32 $1.442695020e+00, v3;
	_ =	sdelay $0x1  }
0x260: {  	(erf) = vpow2.f32 v3;
	_ =	sdelay $0x7  }
0x261: {  	s0 =	smul.u32 $0x190, s30  }
0x262: {  	v3 =	vpop (erf)  }
0x263: {  	p3 =	sne.s32 s1, $0x19;
	s5 =	sadd.s32 $0x11620, s0;
	[tilespmem:s0+$0x117A0] =	vst v3  }
0x264: {  	[spmem:s4] =	stream.indirect.scatter.add.f32 [tilespmem:s5], [sflag:$0x5], $0x1, s0, s23, $0xb8;
	[tilespmem:$0x1DD98] =	vst v63  }
.Ltmp3:
0x265: {  	p2 =	slt.u32 s30, $0x2;
	(pc) =	sbr.rel @p3 .LBB2_6-.Ltmp3, $4  }
0x266: {  	s0 =	simm.s32 @!p2 $0x5  }
0x267: {  	_ =	swait.ge @!p2 [sflag:s0], $0x190  }
0x268: {  	s25 =	sadd.s32 $0x190, s25;
	[sflag:s0] =	ssyncset.done @!p2 $0x0  }
0x269: {  	p1 =	por !p1, !p1;
	s30 =	smov.u32 s1;
	[sflag:s0] =	ssyncadd.s32 @!p2 $0xFFFFFE70  }
0x26a: {  	_ =	swait.ge [sflag:s26], $0x190  }
0x26b: {  	[sflag:s26] =	ssyncset.done $0x0  }
0x26c: {  	[sflag:s26] =	ssyncadd.s32 $0xFFFFFE70  }
0x26d: {  	_ =	swait.ge [sflag:s26], $0x190  }
0x26e: {  	[sflag:s26] =	ssyncset.done $0x0  }
0x26f: {  	s0 =	simm.s32 $0x0;
	s1 =	simm.s32 $0x11620;
	[sflag:s26] =	ssyncadd.s32 $0xFFFFFE70  }
0x270: {  	[hbm4b:s11+s0] =	stream.linear.scatter [tilespmem:s1], [sflag:$0x6], $0x2710, $0x38;
	[tilespmem:$0x1DD98] =	vst v63  }
0x271: {  	_ =	swait.ge [sflag:s18], $0x2710  }
0x272: {  	s29 =	sadd.s32 $0x1, s29;
	[sflag:s18] =	ssyncset.done $0x0  }
0x273: {  	p1 =	sne.s32 s29, s13;
	[sflag:s18] =	ssyncadd.s32 $0xFFFFD8F0  }
0x274: {  	s0 =	sshrl.u32 @!p0 s4, $0x3;
	s1 =	simm.s32 @!p0 $0x1C06;
	[bflag:$0x0] =	sbarrier.arrive $0xFFFF  }
0x275: {  	[hbm:s12], [sflag:s1] =	dma.local @!p0 [spmem:s0], $0x4E2  }
.Ltmp4:
0x276: {  	_ = 	snop;
	(pc) =	sbr.rel @p1 .LBB2_1-.Ltmp4, $4  }
0x277: {  	s0 =	simm.s32 @!p0 $0x6  }
0x278: {  	_ =	swait.ge @!p0 [sflag:s0], $0x4E2  }
0x279: {  	[sflag:s0] =	ssyncset.done @!p0 $0x0  }
0x27a: {  	[sflag:s0] =	ssyncadd.s32 @!p0 $0xFFFFFB1E  }
0x27b: {  	_ =	sfence.sel $0x180000  }
0x27c: {  	[bflag:$0x0] =	sbarrier.arrive $0xFFFF  }
0x27d: {  	_ =	strace $0x90000047  }
0x27e: {  	[bflag:$0x2] =	sbarrier.arrive $0xFFFF  }
0x27f: {  	s0 =	rddreg [dreg:$0x6]  }
0x280: {  	s0 =	sadd.s32 @!p0 $0x100000, s0  }
0x281: {  	[sflag:s0] =	ssyncadd.tile.s32 @!p0 $0x1;
	_ =	shalt  }
.Lfunc_end2:
_tile_overlayer_lowered:
.L_overlay_start_2:
0x282: {  	(tag) =	ssettag $0x2  }
0x283: {  	s0 =	rddreg [dreg:$0x0];
	s2 =	stileid.u32  }
0x284: {  	s1 =	rddreg [dreg:$0x1];
	p0 =	sne.s32 s2, $0x0  }
0x285: {  	s3 =	rddreg [dreg:$0x2];
	[bflag:$0x3] =	sbarrier.arrive $0xFFFF;
	s2 =	simm.s32 @!p0 $0x1C06  }
0x286: {  	[timem:s3], [sflag:s2] =	dma.local @!p0 [hbm:s0], s1  }
0x287: {  	s0 =	simm.s32 @!p0 $0x6  }
0x288: {  	_ =	swait.ge @!p0 [sflag:s0], s1  }
0x289: {  	s1 =	ssub.s32 @!p0 $0x0, s1;
	[sflag:s0] =	ssyncset.done @!p0 $0x0  }
0x28a: {  	[sflag:s0] =	ssyncadd.s32 @!p0 s1  }
0x28b: {  	[bflag:$0x3] =	sbarrier.arrive $0xFFFF  }
0x28c: {  	_ =	shalt  }

// kernel: kernel.8.cloned.1.call-start
scs
__scs_entry_jumppad:
0x0: {  	(pc) =	sbr.rel $0x88, $3  }
0x1: {  	(tag) =	ssettag $0x0;
	lr =	simm.s32 $0x1  }
0x2: {  	[smem:$0x3F9C] =	sst lr;
	_ =	strace $0xD0000000  }
0x3: {  	_ = 	snop  }
0x4: {  	_ = 	snop  }
0x5: {  	_ = 	snop  }
0x6: {  	_ = 	snop  }
0x7: {  	_ = 	snop  }
__scs_overlays_trampoline_lowered:
0x8: {  	[smem:$0x3FAB] =	sst s0  }
0x9: {  	[smem:$0x3FAC] =	sst s1  }
0xa: {  	[smem:$0x3FAD] =	sst s2  }
0xb: {  	[smem:$0x3FAE] =	sst s3  }
0xc: {  	[smem:$0x3FAF] =	sst s4  }
0xd: {  	[smem:$0x3FB0] =	sst s5  }
0xe: {  	[smem:$0x3FB1] =	sst s6  }
0xf: {  	[smem:$0x3FB2] =	sst s7  }
0x10: {  	[smem:$0x3FB3] =	sst s8  }
0x11: {  	[smem:$0x3FB4] =	sst s9;
	s0 =	simm.s32 @!p0 $0x0  }
0x12: {  	s1 =	sld [smem:$0x3F9A];
	s0 =	simm.s32 @p0 $0x1  }
0x13: {  	[smem:$0x3FB5] =	sst s0;
	s0 =	simm.s32 @!p1 $0x0  }
0x14: {  	s2 =	sld [smem:$0x3F99];
	s0 =	simm.s32 @p1 $0x1  }
0x15: {  	[smem:$0x3FB6] =	sst s0;
	s0 =	simm.s32 @!p2 $0x0  }
0x16: {  	s3 =	sld [smem:$0x3FDB];
	s0 =	simm.s32 @p2 $0x1  }
0x17: {  	s4 =	simm.s32 $0x1BF5;
	[smem:$0x3FB8] =	sst s0  }
0x18: {  	s0 =	sld [smem:$0x3F9B];
	_ =	swait.ge [sflag:s4], $0x0  }
0x19: {  	s7 =	sld [smem:$0x3F9C]  }
0x1a: {  	s8 =	sadd.s32 $0xFFFFE003, lr  }
0x1b: {  	s9 =	sadd.s32 $0xFFFFFEF7, lr;
	s5 =	simm.s32 $0xFFFFFFFF;
	p2 =	slt.u32 s8, $0xFFFFF086  }
0x1c: {  	p1 =	slt.u32 s9, $0xF7A;
	s5 =	simm.s32 @!p2 $0x0  }
0x1d: {  	s5 =	simm.s32 @p1 $0x1;
	p0 =	seq.s32 s7, s2  }
0x1e: {  	s7 =	smul.u32 @!p0 $0xF7A, s2;
	p2 =	seq.s32 @!p0 s5, $0x0  }
0x1f: {  	s9 =	smul.u32 $0xF7A, s1;
	s8 =	simm.s32 @!p0 $0x1BF5;
	p2 =	por !p2, p0  }
0x20: {  	[sflag:s8] =	ssyncset.s32 @!p0 $0xFFFFF086;
	s6 =	sadd.s32 @!p0 s3, s7;
	s7 =	simm.s32 @!p0 $0x108  }
0x21: {  	s3 =	sadd.s32 s3, s9;
	s6 =	sadd.s32 @!p0 $0x88, s6;
	s7 =	simm.s32 @p2 $0x1082  }
0x22: {  	[simem:s7], [sflag:s8] =	dma.local @!p0 [hbm:s6], $0xF7A  }
0x23: {  	s9 =	sor.u32 $0xD0000000, s2;
	s6 =	simm.s32 $0x108;
	_ =	swait.ge @!p0 [sflag:s8], $0x0  }
0x24: {  	s3 =	sadd.s32 $0x88, s3;
	s6 =	simm.s32 @!p1 $0x1082;
	[sflag:s4] =	ssyncset.s32 $0xFFFFF086  }
0x25: {  	[simem:s6], [sflag:s4] =	dma.local [hbm:s3], $0xF7A  }
0x26: {  	[smem:$0x3F9C] =	sst s1;
	(tag) =	ssettag s2;
	_ =	strace s9  }
0x27: {  	s1 =	sld [smem:$0x3FAC]  }
0x28: {  	s2 =	sld [smem:$0x3FAD]  }
0x29: {  	s4 =	sld [smem:$0x3FAF]  }
0x2a: {  	p0 =	seq.s32 s5, $0x0;
	s5 =	sld [smem:$0x3FB0]  }
0x2b: {  	s6 =	sld [smem:$0x3FB1]  }
0x2c: {  	s7 =	sld [smem:$0x3FB2]  }
0x2d: {  	s3 =	simm.s32 $0x108;
	s8 =	sld [smem:$0x3FB3]  }
0x2e: {  	s3 =	simm.s32 @!p0 $0x1082;
	s9 =	sld [smem:$0x3FB4]  }
0x2f: {  	lr =	sadd.s32 s0, s3;
	s0 =	sld [smem:$0x3FAB]  }
0x30: {  	s3 =	sld [smem:$0x3FAE]  }
0x31: {  	[smem:$0x3FB7] =	sst s10  }
0x32: {  	s10 =	sld [smem:$0x3FB5];
	_ =	sdelay $0x3  }
0x33: {  	p0 =	seq.s32 s10, $0x1;
	s10 =	sld [smem:$0x3FB7];
	_ =	sdelay $0x3  }
0x34: {  	[smem:$0x3FB7] =	sst s10  }
0x35: {  	s10 =	sld [smem:$0x3FB6];
	_ =	sdelay $0x3  }
0x36: {  	p1 =	seq.s32 s10, $0x1;
	s10 =	sld [smem:$0x3FB7];
	_ =	sdelay $0x3  }
0x37: {  	[smem:$0x3FB7] =	sst s10  }
0x38: {  	s10 =	sld [smem:$0x3FB8]  }
0x39: {  	_ = 	snop;
	(pc) =	sbr.ind lr, $3  }
0x3a: {  	_ = 	snop  }
0x3b: {  	_ = 	snop  }
0x3c: {  	p2 =	seq.s32 s10, $0x1;
	s10 =	sld [smem:$0x3FB7]  }
0x3d: {  	_ =	shalt  }
0x3e: {  	_ =	shalt  }
0x3f: {  	_ =	shalt  }
0x40: {  	_ =	shalt  }
0x41: {  	_ =	shalt  }
0x42: {  	_ =	shalt  }
0x43: {  	_ =	shalt  }
0x44: {  	_ =	shalt  }
0x45: {  	_ =	shalt  }
0x46: {  	_ =	shalt  }
0x47: {  	_ =	shalt  }
0x48: {  	_ =	shalt  }
0x49: {  	_ =	shalt  }
0x4a: {  	_ =	shalt  }
0x4b: {  	_ =	shalt  }
0x4c: {  	_ =	shalt  }
0x4d: {  	_ =	shalt  }
0x4e: {  	_ =	shalt  }
0x4f: {  	_ =	shalt  }
0x50: {  	_ =	shalt  }
0x51: {  	_ =	shalt  }
0x52: {  	_ =	shalt  }
0x53: {  	_ =	shalt  }
0x54: {  	_ =	shalt  }
0x55: {  	_ =	shalt  }
0x56: {  	_ =	shalt  }
0x57: {  	_ =	shalt  }
0x58: {  	_ =	shalt  }
0x59: {  	_ =	shalt  }
0x5a: {  	_ =	shalt  }
0x5b: {  	_ =	shalt  }
0x5c: {  	_ =	shalt  }
0x5d: {  	_ =	shalt  }
0x5e: {  	_ =	shalt  }
0x5f: {  	_ =	shalt  }
0x60: {  	_ =	shalt  }
0x61: {  	_ =	shalt  }
0x62: {  	_ =	shalt  }
0x63: {  	_ =	shalt  }
0x64: {  	_ =	shalt  }
0x65: {  	_ =	shalt  }
0x66: {  	_ =	shalt  }
0x67: {  	_ =	shalt  }
0x68: {  	_ =	shalt  }
0x69: {  	_ =	shalt  }
0x6a: {  	_ =	shalt  }
0x6b: {  	_ =	shalt  }
0x6c: {  	_ =	shalt  }
0x6d: {  	_ =	shalt  }
0x6e: {  	_ =	shalt  }
0x6f: {  	_ =	shalt  }
0x70: {  	_ =	shalt  }
0x71: {  	_ =	shalt  }
0x72: {  	_ =	shalt  }
0x73: {  	_ =	shalt  }
0x74: {  	_ =	shalt  }
0x75: {  	_ =	shalt  }
0x76: {  	_ =	shalt  }
0x77: {  	_ =	shalt  }
0x78: {  	_ =	shalt  }
0x79: {  	_ =	shalt  }
0x7a: {  	_ =	shalt  }
0x7b: {  	_ =	shalt  }
0x7c: {  	_ =	shalt  }
0x7d: {  	_ =	shalt  }
0x7e: {  	_ =	shalt  }
0x7f: {  	_ =	shalt  }
0x80: {  	_ =	shalt  }
0x81: {  	_ =	shalt  }
0x82: {  	_ =	shalt  }
0x83: {  	_ =	shalt  }
0x84: {  	_ =	shalt  }
0x85: {  	_ =	shalt  }
0x86: {  	_ =	shalt  }
0x87: {  	_ =	shalt  }
.Lfunc_end0:
.L_simem_size_0:
called_computation.1_lowered:
.L_overlay_start_0:
0x88: {  	s2 =	sld [smem:$0x3FD9]  }
0x89: {  	s3 =	sld [smem:$0x3FFE];
	_ =	sdelay $0x1  }
0x8a: {  	s1 =	srdreg.scid  }
0x8b: {  	s0 =	sand.u32 $0x1, s1  }
0x8c: {  	s17 =	sshll.u32 s0, $0xA;
	s2 =	sadd.s32 s3, s2  }
0x8d: {  	s2 =	sadd.s32 s2, s17  }
0x8e: {  	[smem:$0x3FC3] =	sst s2  }
0x8f: {  	_ = 	snop  }
0x90: {  	s2 =	sld [smem:$0x3FD0];
	(tm) =	ssettm $0x1  }
0x91: {  	s18 =	sld [smem:$0x3FFB];
	_ =	sdelay $0x3  }
0x92: {  	_ =	strace s18  }
0x93: {  	s3 =	sld [smem:$0x3FFC];
	_ =	sdelay $0x3  }
0x94: {  	_ =	strace s3  }
0x95: {  	s3 =	sld [smem:$0x3FFD];
	_ =	sdelay $0x3  }
0x96: {  	_ =	strace s3  }
0x97: {  	_ =	strace $0x8FFFFFFF  }
0x98: {  	s19 =	sld [smem:$0x3FDB];
	_ =	sdelay $0x1  }
0x99: {  	s4 =	simm.s32 $_scs_section_size  }
0x9a: {  	s5 =	simm.s32 $_size__tile_overlayer_lowered;
	s6 =	simm.s32 $_tile_overlayer_lowered  }
0x9b: {  	s22 =	simm.s32 $0x1BFF;
	s21 =	sshll.u32 s6, $0x1;
	s3 =	sadd.s32 s4, s19  }
0x9c: {  	s7 =	simm.s32 $0x0;
	s20 =	sshll.u32 s5, $0x1;
	s5 =	sadd.s32 s21, s3  }
0x9d: {  	[timem:s7], [sflag:s22] =	dma.local [hbm:s5], s20  }
0x9e: {  	_ =	swait.ge [sflag:s22], s20  }
0x9f: {  	s4 =	ssub.s32 $0x0, s20;
	[sflag:s22] =	ssyncset.done $0x0  }
0xa0: {  	[sflag:s22] =	ssyncadd.s32 s4;
	_ =	sdelay $0x1  }
0xa1: {  	s23 =	simm.s32 $0x1B8B  }
0xa2: {  	_ =	swait.ge [sflag:s23], $0x1  }
0xa3: {  	[sflag:s23] =	ssyncset.done $0x0  }
0xa4: {  	s25 =	simm.s32 $0x1B8E;
	s24 =	sld [smem:$0x3FFE];
	[sflag:s23] =	ssyncadd.s32 $0xFFFFFFFF  }
0xa5: {  	s26 =	simm.s32 $execute0_lowered;
	[smem:$0x3FD2] =	sst s25  }
0xa6: {  	s5 =	sshll.u32 s26, $0x1;
	_ =	strace $0x80000049;
	[dreg:$0x1] =	wrdreg $0xFFFFFFFF  }
0xa7: {  	s28 =	simm.s32 $_size_execute0_lowered;
	s3 =	sadd.s32 s3, s5;
	[dreg:$0x0] =	wrdreg $0x0  }
0xa8: {  	s5 =	sshll.u32 s28, $0x1;
	[dreg:$0x2] =	wrdreg s3  }
0xa9: {  	[dreg:$0x3] =	wrdreg s5  }
0xaa: {  	[dreg:$0x4] =	wrdreg $0xC0  }
0xab: {  	_ =	task [dreg:s7], $0x5FFFF  }
0xac: {  	[dreg:$0x1] =	wrdreg $0xFFFFFFFF  }
0xad: {  	[dreg:$0x0] =	wrdreg $0x60  }
0xae: {  	[dreg:$0x2] =	wrdreg s24  }
0xaf: {  	[dreg:$0x3] =	wrdreg s2  }
0xb0: {  	[dreg:$0x4] =	wrdreg $0xC3500  }
0xb1: {  	[dreg:$0x5] =	wrdreg $0xC5C80  }
0xb2: {  	[dreg:$0x6] =	wrdreg $0x9  }
0xb3: {  	_ =	task.clear_ibuf [dreg:s7], $0x7FFFF;
	_ =	strace $0x90000049  }
0xb4: {  	s29 =	simm.s32 $0x9;
	_ =	strace $0x8000004B  }
0xb5: {  	_ =	swait.ge [sflag:s29], $0x1  }
0xb6: {  	[sflag:s29] =	ssyncadd.s32 $0xFFFFFFFF  }
0xb7: {  	_ =	strace $0x9000004B  }
0xb8: {  	_ =	sfence  }
0xb9: {  	s30 =	sld [smem:$0x0];
	_ =	sdelay $0x2  }
0xba: {  	s31 =	sshll.u32 s1, $0xD;
	s1 =	sshrl.u32 s1, $0x2  }
0xbb: {  	s3 =	sand.u32 $0x4000, s31;
	s1 =	sadd.s32 s1, s30  }
0xbc: {  	s0 =	sor.u32 s3, s0;
	s1 =	sshll.u32 s1, $0x11  }
0xbd: {  	s0 =	sor.u32 s1, s0  }
0xbe: {  	s0 =	sadd.s32 $0x8F2B, s0  }
0xbf: {  	[sflag:s0] =	ssyncadd.remote.s32 $0x1  }
0xc0: {  	_ =	sfence.sel $0xFFFF  }
0xc1: {  	[dreg:$0x0] =	wrdreg $0xFFFFFFFF;
	(pc) =	sbr.abs _section_cstart, $3  }
0xc2: {  	[dreg:$0x1] =	wrdreg $0xFFFFFFFF  }
0xc3: {  	_ =	task.clear_ibuf [dreg:s7], $0x2FFFF;
	_ =	strace $0x9FFFFFFF  }
0xc4: {  	(tm) =	ssettm $0x7FFFFFFF  }
0xc5: {  	_ =	shalt  }
tec
execute0_lowered:
.L_overlay_start_1:
0x0: {  	(tag) =	ssettag $0x1  }
0x1: {  	s10 =	rddreg [dreg:$0x0]  }
0x2: {  	s11 =	rddreg [dreg:$0x1]  }
0x3: {  	s2 =	rddreg [dreg:$0x2]  }
0x4: {  	s3 =	rddreg [dreg:$0x3];
	s4 =	srdreg.scid  }
0x5: {  	s1 =	stileid.u32;
	s0 =	rddreg [dreg:$0x4];
	s14 =	simm.s32 $0x7530  }
0x6: {  	s20 =	simm.s32 $0x2710;
	s21 =	simm.s32 $0x1;
	s22 =	simm.s32 $0x2  }
0x7: {  	s23 =	simm.s32 $0x3;
	s24 =	simm.s32 $0x4;
	s25 =	simm.s32 $0x9C40  }
0x8: {  	s26 =	simm.s32 $0x5;
	s28 =	simm.s32 $0x0;
	s5 =	sand.u32 $0x1, s4  }
0x9: {  	s6 =	sshll.u32 s1, $0x1;
	s4 =	simm.s32 $0x0;
	s8 =	smul.u32 $0x280, s1  }
0xa: {  	s15 =	sadd.s32 $0x2580, s2;
	s16 =	sadd.s32 $0x2580, s3;
	p0 =	seq.s32 s1, $0xF  }
0xb: {  	s6 =	sor.u32 s5, s6;
	[smem:$0x7FF] =	sst s4;
	s5 =	ssub.s32 $0x2, s5  }
0xc: {  	s15 =	sshrl.u32 @p0 s15, $0x3;
	s17 =	sshll.u32 @!p0 s1, $0x6;
	s16 =	sshrl.u32 @p0 s16, $0x3  }
0xd: {  	s12 =	smul.u32 $0x4E2, s6;
	_ =	strace $0x8000004A;
	s30 =	sshrl.u32 s8, $0x3  }
0xe: {  	s31 =	sshrl.u32 s5, $0x1;
	s18 =	sadd.s32 s8, s2;
	s19 =	sadd.s32 s8, s3  }
0xf: {  	s17 =	sor.u32 @!p0 $0x1C05, s17;
	s9 =	sadd.s32 s30, s10;
	s13 =	ssub.s32 s5, s31  }
0x10: {  	s18 =	sshrl.u32 @!p0 s18, $0x3;
	s19 =	sshrl.u32 @!p0 s19, $0x3;
	s7 =	sadd.s32 s12, s10  }
0x11: {  	s8 =	sadd.s32 $0x28AE2, s9;
	s11 =	sadd.s32 s11, s12;
	s12 =	smax.u32 s13, $0x1  }
0x12: {  	s13 =	simm.s32 $0x4E20;
	s5 =	sadd.s32 $0x14A00, s7;
	s6 =	sadd.s32 $0x1E800, s7  }
0x13: {  	s7 =	sadd.s32 $0x28600, s9;
	s9 =	sadd.s32 $0x28AB0, s10;
	s10 =	sadd.s32 $0x28F92, s10  }
.LBB2_1:
0x14: {  	[tilespmem:s13], [sflag:$0x3] =	stream.linear.gather [hbm4b:s5+s4], $0x2710, $0x38;
	[tilespmem:$0xC840] =	vst v63  }
0x15: {  	s29 =	simm.s32 @p0 $0x1FC5;
	s30 =	simm.s32 @p0 $0x5  }
0x16: {  	[tilespmem:s14], [sflag:$0x4] =	stream.linear.gather [hbm4b:s6+s4], $0x2710, $0x38;
	[tilespmem:$0xC840] =	vst v63  }
0x17: {  	[spmem:s15], [sflag:s29] =	dma.local @p0 [hbm:s9], $0x32  }
0x18: {  	_ =	swait.ge @p0 [sflag:s30], $0x32  }
0x19: {  	[sflag:s30] =	ssyncset.done @p0 $0x0  }
0x1a: {  	[sflag:s30] =	ssyncadd.s32 @p0 $0xFFFFFFCE  }
0x1b: {  	[spmem:s16], [sflag:s29] =	dma.local @p0 [hbm:s10], $0x32  }
0x1c: {  	_ =	swait.ge @p0 [sflag:s30], $0x32  }
0x1d: {  	[sflag:s30] =	ssyncset.done @p0 $0x0  }
0x1e: {  	s29 =	simm.s32 @!p0 $0x5;
	[sflag:s30] =	ssyncadd.s32 @p0 $0xFFFFFFCE  }
0x1f: {  	[spmem:s18], [sflag:s17] =	dma.local @!p0 [hbm:s7], $0x50  }
0x20: {  	_ =	swait.ge @!p0 [sflag:s29], $0x50  }
0x21: {  	[sflag:s29] =	ssyncset.done @!p0 $0x0  }
0x22: {  	[sflag:s29] =	ssyncadd.s32 @!p0 $0xFFFFFFB0  }
0x23: {  	[spmem:s19], [sflag:s17] =	dma.local @!p0 [hbm:s8], $0x50  }
0x24: {  	_ =	swait.ge @!p0 [sflag:s29], $0x50  }
0x25: {  	[sflag:s29] =	ssyncset.done @!p0 $0x0  }
0x26: {  	[sflag:s29] =	ssyncadd.s32 @!p0 $0xFFFFFFB0  }
0x27: {  	[bflag:$0x0] =	sbarrier.arrive $0xFFFF  }
0x28: {  	[tilespmem:s4], [sflag:$0x1] =	stream.linear.gather [spmem:s2], $0x2710, $0x38;
	[tilespmem:$0xC840] =	vst v63  }
0x29: {  	_ = 	snop  }
0x2a: {  	[tilespmem:s20], [sflag:$0x2] =	stream.linear.gather [spmem:s3], $0x2710, $0x38;
	[tilespmem:$0xC840] =	vst v63  }
0x2b: {  	_ =	swait.ge [sflag:s21], $0x2710  }
0x2c: {  	[sflag:s21] =	ssyncset.done $0x0  }
0x2d: {  	[sflag:s21] =	ssyncadd.s32 $0xFFFFD8F0  }
0x2e: {  	_ =	swait.ge [sflag:s22], $0x2710  }
0x2f: {  	[sflag:s22] =	ssyncset.done $0x0  }
0x30: {  	s29 =	simm.s32 $0x0;
	[sflag:s22] =	ssyncadd.s32 $0xFFFFD8F0  }
0x31: {  	s30 =	simm.s32 $0x40;
	v0 =	vld [tilespmem:s29+$0x2710]  }
.LBB2_2:
0x32: {  	p1 =	sne.s32 s30, $0x9C00;
	v1 =	vld [tilespmem:s29+$0x0];
	_ =	sdelay $0x2  }
.Ltmp0:
0x33: {  	(pc) =	sbr.rel @p1 .LBB2_2-.Ltmp0, $4  }
0x34: {  	_ = 	snop  }
0x35: {  	v1 =	vadd.f32 v0, v1  }
0x36: {  	s31 =	sshra.s32 s30, $0x2  }
0x37: {  	s30 =	sadd.s32 $0x40, s30;
	v0 =	vld [tilespmem:s31+$0x2710];
	[tilespmem:s29+$0x0] =	vst v1;
	s29 =	smov.u32 s31  }
0x38: {  	v1 =	vld [tilespmem:s29+$0x0];
	_ =	sdelay $0x4  }
0x39: {  	v0 =	vadd.f32 v0, v1;
	_ =	sdelay $0x1  }
0x3a: {  	[tilespmem:s29+$0x0] =	vst v0  }
0x3b: {  	_ =	swait.ge [sflag:s23], $0x2710  }
0x3c: {  	[sflag:s23] =	ssyncset.done $0x0  }
0x3d: {  	[sflag:s23] =	ssyncadd.s32 $0xFFFFD8F0  }
0x3e: {  	_ =	swait.ge [sflag:s24], $0x2710  }
0x3f: {  	[sflag:s24] =	ssyncset.done $0x0  }
0x40: {  	s29 =	simm.s32 $0x0;
	[sflag:s24] =	ssyncadd.s32 $0xFFFFD8F0  }
0x41: {  	v0 =	vld [tilespmem:s29+$0x4E20];
	_ =	sdelay $0x7  }
0x42: {  	v0 =	vld.idx.msk [tilespmem:v0+s4+$0x0], $0xffff;
	_ =	sdelay $0x4  }
0x43: {  	(erf) = vrcp.f32 v0;
	_ =	sdelay $0x3  }
0x44: {  	v1 =	vld [tilespmem:s29+$0x4E30]  }
0x45: {  	v0 =	vld [tilespmem:s29+$0x7530];
	_ =	sdelay $0x3  }
0x46: {  	v2 =	vpop (erf)  }
0x47: {  	v0 =	vmul.f32 v2, v0;
	_ =	sdelay $0x1  }
0x48: {  	[tilespmem:s29+$0x9C40] =	vst v0  }
0x49: {  	v0 =	vld.idx.msk [tilespmem:v1+s4+$0x0], $0xffff;
	_ =	sdelay $0x4  }
0x4a: {  	(erf) = vrcp.f32 v0;
	_ =	sdelay $0x3  }
0x4b: {  	v1 =	vld [tilespmem:s29+$0x4E40]  }
0x4c: {  	v0 =	vld [tilespmem:s29+$0x7540];
	_ =	sdelay $0x3  }
0x4d: {  	v2 =	vpop (erf)  }
0x4e: {  	v0 =	vmul.f32 v2, v0;
	_ =	sdelay $0x1  }
0x4f: {  	[tilespmem:s29+$0x9C50] =	vst v0  }
0x50: {  	v0 =	vld.idx.msk [tilespmem:v1+s4+$0x0], $0xffff;
	_ =	sdelay $0x4  }
0x51: {  	(erf) = vrcp.f32 v0;
	_ =	sdelay $0x3  }
0x52: {  	v1 =	vld [tilespmem:s29+$0x4E50]  }
0x53: {  	v0 =	vld [tilespmem:s29+$0x7550];
	_ =	sdelay $0x3  }
0x54: {  	v2 =	vpop (erf)  }
0x55: {  	v0 =	vmul.f32 v2, v0;
	_ =	sdelay $0x1  }
0x56: {  	[tilespmem:s29+$0x9C60] =	vst v0  }
0x57: {  	v0 =	vld.idx.msk [tilespmem:v1+s4+$0x0], $0xffff;
	_ =	sdelay $0x4  }
0x58: {  	(erf) = vrcp.f32 v0;
	_ =	sdelay $0x3  }
0x59: {  	v1 =	vld [tilespmem:s29+$0x4E60]  }
0x5a: {  	v0 =	vld [tilespmem:s29+$0x7560];
	_ =	sdelay $0x3  }
0x5b: {  	v2 =	vpop (erf)  }
0x5c: {  	v0 =	vmul.f32 v2, v0;
	_ =	sdelay $0x1  }
0x5d: {  	[tilespmem:s29+$0x9C70] =	vst v0  }
0x5e: {  	v0 =	vld.idx.msk [tilespmem:v1+s4+$0x0], $0xffff;
	_ =	sdelay $0x4  }
0x5f: {  	(erf) = vrcp.f32 v0;
	_ =	sdelay $0x3  }
0x60: {  	v1 =	vld [tilespmem:s29+$0x4E70]  }
0x61: {  	v0 =	vld [tilespmem:s29+$0x7570];
	_ =	sdelay $0x3  }
0x62: {  	v2 =	vpop (erf)  }
0x63: {  	v0 =	vmul.f32 v2, v0;
	_ =	sdelay $0x1  }
0x64: {  	[tilespmem:s29+$0x9C80] =	vst v0  }
0x65: {  	v0 =	vld.idx.msk [tilespmem:v1+s4+$0x0], $0xffff;
	_ =	sdelay $0x4  }
0x66: {  	(erf) = vrcp.f32 v0;
	_ =	sdelay $0x3  }
0x67: {  	v1 =	vld [tilespmem:s29+$0x4E80]  }
0x68: {  	v0 =	vld [tilespmem:s29+$0x7580];
	_ =	sdelay $0x3  }
0x69: {  	v2 =	vpop (erf)  }
0x6a: {  	v0 =	vmul.f32 v2, v0;
	_ =	sdelay $0x1  }
0x6b: {  	[tilespmem:s29+$0x9C90] =	vst v0  }
0x6c: {  	v0 =	vld.idx.msk [tilespmem:v1+s4+$0x0], $0xffff;
	_ =	sdelay $0x4  }
0x6d: {  	(erf) = vrcp.f32 v0;
	_ =	sdelay $0x3  }
0x6e: {  	v1 =	vld [tilespmem:s29+$0x4E90]  }
0x6f: {  	v0 =	vld [tilespmem:s29+$0x7590];
	_ =	sdelay $0x3  }
0x70: {  	v2 =	vpop (erf)  }
0x71: {  	v0 =	vmul.f32 v2, v0;
	_ =	sdelay $0x1  }
0x72: {  	[tilespmem:s29+$0x9CA0] =	vst v0  }
0x73: {  	v0 =	vld.idx.msk [tilespmem:v1+s4+$0x0], $0xffff;
	_ =	sdelay $0x4  }
0x74: {  	(erf) = vrcp.f32 v0;
	_ =	sdelay $0x3  }
0x75: {  	v1 =	vld [tilespmem:s29+$0x4EA0]  }
0x76: {  	v0 =	vld [tilespmem:s29+$0x75A0];
	_ =	sdelay $0x3  }
0x77: {  	v2 =	vpop (erf)  }
0x78: {  	v0 =	vmul.f32 v2, v0;
	_ =	sdelay $0x1  }
0x79: {  	[tilespmem:s29+$0x9CB0] =	vst v0  }
0x7a: {  	v0 =	vld.idx.msk [tilespmem:v1+s4+$0x0], $0xffff;
	_ =	sdelay $0x4  }
0x7b: {  	(erf) = vrcp.f32 v0;
	_ =	sdelay $0x3  }
0x7c: {  	v1 =	vld [tilespmem:s29+$0x4EB0]  }
0x7d: {  	v0 =	vld [tilespmem:s29+$0x75B0];
	_ =	sdelay $0x3  }
0x7e: {  	v2 =	vpop (erf)  }
0x7f: {  	v0 =	vmul.f32 v2, v0;
	_ =	sdelay $0x1  }
0x80: {  	[tilespmem:s29+$0x9CC0] =	vst v0  }
0x81: {  	v0 =	vld.idx.msk [tilespmem:v1+s4+$0x0], $0xffff;
	_ =	sdelay $0x4  }
0x82: {  	(erf) = vrcp.f32 v0;
	_ =	sdelay $0x3  }
0x83: {  	v1 =	vld [tilespmem:s29+$0x4EC0]  }
0x84: {  	v0 =	vld [tilespmem:s29+$0x75C0];
	_ =	sdelay $0x3  }
0x85: {  	v2 =	vpop (erf)  }
0x86: {  	v0 =	vmul.f32 v2, v0;
	_ =	sdelay $0x1  }
0x87: {  	[tilespmem:s29+$0x9CD0] =	vst v0  }
0x88: {  	v0 =	vld.idx.msk [tilespmem:v1+s4+$0x0], $0xffff;
	_ =	sdelay $0x4  }
0x89: {  	(erf) = vrcp.f32 v0;
	_ =	sdelay $0x3  }
0x8a: {  	v1 =	vld [tilespmem:s29+$0x4ED0]  }
0x8b: {  	v0 =	vld [tilespmem:s29+$0x75D0];
	_ =	sdelay $0x3  }
0x8c: {  	v2 =	vpop (erf)  }
0x8d: {  	v0 =	vmul.f32 v2, v0;
	_ =	sdelay $0x1  }
0x8e: {  	[tilespmem:s29+$0x9CE0] =	vst v0  }
0x8f: {  	v0 =	vld.idx.msk [tilespmem:v1+s4+$0x0], $0xffff;
	_ =	sdelay $0x4  }
0x90: {  	(erf) = vrcp.f32 v0;
	_ =	sdelay $0x3  }
0x91: {  	v1 =	vld [tilespmem:s29+$0x4EE0]  }
0x92: {  	v0 =	vld [tilespmem:s29+$0x75E0];
	_ =	sdelay $0x3  }
0x93: {  	v2 =	vpop (erf)  }
0x94: {  	v0 =	vmul.f32 v2, v0;
	_ =	sdelay $0x1  }
0x95: {  	[tilespmem:s29+$0x9CF0] =	vst v0  }
0x96: {  	v0 =	vld.idx.msk [tilespmem:v1+s4+$0x0], $0xffff;
	_ =	sdelay $0x4  }
0x97: {  	(erf) = vrcp.f32 v0;
	_ =	sdelay $0x3  }
0x98: {  	v1 =	vld [tilespmem:s29+$0x4EF0]  }
0x99: {  	v0 =	vld [tilespmem:s29+$0x75F0];
	_ =	sdelay $0x3  }
0x9a: {  	v2 =	vpop (erf)  }
0x9b: {  	v0 =	vmul.f32 v2, v0;
	_ =	sdelay $0x1  }
0x9c: {  	[tilespmem:s29+$0x9D00] =	vst v0  }
0x9d: {  	v0 =	vld.idx.msk [tilespmem:v1+s4+$0x0], $0xffff;
	_ =	sdelay $0x4  }
0x9e: {  	(erf) = vrcp.f32 v0;
	_ =	sdelay $0x3  }
0x9f: {  	v1 =	vld [tilespmem:s29+$0x4F00]  }
0xa0: {  	v0 =	vld [tilespmem:s29+$0x7600];
	_ =	sdelay $0x3  }
0xa1: {  	v2 =	vpop (erf)  }
0xa2: {  	v0 =	vmul.f32 v2, v0;
	_ =	sdelay $0x1  }
0xa3: {  	[tilespmem:s29+$0x9D10] =	vst v0  }
0xa4: {  	v0 =	vld.idx.msk [tilespmem:v1+s4+$0x0], $0xffff;
	_ =	sdelay $0x4  }
0xa5: {  	(erf) = vrcp.f32 v0;
	_ =	sdelay $0x3  }
0xa6: {  	v1 =	vld [tilespmem:s29+$0x4F10]  }
0xa7: {  	v0 =	vld [tilespmem:s29+$0x7610];
	_ =	sdelay $0x3  }
0xa8: {  	v2 =	vpop (erf)  }
0xa9: {  	v0 =	vmul.f32 v2, v0;
	_ =	sdelay $0x1  }
0xaa: {  	[tilespmem:s29+$0x9D20] =	vst v0  }
0xab: {  	v0 =	vld.idx.msk [tilespmem:v1+s4+$0x0], $0xffff;
	_ =	sdelay $0x4  }
0xac: {  	(erf) = vrcp.f32 v0;
	_ =	sdelay $0x3  }
0xad: {  	v1 =	vld [tilespmem:s29+$0x4F20]  }
0xae: {  	v0 =	vld [tilespmem:s29+$0x7620];
	_ =	sdelay $0x3  }
0xaf: {  	v2 =	vpop (erf)  }
0xb0: {  	v0 =	vmul.f32 v2, v0;
	_ =	sdelay $0x1  }
0xb1: {  	[tilespmem:s29+$0x9D30] =	vst v0  }
0xb2: {  	v0 =	vld.idx.msk [tilespmem:v1+s4+$0x0], $0xffff;
	_ =	sdelay $0x4  }
0xb3: {  	(erf) = vrcp.f32 v0;
	_ =	sdelay $0x3  }
0xb4: {  	v1 =	vld [tilespmem:s29+$0x4F30]  }
0xb5: {  	v0 =	vld [tilespmem:s29+$0x7630];
	_ =	sdelay $0x3  }
0xb6: {  	v2 =	vpop (erf)  }
0xb7: {  	v0 =	vmul.f32 v2, v0;
	_ =	sdelay $0x1  }
0xb8: {  	[tilespmem:s29+$0x9D40] =	vst v0  }
0xb9: {  	v0 =	vld.idx.msk [tilespmem:v1+s4+$0x0], $0xffff;
	_ =	sdelay $0x4  }
0xba: {  	(erf) = vrcp.f32 v0;
	_ =	sdelay $0x3  }
0xbb: {  	v1 =	vld [tilespmem:s29+$0x4F40]  }
0xbc: {  	v0 =	vld [tilespmem:s29+$0x7640];
	_ =	sdelay $0x3  }
0xbd: {  	v2 =	vpop (erf)  }
0xbe: {  	v0 =	vmul.f32 v2, v0;
	_ =	sdelay $0x1  }
0xbf: {  	[tilespmem:s29+$0x9D50] =	vst v0  }
0xc0: {  	v0 =	vld.idx.msk [tilespmem:v1+s4+$0x0], $0xffff;
	_ =	sdelay $0x4  }
0xc1: {  	(erf) = vrcp.f32 v0;
	_ =	sdelay $0x3  }
0xc2: {  	v1 =	vld [tilespmem:s29+$0x4F50]  }
0xc3: {  	v0 =	vld [tilespmem:s29+$0x7650];
	_ =	sdelay $0x3  }
0xc4: {  	v2 =	vpop (erf)  }
0xc5: {  	v0 =	vmul.f32 v2, v0;
	_ =	sdelay $0x1  }
0xc6: {  	[tilespmem:s29+$0x9D60] =	vst v0  }
0xc7: {  	v0 =	vld.idx.msk [tilespmem:v1+s4+$0x0], $0xffff;
	_ =	sdelay $0x4  }
0xc8: {  	(erf) = vrcp.f32 v0;
	_ =	sdelay $0x3  }
0xc9: {  	v1 =	vld [tilespmem:s29+$0x4F60]  }
0xca: {  	v0 =	vld [tilespmem:s29+$0x7660];
	_ =	sdelay $0x3  }
0xcb: {  	v2 =	vpop (erf)  }
0xcc: {  	v0 =	vmul.f32 v2, v0;
	_ =	sdelay $0x1  }
0xcd: {  	[tilespmem:s29+$0x9D70] =	vst v0  }
0xce: {  	v0 =	vld.idx.msk [tilespmem:v1+s4+$0x0], $0xffff;
	_ =	sdelay $0x4  }
0xcf: {  	(erf) = vrcp.f32 v0;
	_ =	sdelay $0x3  }
0xd0: {  	v1 =	vld [tilespmem:s29+$0x4F70]  }
0xd1: {  	v0 =	vld [tilespmem:s29+$0x7670];
	_ =	sdelay $0x3  }
0xd2: {  	v2 =	vpop (erf)  }
0xd3: {  	v0 =	vmul.f32 v2, v0;
	_ =	sdelay $0x1  }
0xd4: {  	[tilespmem:s29+$0x9D80] =	vst v0  }
0xd5: {  	v0 =	vld.idx.msk [tilespmem:v1+s4+$0x0], $0xffff;
	_ =	sdelay $0x4  }
0xd6: {  	(erf) = vrcp.f32 v0;
	_ =	sdelay $0x3  }
0xd7: {  	v1 =	vld [tilespmem:s29+$0x4F80]  }
0xd8: {  	v0 =	vld [tilespmem:s29+$0x7680];
	_ =	sdelay $0x3  }
0xd9: {  	v2 =	vpop (erf)  }
0xda: {  	v0 =	vmul.f32 v2, v0;
	_ =	sdelay $0x1  }
0xdb: {  	[tilespmem:s29+$0x9D90] =	vst v0  }
0xdc: {  	v0 =	vld.idx.msk [tilespmem:v1+s4+$0x0], $0xffff;
	_ =	sdelay $0x4  }
0xdd: {  	(erf) = vrcp.f32 v0;
	_ =	sdelay $0x3  }
0xde: {  	v1 =	vld [tilespmem:s29+$0x4F90]  }
0xdf: {  	v0 =	vld [tilespmem:s29+$0x7690];
	_ =	sdelay $0x3  }
0xe0: {  	v2 =	vpop (erf)  }
0xe1: {  	v0 =	vmul.f32 v2, v0;
	_ =	sdelay $0x1  }
0xe2: {  	[tilespmem:s29+$0x9DA0] =	vst v0  }
0xe3: {  	v0 =	vld.idx.msk [tilespmem:v1+s4+$0x0], $0xffff;
	_ =	sdelay $0x4  }
0xe4: {  	(erf) = vrcp.f32 v0;
	_ =	sdelay $0x3  }
0xe5: {  	v1 =	vld [tilespmem:s29+$0x4FA0]  }
0xe6: {  	v0 =	vld [tilespmem:s29+$0x76A0];
	_ =	sdelay $0x3  }
0xe7: {  	v2 =	vpop (erf)  }
0xe8: {  	v0 =	vmul.f32 v2, v0;
	_ =	sdelay $0x1  }
0xe9: {  	[tilespmem:s29+$0x9DB0] =	vst v0  }
0xea: {  	v0 =	vld.idx.msk [tilespmem:v1+s4+$0x0], $0xffff;
	_ =	sdelay $0x4  }
0xeb: {  	(erf) = vrcp.f32 v0;
	_ =	sdelay $0x3  }
0xec: {  	s31 =	simm.s32 $0x190;
	s30 =	simm.s32 $0xC80;
	v0 =	vld [tilespmem:s29+$0x76B0]  }
.LBB2_4:
0xed: {  	p1 =	sne.s32 s30, $0x9600;
	v1 =	vld [tilespmem:s31+$0x4E20];
	_ =	sdelay $0x3  }
0xee: {  	v2 =	vpop (erf)  }
0xef: {  	v0 =	vmul.f32 v2, v0;
	_ =	sdelay $0x1  }
0xf0: {  	[tilespmem:s29+$0x9DC0] =	vst v0;
	s29 =	smov.u32 s31  }
0xf1: {  	v0 =	vld.idx.msk [tilespmem:v1+s4+$0x0], $0xffff;
	_ =	sdelay $0x5  }
0xf2: {  	(erf) = vrcp.f32 v0;
	_ =	sdelay $0x3  }
0xf3: {  	v0 =	vld [tilespmem:s29+$0x7530]  }
0xf4: {  	v1 =	vld [tilespmem:s29+$0x4E30];
	_ =	sdelay $0x3  }
0xf5: {  	v2 =	vpop (erf)  }
0xf6: {  	v0 =	vmul.f32 v2, v0;
	_ =	sdelay $0x1  }
0xf7: {  	[tilespmem:s29+$0x9C40] =	vst v0  }
0xf8: {  	v0 =	vld.idx.msk [tilespmem:v1+s4+$0x0], $0xffff;
	_ =	sdelay $0x5  }
0xf9: {  	(erf) = vrcp.f32 v0;
	_ =	sdelay $0x3  }
0xfa: {  	v0 =	vld [tilespmem:s29+$0x7540]  }
0xfb: {  	v1 =	vld [tilespmem:s29+$0x4E40];
	_ =	sdelay $0x3  }
0xfc: {  	v2 =	vpop (erf)  }
0xfd: {  	v0 =	vmul.f32 v2, v0;
	_ =	sdelay $0x1  }
0xfe: {  	[tilespmem:s29+$0x9C50] =	vst v0  }
0xff: {  	v0 =	vld.idx.msk [tilespmem:v1+s4+$0x0], $0xffff;
	_ =	sdelay $0x5  }
0x100: {  	(erf) = vrcp.f32 v0;
	_ =	sdelay $0x3  }
0x101: {  	v0 =	vld [tilespmem:s29+$0x7550]  }
0x102: {  	v1 =	vld [tilespmem:s29+$0x4E50];
	_ =	sdelay $0x3  }
0x103: {  	v2 =	vpop (erf)  }
0x104: {  	v0 =	vmul.f32 v2, v0;
	_ =	sdelay $0x1  }
0x105: {  	[tilespmem:s29+$0x9C60] =	vst v0  }
0x106: {  	v0 =	vld.idx.msk [tilespmem:v1+s4+$0x0], $0xffff;
	_ =	sdelay $0x5  }
0x107: {  	(erf) = vrcp.f32 v0;
	_ =	sdelay $0x3  }
0x108: {  	v0 =	vld [tilespmem:s29+$0x7560]  }
0x109: {  	v1 =	vld [tilespmem:s29+$0x4E60];
	_ =	sdelay $0x3  }
0x10a: {  	v2 =	vpop (erf)  }
0x10b: {  	v0 =	vmul.f32 v2, v0;
	_ =	sdelay $0x1  }
0x10c: {  	[tilespmem:s29+$0x9C70] =	vst v0  }
0x10d: {  	v0 =	vld.idx.msk [tilespmem:v1+s4+$0x0], $0xffff;
	_ =	sdelay $0x5  }
0x10e: {  	(erf) = vrcp.f32 v0;
	_ =	sdelay $0x3  }
0x10f: {  	v0 =	vld [tilespmem:s29+$0x7570]  }
0x110: {  	v1 =	vld [tilespmem:s29+$0x4E70];
	_ =	sdelay $0x3  }
0x111: {  	v2 =	vpop (erf)  }
0x112: {  	v0 =	vmul.f32 v2, v0;
	_ =	sdelay $0x1  }
0x113: {  	[tilespmem:s29+$0x9C80] =	vst v0  }
0x114: {  	v0 =	vld.idx.msk [tilespmem:v1+s4+$0x0], $0xffff;
	_ =	sdelay $0x5  }
0x115: {  	(erf) = vrcp.f32 v0;
	_ =	sdelay $0x3  }
0x116: {  	v0 =	vld [tilespmem:s29+$0x7580]  }
0x117: {  	v1 =	vld [tilespmem:s29+$0x4E80];
	_ =	sdelay $0x3  }
0x118: {  	v2 =	vpop (erf)  }
0x119: {  	v0 =	vmul.f32 v2, v0;
	_ =	sdelay $0x1  }
0x11a: {  	[tilespmem:s29+$0x9C90] =	vst v0  }
0x11b: {  	v0 =	vld.idx.msk [tilespmem:v1+s4+$0x0], $0xffff;
	_ =	sdelay $0x5  }
0x11c: {  	(erf) = vrcp.f32 v0;
	_ =	sdelay $0x3  }
0x11d: {  	v0 =	vld [tilespmem:s29+$0x7590]  }
0x11e: {  	v1 =	vld [tilespmem:s29+$0x4E90];
	_ =	sdelay $0x3  }
0x11f: {  	v2 =	vpop (erf)  }
0x120: {  	v0 =	vmul.f32 v2, v0;
	_ =	sdelay $0x1  }
0x121: {  	[tilespmem:s29+$0x9CA0] =	vst v0  }
0x122: {  	v0 =	vld.idx.msk [tilespmem:v1+s4+$0x0], $0xffff;
	_ =	sdelay $0x5  }
0x123: {  	(erf) = vrcp.f32 v0;
	_ =	sdelay $0x3  }
0x124: {  	v0 =	vld [tilespmem:s29+$0x75A0]  }
0x125: {  	v1 =	vld [tilespmem:s29+$0x4EA0];
	_ =	sdelay $0x3  }
0x126: {  	v2 =	vpop (erf)  }
0x127: {  	v0 =	vmul.f32 v2, v0;
	_ =	sdelay $0x1  }
0x128: {  	[tilespmem:s29+$0x9CB0] =	vst v0  }
0x129: {  	v0 =	vld.idx.msk [tilespmem:v1+s4+$0x0], $0xffff;
	_ =	sdelay $0x5  }
0x12a: {  	(erf) = vrcp.f32 v0;
	_ =	sdelay $0x3  }
0x12b: {  	v0 =	vld [tilespmem:s29+$0x75B0]  }
0x12c: {  	v1 =	vld [tilespmem:s29+$0x4EB0];
	_ =	sdelay $0x3  }
0x12d: {  	v2 =	vpop (erf)  }
0x12e: {  	v0 =	vmul.f32 v2, v0;
	_ =	sdelay $0x1  }
0x12f: {  	[tilespmem:s29+$0x9CC0] =	vst v0  }
0x130: {  	v0 =	vld.idx.msk [tilespmem:v1+s4+$0x0], $0xffff;
	_ =	sdelay $0x5  }
0x131: {  	(erf) = vrcp.f32 v0;
	_ =	sdelay $0x3  }
0x132: {  	v0 =	vld [tilespmem:s29+$0x75C0]  }
0x133: {  	v1 =	vld [tilespmem:s29+$0x4EC0];
	_ =	sdelay $0x3  }
0x134: {  	v2 =	vpop (erf)  }
0x135: {  	v0 =	vmul.f32 v2, v0;
	_ =	sdelay $0x1  }
0x136: {  	[tilespmem:s29+$0x9CD0] =	vst v0  }
0x137: {  	v0 =	vld.idx.msk [tilespmem:v1+s4+$0x0], $0xffff;
	_ =	sdelay $0x5  }
0x138: {  	(erf) = vrcp.f32 v0;
	_ =	sdelay $0x3  }
0x139: {  	v0 =	vld [tilespmem:s29+$0x75D0]  }
0x13a: {  	v1 =	vld [tilespmem:s29+$0x4ED0];
	_ =	sdelay $0x3  }
0x13b: {  	v2 =	vpop (erf)  }
0x13c: {  	v0 =	vmul.f32 v2, v0;
	_ =	sdelay $0x1  }
0x13d: {  	[tilespmem:s29+$0x9CE0] =	vst v0  }
0x13e: {  	v0 =	vld.idx.msk [tilespmem:v1+s4+$0x0], $0xffff;
	_ =	sdelay $0x5  }
0x13f: {  	(erf) = vrcp.f32 v0;
	_ =	sdelay $0x3  }
0x140: {  	v0 =	vld [tilespmem:s29+$0x75E0]  }
0x141: {  	v1 =	vld [tilespmem:s29+$0x4EE0];
	_ =	sdelay $0x3  }
0x142: {  	v2 =	vpop (erf)  }
0x143: {  	v0 =	vmul.f32 v2, v0;
	_ =	sdelay $0x1  }
0x144: {  	[tilespmem:s29+$0x9CF0] =	vst v0  }
0x145: {  	v0 =	vld.idx.msk [tilespmem:v1+s4+$0x0], $0xffff;
	_ =	sdelay $0x5  }
0x146: {  	(erf) = vrcp.f32 v0;
	_ =	sdelay $0x3  }
0x147: {  	v0 =	vld [tilespmem:s29+$0x75F0]  }
0x148: {  	v1 =	vld [tilespmem:s29+$0x4EF0];
	_ =	sdelay $0x3  }
0x149: {  	v2 =	vpop (erf)  }
0x14a: {  	v0 =	vmul.f32 v2, v0;
	_ =	sdelay $0x1  }
0x14b: {  	[tilespmem:s29+$0x9D00] =	vst v0  }
0x14c: {  	v0 =	vld.idx.msk [tilespmem:v1+s4+$0x0], $0xffff;
	_ =	sdelay $0x5  }
0x14d: {  	(erf) = vrcp.f32 v0;
	_ =	sdelay $0x3  }
0x14e: {  	v0 =	vld [tilespmem:s29+$0x7600]  }
0x14f: {  	v1 =	vld [tilespmem:s29+$0x4F00];
	_ =	sdelay $0x3  }
0x150: {  	v2 =	vpop (erf)  }
0x151: {  	v0 =	vmul.f32 v2, v0;
	_ =	sdelay $0x1  }
0x152: {  	[tilespmem:s29+$0x9D10] =	vst v0  }
0x153: {  	v0 =	vld.idx.msk [tilespmem:v1+s4+$0x0], $0xffff;
	_ =	sdelay $0x5  }
0x154: {  	(erf) = vrcp.f32 v0;
	_ =	sdelay $0x3  }
0x155: {  	v0 =	vld [tilespmem:s29+$0x7610]  }
0x156: {  	v1 =	vld [tilespmem:s29+$0x4F10];
	_ =	sdelay $0x3  }
0x157: {  	v2 =	vpop (erf)  }
0x158: {  	v0 =	vmul.f32 v2, v0;
	_ =	sdelay $0x1  }
0x159: {  	[tilespmem:s29+$0x9D20] =	vst v0  }
0x15a: {  	v0 =	vld.idx.msk [tilespmem:v1+s4+$0x0], $0xffff;
	_ =	sdelay $0x5  }
0x15b: {  	(erf) = vrcp.f32 v0;
	_ =	sdelay $0x3  }
0x15c: {  	v0 =	vld [tilespmem:s29+$0x7620]  }
0x15d: {  	v1 =	vld [tilespmem:s29+$0x4F20];
	_ =	sdelay $0x3  }
0x15e: {  	v2 =	vpop (erf)  }
0x15f: {  	v0 =	vmul.f32 v2, v0;
	_ =	sdelay $0x1  }
0x160: {  	[tilespmem:s29+$0x9D30] =	vst v0  }
0x161: {  	v0 =	vld.idx.msk [tilespmem:v1+s4+$0x0], $0xffff;
	_ =	sdelay $0x5  }
0x162: {  	(erf) = vrcp.f32 v0;
	_ =	sdelay $0x3  }
0x163: {  	v0 =	vld [tilespmem:s29+$0x7630]  }
0x164: {  	v1 =	vld [tilespmem:s29+$0x4F30];
	_ =	sdelay $0x3  }
0x165: {  	v2 =	vpop (erf)  }
0x166: {  	v0 =	vmul.f32 v2, v0;
	_ =	sdelay $0x1  }
0x167: {  	[tilespmem:s29+$0x9D40] =	vst v0  }
0x168: {  	v0 =	vld.idx.msk [tilespmem:v1+s4+$0x0], $0xffff;
	_ =	sdelay $0x5  }
0x169: {  	(erf) = vrcp.f32 v0;
	_ =	sdelay $0x3  }
0x16a: {  	v0 =	vld [tilespmem:s29+$0x7640]  }
0x16b: {  	v1 =	vld [tilespmem:s29+$0x4F40];
	_ =	sdelay $0x3  }
0x16c: {  	v2 =	vpop (erf)  }
0x16d: {  	v0 =	vmul.f32 v2, v0;
	_ =	sdelay $0x1  }
0x16e: {  	[tilespmem:s29+$0x9D50] =	vst v0  }
0x16f: {  	v0 =	vld.idx.msk [tilespmem:v1+s4+$0x0], $0xffff;
	_ =	sdelay $0x5  }
0x170: {  	(erf) = vrcp.f32 v0;
	_ =	sdelay $0x3  }
0x171: {  	v0 =	vld [tilespmem:s29+$0x7650]  }
0x172: {  	v1 =	vld [tilespmem:s29+$0x4F50];
	_ =	sdelay $0x3  }
0x173: {  	v2 =	vpop (erf)  }
0x174: {  	v0 =	vmul.f32 v2, v0;
	_ =	sdelay $0x1  }
0x175: {  	[tilespmem:s29+$0x9D60] =	vst v0  }
0x176: {  	v0 =	vld.idx.msk [tilespmem:v1+s4+$0x0], $0xffff;
	_ =	sdelay $0x5  }
0x177: {  	(erf) = vrcp.f32 v0;
	_ =	sdelay $0x3  }
0x178: {  	v0 =	vld [tilespmem:s29+$0x7660]  }
0x179: {  	v1 =	vld [tilespmem:s29+$0x4F60];
	_ =	sdelay $0x3  }
0x17a: {  	v2 =	vpop (erf)  }
0x17b: {  	v0 =	vmul.f32 v2, v0;
	_ =	sdelay $0x1  }
0x17c: {  	[tilespmem:s29+$0x9D70] =	vst v0  }
0x17d: {  	v0 =	vld.idx.msk [tilespmem:v1+s4+$0x0], $0xffff;
	_ =	sdelay $0x5  }
0x17e: {  	(erf) = vrcp.f32 v0;
	_ =	sdelay $0x3  }
0x17f: {  	v0 =	vld [tilespmem:s29+$0x7670]  }
0x180: {  	v1 =	vld [tilespmem:s29+$0x4F70];
	_ =	sdelay $0x3  }
0x181: {  	v2 =	vpop (erf)  }
0x182: {  	v0 =	vmul.f32 v2, v0;
	_ =	sdelay $0x1  }
0x183: {  	[tilespmem:s29+$0x9D80] =	vst v0  }
0x184: {  	v0 =	vld.idx.msk [tilespmem:v1+s4+$0x0], $0xffff;
	_ =	sdelay $0x5  }
0x185: {  	(erf) = vrcp.f32 v0;
	_ =	sdelay $0x3  }
0x186: {  	v0 =	vld [tilespmem:s29+$0x7680]  }
0x187: {  	v1 =	vld [tilespmem:s29+$0x4F80];
	_ =	sdelay $0x3  }
0x188: {  	v2 =	vpop (erf)  }
0x189: {  	v0 =	vmul.f32 v2, v0;
	_ =	sdelay $0x1  }
0x18a: {  	[tilespmem:s29+$0x9D90] =	vst v0  }
0x18b: {  	v0 =	vld.idx.msk [tilespmem:v1+s4+$0x0], $0xffff;
	_ =	sdelay $0x5  }
0x18c: {  	(erf) = vrcp.f32 v0;
	_ =	sdelay $0x3  }
0x18d: {  	v0 =	vld [tilespmem:s29+$0x7690]  }
0x18e: {  	v1 =	vld [tilespmem:s29+$0x4F90];
	_ =	sdelay $0x3  }
0x18f: {  	v2 =	vpop (erf)  }
0x190: {  	v0 =	vmul.f32 v2, v0;
	_ =	sdelay $0x1  }
0x191: {  	[tilespmem:s29+$0x9DA0] =	vst v0  }
0x192: {  	v0 =	vld.idx.msk [tilespmem:v1+s4+$0x0], $0xffff;
	_ =	sdelay $0x5  }
0x193: {  	(erf) = vrcp.f32 v0;
	_ =	sdelay $0x3  }
0x194: {  	v0 =	vld [tilespmem:s29+$0x76A0]  }
0x195: {  	v1 =	vld [tilespmem:s29+$0x4FA0];
	_ =	sdelay $0x3  }
0x196: {  	v2 =	vpop (erf)  }
0x197: {  	v0 =	vmul.f32 v2, v0;
	_ =	sdelay $0x1  }
0x198: {  	[tilespmem:s29+$0x9DB0] =	vst v0  }
0x199: {  	v0 =	vld.idx.msk [tilespmem:v1+s4+$0x0], $0xffff;
	_ =	sdelay $0x5  }
.Ltmp1:
0x19a: {  	(erf) = vrcp.f32 v0;
	(pc) =	sbr.rel @p1 .LBB2_4-.Ltmp1, $2  }
0x19b: {  	_ =	sdelay $0x2  }
0x19c: {  	s31 =	sshra.s32 s30, $0x2;
	s30 =	sadd.s32 $0x640, s30;
	v0 =	vld [tilespmem:s29+$0x76B0]  }
0x19d: {  	v1 =	vld [tilespmem:s31+$0x4E20];
	_ =	sdelay $0x3  }
0x19e: {  	v2 =	vpop (erf)  }
0x19f: {  	v0 =	vmul.f32 v2, v0;
	_ =	sdelay $0x1  }
0x1a0: {  	[tilespmem:s29+$0x9DC0] =	vst v0  }
0x1a1: {  	v0 =	vld.idx.msk [tilespmem:v1+s4+$0x0], $0xffff;
	_ =	sdelay $0x4  }
0x1a2: {  	(erf) = vrcp.f32 v0;
	_ =	sdelay $0x3  }
0x1a3: {  	v50 =	vld [tilespmem:s31+$0x7530]  }
0x1a4: {  	v51 =	vld [tilespmem:s31+$0x4E30];
	_ =	sdelay $0x3  }
0x1a5: {  	v52 =	vpop (erf)  }
0x1a6: {  	v0 =	vmul.f32 v52, v50;
	_ =	sdelay $0x1  }
0x1a7: {  	[tilespmem:s31+$0x9C40] =	vst v0  }
0x1a8: {  	v0 =	vld.idx.msk [tilespmem:v51+s4+$0x0], $0xffff;
	_ =	sdelay $0x4  }
0x1a9: {  	(erf) = vrcp.f32 v0;
	_ =	sdelay $0x3  }
0x1aa: {  	v53 =	vld [tilespmem:s31+$0x7540]  }
0x1ab: {  	v54 =	vld [tilespmem:s31+$0x4E40];
	_ =	sdelay $0x3  }
0x1ac: {  	v55 =	vpop (erf)  }
0x1ad: {  	v0 =	vmul.f32 v55, v53;
	_ =	sdelay $0x1  }
0x1ae: {  	[tilespmem:s31+$0x9C50] =	vst v0  }
0x1af: {  	v0 =	vld.idx.msk [tilespmem:v54+s4+$0x0], $0xffff;
	_ =	sdelay $0x4  }
0x1b0: {  	(erf) = vrcp.f32 v0;
	_ =	sdelay $0x3  }
0x1b1: {  	v56 =	vld [tilespmem:s31+$0x7550]  }
0x1b2: {  	v57 =	vld [tilespmem:s31+$0x4E50];
	_ =	sdelay $0x3  }
0x1b3: {  	v58 =	vpop (erf)  }
0x1b4: {  	v0 =	vmul.f32 v58, v56;
	_ =	sdelay $0x1  }
0x1b5: {  	[tilespmem:s31+$0x9C60] =	vst v0  }
0x1b6: {  	v0 =	vld.idx.msk [tilespmem:v57+s4+$0x0], $0xffff;
	_ =	sdelay $0x4  }
0x1b7: {  	(erf) = vrcp.f32 v0;
	_ =	sdelay $0x3  }
0x1b8: {  	v59 =	vld [tilespmem:s31+$0x7560]  }
0x1b9: {  	v60 =	vld [tilespmem:s31+$0x4E60];
	_ =	sdelay $0x3  }
0x1ba: {  	v61 =	vpop (erf)  }
0x1bb: {  	v0 =	vmul.f32 v61, v59;
	_ =	sdelay $0x1  }
0x1bc: {  	[tilespmem:s31+$0x9C70] =	vst v0  }
0x1bd: {  	v0 =	vld.idx.msk [tilespmem:v60+s4+$0x0], $0xffff;
	_ =	sdelay $0x4  }
0x1be: {  	(erf) = vrcp.f32 v0;
	_ =	sdelay $0x3  }
0x1bf: {  	v62 =	vld [tilespmem:s31+$0x7570]  }
0x1c0: {  	v63 =	vld [tilespmem:s31+$0x4E70];
	_ =	sdelay $0x3  }
0x1c1: {  	v4 =	vpop (erf)  }
0x1c2: {  	v0 =	vmul.f32 v4, v62;
	_ =	sdelay $0x1  }
0x1c3: {  	[tilespmem:s31+$0x9C80] =	vst v0  }
0x1c4: {  	v0 =	vld.idx.msk [tilespmem:v63+s4+$0x0], $0xffff;
	_ =	sdelay $0x4  }
0x1c5: {  	(erf) = vrcp.f32 v0;
	_ =	sdelay $0x3  }
0x1c6: {  	v5 =	vld [tilespmem:s31+$0x7580]  }
0x1c7: {  	v6 =	vld [tilespmem:s31+$0x4E80];
	_ =	sdelay $0x3  }
0x1c8: {  	v7 =	vpop (erf)  }
0x1c9: {  	v0 =	vmul.f32 v7, v5;
	_ =	sdelay $0x1  }
0x1ca: {  	[tilespmem:s31+$0x9C90] =	vst v0  }
0x1cb: {  	v0 =	vld.idx.msk [tilespmem:v6+s4+$0x0], $0xffff;
	_ =	sdelay $0x4  }
0x1cc: {  	(erf) = vrcp.f32 v0;
	_ =	sdelay $0x3  }
0x1cd: {  	v8 =	vld [tilespmem:s31+$0x7590]  }
0x1ce: {  	v9 =	vld [tilespmem:s31+$0x4E90];
	_ =	sdelay $0x3  }
0x1cf: {  	v10 =	vpop (erf)  }
0x1d0: {  	v0 =	vmul.f32 v10, v8;
	_ =	sdelay $0x1  }
0x1d1: {  	[tilespmem:s31+$0x9CA0] =	vst v0  }
0x1d2: {  	v0 =	vld.idx.msk [tilespmem:v9+s4+$0x0], $0xffff;
	_ =	sdelay $0x4  }
0x1d3: {  	(erf) = vrcp.f32 v0;
	_ =	sdelay $0x3  }
0x1d4: {  	v11 =	vld [tilespmem:s31+$0x75A0]  }
0x1d5: {  	v12 =	vld [tilespmem:s31+$0x4EA0];
	_ =	sdelay $0x3  }
0x1d6: {  	v13 =	vpop (erf)  }
0x1d7: {  	v0 =	vmul.f32 v13, v11;
	_ =	sdelay $0x1  }
0x1d8: {  	[tilespmem:s31+$0x9CB0] =	vst v0  }
0x1d9: {  	v0 =	vld.idx.msk [tilespmem:v12+s4+$0x0], $0xffff;
	_ =	sdelay $0x4  }
0x1da: {  	(erf) = vrcp.f32 v0;
	_ =	sdelay $0x3  }
0x1db: {  	v14 =	vld [tilespmem:s31+$0x75B0]  }
0x1dc: {  	v15 =	vld [tilespmem:s31+$0x4EB0];
	_ =	sdelay $0x3  }
0x1dd: {  	v16 =	vpop (erf)  }
0x1de: {  	v0 =	vmul.f32 v16, v14;
	_ =	sdelay $0x1  }
0x1df: {  	[tilespmem:s31+$0x9CC0] =	vst v0  }
0x1e0: {  	v0 =	vld.idx.msk [tilespmem:v15+s4+$0x0], $0xffff;
	_ =	sdelay $0x4  }
0x1e1: {  	(erf) = vrcp.f32 v0;
	_ =	sdelay $0x3  }
0x1e2: {  	v17 =	vld [tilespmem:s31+$0x75C0]  }
0x1e3: {  	v18 =	vld [tilespmem:s31+$0x4EC0];
	_ =	sdelay $0x3  }
0x1e4: {  	v19 =	vpop (erf)  }
0x1e5: {  	v0 =	vmul.f32 v19, v17;
	_ =	sdelay $0x1  }
0x1e6: {  	[tilespmem:s31+$0x9CD0] =	vst v0  }
0x1e7: {  	v0 =	vld.idx.msk [tilespmem:v18+s4+$0x0], $0xffff;
	_ =	sdelay $0x4  }
0x1e8: {  	(erf) = vrcp.f32 v0;
	_ =	sdelay $0x3  }
0x1e9: {  	v20 =	vld [tilespmem:s31+$0x75D0]  }
0x1ea: {  	v21 =	vld [tilespmem:s31+$0x4ED0];
	_ =	sdelay $0x3  }
0x1eb: {  	v22 =	vpop (erf)  }
0x1ec: {  	v0 =	vmul.f32 v22, v20;
	_ =	sdelay $0x1  }
0x1ed: {  	[tilespmem:s31+$0x9CE0] =	vst v0  }
0x1ee: {  	v0 =	vld.idx.msk [tilespmem:v21+s4+$0x0], $0xffff;
	_ =	sdelay $0x4  }
0x1ef: {  	(erf) = vrcp.f32 v0;
	_ =	sdelay $0x3  }
0x1f0: {  	v23 =	vld [tilespmem:s31+$0x75E0]  }
0x1f1: {  	v24 =	vld [tilespmem:s31+$0x4EE0];
	_ =	sdelay $0x3  }
0x1f2: {  	v25 =	vpop (erf)  }
0x1f3: {  	v0 =	vmul.f32 v25, v23;
	_ =	sdelay $0x1  }
0x1f4: {  	[tilespmem:s31+$0x9CF0] =	vst v0  }
0x1f5: {  	v0 =	vld.idx.msk [tilespmem:v24+s4+$0x0], $0xffff;
	_ =	sdelay $0x4  }
0x1f6: {  	(erf) = vrcp.f32 v0;
	_ =	sdelay $0x3  }
0x1f7: {  	v26 =	vld [tilespmem:s31+$0x75F0]  }
0x1f8: {  	v27 =	vld [tilespmem:s31+$0x4EF0];
	_ =	sdelay $0x3  }
0x1f9: {  	v28 =	vpop (erf)  }
0x1fa: {  	v0 =	vmul.f32 v28, v26;
	_ =	sdelay $0x1  }
0x1fb: {  	[tilespmem:s31+$0x9D00] =	vst v0  }
0x1fc: {  	v0 =	vld.idx.msk [tilespmem:v27+s4+$0x0], $0xffff;
	_ =	sdelay $0x4  }
0x1fd: {  	(erf) = vrcp.f32 v0;
	_ =	sdelay $0x3  }
0x1fe: {  	v29 =	vld [tilespmem:s31+$0x7600]  }
0x1ff: {  	v30 =	vld [tilespmem:s31+$0x4F00];
	_ =	sdelay $0x3  }
0x200: {  	v31 =	vpop (erf)  }
0x201: {  	v0 =	vmul.f32 v31, v29;
	_ =	sdelay $0x1  }
0x202: {  	[tilespmem:s31+$0x9D10] =	vst v0  }
0x203: {  	v0 =	vld.idx.msk [tilespmem:v30+s4+$0x0], $0xffff;
	_ =	sdelay $0x4  }
0x204: {  	(erf) = vrcp.f32 v0;
	_ =	sdelay $0x3  }
0x205: {  	v32 =	vld [tilespmem:s31+$0x7610]  }
0x206: {  	v33 =	vld [tilespmem:s31+$0x4F10];
	_ =	sdelay $0x3  }
0x207: {  	v34 =	vpop (erf)  }
0x208: {  	v0 =	vmul.f32 v34, v32;
	_ =	sdelay $0x1  }
0x209: {  	[tilespmem:s31+$0x9D20] =	vst v0  }
0x20a: {  	v0 =	vld.idx.msk [tilespmem:v33+s4+$0x0], $0xffff;
	_ =	sdelay $0x4  }
0x20b: {  	(erf) = vrcp.f32 v0;
	_ =	sdelay $0x3  }
0x20c: {  	v35 =	vld [tilespmem:s31+$0x7620]  }
0x20d: {  	v36 =	vld [tilespmem:s31+$0x4F20];
	_ =	sdelay $0x3  }
0x20e: {  	v37 =	vpop (erf)  }
0x20f: {  	v0 =	vmul.f32 v37, v35;
	_ =	sdelay $0x1  }
0x210: {  	[tilespmem:s31+$0x9D30] =	vst v0  }
0x211: {  	v0 =	vld.idx.msk [tilespmem:v36+s4+$0x0], $0xffff;
	_ =	sdelay $0x4  }
0x212: {  	(erf) = vrcp.f32 v0;
	_ =	sdelay $0x3  }
0x213: {  	v38 =	vld [tilespmem:s31+$0x7630]  }
0x214: {  	v39 =	vld [tilespmem:s31+$0x4F30];
	_ =	sdelay $0x3  }
0x215: {  	v40 =	vpop (erf)  }
0x216: {  	v0 =	vmul.f32 v40, v38;
	_ =	sdelay $0x1  }
0x217: {  	[tilespmem:s31+$0x9D40] =	vst v0  }
0x218: {  	v0 =	vld.idx.msk [tilespmem:v39+s4+$0x0], $0xffff;
	_ =	sdelay $0x4  }
0x219: {  	(erf) = vrcp.f32 v0;
	_ =	sdelay $0x3  }
0x21a: {  	v41 =	vld [tilespmem:s31+$0x7640]  }
0x21b: {  	v42 =	vld [tilespmem:s31+$0x4F40];
	_ =	sdelay $0x3  }
0x21c: {  	v43 =	vpop (erf)  }
0x21d: {  	v0 =	vmul.f32 v43, v41;
	_ =	sdelay $0x1  }
0x21e: {  	[tilespmem:s31+$0x9D50] =	vst v0  }
0x21f: {  	v0 =	vld.idx.msk [tilespmem:v42+s4+$0x0], $0xffff;
	_ =	sdelay $0x4  }
0x220: {  	(erf) = vrcp.f32 v0;
	_ =	sdelay $0x3  }
0x221: {  	v44 =	vld [tilespmem:s31+$0x7650]  }
0x222: {  	v45 =	vld [tilespmem:s31+$0x4F50];
	_ =	sdelay $0x3  }
0x223: {  	v46 =	vpop (erf)  }
0x224: {  	v0 =	vmul.f32 v46, v44;
	_ =	sdelay $0x1  }
0x225: {  	[tilespmem:s31+$0x9D60] =	vst v0  }
0x226: {  	v0 =	vld.idx.msk [tilespmem:v45+s4+$0x0], $0xffff;
	_ =	sdelay $0x4  }
0x227: {  	(erf) = vrcp.f32 v0;
	_ =	sdelay $0x3  }
0x228: {  	v47 =	vld [tilespmem:s31+$0x7660]  }
0x229: {  	v48 =	vld [tilespmem:s31+$0x4F60];
	_ =	sdelay $0x3  }
0x22a: {  	v49 =	vpop (erf)  }
0x22b: {  	v0 =	vmul.f32 v49, v47;
	_ =	sdelay $0x1  }
0x22c: {  	[tilespmem:s31+$0x9D70] =	vst v0  }
0x22d: {  	v0 =	vld.idx.msk [tilespmem:v48+s4+$0x0], $0xffff;
	_ =	sdelay $0x4  }
0x22e: {  	(erf) = vrcp.f32 v0;
	_ =	sdelay $0x3  }
0x22f: {  	v50 =	vld [tilespmem:s31+$0x7670]  }
0x230: {  	v51 =	vld [tilespmem:s31+$0x4F70];
	_ =	sdelay $0x3  }
0x231: {  	v52 =	vpop (erf)  }
0x232: {  	v0 =	vmul.f32 v52, v50;
	_ =	sdelay $0x1  }
0x233: {  	[tilespmem:s31+$0x9D80] =	vst v0  }
0x234: {  	v0 =	vld.idx.msk [tilespmem:v51+s4+$0x0], $0xffff;
	_ =	sdelay $0x4  }
0x235: {  	(erf) = vrcp.f32 v0;
	_ =	sdelay $0x3  }
0x236: {  	v53 =	vld [tilespmem:s31+$0x7680]  }
0x237: {  	v54 =	vld [tilespmem:s31+$0x4F80];
	_ =	sdelay $0x3  }
0x238: {  	v55 =	vpop (erf)  }
0x239: {  	v0 =	vmul.f32 v55, v53;
	_ =	sdelay $0x1  }
0x23a: {  	[tilespmem:s31+$0x9D90] =	vst v0  }
0x23b: {  	v0 =	vld.idx.msk [tilespmem:v54+s4+$0x0], $0xffff;
	_ =	sdelay $0x4  }
0x23c: {  	(erf) = vrcp.f32 v0;
	_ =	sdelay $0x3  }
0x23d: {  	v56 =	vld [tilespmem:s31+$0x7690]  }
0x23e: {  	v57 =	vld [tilespmem:s31+$0x4F90];
	_ =	sdelay $0x3  }
0x23f: {  	v58 =	vpop (erf)  }
0x240: {  	v0 =	vmul.f32 v58, v56;
	_ =	sdelay $0x1  }
0x241: {  	[tilespmem:s31+$0x9DA0] =	vst v0  }
0x242: {  	v0 =	vld.idx.msk [tilespmem:v57+s4+$0x0], $0xffff;
	_ =	sdelay $0x4  }
0x243: {  	(erf) = vrcp.f32 v0;
	_ =	sdelay $0x3  }
0x244: {  	v59 =	vld [tilespmem:s31+$0x76A0]  }
0x245: {  	v60 =	vld [tilespmem:s31+$0x4FA0];
	_ =	sdelay $0x3  }
0x246: {  	v61 =	vpop (erf)  }
0x247: {  	v0 =	vmul.f32 v61, v59;
	_ =	sdelay $0x1  }
0x248: {  	[tilespmem:s31+$0x9DB0] =	vst v0  }
0x249: {  	v0 =	vld.idx.msk [tilespmem:v60+s4+$0x0], $0xffff;
	_ =	sdelay $0x4  }
0x24a: {  	(erf) = vrcp.f32 v0;
	_ =	sdelay $0x4  }
0x24b: {  	v62 =	vld [tilespmem:s31+$0x76B0];
	_ =	sdelay $0x3  }
0x24c: {  	v63 =	vpop (erf)  }
0x24d: {  	s28 =	sadd.s32 $0x1, s28;
	v0 =	vmul.f32 v63, v62  }
0x24e: {  	p1 =	sne.s32 s28, s12  }
.Ltmp2:
0x24f: {  	[tilespmem:s31+$0x9DC0] =	vst v0;
	(pc) =	sbr.rel @p1 .LBB2_1-.Ltmp2, $4  }
0x250: {  	[hbm4b:s11+s4] =	stream.linear.scatter [tilespmem:s25], [sflag:$0x5], $0x2710, $0x38;
	[tilespmem:$0xC840] =	vst v63  }
0x251: {  	_ =	swait.ge [sflag:s26], $0x2710  }
0x252: {  	[sflag:s26] =	ssyncset.done $0x0  }
0x253: {  	[sflag:s26] =	ssyncadd.s32 $0xFFFFD8F0  }
0x254: {  	_ =	sfence.sel $0x180000  }
0x255: {  	[bflag:$0x0] =	sbarrier.arrive $0xFFFF  }
0x256: {  	p0 =	sne.s32 s1, $0x0;
	_ =	strace $0x9000004A  }
0x257: {  	s0 =	sadd.s32 @!p0 $0x100000, s0;
	[bflag:$0x2] =	sbarrier.arrive $0xFFFF  }
0x258: {  	[sflag:s0] =	ssyncadd.tile.s32 @!p0 $0x1;
	_ =	shalt  }
.Lfunc_end2:
_tile_overlayer_lowered:
.L_overlay_start_2:
0x259: {  	(tag) =	ssettag $0x2  }
0x25a: {  	s0 =	rddreg [dreg:$0x0];
	s2 =	stileid.u32  }
0x25b: {  	s1 =	rddreg [dreg:$0x1];
	p0 =	sne.s32 s2, $0x0  }
0x25c: {  	s3 =	rddreg [dreg:$0x2];
	[bflag:$0x3] =	sbarrier.arrive $0xFFFF;
	s2 =	simm.s32 @!p0 $0x1C05  }
0x25d: {  	[timem:s3], [sflag:s2] =	dma.local @!p0 [hbm:s0], s1  }
0x25e: {  	s0 =	simm.s32 @!p0 $0x5  }
0x25f: {  	_ =	swait.ge @!p0 [sflag:s0], s1  }
0x260: {  	s1 =	ssub.s32 @!p0 $0x0, s1;
	[sflag:s0] =	ssyncset.done @!p0 $0x0  }
0x261: {  	[sflag:s0] =	ssyncadd.s32 @!p0 s1  }
0x262: {  	[bflag:$0x3] =	sbarrier.arrive $0xFFFF  }
0x263: {  	_ =	shalt  }

</sc_bundles>
